<compile_context>
chip_gen: v7x
topology: tpu7x:2x2x1
jax: 0.10.2.dev20260603
libtpu: 0.0.44.dev20260713+nightly
codegen_flags: <defaults>
</compile_context>

<pallas_src>
import functools

import jax
import jax.numpy as jnp
from jax import lax
from jax.experimental import pallas as pl
from jax.experimental.pallas import tpu as pltpu
from jax.experimental.pallas import tpu_sc as plsc

EPSILON = 1e-6
BATCH = 1024
NUM_VARS = 64
VAR_SIZE = 256
NUM_ANCHORS = 16
LANES = 16
NUM_WORKERS = 32
ROWS_PER_WORKER = BATCH // NUM_WORKERS
NBUF = 4

_mesh = plsc.VectorSubcoreMesh(core_axis_name="c", subcore_axis_name="s")


@functools.partial(
    pl.kernel,
    out_type=jax.ShapeDtypeStruct((BATCH, NUM_VARS, VAR_SIZE), jnp.float32),
    mesh=_mesh,
    scratch_types=[
        pltpu.VMEM((NBUF, NUM_VARS, VAR_SIZE), jnp.float32),
        pltpu.VMEM((NBUF, NUM_ANCHORS, VAR_SIZE), jnp.float32),
        pltpu.SemaphoreType.DMA,
        pltpu.SemaphoreType.DMA,
        pltpu.SemaphoreType.DMA,
        pltpu.SemaphoreType.DMA,
        pltpu.SemaphoreType.DMA,
        pltpu.SemaphoreType.DMA,
        pltpu.SemaphoreType.DMA,
        pltpu.SemaphoreType.DMA,
    ],
)
def _sc_grad_optim(preds_hbm, gt_hbm, out_hbm, pbuf, gbuf, *sems):
    sin = sems[:NBUF]
    sout = sems[NBUF:]
    wid = lax.axis_index("s") * 2 + lax.axis_index("c")
    base = wid * ROWS_PER_WORKER

    def start_in(slot, row):
        pltpu.make_async_copy(preds_hbm.at[row], pbuf.at[slot], sin[slot]).start()
        pltpu.make_async_copy(
            gt_hbm.at[row, pl.ds(2 * NUM_ANCHORS, NUM_ANCHORS)], gbuf.at[slot], sin[slot]
        ).start()

    def wait_in_p(slot):
        pltpu.make_async_copy(preds_hbm.at[0], pbuf.at[slot], sin[slot]).wait()

    def wait_in_g(slot):
        pltpu.make_async_copy(
            gt_hbm.at[0, pl.ds(2 * NUM_ANCHORS, NUM_ANCHORS)], gbuf.at[slot], sin[slot]
        ).wait()

    def start_out_tail(slot, row):
        pltpu.make_async_copy(
            pbuf.at[slot, pl.ds(NUM_ANCHORS, NUM_VARS - NUM_ANCHORS)],
            out_hbm.at[row, pl.ds(NUM_ANCHORS, NUM_VARS - NUM_ANCHORS)],
            sout[slot],
        ).start()

    def start_out_head(slot, row):
        pltpu.make_async_copy(
            pbuf.at[slot, pl.ds(0, NUM_ANCHORS)],
            out_hbm.at[row, pl.ds(0, NUM_ANCHORS)],
            sout[slot],
        ).start()

    def wait_out(slot):
        pltpu.make_async_copy(
            pbuf.at[slot, pl.ds(NUM_ANCHORS, NUM_VARS - NUM_ANCHORS)],
            out_hbm.at[0, pl.ds(NUM_ANCHORS, NUM_VARS - NUM_ANCHORS)],
            sout[slot],
        ).wait()
        pltpu.make_async_copy(
            pbuf.at[slot, pl.ds(0, NUM_ANCHORS)],
            out_hbm.at[0, pl.ds(0, NUM_ANCHORS)],
            sout[slot],
        ).wait()

    def compute(slot):
        def per_anchor(a, carry):
            for j in range(VAR_SIZE // LANES):
                off = j * LANES
                g = gbuf[slot, a, pl.ds(off, LANES)]
                av = pbuf[slot, a, pl.ds(off, LANES)]
                m = jnp.maximum(
                    pbuf[slot, a + 16, pl.ds(off, LANES)] + EPSILON,
                    pbuf[slot, a + 48, pl.ds(off, LANES)] - EPSILON,
                ) - g
                pbuf[slot, a, pl.ds(off, LANES)] = jnp.maximum(av, m)
            return carry

        lax.fori_loop(0, NUM_ANCHORS, per_anchor, 0)

    for k in range(NBUF):
        start_in(k, base + k)

    def group(g, carry):
        r = base + NBUF * g
        for k in range(NBUF):
            wait_in_p(k)
            start_out_tail(k, r + k)
            refill = (k + 2) % NBUF
            if k < 2:
                @pl.when(g >= 1)
                def _(refill=refill, row=r + k + 2):
                    wait_out(refill)
                    start_in(refill, row)
            else:
                @pl.when(g < ROWS_PER_WORKER // NBUF - 1)
                def _(refill=refill, row=r + k + 2):
                    wait_out(refill)
                    start_in(refill, row)
            wait_in_g(k)
            compute(k)
            start_out_head(k, r + k)
        return carry

    lax.fori_loop(0, ROWS_PER_WORKER // NBUF, group, 0)
    for k in range(NBUF):
        wait_out(k)


def kernel(preds, ground_truth):
    return _sc_grad_optim(preds, ground_truth)

# --- scband reference (transcript-rebuilt; emitter-appended) ---
"""Pipeline reference for scband-grad-optim-layer-25477746000434 (READ-ONLY COPY).

The authoritative reference and input builder live on the scoring server;
editing this copy changes nothing except your own understanding.
"""

import jax, jax.numpy as jnp
import numpy as np

EPSILON = 1e-6
BATCH = 1024
NUM_VARS = 64
VAR_SIZE = 256
# Each anchor variable a (0..15) has two constraints:
#   c1: body [a, a+16, a+32], sign '>'  (mask var = a+16, other = a+32)
#   c2: body [a, a+48, a+32], sign '<'  (mask var = a+48, other = a+32)
# The torch layer picks the mask var via random.choice among non-anchor atoms;
# here we deterministically pick the first non-anchor atom for reproducibility.
CONSTRAINT_GROUPS = {a: [(a + 16, (a + 32,), '>'), (a + 48, (a + 32,), '<')] for a in range(16)}


def setup_inputs(seed: int = 0) -> dict:
    key = jax.random.key(seed)
    k1, k2 = jax.random.split(key)
    preds = jax.random.normal(k1, (BATCH, NUM_VARS, VAR_SIZE), dtype=jnp.float32)
    ground_truth = jax.random.normal(k2, (BATCH, NUM_VARS, VAR_SIZE), dtype=jnp.float32)
    return {"preds": preds, "ground_truth": ground_truth}


def reference(preds, ground_truth):
    # training-mode path with ground truth provided
    out = preds
    for anchor, group in CONSTRAINT_GROUPS.items():
        cands = [preds[:, anchor]]
        for mask_id, other_ids, sign in group:
            corr = preds[:, mask_id]
            if sign == '>':
                corr = corr + EPSILON
            elif sign == '<':
                corr = corr - EPSILON
            # fold remaining atoms' ground-truth values into the correction
            # (sign_factor = -1.0 per the original layer)
            for oid in other_ids:
                corr = corr - ground_truth[:, oid]
            cands.append(corr)
        stacked = jnp.stack(cands, axis=0)  # (1+n_constraints, B, V)
        best = jnp.max(stacked, axis=0)
        out = out.at[:, anchor].set(best)
    return out

if __name__ == "__main__":
    import jax
    _d = setup_inputs()
    print(jax.jit(kernel)(*tuple(_d.values())))

</pallas_src>

<mosaic_0001>
#map = affine_map<(d0, d1) -> (0, 0, 0)>
module attributes {stable_mosaic.version = 14 : i64} {
  func.func @_sc_grad_optim(%arg0: i32, %arg1: i32, %arg2: memref<1024x64x256xf32, #tpu.memory_space<hbm>>, %arg3: memref<1024x64x256xf32, #tpu.memory_space<hbm>>, %arg4: memref<1024x64x256xf32, #tpu.memory_space<hbm>>, %arg5: memref<4x64x256xf32, #tpu.memory_space<vmem>>, %arg6: memref<4x16x256xf32, #tpu.memory_space<vmem>>, %arg7: memref<!tpu.dma_semaphore, #tpu.memory_space<semaphore_mem>>, %arg8: memref<!tpu.dma_semaphore, #tpu.memory_space<semaphore_mem>>, %arg9: memref<!tpu.dma_semaphore, #tpu.memory_space<semaphore_mem>>, %arg10: memref<!tpu.dma_semaphore, #tpu.memory_space<semaphore_mem>>, %arg11: memref<!tpu.dma_semaphore, #tpu.memory_space<semaphore_mem>>, %arg12: memref<!tpu.dma_semaphore, #tpu.memory_space<semaphore_mem>>, %arg13: memref<!tpu.dma_semaphore, #tpu.memory_space<semaphore_mem>>, %arg14: memref<!tpu.dma_semaphore, #tpu.memory_space<semaphore_mem>>) attributes {dimension_semantics = [#tpu.dimension_semantics<core_parallel>, #tpu.dimension_semantics<subcore_parallel>], iteration_bounds = array<i64: 2, 16>, scalar_prefetch = 0 : i64, scratch_operands = 10 : i64, tpu.core_type = #tpu.core_type<sc_vector_subcore>, window_params = [{transform_indices = #map}, {transform_indices = #map}, {transform_indices = #map}]} {
    %mul3A = arith.constant 2 : i32
    %mul3A_0 = arith.muli %arg1, %mul3A : i32
    %add3A = arith.addi %mul3A_0, %arg0 : i32
    %mul3A_1 = arith.constant 32 : i32
    %mul3A_2 = arith.muli %add3A, %mul3A_1 : i32
    %add3A_3 = arith.constant 0 : i32
    %add3A_4 = arith.addi %mul3A_2, %add3A_3 : i32
    %dma_start3A = arith.constant 0 : i32
    %dma_start3A_5 = arith.constant 0 : i32
    %dma_start3A_6 = arith.constant 0 : i32
    %dma_start3A_7 = tpu.memref_slice %arg5[%dma_start3A, %dma_start3A_5, %dma_start3A_6] : memref<4x64x256xf32, #tpu.memory_space<vmem>> -> memref<1x64x256xf32, #tpu.memory_space<vmem>>
    %dma_start3A_8 = tpu.memref_squeeze %dma_start3A_7 : memref<1x64x256xf32, #tpu.memory_space<vmem>> -> memref<64x256xf32, #tpu.memory_space<vmem>>
    %dma_start3A_9 = arith.constant 0 : i32
    %dma_start3A_10 = arith.constant 0 : i32
    %dma_start3A_11 = tpu.memref_slice %arg2[%add3A_4, %dma_start3A_9, %dma_start3A_10] : memref<1024x64x256xf32, #tpu.memory_space<hbm>> -> memref<1x64x256xf32, #tpu.memory_space<hbm>>
    %dma_start3A_12 = tpu.memref_squeeze %dma_start3A_11 : memref<1x64x256xf32, #tpu.memory_space<hbm>> -> memref<64x256xf32, #tpu.memory_space<hbm>>
    %dma_start3A_13 = arith.constant 0 : i32
    %dma_start3A_14 = arith.constant 0 : i32
    %dma_start3A_15 = tpu.memref_slice %arg5[%dma_start3A, %dma_start3A_13, %dma_start3A_14] : memref<4x64x256xf32, #tpu.memory_space<vmem>> -> memref<1x64x256xf32, #tpu.memory_space<vmem>>
    %dma_start3A_16 = tpu.memref_squeeze %dma_start3A_15 : memref<1x64x256xf32, #tpu.memory_space<vmem>> -> memref<64x256xf32, #tpu.memory_space<vmem>>
    %dma_start3A_17 = arith.constant 0 : i32
    %dma_start3A_18 = arith.constant 0 : i32
    %dma_start3A_19 = tpu.memref_slice %arg2[%add3A_4, %dma_start3A_17, %dma_start3A_18] : memref<1024x64x256xf32, #tpu.memory_space<hbm>> -> memref<1x64x256xf32, #tpu.memory_space<hbm>>
    %dma_start3A_20 = tpu.memref_squeeze %dma_start3A_19 : memref<1x64x256xf32, #tpu.memory_space<hbm>> -> memref<64x256xf32, #tpu.memory_space<hbm>>
    tpu.enqueue_dma source(%dma_start3A_20 : memref<64x256xf32, #tpu.memory_space<hbm>>) target(%dma_start3A_16 : memref<64x256xf32, #tpu.memory_space<vmem>>) target_semaphore(%arg7 : memref<!tpu.dma_semaphore, #tpu.memory_space<semaphore_mem>>)
    %dma_start3A_21 = arith.constant 0 : i32
    %dma_start3A_22 = arith.constant 0 : i32
    %dma_start3A_23 = arith.constant 0 : i32
    %dma_start3A_24 = tpu.memref_slice %arg6[%dma_start3A_21, %dma_start3A_22, %dma_start3A_23] : memref<4x16x256xf32, #tpu.memory_space<vmem>> -> memref<1x16x256xf32, #tpu.memory_space<vmem>>
    %dma_start3A_25 = tpu.memref_squeeze %dma_start3A_24 : memref<1x16x256xf32, #tpu.memory_space<vmem>> -> memref<16x256xf32, #tpu.memory_space<vmem>>
    %dma_start3A_26 = arith.constant 32 : i32
    %dma_start3A_27 = arith.constant 0 : i32
    %dma_start3A_28 = tpu.memref_slice %arg3[%add3A_4, %dma_start3A_26, %dma_start3A_27] : memref<1024x64x256xf32, #tpu.memory_space<hbm>> -> memref<1x16x256xf32, #tpu.memory_space<hbm>>
    %dma_start3A_29 = tpu.memref_squeeze %dma_start3A_28 : memref<1x16x256xf32, #tpu.memory_space<hbm>> -> memref<16x256xf32, #tpu.memory_space<hbm>>
    %dma_start3A_30 = arith.constant 0 : i32
    %dma_start3A_31 = arith.constant 0 : i32
    %dma_start3A_32 = tpu.memref_slice %arg6[%dma_start3A_21, %dma_start3A_30, %dma_start3A_31] : memref<4x16x256xf32, #tpu.memory_space<vmem>> -> memref<1x16x256xf32, #tpu.memory_space<vmem>>
    %dma_start3A_33 = tpu.memref_squeeze %dma_start3A_32 : memref<1x16x256xf32, #tpu.memory_space<vmem>> -> memref<16x256xf32, #tpu.memory_space<vmem>>
    %dma_start3A_34 = arith.constant 32 : i32
    %dma_start3A_35 = arith.constant 0 : i32
    %dma_start3A_36 = tpu.memref_slice %arg3[%add3A_4, %dma_start3A_34, %dma_start3A_35] : memref<1024x64x256xf32, #tpu.memory_space<hbm>> -> memref<1x16x256xf32, #tpu.memory_space<hbm>>
    %dma_start3A_37 = tpu.memref_squeeze %dma_start3A_36 : memref<1x16x256xf32, #tpu.memory_space<hbm>> -> memref<16x256xf32, #tpu.memory_space<hbm>>
    tpu.enqueue_dma source(%dma_start3A_37 : memref<16x256xf32, #tpu.memory_space<hbm>>) target(%dma_start3A_33 : memref<16x256xf32, #tpu.memory_space<vmem>>) target_semaphore(%arg7 : memref<!tpu.dma_semaphore, #tpu.memory_space<semaphore_mem>>)
    %add3A_38 = arith.constant 1 : i32
    %add3A_39 = arith.addi %mul3A_2, %add3A_38 : i32
    %dma_start3A_40 = arith.constant 1 : i32
    %dma_start3A_41 = arith.constant 0 : i32
    %dma_start3A_42 = arith.constant 0 : i32
    %dma_start3A_43 = tpu.memref_slice %arg5[%dma_start3A_40, %dma_start3A_41, %dma_start3A_42] : memref<4x64x256xf32, #tpu.memory_space<vmem>> -> memref<1x64x256xf32, #tpu.memory_space<vmem>>
    %dma_start3A_44 = tpu.memref_squeeze %dma_start3A_43 : memref<1x64x256xf32, #tpu.memory_space<vmem>> -> memref<64x256xf32, #tpu.memory_space<vmem>>
    %dma_start3A_45 = arith.constant 0 : i32
    %dma_start3A_46 = arith.constant 0 : i32
    %dma_start3A_47 = tpu.memref_slice %arg2[%add3A_39, %dma_start3A_45, %dma_start3A_46] : memref<1024x64x256xf32, #tpu.memory_space<hbm>> -> memref<1x64x256xf32, #tpu.memory_space<hbm>>
    %dma_start3A_48 = tpu.memref_squeeze %dma_start3A_47 : memref<1x64x256xf32, #tpu.memory_space<hbm>> -> memref<64x256xf32, #tpu.memory_space<hbm>>
    %dma_start3A_49 = arith.constant 0 : i32
    %dma_start3A_50 = arith.constant 0 : i32
    %dma_start3A_51 = tpu.memref_slice %arg5[%dma_start3A_40, %dma_start3A_49, %dma_start3A_50] : memref<4x64x256xf32, #tpu.memory_space<vmem>> -> memref<1x64x256xf32, #tpu.memory_space<vmem>>
    %dma_start3A_52 = tpu.memref_squeeze %dma_start3A_51 : memref<1x64x256xf32, #tpu.memory_space<vmem>> -> memref<64x256xf32, #tpu.memory_space<vmem>>
    %dma_start3A_53 = arith.constant 0 : i32
    %dma_start3A_54 = arith.constant 0 : i32
    %dma_start3A_55 = tpu.memref_slice %arg2[%add3A_39, %dma_start3A_53, %dma_start3A_54] : memref<1024x64x256xf32, #tpu.memory_space<hbm>> -> memref<1x64x256xf32, #tpu.memory_space<hbm>>
    %dma_start3A_56 = tpu.memref_squeeze %dma_start3A_55 : memref<1x64x256xf32, #tpu.memory_space<hbm>> -> memref<64x256xf32, #tpu.memory_space<hbm>>
    tpu.enqueue_dma source(%dma_start3A_56 : memref<64x256xf32, #tpu.memory_space<hbm>>) target(%dma_start3A_52 : memref<64x256xf32, #tpu.memory_space<vmem>>) target_semaphore(%arg8 : memref<!tpu.dma_semaphore, #tpu.memory_space<semaphore_mem>>)
    %dma_start3A_57 = arith.constant 1 : i32
    %dma_start3A_58 = arith.constant 0 : i32
    %dma_start3A_59 = arith.constant 0 : i32
    %dma_start3A_60 = tpu.memref_slice %arg6[%dma_start3A_57, %dma_start3A_58, %dma_start3A_59] : memref<4x16x256xf32, #tpu.memory_space<vmem>> -> memref<1x16x256xf32, #tpu.memory_space<vmem>>
    %dma_start3A_61 = tpu.memref_squeeze %dma_start3A_60 : memref<1x16x256xf32, #tpu.memory_space<vmem>> -> memref<16x256xf32, #tpu.memory_space<vmem>>
    %dma_start3A_62 = arith.constant 32 : i32
    %dma_start3A_63 = arith.constant 0 : i32
    %dma_start3A_64 = tpu.memref_slice %arg3[%add3A_39, %dma_start3A_62, %dma_start3A_63] : memref<1024x64x256xf32, #tpu.memory_space<hbm>> -> memref<1x16x256xf32, #tpu.memory_space<hbm>>
    %dma_start3A_65 = tpu.memref_squeeze %dma_start3A_64 : memref<1x16x256xf32, #tpu.memory_space<hbm>> -> memref<16x256xf32, #tpu.memory_space<hbm>>
    %dma_start3A_66 = arith.constant 0 : i32
    %dma_start3A_67 = arith.constant 0 : i32
    %dma_start3A_68 = tpu.memref_slice %arg6[%dma_start3A_57, %dma_start3A_66, %dma_start3A_67] : memref<4x16x256xf32, #tpu.memory_space<vmem>> -> memref<1x16x256xf32, #tpu.memory_space<vmem>>
    %dma_start3A_69 = tpu.memref_squeeze %dma_start3A_68 : memref<1x16x256xf32, #tpu.memory_space<vmem>> -> memref<16x256xf32, #tpu.memory_space<vmem>>
    %dma_start3A_70 = arith.constant 32 : i32
    %dma_start3A_71 = arith.constant 0 : i32
    %dma_start3A_72 = tpu.memref_slice %arg3[%add3A_39, %dma_start3A_70, %dma_start3A_71] : memref<1024x64x256xf32, #tpu.memory_space<hbm>> -> memref<1x16x256xf32, #tpu.memory_space<hbm>>
    %dma_start3A_73 = tpu.memref_squeeze %dma_start3A_72 : memref<1x16x256xf32, #tpu.memory_space<hbm>> -> memref<16x256xf32, #tpu.memory_space<hbm>>
    tpu.enqueue_dma source(%dma_start3A_73 : memref<16x256xf32, #tpu.memory_space<hbm>>) target(%dma_start3A_69 : memref<16x256xf32, #tpu.memory_space<vmem>>) target_semaphore(%arg8 : memref<!tpu.dma_semaphore, #tpu.memory_space<semaphore_mem>>)
    %add3A_74 = arith.constant 2 : i32
    %add3A_75 = arith.addi %mul3A_2, %add3A_74 : i32
    %dma_start3A_76 = arith.constant 2 : i32
    %dma_start3A_77 = arith.constant 0 : i32
    %dma_start3A_78 = arith.constant 0 : i32
    %dma_start3A_79 = tpu.memref_slice %arg5[%dma_start3A_76, %dma_start3A_77, %dma_start3A_78] : memref<4x64x256xf32, #tpu.memory_space<vmem>> -> memref<1x64x256xf32, #tpu.memory_space<vmem>>
    %dma_start3A_80 = tpu.memref_squeeze %dma_start3A_79 : memref<1x64x256xf32, #tpu.memory_space<vmem>> -> memref<64x256xf32, #tpu.memory_space<vmem>>
    %dma_start3A_81 = arith.constant 0 : i32
    %dma_start3A_82 = arith.constant 0 : i32
    %dma_start3A_83 = tpu.memref_slice %arg2[%add3A_75, %dma_start3A_81, %dma_start3A_82] : memref<1024x64x256xf32, #tpu.memory_space<hbm>> -> memref<1x64x256xf32, #tpu.memory_space<hbm>>
    %dma_start3A_84 = tpu.memref_squeeze %dma_start3A_83 : memref<1x64x256xf32, #tpu.memory_space<hbm>> -> memref<64x256xf32, #tpu.memory_space<hbm>>
    %dma_start3A_85 = arith.constant 0 : i32
    %dma_start3A_86 = arith.constant 0 : i32
    %dma_start3A_87 = tpu.memref_slice %arg5[%dma_start3A_76, %dma_start3A_85, %dma_start3A_86] : memref<4x64x256xf32, #tpu.memory_space<vmem>> -> memref<1x64x256xf32, #tpu.memory_space<vmem>>
    %dma_start3A_88 = tpu.memref_squeeze %dma_start3A_87 : memref<1x64x256xf32, #tpu.memory_space<vmem>> -> memref<64x256xf32, #tpu.memory_space<vmem>>
    %dma_start3A_89 = arith.constant 0 : i32
    %dma_start3A_90 = arith.constant 0 : i32
    %dma_start3A_91 = tpu.memref_slice %arg2[%add3A_75, %dma_start3A_89, %dma_start3A_90] : memref<1024x64x256xf32, #tpu.memory_space<hbm>> -> memref<1x64x256xf32, #tpu.memory_space<hbm>>
    %dma_start3A_92 = tpu.memref_squeeze %dma_start3A_91 : memref<1x64x256xf32, #tpu.memory_space<hbm>> -> memref<64x256xf32, #tpu.memory_space<hbm>>
    tpu.enqueue_dma source(%dma_start3A_92 : memref<64x256xf32, #tpu.memory_space<hbm>>) target(%dma_start3A_88 : memref<64x256xf32, #tpu.memory_space<vmem>>) target_semaphore(%arg9 : memref<!tpu.dma_semaphore, #tpu.memory_space<semaphore_mem>>)
    %dma_start3A_93 = arith.constant 2 : i32
    %dma_start3A_94 = arith.constant 0 : i32
    %dma_start3A_95 = arith.constant 0 : i32
    %dma_start3A_96 = tpu.memref_slice %arg6[%dma_start3A_93, %dma_start3A_94, %dma_start3A_95] : memref<4x16x256xf32, #tpu.memory_space<vmem>> -> memref<1x16x256xf32, #tpu.memory_space<vmem>>
    %dma_start3A_97 = tpu.memref_squeeze %dma_start3A_96 : memref<1x16x256xf32, #tpu.memory_space<vmem>> -> memref<16x256xf32, #tpu.memory_space<vmem>>
    %dma_start3A_98 = arith.constant 32 : i32
    %dma_start3A_99 = arith.constant 0 : i32
    %dma_start3A_100 = tpu.memref_slice %arg3[%add3A_75, %dma_start3A_98, %dma_start3A_99] : memref<1024x64x256xf32, #tpu.memory_space<hbm>> -> memref<1x16x256xf32, #tpu.memory_space<hbm>>
    %dma_start3A_101 = tpu.memref_squeeze %dma_start3A_100 : memref<1x16x256xf32, #tpu.memory_space<hbm>> -> memref<16x256xf32, #tpu.memory_space<hbm>>
    %dma_start3A_102 = arith.constant 0 : i32
    %dma_start3A_103 = arith.constant 0 : i32
    %dma_start3A_104 = tpu.memref_slice %arg6[%dma_start3A_93, %dma_start3A_102, %dma_start3A_103] : memref<4x16x256xf32, #tpu.memory_space<vmem>> -> memref<1x16x256xf32, #tpu.memory_space<vmem>>
    %dma_start3A_105 = tpu.memref_squeeze %dma_start3A_104 : memref<1x16x256xf32, #tpu.memory_space<vmem>> -> memref<16x256xf32, #tpu.memory_space<vmem>>
    %dma_start3A_106 = arith.constant 32 : i32
    %dma_start3A_107 = arith.constant 0 : i32
    %dma_start3A_108 = tpu.memref_slice %arg3[%add3A_75, %dma_start3A_106, %dma_start3A_107] : memref<1024x64x256xf32, #tpu.memory_space<hbm>> -> memref<1x16x256xf32, #tpu.memory_space<hbm>>
    %dma_start3A_109 = tpu.memref_squeeze %dma_start3A_108 : memref<1x16x256xf32, #tpu.memory_space<hbm>> -> memref<16x256xf32, #tpu.memory_space<hbm>>
    tpu.enqueue_dma source(%dma_start3A_109 : memref<16x256xf32, #tpu.memory_space<hbm>>) target(%dma_start3A_105 : memref<16x256xf32, #tpu.memory_space<vmem>>) target_semaphore(%arg9 : memref<!tpu.dma_semaphore, #tpu.memory_space<semaphore_mem>>)
    %add3A_110 = arith.constant 3 : i32
    %add3A_111 = arith.addi %mul3A_2, %add3A_110 : i32
    %dma_start3A_112 = arith.constant 3 : i32
    %dma_start3A_113 = arith.constant 0 : i32
    %dma_start3A_114 = arith.constant 0 : i32
    %dma_start3A_115 = tpu.memref_slice %arg5[%dma_start3A_112, %dma_start3A_113, %dma_start3A_114] : memref<4x64x256xf32, #tpu.memory_space<vmem>> -> memref<1x64x256xf32, #tpu.memory_space<vmem>>
    %dma_start3A_116 = tpu.memref_squeeze %dma_start3A_115 : memref<1x64x256xf32, #tpu.memory_space<vmem>> -> memref<64x256xf32, #tpu.memory_space<vmem>>
    %dma_start3A_117 = arith.constant 0 : i32
    %dma_start3A_118 = arith.constant 0 : i32
    %dma_start3A_119 = tpu.memref_slice %arg2[%add3A_111, %dma_start3A_117, %dma_start3A_118] : memref<1024x64x256xf32, #tpu.memory_space<hbm>> -> memref<1x64x256xf32, #tpu.memory_space<hbm>>
    %dma_start3A_120 = tpu.memref_squeeze %dma_start3A_119 : memref<1x64x256xf32, #tpu.memory_space<hbm>> -> memref<64x256xf32, #tpu.memory_space<hbm>>
    %dma_start3A_121 = arith.constant 0 : i32
    %dma_start3A_122 = arith.constant 0 : i32
    %dma_start3A_123 = tpu.memref_slice %arg5[%dma_start3A_112, %dma_start3A_121, %dma_start3A_122] : memref<4x64x256xf32, #tpu.memory_space<vmem>> -> memref<1x64x256xf32, #tpu.memory_space<vmem>>
    %dma_start3A_124 = tpu.memref_squeeze %dma_start3A_123 : memref<1x64x256xf32, #tpu.memory_space<vmem>> -> memref<64x256xf32, #tpu.memory_space<vmem>>
    %dma_start3A_125 = arith.constant 0 : i32
    %dma_start3A_126 = arith.constant 0 : i32
    %dma_start3A_127 = tpu.memref_slice %arg2[%add3A_111, %dma_start3A_125, %dma_start3A_126] : memref<1024x64x256xf32, #tpu.memory_space<hbm>> -> memref<1x64x256xf32, #tpu.memory_space<hbm>>
    %dma_start3A_128 = tpu.memref_squeeze %dma_start3A_127 : memref<1x64x256xf32, #tpu.memory_space<hbm>> -> memref<64x256xf32, #tpu.memory_space<hbm>>
    tpu.enqueue_dma source(%dma_start3A_128 : memref<64x256xf32, #tpu.memory_space<hbm>>) target(%dma_start3A_124 : memref<64x256xf32, #tpu.memory_space<vmem>>) target_semaphore(%arg10 : memref<!tpu.dma_semaphore, #tpu.memory_space<semaphore_mem>>)
    %dma_start3A_129 = arith.constant 3 : i32
    %dma_start3A_130 = arith.constant 0 : i32
    %dma_start3A_131 = arith.constant 0 : i32
    %dma_start3A_132 = tpu.memref_slice %arg6[%dma_start3A_129, %dma_start3A_130, %dma_start3A_131] : memref<4x16x256xf32, #tpu.memory_space<vmem>> -> memref<1x16x256xf32, #tpu.memory_space<vmem>>
    %dma_start3A_133 = tpu.memref_squeeze %dma_start3A_132 : memref<1x16x256xf32, #tpu.memory_space<vmem>> -> memref<16x256xf32, #tpu.memory_space<vmem>>
    %dma_start3A_134 = arith.constant 32 : i32
    %dma_start3A_135 = arith.constant 0 : i32
    %dma_start3A_136 = tpu.memref_slice %arg3[%add3A_111, %dma_start3A_134, %dma_start3A_135] : memref<1024x64x256xf32, #tpu.memory_space<hbm>> -> memref<1x16x256xf32, #tpu.memory_space<hbm>>
    %dma_start3A_137 = tpu.memref_squeeze %dma_start3A_136 : memref<1x16x256xf32, #tpu.memory_space<hbm>> -> memref<16x256xf32, #tpu.memory_space<hbm>>
    %dma_start3A_138 = arith.constant 0 : i32
    %dma_start3A_139 = arith.constant 0 : i32
    %dma_start3A_140 = tpu.memref_slice %arg6[%dma_start3A_129, %dma_start3A_138, %dma_start3A_139] : memref<4x16x256xf32, #tpu.memory_space<vmem>> -> memref<1x16x256xf32, #tpu.memory_space<vmem>>
    %dma_start3A_141 = tpu.memref_squeeze %dma_start3A_140 : memref<1x16x256xf32, #tpu.memory_space<vmem>> -> memref<16x256xf32, #tpu.memory_space<vmem>>
    %dma_start3A_142 = arith.constant 32 : i32
    %dma_start3A_143 = arith.constant 0 : i32
    %dma_start3A_144 = tpu.memref_slice %arg3[%add3A_111, %dma_start3A_142, %dma_start3A_143] : memref<1024x64x256xf32, #tpu.memory_space<hbm>> -> memref<1x16x256xf32, #tpu.memory_space<hbm>>
    %dma_start3A_145 = tpu.memref_squeeze %dma_start3A_144 : memref<1x16x256xf32, #tpu.memory_space<hbm>> -> memref<16x256xf32, #tpu.memory_space<hbm>>
    tpu.enqueue_dma source(%dma_start3A_145 : memref<16x256xf32, #tpu.memory_space<hbm>>) target(%dma_start3A_141 : memref<16x256xf32, #tpu.memory_space<vmem>>) target_semaphore(%arg10 : memref<!tpu.dma_semaphore, #tpu.memory_space<semaphore_mem>>)
    %scan3A = arith.constant 0 : i32
    %scan3A_146 = arith.constant 0 : i32
    %scan3A_147 = arith.constant 8 : i32
    %scan3A_148 = arith.addi %scan3A_146, %scan3A_147 : i32
    %scan3A_149 = arith.constant 1 : i32
    scf.for %scan3A_294 = %scan3A_146 to %scan3A_148 step %scan3A_149  : i32 {
      %mul3A_295 = arith.constant 4 : i32
      %mul3A_296 = arith.muli %mul3A_295, %scan3A_294 : i32
      %add3A_297 = arith.addi %mul3A_2, %mul3A_296 : i32
      %dma_wait3A_298 = arith.constant 0 : i32
      %dma_wait3A_299 = arith.constant 0 : i32
      %dma_wait3A_300 = arith.constant 0 : i32
      %dma_wait3A_301 = arith.constant 0 : i32
      %dma_wait3A_302 = tpu.memref_slice %arg5[%dma_wait3A_299, %dma_wait3A_300, %dma_wait3A_301] : memref<4x64x256xf32, #tpu.memory_space<vmem>> -> memref<1x64x256xf32, #tpu.memory_space<vmem>>
      %dma_wait3A_303 = tpu.memref_squeeze %dma_wait3A_302 : memref<1x64x256xf32, #tpu.memory_space<vmem>> -> memref<64x256xf32, #tpu.memory_space<vmem>>
      %dma_wait3A_304 = arith.constant 0 : i32
      %dma_wait3A_305 = arith.constant 0 : i32
      %dma_wait3A_306 = tpu.memref_slice %arg2[%dma_wait3A_298, %dma_wait3A_304, %dma_wait3A_305] : memref<1024x64x256xf32, #tpu.memory_space<hbm>> -> memref<1x64x256xf32, #tpu.memory_space<hbm>>
      %dma_wait3A_307 = tpu.memref_squeeze %dma_wait3A_306 : memref<1x64x256xf32, #tpu.memory_space<hbm>> -> memref<64x256xf32, #tpu.memory_space<hbm>>
      %dma_wait3A_308 = arith.constant 0 : i32
      %dma_wait3A_309 = arith.constant 0 : i32
      %dma_wait3A_310 = tpu.memref_slice %arg5[%dma_wait3A_299, %dma_wait3A_308, %dma_wait3A_309] : memref<4x64x256xf32, #tpu.memory_space<vmem>> -> memref<1x64x256xf32, #tpu.memory_space<vmem>>
      %dma_wait3A_311 = tpu.memref_squeeze %dma_wait3A_310 : memref<1x64x256xf32, #tpu.memory_space<vmem>> -> memref<64x256xf32, #tpu.memory_space<vmem>>
      %dma_wait3A_312 = arith.constant 0 : i32
      %dma_wait3A_313 = arith.constant 0 : i32
      %dma_wait3A_314 = tpu.memref_slice %arg2[%dma_wait3A_298, %dma_wait3A_312, %dma_wait3A_313] : memref<1024x64x256xf32, #tpu.memory_space<hbm>> -> memref<1x64x256xf32, #tpu.memory_space<hbm>>
      %dma_wait3A_315 = tpu.memref_squeeze %dma_wait3A_314 : memref<1x64x256xf32, #tpu.memory_space<hbm>> -> memref<64x256xf32, #tpu.memory_space<hbm>>
      tpu.wait_dma2 semaphore(%arg7 : memref<!tpu.dma_semaphore, #tpu.memory_space<semaphore_mem>>) src(%dma_wait3A_315 : memref<64x256xf32, #tpu.memory_space<hbm>>) dst(%dma_wait3A_311 : memref<64x256xf32, #tpu.memory_space<vmem>>)
      %add3A_316 = arith.constant 0 : i32
      %add3A_317 = arith.addi %add3A_297, %add3A_316 : i32
      %dma_start3A_318 = arith.constant 0 : i32
      %dma_start3A_319 = arith.constant 16 : i32
      %dma_start3A_320 = arith.constant 0 : i32
      %dma_start3A_321 = tpu.memref_slice %arg5[%dma_start3A_318, %dma_start3A_319, %dma_start3A_320] : memref<4x64x256xf32, #tpu.memory_space<vmem>> -> memref<1x48x256xf32, #tpu.memory_space<vmem>>
      %dma_start3A_322 = tpu.memref_squeeze %dma_start3A_321 : memref<1x48x256xf32, #tpu.memory_space<vmem>> -> memref<48x256xf32, #tpu.memory_space<vmem>>
      %dma_start3A_323 = arith.constant 16 : i32
      %dma_start3A_324 = arith.constant 0 : i32
      %dma_start3A_325 = tpu.memref_slice %arg4[%add3A_317, %dma_start3A_323, %dma_start3A_324] : memref<1024x64x256xf32, #tpu.memory_space<hbm>> -> memref<1x48x256xf32, #tpu.memory_space<hbm>>
      %dma_start3A_326 = tpu.memref_squeeze %dma_start3A_325 : memref<1x48x256xf32, #tpu.memory_space<hbm>> -> memref<48x256xf32, #tpu.memory_space<hbm>>
      %dma_start3A_327 = arith.constant 16 : i32
      %dma_start3A_328 = arith.constant 0 : i32
      %dma_start3A_329 = tpu.memref_slice %arg4[%add3A_317, %dma_start3A_327, %dma_start3A_328] : memref<1024x64x256xf32, #tpu.memory_space<hbm>> -> memref<1x48x256xf32, #tpu.memory_space<hbm>>
      %dma_start3A_330 = tpu.memref_squeeze %dma_start3A_329 : memref<1x48x256xf32, #tpu.memory_space<hbm>> -> memref<48x256xf32, #tpu.memory_space<hbm>>
      %dma_start3A_331 = arith.constant 16 : i32
      %dma_start3A_332 = arith.constant 0 : i32
      %dma_start3A_333 = tpu.memref_slice %arg5[%dma_start3A_318, %dma_start3A_331, %dma_start3A_332] : memref<4x64x256xf32, #tpu.memory_space<vmem>> -> memref<1x48x256xf32, #tpu.memory_space<vmem>>
      %dma_start3A_334 = tpu.memref_squeeze %dma_start3A_333 : memref<1x48x256xf32, #tpu.memory_space<vmem>> -> memref<48x256xf32, #tpu.memory_space<vmem>>
      tpu.enqueue_dma source(%dma_start3A_334 : memref<48x256xf32, #tpu.memory_space<vmem>>) target(%dma_start3A_330 : memref<48x256xf32, #tpu.memory_space<hbm>>) target_semaphore(%arg11 : memref<!tpu.dma_semaphore, #tpu.memory_space<semaphore_mem>>)
      %ge3A = arith.constant 1 : i32
      %ge3A_335 = arith.cmpi sge, %scan3A_294, %ge3A : i32
      %add3A_336 = arith.constant 0 : i32
      %add3A_337 = arith.addi %add3A_297, %add3A_336 : i32
      %add3A_338 = arith.constant 2 : i32
      %add3A_339 = arith.addi %add3A_337, %add3A_338 : i32
      %convert_element_type3A = arith.extui %ge3A_335 : i1 to i32
      %cond3A = arith.constant 0 : i32
      %cond3A_340 = arith.cmpi ne, %convert_element_type3A, %cond3A : i32
      scf.if %cond3A_340 {
        %dma_wait3A_650 = arith.constant 2 : i32
        %dma_wait3A_651 = arith.constant 0 : i32
        %dma_wait3A_652 = arith.constant 16 : i32
        %dma_wait3A_653 = arith.constant 0 : i32
        %dma_wait3A_654 = tpu.memref_slice %arg5[%dma_wait3A_650, %dma_wait3A_652, %dma_wait3A_653] : memref<4x64x256xf32, #tpu.memory_space<vmem>> -> memref<1x48x256xf32, #tpu.memory_space<vmem>>
        %dma_wait3A_655 = tpu.memref_squeeze %dma_wait3A_654 : memref<1x48x256xf32, #tpu.memory_space<vmem>> -> memref<48x256xf32, #tpu.memory_space<vmem>>
        %dma_wait3A_656 = arith.constant 16 : i32
        %dma_wait3A_657 = arith.constant 0 : i32
        %dma_wait3A_658 = tpu.memref_slice %arg4[%dma_wait3A_651, %dma_wait3A_656, %dma_wait3A_657] : memref<1024x64x256xf32, #tpu.memory_space<hbm>> -> memref<1x48x256xf32, #tpu.memory_space<hbm>>
        %dma_wait3A_659 = tpu.memref_squeeze %dma_wait3A_658 : memref<1x48x256xf32, #tpu.memory_space<hbm>> -> memref<48x256xf32, #tpu.memory_space<hbm>>
        %dma_wait3A_660 = arith.constant 16 : i32
        %dma_wait3A_661 = arith.constant 0 : i32
        %dma_wait3A_662 = tpu.memref_slice %arg4[%dma_wait3A_651, %dma_wait3A_660, %dma_wait3A_661] : memref<1024x64x256xf32, #tpu.memory_space<hbm>> -> memref<1x48x256xf32, #tpu.memory_space<hbm>>
        %dma_wait3A_663 = tpu.memref_squeeze %dma_wait3A_662 : memref<1x48x256xf32, #tpu.memory_space<hbm>> -> memref<48x256xf32, #tpu.memory_space<hbm>>
        %dma_wait3A_664 = arith.constant 16 : i32
        %dma_wait3A_665 = arith.constant 0 : i32
        %dma_wait3A_666 = tpu.memref_slice %arg5[%dma_wait3A_650, %dma_wait3A_664, %dma_wait3A_665] : memref<4x64x256xf32, #tpu.memory_space<vmem>> -> memref<1x48x256xf32, #tpu.memory_space<vmem>>
        %dma_wait3A_667 = tpu.memref_squeeze %dma_wait3A_666 : memref<1x48x256xf32, #tpu.memory_space<vmem>> -> memref<48x256xf32, #tpu.memory_space<vmem>>
        tpu.wait_dma2 semaphore(%arg13 : memref<!tpu.dma_semaphore, #tpu.memory_space<semaphore_mem>>) src(%dma_wait3A_667 : memref<48x256xf32, #tpu.memory_space<vmem>>) dst(%dma_wait3A_663 : memref<48x256xf32, #tpu.memory_space<hbm>>)
        %dma_wait3A_668 = arith.constant 2 : i32
        %dma_wait3A_669 = arith.constant 0 : i32
        %dma_wait3A_670 = arith.constant 0 : i32
        %dma_wait3A_671 = arith.constant 0 : i32
        %dma_wait3A_672 = tpu.memref_slice %arg5[%dma_wait3A_668, %dma_wait3A_670, %dma_wait3A_671] : memref<4x64x256xf32, #tpu.memory_space<vmem>> -> memref<1x16x256xf32, #tpu.memory_space<vmem>>
        %dma_wait3A_673 = tpu.memref_squeeze %dma_wait3A_672 : memref<1x16x256xf32, #tpu.memory_space<vmem>> -> memref<16x256xf32, #tpu.memory_space<vmem>>
        %dma_wait3A_674 = arith.constant 0 : i32
        %dma_wait3A_675 = arith.constant 0 : i32
        %dma_wait3A_676 = tpu.memref_slice %arg4[%dma_wait3A_669, %dma_wait3A_674, %dma_wait3A_675] : memref<1024x64x256xf32, #tpu.memory_space<hbm>> -> memref<1x16x256xf32, #tpu.memory_space<hbm>>
        %dma_wait3A_677 = tpu.memref_squeeze %dma_wait3A_676 : memref<1x16x256xf32, #tpu.memory_space<hbm>> -> memref<16x256xf32, #tpu.memory_space<hbm>>
        %dma_wait3A_678 = arith.constant 0 : i32
        %dma_wait3A_679 = arith.constant 0 : i32
        %dma_wait3A_680 = tpu.memref_slice %arg4[%dma_wait3A_669, %dma_wait3A_678, %dma_wait3A_679] : memref<1024x64x256xf32, #tpu.memory_space<hbm>> -> memref<1x16x256xf32, #tpu.memory_space<hbm>>
        %dma_wait3A_681 = tpu.memref_squeeze %dma_wait3A_680 : memref<1x16x256xf32, #tpu.memory_space<hbm>> -> memref<16x256xf32, #tpu.memory_space<hbm>>
        %dma_wait3A_682 = arith.constant 0 : i32
        %dma_wait3A_683 = arith.constant 0 : i32
        %dma_wait3A_684 = tpu.memref_slice %arg5[%dma_wait3A_668, %dma_wait3A_682, %dma_wait3A_683] : memref<4x64x256xf32, #tpu.memory_space<vmem>> -> memref<1x16x256xf32, #tpu.memory_space<vmem>>
        %dma_wait3A_685 = tpu.memref_squeeze %dma_wait3A_684 : memref<1x16x256xf32, #tpu.memory_space<vmem>> -> memref<16x256xf32, #tpu.memory_space<vmem>>
        tpu.wait_dma2 semaphore(%arg13 : memref<!tpu.dma_semaphore, #tpu.memory_space<semaphore_mem>>) src(%dma_wait3A_685 : memref<16x256xf32, #tpu.memory_space<vmem>>) dst(%dma_wait3A_681 : memref<16x256xf32, #tpu.memory_space<hbm>>)
        %dma_start3A_686 = arith.constant 2 : i32
        %dma_start3A_687 = arith.constant 0 : i32
        %dma_start3A_688 = arith.constant 0 : i32
        %dma_start3A_689 = tpu.memref_slice %arg5[%dma_start3A_686, %dma_start3A_687, %dma_start3A_688] : memref<4x64x256xf32, #tpu.memory_space<vmem>> -> memref<1x64x256xf32, #tpu.memory_space<vmem>>
        %dma_start3A_690 = tpu.memref_squeeze %dma_start3A_689 : memref<1x64x256xf32, #tpu.memory_space<vmem>> -> memref<64x256xf32, #tpu.memory_space<vmem>>
        %dma_start3A_691 = arith.constant 0 : i32
        %dma_start3A_692 = arith.constant 0 : i32
        %dma_start3A_693 = tpu.memref_slice %arg2[%add3A_339, %dma_start3A_691, %dma_start3A_692] : memref<1024x64x256xf32, #tpu.memory_space<hbm>> -> memref<1x64x256xf32, #tpu.memory_space<hbm>>
        %dma_start3A_694 = tpu.memref_squeeze %dma_start3A_693 : memref<1x64x256xf32, #tpu.memory_space<hbm>> -> memref<64x256xf32, #tpu.memory_space<hbm>>
        %dma_start3A_695 = arith.constant 0 : i32
        %dma_start3A_696 = arith.constant 0 : i32
        %dma_start3A_697 = tpu.memref_slice %arg5[%dma_start3A_686, %dma_start3A_695, %dma_start3A_696] : memref<4x64x256xf32, #tpu.memory_space<vmem>> -> memref<1x64x256xf32, #tpu.memory_space<vmem>>
        %dma_start3A_698 = tpu.memref_squeeze %dma_start3A_697 : memref<1x64x256xf32, #tpu.memory_space<vmem>> -> memref<64x256xf32, #tpu.memory_space<vmem>>
        %dma_start3A_699 = arith.constant 0 : i32
        %dma_start3A_700 = arith.constant 0 : i32
        %dma_start3A_701 = tpu.memref_slice %arg2[%add3A_339, %dma_start3A_699, %dma_start3A_700] : memref<1024x64x256xf32, #tpu.memory_space<hbm>> -> memref<1x64x256xf32, #tpu.memory_space<hbm>>
        %dma_start3A_702 = tpu.memref_squeeze %dma_start3A_701 : memref<1x64x256xf32, #tpu.memory_space<hbm>> -> memref<64x256xf32, #tpu.memory_space<hbm>>
        tpu.enqueue_dma source(%dma_start3A_702 : memref<64x256xf32, #tpu.memory_space<hbm>>) target(%dma_start3A_698 : memref<64x256xf32, #tpu.memory_space<vmem>>) target_semaphore(%arg9 : memref<!tpu.dma_semaphore, #tpu.memory_space<semaphore_mem>>)
        %dma_start3A_703 = arith.constant 2 : i32
        %dma_start3A_704 = arith.constant 0 : i32
        %dma_start3A_705 = arith.constant 0 : i32
        %dma_start3A_706 = tpu.memref_slice %arg6[%dma_start3A_703, %dma_start3A_704, %dma_start3A_705] : memref<4x16x256xf32, #tpu.memory_space<vmem>> -> memref<1x16x256xf32, #tpu.memory_space<vmem>>
        %dma_start3A_707 = tpu.memref_squeeze %dma_start3A_706 : memref<1x16x256xf32, #tpu.memory_space<vmem>> -> memref<16x256xf32, #tpu.memory_space<vmem>>
        %dma_start3A_708 = arith.constant 32 : i32
        %dma_start3A_709 = arith.constant 0 : i32
        %dma_start3A_710 = tpu.memref_slice %arg3[%add3A_339, %dma_start3A_708, %dma_start3A_709] : memref<1024x64x256xf32, #tpu.memory_space<hbm>> -> memref<1x16x256xf32, #tpu.memory_space<hbm>>
        %dma_start3A_711 = tpu.memref_squeeze %dma_start3A_710 : memref<1x16x256xf32, #tpu.memory_space<hbm>> -> memref<16x256xf32, #tpu.memory_space<hbm>>
        %dma_start3A_712 = arith.constant 0 : i32
        %dma_start3A_713 = arith.constant 0 : i32
        %dma_start3A_714 = tpu.memref_slice %arg6[%dma_start3A_703, %dma_start3A_712, %dma_start3A_713] : memref<4x16x256xf32, #tpu.memory_space<vmem>> -> memref<1x16x256xf32, #tpu.memory_space<vmem>>
        %dma_start3A_715 = tpu.memref_squeeze %dma_start3A_714 : memref<1x16x256xf32, #tpu.memory_space<vmem>> -> memref<16x256xf32, #tpu.memory_space<vmem>>
        %dma_start3A_716 = arith.constant 32 : i32
        %dma_start3A_717 = arith.constant 0 : i32
        %dma_start3A_718 = tpu.memref_slice %arg3[%add3A_339, %dma_start3A_716, %dma_start3A_717] : memref<1024x64x256xf32, #tpu.memory_space<hbm>> -> memref<1x16x256xf32, #tpu.memory_space<hbm>>
        %dma_start3A_719 = tpu.memref_squeeze %dma_start3A_718 : memref<1x16x256xf32, #tpu.memory_space<hbm>> -> memref<16x256xf32, #tpu.memory_space<hbm>>
        tpu.enqueue_dma source(%dma_start3A_719 : memref<16x256xf32, #tpu.memory_space<hbm>>) target(%dma_start3A_715 : memref<16x256xf32, #tpu.memory_space<vmem>>) target_semaphore(%arg9 : memref<!tpu.dma_semaphore, #tpu.memory_space<semaphore_mem>>)
      } else {
      }
      %dma_wait3A_341 = arith.constant 0 : i32
      %dma_wait3A_342 = arith.constant 0 : i32
      %dma_wait3A_343 = arith.constant 0 : i32
      %dma_wait3A_344 = arith.constant 0 : i32
      %dma_wait3A_345 = tpu.memref_slice %arg6[%dma_wait3A_342, %dma_wait3A_343, %dma_wait3A_344] : memref<4x16x256xf32, #tpu.memory_space<vmem>> -> memref<1x16x256xf32, #tpu.memory_space<vmem>>
      %dma_wait3A_346 = tpu.memref_squeeze %dma_wait3A_345 : memref<1x16x256xf32, #tpu.memory_space<vmem>> -> memref<16x256xf32, #tpu.memory_space<vmem>>
      %dma_wait3A_347 = arith.constant 32 : i32
      %dma_wait3A_348 = arith.constant 0 : i32
      %dma_wait3A_349 = tpu.memref_slice %arg3[%dma_wait3A_341, %dma_wait3A_347, %dma_wait3A_348] : memref<1024x64x256xf32, #tpu.memory_space<hbm>> -> memref<1x16x256xf32, #tpu.memory_space<hbm>>
      %dma_wait3A_350 = tpu.memref_squeeze %dma_wait3A_349 : memref<1x16x256xf32, #tpu.memory_space<hbm>> -> memref<16x256xf32, #tpu.memory_space<hbm>>
      %dma_wait3A_351 = arith.constant 0 : i32
      %dma_wait3A_352 = arith.constant 0 : i32
      %dma_wait3A_353 = tpu.memref_slice %arg6[%dma_wait3A_342, %dma_wait3A_351, %dma_wait3A_352] : memref<4x16x256xf32, #tpu.memory_space<vmem>> -> memref<1x16x256xf32, #tpu.memory_space<vmem>>
      %dma_wait3A_354 = tpu.memref_squeeze %dma_wait3A_353 : memref<1x16x256xf32, #tpu.memory_space<vmem>> -> memref<16x256xf32, #tpu.memory_space<vmem>>
      %dma_wait3A_355 = arith.constant 32 : i32
      %dma_wait3A_356 = arith.constant 0 : i32
      %dma_wait3A_357 = tpu.memref_slice %arg3[%dma_wait3A_341, %dma_wait3A_355, %dma_wait3A_356] : memref<1024x64x256xf32, #tpu.memory_space<hbm>> -> memref<1x16x256xf32, #tpu.memory_space<hbm>>
      %dma_wait3A_358 = tpu.memref_squeeze %dma_wait3A_357 : memref<1x16x256xf32, #tpu.memory_space<hbm>> -> memref<16x256xf32, #tpu.memory_space<hbm>>
      tpu.wait_dma2 semaphore(%arg7 : memref<!tpu.dma_semaphore, #tpu.memory_space<semaphore_mem>>) src(%dma_wait3A_358 : memref<16x256xf32, #tpu.memory_space<hbm>>) dst(%dma_wait3A_354 : memref<16x256xf32, #tpu.memory_space<vmem>>)
      %scan3A_359 = arith.constant 0 : i32
      %scan3A_360 = arith.constant 0 : i32
      %scan3A_361 = arith.constant 16 : i32
      %scan3A_362 = arith.addi %scan3A_360, %scan3A_361 : i32
      %scan3A_363 = arith.constant 1 : i32
      scf.for %scan3A_650 = %scan3A_360 to %scan3A_362 step %scan3A_363  : i32 {
        %get3A = arith.constant 0 : i32
        %get3A_651 = arith.index_cast %get3A : i32 to index
        %get3A_652 = arith.index_cast %scan3A_650 : i32 to index
        %get3A_653 = arith.constant 0 : index
        %get3A_654 = tpu.vector_load %arg6[%get3A_651, %get3A_652, %get3A_653] {strides = array<i32>} : memref<4x16x256xf32, #tpu.memory_space<vmem>>, vector<1x1x16xf32>,
        %get3A_655 = vector.shape_cast %get3A_654 : vector<1x1x16xf32> to vector<16xf32>
        %get3A_656 = arith.constant 0 : i32
        %get3A_657 = arith.index_cast %get3A_656 : i32 to index
        %get3A_658 = arith.index_cast %scan3A_650 : i32 to index
        %get3A_659 = arith.constant 0 : index
        %get3A_660 = tpu.vector_load %arg5[%get3A_657, %get3A_658, %get3A_659] {strides = array<i32>} : memref<4x64x256xf32, #tpu.memory_space<vmem>>, vector<1x1x16xf32>,
        %get3A_661 = vector.shape_cast %get3A_660 : vector<1x1x16xf32> to vector<16xf32>
        %add3A_662 = arith.constant 16 : i32
        %add3A_663 = arith.addi %scan3A_650, %add3A_662 : i32
        %get3A_664 = arith.constant 0 : i32
        %get3A_665 = arith.index_cast %get3A_664 : i32 to index
        %get3A_666 = arith.index_cast %add3A_663 : i32 to index
        %get3A_667 = arith.constant 0 : index
        %get3A_668 = tpu.vector_load %arg5[%get3A_665, %get3A_666, %get3A_667] {strides = array<i32>} : memref<4x64x256xf32, #tpu.memory_space<vmem>>, vector<1x1x16xf32>,
        %get3A_669 = vector.shape_cast %get3A_668 : vector<1x1x16xf32> to vector<16xf32>
        %add3A_670 = arith.constant 9.99999997E-7 : f32
        %add3A_671 = vector.broadcast %add3A_670 : f32 to vector<16xf32>
        %add3A_672 = arith.addf %get3A_669, %add3A_671 : vector<16xf32>
        %add3A_673 = arith.constant 48 : i32
        %add3A_674 = arith.addi %scan3A_650, %add3A_673 : i32
        %get3A_675 = arith.constant 0 : i32
        %get3A_676 = arith.index_cast %get3A_675 : i32 to index
        %get3A_677 = arith.index_cast %add3A_674 : i32 to index
        %get3A_678 = arith.constant 0 : index
        %get3A_679 = tpu.vector_load %arg5[%get3A_676, %get3A_677, %get3A_678] {strides = array<i32>} : memref<4x64x256xf32, #tpu.memory_space<vmem>>, vector<1x1x16xf32>,
        %get3A_680 = vector.shape_cast %get3A_679 : vector<1x1x16xf32> to vector<16xf32>
        %sub3A = arith.constant 9.99999997E-7 : f32
        %sub3A_681 = vector.broadcast %sub3A : f32 to vector<16xf32>
        %sub3A_682 = arith.subf %get3A_680, %sub3A_681 : vector<16xf32>
        %max3A = arith.maximumf %add3A_672, %sub3A_682 : vector<16xf32>
        %sub3A_683 = arith.subf %max3A, %get3A_655 : vector<16xf32>
        %max3A_684 = arith.maximumf %get3A_661, %sub3A_683 : vector<16xf32>
        %swap3A = arith.constant 0 : i32
        %swap3A_685 = arith.index_cast %swap3A : i32 to index
        %swap3A_686 = arith.index_cast %scan3A_650 : i32 to index
        %swap3A_687 = arith.constant 0 : index
        %swap3A_688 = tpu.vector_load %arg5[%swap3A_685, %swap3A_686, %swap3A_687] {strides = array<i32>} : memref<4x64x256xf32, #tpu.memory_space<vmem>>, vector<1x1x16xf32>,
        %swap3A_689 = vector.shape_cast %swap3A_688 : vector<1x1x16xf32> to vector<16xf32>
        %swap3A_690 = vector.shape_cast %max3A_684 : vector<16xf32> to vector<1x1x16xf32>
        tpu.vector_store %arg5[%swap3A_685, %swap3A_686, %swap3A_687], %swap3A_690 {strides = array<i32>} : memref<4x64x256xf32, #tpu.memory_space<vmem>>, vector<1x1x16xf32>,
        %get3A_691 = arith.constant 0 : i32
        %get3A_692 = arith.index_cast %get3A_691 : i32 to index
        %get3A_693 = arith.index_cast %scan3A_650 : i32 to index
        %get3A_694 = arith.constant 16 : index
        %get3A_695 = tpu.vector_load %arg6[%get3A_692, %get3A_693, %get3A_694] {strides = array<i32>} : memref<4x16x256xf32, #tpu.memory_space<vmem>>, vector<1x1x16xf32>,
        %get3A_696 = vector.shape_cast %get3A_695 : vector<1x1x16xf32> to vector<16xf32>
        %get3A_697 = arith.constant 0 : i32
        %get3A_698 = arith.index_cast %get3A_697 : i32 to index
        %get3A_699 = arith.index_cast %scan3A_650 : i32 to index
        %get3A_700 = arith.constant 16 : index
        %get3A_701 = tpu.vector_load %arg5[%get3A_698, %get3A_699, %get3A_700] {strides = array<i32>} : memref<4x64x256xf32, #tpu.memory_space<vmem>>, vector<1x1x16xf32>,
        %get3A_702 = vector.shape_cast %get3A_701 : vector<1x1x16xf32> to vector<16xf32>
        %add3A_703 = arith.constant 16 : i32
        %add3A_704 = arith.addi %scan3A_650, %add3A_703 : i32
        %get3A_705 = arith.constant 0 : i32
        %get3A_706 = arith.index_cast %get3A_705 : i32 to index
        %get3A_707 = arith.index_cast %add3A_704 : i32 to index
        %get3A_708 = arith.constant 16 : index
        %get3A_709 = tpu.vector_load %arg5[%get3A_706, %get3A_707, %get3A_708] {strides = array<i32>} : memref<4x64x256xf32, #tpu.memory_space<vmem>>, vector<1x1x16xf32>,
        %get3A_710 = vector.shape_cast %get3A_709 : vector<1x1x16xf32> to vector<16xf32>
        %add3A_711 = arith.constant 9.99999997E-7 : f32
        %add3A_712 = vector.broadcast %add3A_711 : f32 to vector<16xf32>
        %add3A_713 = arith.addf %get3A_710, %add3A_712 : vector<16xf32>
        %add3A_714 = arith.constant 48 : i32
        %add3A_715 = arith.addi %scan3A_650, %add3A_714 : i32
        %get3A_716 = arith.constant 0 : i32
        %get3A_717 = arith.index_cast %get3A_716 : i32 to index
        %get3A_718 = arith.index_cast %add3A_715 : i32 to index
        %get3A_719 = arith.constant 16 : index
        %get3A_720 = tpu.vector_load %arg5[%get3A_717, %get3A_718, %get3A_719] {strides = array<i32>} : memref<4x64x256xf32, #tpu.memory_space<vmem>>, vector<1x1x16xf32>,
        %get3A_721 = vector.shape_cast %get3A_720 : vector<1x1x16xf32> to vector<16xf32>
        %sub3A_722 = arith.constant 9.99999997E-7 : f32
        %sub3A_723 = vector.broadcast %sub3A_722 : f32 to vector<16xf32>
        %sub3A_724 = arith.subf %get3A_721, %sub3A_723 : vector<16xf32>
        %max3A_725 = arith.maximumf %add3A_713, %sub3A_724 : vector<16xf32>
        %sub3A_726 = arith.subf %max3A_725, %get3A_696 : vector<16xf32>
        %max3A_727 = arith.maximumf %get3A_702, %sub3A_726 : vector<16xf32>
        %swap3A_728 = arith.constant 0 : i32
        %swap3A_729 = arith.index_cast %swap3A_728 : i32 to index
        %swap3A_730 = arith.index_cast %scan3A_650 : i32 to index
        %swap3A_731 = arith.constant 16 : index
        %swap3A_732 = tpu.vector_load %arg5[%swap3A_729, %swap3A_730, %swap3A_731] {strides = array<i32>} : memref<4x64x256xf32, #tpu.memory_space<vmem>>, vector<1x1x16xf32>,
        %swap3A_733 = vector.shape_cast %swap3A_732 : vector<1x1x16xf32> to vector<16xf32>
        %swap3A_734 = vector.shape_cast %max3A_727 : vector<16xf32> to vector<1x1x16xf32>
        tpu.vector_store %arg5[%swap3A_729, %swap3A_730, %swap3A_731], %swap3A_734 {strides = array<i32>} : memref<4x64x256xf32, #tpu.memory_space<vmem>>, vector<1x1x16xf32>,
        %get3A_735 = arith.constant 0 : i32
        %get3A_736 = arith.index_cast %get3A_735 : i32 to index
        %get3A_737 = arith.index_cast %scan3A_650 : i32 to index
        %get3A_738 = arith.constant 32 : index
        %get3A_739 = tpu.vector_load %arg6[%get3A_736, %get3A_737, %get3A_738] {strides = array<i32>} : memref<4x16x256xf32, #tpu.memory_space<vmem>>, vector<1x1x16xf32>,
        %get3A_740 = vector.shape_cast %get3A_739 : vector<1x1x16xf32> to vector<16xf32>
        %get3A_741 = arith.constant 0 : i32
        %get3A_742 = arith.index_cast %get3A_741 : i32 to index
        %get3A_743 = arith.index_cast %scan3A_650 : i32 to index
        %get3A_744 = arith.constant 32 : index
        %get3A_745 = tpu.vector_load %arg5[%get3A_742, %get3A_743, %get3A_744] {strides = array<i32>} : memref<4x64x256xf32, #tpu.memory_space<vmem>>, vector<1x1x16xf32>,
        %get3A_746 = vector.shape_cast %get3A_745 : vector<1x1x16xf32> to vector<16xf32>
        %add3A_747 = arith.constant 16 : i32
        %add3A_748 = arith.addi %scan3A_650, %add3A_747 : i32
        %get3A_749 = arith.constant 0 : i32
        %get3A_750 = arith.index_cast %get3A_749 : i32 to index
        %get3A_751 = arith.index_cast %add3A_748 : i32 to index
        %get3A_752 = arith.constant 32 : index
        %get3A_753 = tpu.vector_load %arg5[%get3A_750, %get3A_751, %get3A_752] {strides = array<i32>} : memref<4x64x256xf32, #tpu.memory_space<vmem>>, vector<1x1x16xf32>,
        %get3A_754 = vector.shape_cast %get3A_753 : vector<1x1x16xf32> to vector<16xf32>
        %add3A_755 = arith.constant 9.99999997E-7 : f32
        %add3A_756 = vector.broadcast %add3A_755 : f32 to vector<16xf32>
        %add3A_757 = arith.addf %get3A_754, %add3A_756 : vector<16xf32>
        %add3A_758 = arith.constant 48 : i32
        %add3A_759 = arith.addi %scan3A_650, %add3A_758 : i32
        %get3A_760 = arith.constant 0 : i32
        %get3A_761 = arith.index_cast %get3A_760 : i32 to index
        %get3A_762 = arith.index_cast %add3A_759 : i32 to index
        %get3A_763 = arith.constant 32 : index
        %get3A_764 = tpu.vector_load %arg5[%get3A_761, %get3A_762, %get3A_763] {strides = array<i32>} : memref<4x64x256xf32, #tpu.memory_space<vmem>>, vector<1x1x16xf32>,
        %get3A_765 = vector.shape_cast %get3A_764 : vector<1x1x16xf32> to vector<16xf32>
        %sub3A_766 = arith.constant 9.99999997E-7 : f32
        %sub3A_767 = vector.broadcast %sub3A_766 : f32 to vector<16xf32>
        %sub3A_768 = arith.subf %get3A_765, %sub3A_767 : vector<16xf32>
        %max3A_769 = arith.maximumf %add3A_757, %sub3A_768 : vector<16xf32>
        %sub3A_770 = arith.subf %max3A_769, %get3A_740 : vector<16xf32>
        %max3A_771 = arith.maximumf %get3A_746, %sub3A_770 : vector<16xf32>
        %swap3A_772 = arith.constant 0 : i32
        %swap3A_773 = arith.index_cast %swap3A_772 : i32 to index
        %swap3A_774 = arith.index_cast %scan3A_650 : i32 to index
        %swap3A_775 = arith.constant 32 : index
        %swap3A_776 = tpu.vector_load %arg5[%swap3A_773, %swap3A_774, %swap3A_775] {strides = array<i32>} : memref<4x64x256xf32, #tpu.memory_space<vmem>>, vector<1x1x16xf32>,
        %swap3A_777 = vector.shape_cast %swap3A_776 : vector<1x1x16xf32> to vector<16xf32>
        %swap3A_778 = vector.shape_cast %max3A_771 : vector<16xf32> to vector<1x1x16xf32>
        tpu.vector_store %arg5[%swap3A_773, %swap3A_774, %swap3A_775], %swap3A_778 {strides = array<i32>} : memref<4x64x256xf32, #tpu.memory_space<vmem>>, vector<1x1x16xf32>,
        %get3A_779 = arith.constant 0 : i32
        %get3A_780 = arith.index_cast %get3A_779 : i32 to index
        %get3A_781 = arith.index_cast %scan3A_650 : i32 to index
        %get3A_782 = arith.constant 48 : index
        %get3A_783 = tpu.vector_load %arg6[%get3A_780, %get3A_781, %get3A_782] {strides = array<i32>} : memref<4x16x256xf32, #tpu.memory_space<vmem>>, vector<1x1x16xf32>,
        %get3A_784 = vector.shape_cast %get3A_783 : vector<1x1x16xf32> to vector<16xf32>
        %get3A_785 = arith.constant 0 : i32
        %get3A_786 = arith.index_cast %get3A_785 : i32 to index
        %get3A_787 = arith.index_cast %scan3A_650 : i32 to index
        %get3A_788 = arith.constant 48 : index
        %get3A_789 = tpu.vector_load %arg5[%get3A_786, %get3A_787, %get3A_788] {strides = array<i32>} : memref<4x64x256xf32, #tpu.memory_space<vmem>>, vector<1x1x16xf32>,
        %get3A_790 = vector.shape_cast %get3A_789 : vector<1x1x16xf32> to vector<16xf32>
        %add3A_791 = arith.constant 16 : i32
        %add3A_792 = arith.addi %scan3A_650, %add3A_791 : i32
        %get3A_793 = arith.constant 0 : i32
        %get3A_794 = arith.index_cast %get3A_793 : i32 to index
        %get3A_795 = arith.index_cast %add3A_792 : i32 to index
        %get3A_796 = arith.constant 48 : index
        %get3A_797 = tpu.vector_load %arg5[%get3A_794, %get3A_795, %get3A_796] {strides = array<i32>} : memref<4x64x256xf32, #tpu.memory_space<vmem>>, vector<1x1x16xf32>,
        %get3A_798 = vector.shape_cast %get3A_797 : vector<1x1x16xf32> to vector<16xf32>
        %add3A_799 = arith.constant 9.99999997E-7 : f32
        %add3A_800 = vector.broadcast %add3A_799 : f32 to vector<16xf32>
        %add3A_801 = arith.addf %get3A_798, %add3A_800 : vector<16xf32>
        %add3A_802 = arith.constant 48 : i32
        %add3A_803 = arith.addi %scan3A_650, %add3A_802 : i32
        %get3A_804 = arith.constant 0 : i32
        %get3A_805 = arith.index_cast %get3A_804 : i32 to index
        %get3A_806 = arith.index_cast %add3A_803 : i32 to index
        %get3A_807 = arith.constant 48 : index
        %get3A_808 = tpu.vector_load %arg5[%get3A_805, %get3A_806, %get3A_807] {strides = array<i32>} : memref<4x64x256xf32, #tpu.memory_space<vmem>>, vector<1x1x16xf32>,
        %get3A_809 = vector.shape_cast %get3A_808 : vector<1x1x16xf32> to vector<16xf32>
        %sub3A_810 = arith.constant 9.99999997E-7 : f32
        %sub3A_811 = vector.broadcast %sub3A_810 : f32 to vector<16xf32>
        %sub3A_812 = arith.subf %get3A_809, %sub3A_811 : vector<16xf32>
        %max3A_813 = arith.maximumf %add3A_801, %sub3A_812 : vector<16xf32>
        %sub3A_814 = arith.subf %max3A_813, %get3A_784 : vector<16xf32>
        %max3A_815 = arith.maximumf %get3A_790, %sub3A_814 : vector<16xf32>
        %swap3A_816 = arith.constant 0 : i32
        %swap3A_817 = arith.index_cast %swap3A_816 : i32 to index
        %swap3A_818 = arith.index_cast %scan3A_650 : i32 to index
        %swap3A_819 = arith.constant 48 : index
        %swap3A_820 = tpu.vector_load %arg5[%swap3A_817, %swap3A_818, %swap3A_819] {strides = array<i32>} : memref<4x64x256xf32, #tpu.memory_space<vmem>>, vector<1x1x16xf32>,
        %swap3A_821 = vector.shape_cast %swap3A_820 : vector<1x1x16xf32> to vector<16xf32>
        %swap3A_822 = vector.shape_cast %max3A_815 : vector<16xf32> to vector<1x1x16xf32>
        tpu.vector_store %arg5[%swap3A_817, %swap3A_818, %swap3A_819], %swap3A_822 {strides = array<i32>} : memref<4x64x256xf32, #tpu.memory_space<vmem>>, vector<1x1x16xf32>,
        %get3A_823 = arith.constant 0 : i32
        %get3A_824 = arith.index_cast %get3A_823 : i32 to index
        %get3A_825 = arith.index_cast %scan3A_650 : i32 to index
        %get3A_826 = arith.constant 64 : index
        %get3A_827 = tpu.vector_load %arg6[%get3A_824, %get3A_825, %get3A_826] {strides = array<i32>} : memref<4x16x256xf32, #tpu.memory_space<vmem>>, vector<1x1x16xf32>,
        %get3A_828 = vector.shape_cast %get3A_827 : vector<1x1x16xf32> to vector<16xf32>
        %get3A_829 = arith.constant 0 : i32
        %get3A_830 = arith.index_cast %get3A_829 : i32 to index
        %get3A_831 = arith.index_cast %scan3A_650 : i32 to index
        %get3A_832 = arith.constant 64 : index
        %get3A_833 = tpu.vector_load %arg5[%get3A_830, %get3A_831, %get3A_832] {strides = array<i32>} : memref<4x64x256xf32, #tpu.memory_space<vmem>>, vector<1x1x16xf32>,
        %get3A_834 = vector.shape_cast %get3A_833 : vector<1x1x16xf32> to vector<16xf32>
        %add3A_835 = arith.constant 16 : i32
        %add3A_836 = arith.addi %scan3A_650, %add3A_835 : i32
        %get3A_837 = arith.constant 0 : i32
        %get3A_838 = arith.index_cast %get3A_837 : i32 to index
        %get3A_839 = arith.index_cast %add3A_836 : i32 to index
        %get3A_840 = arith.constant 64 : index
        %get3A_841 = tpu.vector_load %arg5[%get3A_838, %get3A_839, %get3A_840] {strides = array<i32>} : memref<4x64x256xf32, #tpu.memory_space<vmem>>, vector<1x1x16xf32>,
        %get3A_842 = vector.shape_cast %get3A_841 : vector<1x1x16xf32> to vector<16xf32>
        %add3A_843 = arith.constant 9.99999997E-7 : f32
        %add3A_844 = vector.broadcast %add3A_843 : f32 to vector<16xf32>
        %add3A_845 = arith.addf %get3A_842, %add3A_844 : vector<16xf32>
        %add3A_846 = arith.constant 48 : i32
        %add3A_847 = arith.addi %scan3A_650, %add3A_846 : i32
        %get3A_848 = arith.constant 0 : i32
        %get3A_849 = arith.index_cast %get3A_848 : i32 to index
        %get3A_850 = arith.index_cast %add3A_847 : i32 to index
        %get3A_851 = arith.constant 64 : index
        %get3A_852 = tpu.vector_load %arg5[%get3A_849, %get3A_850, %get3A_851] {strides = array<i32>} : memref<4x64x256xf32, #tpu.memory_space<vmem>>, vector<1x1x16xf32>,
        %get3A_853 = vector.shape_cast %get3A_852 : vector<1x1x16xf32> to vector<16xf32>
        %sub3A_854 = arith.constant 9.99999997E-7 : f32
        %sub3A_855 = vector.broadcast %sub3A_854 : f32 to vector<16xf32>
        %sub3A_856 = arith.subf %get3A_853, %sub3A_855 : vector<16xf32>
        %max3A_857 = arith.maximumf %add3A_845, %sub3A_856 : vector<16xf32>
        %sub3A_858 = arith.subf %max3A_857, %get3A_828 : vector<16xf32>
        %max3A_859 = arith.maximumf %get3A_834, %sub3A_858 : vector<16xf32>
        %swap3A_860 = arith.constant 0 : i32
        %swap3A_861 = arith.index_cast %swap3A_860 : i32 to index
        %swap3A_862 = arith.index_cast %scan3A_650 : i32 to index
        %swap3A_863 = arith.constant 64 : index
        %swap3A_864 = tpu.vector_load %arg5[%swap3A_861, %swap3A_862, %swap3A_863] {strides = array<i32>} : memref<4x64x256xf32, #tpu.memory_space<vmem>>, vector<1x1x16xf32>,
        %swap3A_865 = vector.shape_cast %swap3A_864 : vector<1x1x16xf32> to vector<16xf32>
        %swap3A_866 = vector.shape_cast %max3A_859 : vector<16xf32> to vector<1x1x16xf32>
        tpu.vector_store %arg5[%swap3A_861, %swap3A_862, %swap3A_863], %swap3A_866 {strides = array<i32>} : memref<4x64x256xf32, #tpu.memory_space<vmem>>, vector<1x1x16xf32>,
        %get3A_867 = arith.constant 0 : i32
        %get3A_868 = arith.index_cast %get3A_867 : i32 to index
        %get3A_869 = arith.index_cast %scan3A_650 : i32 to index
        %get3A_870 = arith.constant 80 : index
        %get3A_871 = tpu.vector_load %arg6[%get3A_868, %get3A_869, %get3A_870] {strides = array<i32>} : memref<4x16x256xf32, #tpu.memory_space<vmem>>, vector<1x1x16xf32>,
        %get3A_872 = vector.shape_cast %get3A_871 : vector<1x1x16xf32> to vector<16xf32>
        %get3A_873 = arith.constant 0 : i32
        %get3A_874 = arith.index_cast %get3A_873 : i32 to index
        %get3A_875 = arith.index_cast %scan3A_650 : i32 to index
        %get3A_876 = arith.constant 80 : index
        %get3A_877 = tpu.vector_load %arg5[%get3A_874, %get3A_875, %get3A_876] {strides = array<i32>} : memref<4x64x256xf32, #tpu.memory_space<vmem>>, vector<1x1x16xf32>,
        %get3A_878 = vector.shape_cast %get3A_877 : vector<1x1x16xf32> to vector<16xf32>
        %add3A_879 = arith.constant 16 : i32
        %add3A_880 = arith.addi %scan3A_650, %add3A_879 : i32
        %get3A_881 = arith.constant 0 : i32
        %get3A_882 = arith.index_cast %get3A_881 : i32 to index
        %get3A_883 = arith.index_cast %add3A_880 : i32 to index
        %get3A_884 = arith.constant 80 : index
        %get3A_885 = tpu.vector_load %arg5[%get3A_882, %get3A_883, %get3A_884] {strides = array<i32>} : memref<4x64x256xf32, #tpu.memory_space<vmem>>, vector<1x1x16xf32>,
        %get3A_886 = vector.shape_cast %get3A_885 : vector<1x1x16xf32> to vector<16xf32>
        %add3A_887 = arith.constant 9.99999997E-7 : f32
        %add3A_888 = vector.broadcast %add3A_887 : f32 to vector<16xf32>
        %add3A_889 = arith.addf %get3A_886, %add3A_888 : vector<16xf32>
        %add3A_890 = arith.constant 48 : i32
        %add3A_891 = arith.addi %scan3A_650, %add3A_890 : i32
        %get3A_892 = arith.constant 0 : i32
        %get3A_893 = arith.index_cast %get3A_892 : i32 to index
        %get3A_894 = arith.index_cast %add3A_891 : i32 to index
        %get3A_895 = arith.constant 80 : index
        %get3A_896 = tpu.vector_load %arg5[%get3A_893, %get3A_894, %get3A_895] {strides = array<i32>} : memref<4x64x256xf32, #tpu.memory_space<vmem>>, vector<1x1x16xf32>,
        %get3A_897 = vector.shape_cast %get3A_896 : vector<1x1x16xf32> to vector<16xf32>
        %sub3A_898 = arith.constant 9.99999997E-7 : f32
        %sub3A_899 = vector.broadcast %sub3A_898 : f32 to vector<16xf32>
        %sub3A_900 = arith.subf %get3A_897, %sub3A_899 : vector<16xf32>
        %max3A_901 = arith.maximumf %add3A_889, %sub3A_900 : vector<16xf32>
        %sub3A_902 = arith.subf %max3A_901, %get3A_872 : vector<16xf32>
        %max3A_903 = arith.maximumf %get3A_878, %sub3A_902 : vector<16xf32>
        %swap3A_904 = arith.constant 0 : i32
        %swap3A_905 = arith.index_cast %swap3A_904 : i32 to index
        %swap3A_906 = arith.index_cast %scan3A_650 : i32 to index
        %swap3A_907 = arith.constant 80 : index
        %swap3A_908 = tpu.vector_load %arg5[%swap3A_905, %swap3A_906, %swap3A_907] {strides = array<i32>} : memref<4x64x256xf32, #tpu.memory_space<vmem>>, vector<1x1x16xf32>,
        %swap3A_909 = vector.shape_cast %swap3A_908 : vector<1x1x16xf32> to vector<16xf32>
        %swap3A_910 = vector.shape_cast %max3A_903 : vector<16xf32> to vector<1x1x16xf32>
        tpu.vector_store %arg5[%swap3A_905, %swap3A_906, %swap3A_907], %swap3A_910 {strides = array<i32>} : memref<4x64x256xf32, #tpu.memory_space<vmem>>, vector<1x1x16xf32>,
        %get3A_911 = arith.constant 0 : i32
        %get3A_912 = arith.index_cast %get3A_911 : i32 to index
        %get3A_913 = arith.index_cast %scan3A_650 : i32 to index
        %get3A_914 = arith.constant 96 : index
        %get3A_915 = tpu.vector_load %arg6[%get3A_912, %get3A_913, %get3A_914] {strides = array<i32>} : memref<4x16x256xf32, #tpu.memory_space<vmem>>, vector<1x1x16xf32>,
        %get3A_916 = vector.shape_cast %get3A_915 : vector<1x1x16xf32> to vector<16xf32>
        %get3A_917 = arith.constant 0 : i32
        %get3A_918 = arith.index_cast %get3A_917 : i32 to index
        %get3A_919 = arith.index_cast %scan3A_650 : i32 to index
        %get3A_920 = arith.constant 96 : index
        %get3A_921 = tpu.vector_load %arg5[%get3A_918, %get3A_919, %get3A_920] {strides = array<i32>} : memref<4x64x256xf32, #tpu.memory_space<vmem>>, vector<1x1x16xf32>,
        %get3A_922 = vector.shape_cast %get3A_921 : vector<1x1x16xf32> to vector<16xf32>
        %add3A_923 = arith.constant 16 : i32
        %add3A_924 = arith.addi %scan3A_650, %add3A_923 : i32
        %get3A_925 = arith.constant 0 : i32
        %get3A_926 = arith.index_cast %get3A_925 : i32 to index
        %get3A_927 = arith.index_cast %add3A_924 : i32 to index
        %get3A_928 = arith.constant 96 : index
        %get3A_929 = tpu.vector_load %arg5[%get3A_926, %get3A_927, %get3A_928] {strides = array<i32>} : memref<4x64x256xf32, #tpu.memory_space<vmem>>, vector<1x1x16xf32>,
        %get3A_930 = vector.shape_cast %get3A_929 : vector<1x1x16xf32> to vector<16xf32>
        %add3A_931 = arith.constant 9.99999997E-7 : f32
        %add3A_932 = vector.broadcast %add3A_931 : f32 to vector<16xf32>
        %add3A_933 = arith.addf %get3A_930, %add3A_932 : vector<16xf32>
        %add3A_934 = arith.constant 48 : i32
        %add3A_935 = arith.addi %scan3A_650, %add3A_934 : i32
        %get3A_936 = arith.constant 0 : i32
        %get3A_937 = arith.index_cast %get3A_936 : i32 to index
        %get3A_938 = arith.index_cast %add3A_935 : i32 to index
        %get3A_939 = arith.constant 96 : index
        %get3A_940 = tpu.vector_load %arg5[%get3A_937, %get3A_938, %get3A_939] {strides = array<i32>} : memref<4x64x256xf32, #tpu.memory_space<vmem>>, vector<1x1x16xf32>,
        %get3A_941 = vector.shape_cast %get3A_940 : vector<1x1x16xf32> to vector<16xf32>
        %sub3A_942 = arith.constant 9.99999997E-7 : f32
        %sub3A_943 = vector.broadcast %sub3A_942 : f32 to vector<16xf32>
        %sub3A_944 = arith.subf %get3A_941, %sub3A_943 : vector<16xf32>
        %max3A_945 = arith.maximumf %add3A_933, %sub3A_944 : vector<16xf32>
        %sub3A_946 = arith.subf %max3A_945, %get3A_916 : vector<16xf32>
        %max3A_947 = arith.maximumf %get3A_922, %sub3A_946 : vector<16xf32>
        %swap3A_948 = arith.constant 0 : i32
        %swap3A_949 = arith.index_cast %swap3A_948 : i32 to index
        %swap3A_950 = arith.index_cast %scan3A_650 : i32 to index
        %swap3A_951 = arith.constant 96 : index
        %swap3A_952 = tpu.vector_load %arg5[%swap3A_949, %swap3A_950, %swap3A_951] {strides = array<i32>} : memref<4x64x256xf32, #tpu.memory_space<vmem>>, vector<1x1x16xf32>,
        %swap3A_953 = vector.shape_cast %swap3A_952 : vector<1x1x16xf32> to vector<16xf32>
        %swap3A_954 = vector.shape_cast %max3A_947 : vector<16xf32> to vector<1x1x16xf32>
        tpu.vector_store %arg5[%swap3A_949, %swap3A_950, %swap3A_951], %swap3A_954 {strides = array<i32>} : memref<4x64x256xf32, #tpu.memory_space<vmem>>, vector<1x1x16xf32>,
        %get3A_955 = arith.constant 0 : i32
        %get3A_956 = arith.index_cast %get3A_955 : i32 to index
        %get3A_957 = arith.index_cast %scan3A_650 : i32 to index
        %get3A_958 = arith.constant 112 : index
        %get3A_959 = tpu.vector_load %arg6[%get3A_956, %get3A_957, %get3A_958] {strides = array<i32>} : memref<4x16x256xf32, #tpu.memory_space<vmem>>, vector<1x1x16xf32>,
        %get3A_960 = vector.shape_cast %get3A_959 : vector<1x1x16xf32> to vector<16xf32>
        %get3A_961 = arith.constant 0 : i32
        %get3A_962 = arith.index_cast %get3A_961 : i32 to index
        %get3A_963 = arith.index_cast %scan3A_650 : i32 to index
        %get3A_964 = arith.constant 112 : index
        %get3A_965 = tpu.vector_load %arg5[%get3A_962, %get3A_963, %get3A_964] {strides = array<i32>} : memref<4x64x256xf32, #tpu.memory_space<vmem>>, vector<1x1x16xf32>,
        %get3A_966 = vector.shape_cast %get3A_965 : vector<1x1x16xf32> to vector<16xf32>
        %add3A_967 = arith.constant 16 : i32
        %add3A_968 = arith.addi %scan3A_650, %add3A_967 : i32
        %get3A_969 = arith.constant 0 : i32
        %get3A_970 = arith.index_cast %get3A_969 : i32 to index
        %get3A_971 = arith.index_cast %add3A_968 : i32 to index
        %get3A_972 = arith.constant 112 : index
        %get3A_973 = tpu.vector_load %arg5[%get3A_970, %get3A_971, %get3A_972] {strides = array<i32>} : memref<4x64x256xf32, #tpu.memory_space<vmem>>, vector<1x1x16xf32>,
        %get3A_974 = vector.shape_cast %get3A_973 : vector<1x1x16xf32> to vector<16xf32>
        %add3A_975 = arith.constant 9.99999997E-7 : f32
        %add3A_976 = vector.broadcast %add3A_975 : f32 to vector<16xf32>
        %add3A_977 = arith.addf %get3A_974, %add3A_976 : vector<16xf32>
        %add3A_978 = arith.constant 48 : i32
        %add3A_979 = arith.addi %scan3A_650, %add3A_978 : i32
        %get3A_980 = arith.constant 0 : i32
        %get3A_981 = arith.index_cast %get3A_980 : i32 to index
        %get3A_982 = arith.index_cast %add3A_979 : i32 to index
        %get3A_983 = arith.constant 112 : index
        %get3A_984 = tpu.vector_load %arg5[%get3A_981, %get3A_982, %get3A_983] {strides = array<i32>} : memref<4x64x256xf32, #tpu.memory_space<vmem>>, vector<1x1x16xf32>,
        %get3A_985 = vector.shape_cast %get3A_984 : vector<1x1x16xf32> to vector<16xf32>
        %sub3A_986 = arith.constant 9.99999997E-7 : f32
        %sub3A_987 = vector.broadcast %sub3A_986 : f32 to vector<16xf32>
        %sub3A_988 = arith.subf %get3A_985, %sub3A_987 : vector<16xf32>
        %max3A_989 = arith.maximumf %add3A_977, %sub3A_988 : vector<16xf32>
        %sub3A_990 = arith.subf %max3A_989, %get3A_960 : vector<16xf32>
        %max3A_991 = arith.maximumf %get3A_966, %sub3A_990 : vector<16xf32>
        %swap3A_992 = arith.constant 0 : i32
        %swap3A_993 = arith.index_cast %swap3A_992 : i32 to index
        %swap3A_994 = arith.index_cast %scan3A_650 : i32 to index
        %swap3A_995 = arith.constant 112 : index
        %swap3A_996 = tpu.vector_load %arg5[%swap3A_993, %swap3A_994, %swap3A_995] {strides = array<i32>} : memref<4x64x256xf32, #tpu.memory_space<vmem>>, vector<1x1x16xf32>,
        %swap3A_997 = vector.shape_cast %swap3A_996 : vector<1x1x16xf32> to vector<16xf32>
        %swap3A_998 = vector.shape_cast %max3A_991 : vector<16xf32> to vector<1x1x16xf32>
        tpu.vector_store %arg5[%swap3A_993, %swap3A_994, %swap3A_995], %swap3A_998 {strides = array<i32>} : memref<4x64x256xf32, #tpu.memory_space<vmem>>, vector<1x1x16xf32>,
        %get3A_999 = arith.constant 0 : i32
        %get3A_1000 = arith.index_cast %get3A_999 : i32 to index
        %get3A_1001 = arith.index_cast %scan3A_650 : i32 to index
        %get3A_1002 = arith.constant 128 : index
        %get3A_1003 = tpu.vector_load %arg6[%get3A_1000, %get3A_1001, %get3A_1002] {strides = array<i32>} : memref<4x16x256xf32, #tpu.memory_space<vmem>>, vector<1x1x16xf32>,
        %get3A_1004 = vector.shape_cast %get3A_1003 : vector<1x1x16xf32> to vector<16xf32>
        %get3A_1005 = arith.constant 0 : i32
        %get3A_1006 = arith.index_cast %get3A_1005 : i32 to index
        %get3A_1007 = arith.index_cast %scan3A_650 : i32 to index
        %get3A_1008 = arith.constant 128 : index
        %get3A_1009 = tpu.vector_load %arg5[%get3A_1006, %get3A_1007, %get3A_1008] {strides = array<i32>} : memref<4x64x256xf32, #tpu.memory_space<vmem>>, vector<1x1x16xf32>,
        %get3A_1010 = vector.shape_cast %get3A_1009 : vector<1x1x16xf32> to vector<16xf32>
        %add3A_1011 = arith.constant 16 : i32
        %add3A_1012 = arith.addi %scan3A_650, %add3A_1011 : i32
        %get3A_1013 = arith.constant 0 : i32
        %get3A_1014 = arith.index_cast %get3A_1013 : i32 to index
        %get3A_1015 = arith.index_cast %add3A_1012 : i32 to index
        %get3A_1016 = arith.constant 128 : index
        %get3A_1017 = tpu.vector_load %arg5[%get3A_1014, %get3A_1015, %get3A_1016] {strides = array<i32>} : memref<4x64x256xf32, #tpu.memory_space<vmem>>, vector<1x1x16xf32>,
        %get3A_1018 = vector.shape_cast %get3A_1017 : vector<1x1x16xf32> to vector<16xf32>
        %add3A_1019 = arith.constant 9.99999997E-7 : f32
        %add3A_1020 = vector.broadcast %add3A_1019 : f32 to vector<16xf32>
        %add3A_1021 = arith.addf %get3A_1018, %add3A_1020 : vector<16xf32>
        %add3A_1022 = arith.constant 48 : i32
        %add3A_1023 = arith.addi %scan3A_650, %add3A_1022 : i32
        %get3A_1024 = arith.constant 0 : i32
        %get3A_1025 = arith.index_cast %get3A_1024 : i32 to index
        %get3A_1026 = arith.index_cast %add3A_1023 : i32 to index
        %get3A_1027 = arith.constant 128 : index
        %get3A_1028 = tpu.vector_load %arg5[%get3A_1025, %get3A_1026, %get3A_1027] {strides = array<i32>} : memref<4x64x256xf32, #tpu.memory_space<vmem>>, vector<1x1x16xf32>,
        %get3A_1029 = vector.shape_cast %get3A_1028 : vector<1x1x16xf32> to vector<16xf32>
        %sub3A_1030 = arith.constant 9.99999997E-7 : f32
        %sub3A_1031 = vector.broadcast %sub3A_1030 : f32 to vector<16xf32>
        %sub3A_1032 = arith.subf %get3A_1029, %sub3A_1031 : vector<16xf32>
        %max3A_1033 = arith.maximumf %add3A_1021, %sub3A_1032 : vector<16xf32>
        %sub3A_1034 = arith.subf %max3A_1033, %get3A_1004 : vector<16xf32>
        %max3A_1035 = arith.maximumf %get3A_1010, %sub3A_1034 : vector<16xf32>
        %swap3A_1036 = arith.constant 0 : i32
        %swap3A_1037 = arith.index_cast %swap3A_1036 : i32 to index
        %swap3A_1038 = arith.index_cast %scan3A_650 : i32 to index
        %swap3A_1039 = arith.constant 128 : index
        %swap3A_1040 = tpu.vector_load %arg5[%swap3A_1037, %swap3A_1038, %swap3A_1039] {strides = array<i32>} : memref<4x64x256xf32, #tpu.memory_space<vmem>>, vector<1x1x16xf32>,
        %swap3A_1041 = vector.shape_cast %swap3A_1040 : vector<1x1x16xf32> to vector<16xf32>
        %swap3A_1042 = vector.shape_cast %max3A_1035 : vector<16xf32> to vector<1x1x16xf32>
        tpu.vector_store %arg5[%swap3A_1037, %swap3A_1038, %swap3A_1039], %swap3A_1042 {strides = array<i32>} : memref<4x64x256xf32, #tpu.memory_space<vmem>>, vector<1x1x16xf32>,
        %get3A_1043 = arith.constant 0 : i32
        %get3A_1044 = arith.index_cast %get3A_1043 : i32 to index
        %get3A_1045 = arith.index_cast %scan3A_650 : i32 to index
        %get3A_1046 = arith.constant 144 : index
        %get3A_1047 = tpu.vector_load %arg6[%get3A_1044, %get3A_1045, %get3A_1046] {strides = array<i32>} : memref<4x16x256xf32, #tpu.memory_space<vmem>>, vector<1x1x16xf32>,
        %get3A_1048 = vector.shape_cast %get3A_1047 : vector<1x1x16xf32> to vector<16xf32>
        %get3A_1049 = arith.constant 0 : i32
        %get3A_1050 = arith.index_cast %get3A_1049 : i32 to index
        %get3A_1051 = arith.index_cast %scan3A_650 : i32 to index
        %get3A_1052 = arith.constant 144 : index
        %get3A_1053 = tpu.vector_load %arg5[%get3A_1050, %get3A_1051, %get3A_1052] {strides = array<i32>} : memref<4x64x256xf32, #tpu.memory_space<vmem>>, vector<1x1x16xf32>,
        %get3A_1054 = vector.shape_cast %get3A_1053 : vector<1x1x16xf32> to vector<16xf32>
        %add3A_1055 = arith.constant 16 : i32
        %add3A_1056 = arith.addi %scan3A_650, %add3A_1055 : i32
        %get3A_1057 = arith.constant 0 : i32
        %get3A_1058 = arith.index_cast %get3A_1057 : i32 to index
        %get3A_1059 = arith.index_cast %add3A_1056 : i32 to index
        %get3A_1060 = arith.constant 144 : index
        %get3A_1061 = tpu.vector_load %arg5[%get3A_1058, %get3A_1059, %get3A_1060] {strides = array<i32>} : memref<4x64x256xf32, #tpu.memory_space<vmem>>, vector<1x1x16xf32>,
        %get3A_1062 = vector.shape_cast %get3A_1061 : vector<1x1x16xf32> to vector<16xf32>
        %add3A_1063 = arith.constant 9.99999997E-7 : f32
        %add3A_1064 = vector.broadcast %add3A_1063 : f32 to vector<16xf32>
        %add3A_1065 = arith.addf %get3A_1062, %add3A_1064 : vector<16xf32>
        %add3A_1066 = arith.constant 48 : i32
        %add3A_1067 = arith.addi %scan3A_650, %add3A_1066 : i32
        %get3A_1068 = arith.constant 0 : i32
        %get3A_1069 = arith.index_cast %get3A_1068 : i32 to index
        %get3A_1070 = arith.index_cast %add3A_1067 : i32 to index
        %get3A_1071 = arith.constant 144 : index
        %get3A_1072 = tpu.vector_load %arg5[%get3A_1069, %get3A_1070, %get3A_1071] {strides = array<i32>} : memref<4x64x256xf32, #tpu.memory_space<vmem>>, vector<1x1x16xf32>,
        %get3A_1073 = vector.shape_cast %get3A_1072 : vector<1x1x16xf32> to vector<16xf32>
        %sub3A_1074 = arith.constant 9.99999997E-7 : f32
        %sub3A_1075 = vector.broadcast %sub3A_1074 : f32 to vector<16xf32>
        %sub3A_1076 = arith.subf %get3A_1073, %sub3A_1075 : vector<16xf32>
        %max3A_1077 = arith.maximumf %add3A_1065, %sub3A_1076 : vector<16xf32>
        %sub3A_1078 = arith.subf %max3A_1077, %get3A_1048 : vector<16xf32>
        %max3A_1079 = arith.maximumf %get3A_1054, %sub3A_1078 : vector<16xf32>
        %swap3A_1080 = arith.constant 0 : i32
        %swap3A_1081 = arith.index_cast %swap3A_1080 : i32 to index
        %swap3A_1082 = arith.index_cast %scan3A_650 : i32 to index
        %swap3A_1083 = arith.constant 144 : index
        %swap3A_1084 = tpu.vector_load %arg5[%swap3A_1081, %swap3A_1082, %swap3A_1083] {strides = array<i32>} : memref<4x64x256xf32, #tpu.memory_space<vmem>>, vector<1x1x16xf32>,
        %swap3A_1085 = vector.shape_cast %swap3A_1084 : vector<1x1x16xf32> to vector<16xf32>
        %swap3A_1086 = vector.shape_cast %max3A_1079 : vector<16xf32> to vector<1x1x16xf32>
        tpu.vector_store %arg5[%swap3A_1081, %swap3A_1082, %swap3A_1083], %swap3A_1086 {strides = array<i32>} : memref<4x64x256xf32, #tpu.memory_space<vmem>>, vector<1x1x16xf32>,
        %get3A_1087 = arith.constant 0 : i32
        %get3A_1088 = arith.index_cast %get3A_1087 : i32 to index
        %get3A_1089 = arith.index_cast %scan3A_650 : i32 to index
        %get3A_1090 = arith.constant 160 : index
        %get3A_1091 = tpu.vector_load %arg6[%get3A_1088, %get3A_1089, %get3A_1090] {strides = array<i32>} : memref<4x16x256xf32, #tpu.memory_space<vmem>>, vector<1x1x16xf32>,
        %get3A_1092 = vector.shape_cast %get3A_1091 : vector<1x1x16xf32> to vector<16xf32>
        %get3A_1093 = arith.constant 0 : i32
        %get3A_1094 = arith.index_cast %get3A_1093 : i32 to index
        %get3A_1095 = arith.index_cast %scan3A_650 : i32 to index
        %get3A_1096 = arith.constant 160 : index
        %get3A_1097 = tpu.vector_load %arg5[%get3A_1094, %get3A_1095, %get3A_1096] {strides = array<i32>} : memref<4x64x256xf32, #tpu.memory_space<vmem>>, vector<1x1x16xf32>,
        %get3A_1098 = vector.shape_cast %get3A_1097 : vector<1x1x16xf32> to vector<16xf32>
        %add3A_1099 = arith.constant 16 : i32
        %add3A_1100 = arith.addi %scan3A_650, %add3A_1099 : i32
        %get3A_1101 = arith.constant 0 : i32
        %get3A_1102 = arith.index_cast %get3A_1101 : i32 to index
        %get3A_1103 = arith.index_cast %add3A_1100 : i32 to index
        %get3A_1104 = arith.constant 160 : index
        %get3A_1105 = tpu.vector_load %arg5[%get3A_1102, %get3A_1103, %get3A_1104] {strides = array<i32>} : memref<4x64x256xf32, #tpu.memory_space<vmem>>, vector<1x1x16xf32>,
        %get3A_1106 = vector.shape_cast %get3A_1105 : vector<1x1x16xf32> to vector<16xf32>
        %add3A_1107 = arith.constant 9.99999997E-7 : f32
        %add3A_1108 = vector.broadcast %add3A_1107 : f32 to vector<16xf32>
        %add3A_1109 = arith.addf %get3A_1106, %add3A_1108 : vector<16xf32>
        %add3A_1110 = arith.constant 48 : i32
        %add3A_1111 = arith.addi %scan3A_650, %add3A_1110 : i32
        %get3A_1112 = arith.constant 0 : i32
        %get3A_1113 = arith.index_cast %get3A_1112 : i32 to index
        %get3A_1114 = arith.index_cast %add3A_1111 : i32 to index
        %get3A_1115 = arith.constant 160 : index
        %get3A_1116 = tpu.vector_load %arg5[%get3A_1113, %get3A_1114, %get3A_1115] {strides = array<i32>} : memref<4x64x256xf32, #tpu.memory_space<vmem>>, vector<1x1x16xf32>,
        %get3A_1117 = vector.shape_cast %get3A_1116 : vector<1x1x16xf32> to vector<16xf32>
        %sub3A_1118 = arith.constant 9.99999997E-7 : f32
        %sub3A_1119 = vector.broadcast %sub3A_1118 : f32 to vector<16xf32>
        %sub3A_1120 = arith.subf %get3A_1117, %sub3A_1119 : vector<16xf32>
        %max3A_1121 = arith.maximumf %add3A_1109, %sub3A_1120 : vector<16xf32>
        %sub3A_1122 = arith.subf %max3A_1121, %get3A_1092 : vector<16xf32>
        %max3A_1123 = arith.maximumf %get3A_1098, %sub3A_1122 : vector<16xf32>
        %swap3A_1124 = arith.constant 0 : i32
        %swap3A_1125 = arith.index_cast %swap3A_1124 : i32 to index
        %swap3A_1126 = arith.index_cast %scan3A_650 : i32 to index
        %swap3A_1127 = arith.constant 160 : index
        %swap3A_1128 = tpu.vector_load %arg5[%swap3A_1125, %swap3A_1126, %swap3A_1127] {strides = array<i32>} : memref<4x64x256xf32, #tpu.memory_space<vmem>>, vector<1x1x16xf32>,
        %swap3A_1129 = vector.shape_cast %swap3A_1128 : vector<1x1x16xf32> to vector<16xf32>
        %swap3A_1130 = vector.shape_cast %max3A_1123 : vector<16xf32> to vector<1x1x16xf32>
        tpu.vector_store %arg5[%swap3A_1125, %swap3A_1126, %swap3A_1127], %swap3A_1130 {strides = array<i32>} : memref<4x64x256xf32, #tpu.memory_space<vmem>>, vector<1x1x16xf32>,
        %get3A_1131 = arith.constant 0 : i32
        %get3A_1132 = arith.index_cast %get3A_1131 : i32 to index
        %get3A_1133 = arith.index_cast %scan3A_650 : i32 to index
        %get3A_1134 = arith.constant 176 : index
        %get3A_1135 = tpu.vector_load %arg6[%get3A_1132, %get3A_1133, %get3A_1134] {strides = array<i32>} : memref<4x16x256xf32, #tpu.memory_space<vmem>>, vector<1x1x16xf32>,
        %get3A_1136 = vector.shape_cast %get3A_1135 : vector<1x1x16xf32> to vector<16xf32>
        %get3A_1137 = arith.constant 0 : i32
        %get3A_1138 = arith.index_cast %get3A_1137 : i32 to index
        %get3A_1139 = arith.index_cast %scan3A_650 : i32 to index
        %get3A_1140 = arith.constant 176 : index
        %get3A_1141 = tpu.vector_load %arg5[%get3A_1138, %get3A_1139, %get3A_1140] {strides = array<i32>} : memref<4x64x256xf32, #tpu.memory_space<vmem>>, vector<1x1x16xf32>,
        %get3A_1142 = vector.shape_cast %get3A_1141 : vector<1x1x16xf32> to vector<16xf32>
        %add3A_1143 = arith.constant 16 : i32
        %add3A_1144 = arith.addi %scan3A_650, %add3A_1143 : i32
        %get3A_1145 = arith.constant 0 : i32
        %get3A_1146 = arith.index_cast %get3A_1145 : i32 to index
        %get3A_1147 = arith.index_cast %add3A_1144 : i32 to index
        %get3A_1148 = arith.constant 176 : index
        %get3A_1149 = tpu.vector_load %arg5[%get3A_1146, %get3A_1147, %get3A_1148] {strides = array<i32>} : memref<4x64x256xf32, #tpu.memory_space<vmem>>, vector<1x1x16xf32>,
        %get3A_1150 = vector.shape_cast %get3A_1149 : vector<1x1x16xf32> to vector<16xf32>
        %add3A_1151 = arith.constant 9.99999997E-7 : f32
        %add3A_1152 = vector.broadcast %add3A_1151 : f32 to vector<16xf32>
        %add3A_1153 = arith.addf %get3A_1150, %add3A_1152 : vector<16xf32>
        %add3A_1154 = arith.constant 48 : i32
        %add3A_1155 = arith.addi %scan3A_650, %add3A_1154 : i32
        %get3A_1156 = arith.constant 0 : i32
        %get3A_1157 = arith.index_cast %get3A_1156 : i32 to index
        %get3A_1158 = arith.index_cast %add3A_1155 : i32 to index
        %get3A_1159 = arith.constant 176 : index
        %get3A_1160 = tpu.vector_load %arg5[%get3A_1157, %get3A_1158, %get3A_1159] {strides = array<i32>} : memref<4x64x256xf32, #tpu.memory_space<vmem>>, vector<1x1x16xf32>,
        %get3A_1161 = vector.shape_cast %get3A_1160 : vector<1x1x16xf32> to vector<16xf32>
        %sub3A_1162 = arith.constant 9.99999997E-7 : f32
        %sub3A_1163 = vector.broadcast %sub3A_1162 : f32 to vector<16xf32>
        %sub3A_1164 = arith.subf %get3A_1161, %sub3A_1163 : vector<16xf32>
        %max3A_1165 = arith.maximumf %add3A_1153, %sub3A_1164 : vector<16xf32>
        %sub3A_1166 = arith.subf %max3A_1165, %get3A_1136 : vector<16xf32>
        %max3A_1167 = arith.maximumf %get3A_1142, %sub3A_1166 : vector<16xf32>
        %swap3A_1168 = arith.constant 0 : i32
        %swap3A_1169 = arith.index_cast %swap3A_1168 : i32 to index
        %swap3A_1170 = arith.index_cast %scan3A_650 : i32 to index
        %swap3A_1171 = arith.constant 176 : index
        %swap3A_1172 = tpu.vector_load %arg5[%swap3A_1169, %swap3A_1170, %swap3A_1171] {strides = array<i32>} : memref<4x64x256xf32, #tpu.memory_space<vmem>>, vector<1x1x16xf32>,
        %swap3A_1173 = vector.shape_cast %swap3A_1172 : vector<1x1x16xf32> to vector<16xf32>
        %swap3A_1174 = vector.shape_cast %max3A_1167 : vector<16xf32> to vector<1x1x16xf32>
        tpu.vector_store %arg5[%swap3A_1169, %swap3A_1170, %swap3A_1171], %swap3A_1174 {strides = array<i32>} : memref<4x64x256xf32, #tpu.memory_space<vmem>>, vector<1x1x16xf32>,
        %get3A_1175 = arith.constant 0 : i32
        %get3A_1176 = arith.index_cast %get3A_1175 : i32 to index
        %get3A_1177 = arith.index_cast %scan3A_650 : i32 to index
        %get3A_1178 = arith.constant 192 : index
        %get3A_1179 = tpu.vector_load %arg6[%get3A_1176, %get3A_1177, %get3A_1178] {strides = array<i32>} : memref<4x16x256xf32, #tpu.memory_space<vmem>>, vector<1x1x16xf32>,
        %get3A_1180 = vector.shape_cast %get3A_1179 : vector<1x1x16xf32> to vector<16xf32>
        %get3A_1181 = arith.constant 0 : i32
        %get3A_1182 = arith.index_cast %get3A_1181 : i32 to index
        %get3A_1183 = arith.index_cast %scan3A_650 : i32 to index
        %get3A_1184 = arith.constant 192 : index
        %get3A_1185 = tpu.vector_load %arg5[%get3A_1182, %get3A_1183, %get3A_1184] {strides = array<i32>} : memref<4x64x256xf32, #tpu.memory_space<vmem>>, vector<1x1x16xf32>,
        %get3A_1186 = vector.shape_cast %get3A_1185 : vector<1x1x16xf32> to vector<16xf32>
        %add3A_1187 = arith.constant 16 : i32
        %add3A_1188 = arith.addi %scan3A_650, %add3A_1187 : i32
        %get3A_1189 = arith.constant 0 : i32
        %get3A_1190 = arith.index_cast %get3A_1189 : i32 to index
        %get3A_1191 = arith.index_cast %add3A_1188 : i32 to index
        %get3A_1192 = arith.constant 192 : index
        %get3A_1193 = tpu.vector_load %arg5[%get3A_1190, %get3A_1191, %get3A_1192] {strides = array<i32>} : memref<4x64x256xf32, #tpu.memory_space<vmem>>, vector<1x1x16xf32>,
        %get3A_1194 = vector.shape_cast %get3A_1193 : vector<1x1x16xf32> to vector<16xf32>
        %add3A_1195 = arith.constant 9.99999997E-7 : f32
        %add3A_1196 = vector.broadcast %add3A_1195 : f32 to vector<16xf32>
        %add3A_1197 = arith.addf %get3A_1194, %add3A_1196 : vector<16xf32>
        %add3A_1198 = arith.constant 48 : i32
        %add3A_1199 = arith.addi %scan3A_650, %add3A_1198 : i32
        %get3A_1200 = arith.constant 0 : i32
        %get3A_1201 = arith.index_cast %get3A_1200 : i32 to index
        %get3A_1202 = arith.index_cast %add3A_1199 : i32 to index
        %get3A_1203 = arith.constant 192 : index
        %get3A_1204 = tpu.vector_load %arg5[%get3A_1201, %get3A_1202, %get3A_1203] {strides = array<i32>} : memref<4x64x256xf32, #tpu.memory_space<vmem>>, vector<1x1x16xf32>,
        %get3A_1205 = vector.shape_cast %get3A_1204 : vector<1x1x16xf32> to vector<16xf32>
        %sub3A_1206 = arith.constant 9.99999997E-7 : f32
        %sub3A_1207 = vector.broadcast %sub3A_1206 : f32 to vector<16xf32>
        %sub3A_1208 = arith.subf %get3A_1205, %sub3A_1207 : vector<16xf32>
        %max3A_1209 = arith.maximumf %add3A_1197, %sub3A_1208 : vector<16xf32>
        %sub3A_1210 = arith.subf %max3A_1209, %get3A_1180 : vector<16xf32>
        %max3A_1211 = arith.maximumf %get3A_1186, %sub3A_1210 : vector<16xf32>
        %swap3A_1212 = arith.constant 0 : i32
        %swap3A_1213 = arith.index_cast %swap3A_1212 : i32 to index
        %swap3A_1214 = arith.index_cast %scan3A_650 : i32 to index
        %swap3A_1215 = arith.constant 192 : index
        %swap3A_1216 = tpu.vector_load %arg5[%swap3A_1213, %swap3A_1214, %swap3A_1215] {strides = array<i32>} : memref<4x64x256xf32, #tpu.memory_space<vmem>>, vector<1x1x16xf32>,
        %swap3A_1217 = vector.shape_cast %swap3A_1216 : vector<1x1x16xf32> to vector<16xf32>
        %swap3A_1218 = vector.shape_cast %max3A_1211 : vector<16xf32> to vector<1x1x16xf32>
        tpu.vector_store %arg5[%swap3A_1213, %swap3A_1214, %swap3A_1215], %swap3A_1218 {strides = array<i32>} : memref<4x64x256xf32, #tpu.memory_space<vmem>>, vector<1x1x16xf32>,
        %get3A_1219 = arith.constant 0 : i32
        %get3A_1220 = arith.index_cast %get3A_1219 : i32 to index
        %get3A_1221 = arith.index_cast %scan3A_650 : i32 to index
        %get3A_1222 = arith.constant 208 : index
        %get3A_1223 = tpu.vector_load %arg6[%get3A_1220, %get3A_1221, %get3A_1222] {strides = array<i32>} : memref<4x16x256xf32, #tpu.memory_space<vmem>>, vector<1x1x16xf32>,
        %get3A_1224 = vector.shape_cast %get3A_1223 : vector<1x1x16xf32> to vector<16xf32>
        %get3A_1225 = arith.constant 0 : i32
        %get3A_1226 = arith.index_cast %get3A_1225 : i32 to index
        %get3A_1227 = arith.index_cast %scan3A_650 : i32 to index
        %get3A_1228 = arith.constant 208 : index
        %get3A_1229 = tpu.vector_load %arg5[%get3A_1226, %get3A_1227, %get3A_1228] {strides = array<i32>} : memref<4x64x256xf32, #tpu.memory_space<vmem>>, vector<1x1x16xf32>,
        %get3A_1230 = vector.shape_cast %get3A_1229 : vector<1x1x16xf32> to vector<16xf32>
        %add3A_1231 = arith.constant 16 : i32
        %add3A_1232 = arith.addi %scan3A_650, %add3A_1231 : i32
        %get3A_1233 = arith.constant 0 : i32
        %get3A_1234 = arith.index_cast %get3A_1233 : i32 to index
        %get3A_1235 = arith.index_cast %add3A_1232 : i32 to index
        %get3A_1236 = arith.constant 208 : index
        %get3A_1237 = tpu.vector_load %arg5[%get3A_1234, %get3A_1235, %get3A_1236] {strides = array<i32>} : memref<4x64x256xf32, #tpu.memory_space<vmem>>, vector<1x1x16xf32>,
        %get3A_1238 = vector.shape_cast %get3A_1237 : vector<1x1x16xf32> to vector<16xf32>
        %add3A_1239 = arith.constant 9.99999997E-7 : f32
        %add3A_1240 = vector.broadcast %add3A_1239 : f32 to vector<16xf32>
        %add3A_1241 = arith.addf %get3A_1238, %add3A_1240 : vector<16xf32>
        %add3A_1242 = arith.constant 48 : i32
        %add3A_1243 = arith.addi %scan3A_650, %add3A_1242 : i32
        %get3A_1244 = arith.constant 0 : i32
        %get3A_1245 = arith.index_cast %get3A_1244 : i32 to index
        %get3A_1246 = arith.index_cast %add3A_1243 : i32 to index
        %get3A_1247 = arith.constant 208 : index
        %get3A_1248 = tpu.vector_load %arg5[%get3A_1245, %get3A_1246, %get3A_1247] {strides = array<i32>} : memref<4x64x256xf32, #tpu.memory_space<vmem>>, vector<1x1x16xf32>,
        %get3A_1249 = vector.shape_cast %get3A_1248 : vector<1x1x16xf32> to vector<16xf32>
        %sub3A_1250 = arith.constant 9.99999997E-7 : f32
        %sub3A_1251 = vector.broadcast %sub3A_1250 : f32 to vector<16xf32>
        %sub3A_1252 = arith.subf %get3A_1249, %sub3A_1251 : vector<16xf32>
        %max3A_1253 = arith.maximumf %add3A_1241, %sub3A_1252 : vector<16xf32>
        %sub3A_1254 = arith.subf %max3A_1253, %get3A_1224 : vector<16xf32>
        %max3A_1255 = arith.maximumf %get3A_1230, %sub3A_1254 : vector<16xf32>
        %swap3A_1256 = arith.constant 0 : i32
        %swap3A_1257 = arith.index_cast %swap3A_1256 : i32 to index
        %swap3A_1258 = arith.index_cast %scan3A_650 : i32 to index
        %swap3A_1259 = arith.constant 208 : index
        %swap3A_1260 = tpu.vector_load %arg5[%swap3A_1257, %swap3A_1258, %swap3A_1259] {strides = array<i32>} : memref<4x64x256xf32, #tpu.memory_space<vmem>>, vector<1x1x16xf32>,
        %swap3A_1261 = vector.shape_cast %swap3A_1260 : vector<1x1x16xf32> to vector<16xf32>
        %swap3A_1262 = vector.shape_cast %max3A_1255 : vector<16xf32> to vector<1x1x16xf32>
        tpu.vector_store %arg5[%swap3A_1257, %swap3A_1258, %swap3A_1259], %swap3A_1262 {strides = array<i32>} : memref<4x64x256xf32, #tpu.memory_space<vmem>>, vector<1x1x16xf32>,
        %get3A_1263 = arith.constant 0 : i32
        %get3A_1264 = arith.index_cast %get3A_1263 : i32 to index
        %get3A_1265 = arith.index_cast %scan3A_650 : i32 to index
        %get3A_1266 = arith.constant 224 : index
        %get3A_1267 = tpu.vector_load %arg6[%get3A_1264, %get3A_1265, %get3A_1266] {strides = array<i32>} : memref<4x16x256xf32, #tpu.memory_space<vmem>>, vector<1x1x16xf32>,
        %get3A_1268 = vector.shape_cast %get3A_1267 : vector<1x1x16xf32> to vector<16xf32>
        %get3A_1269 = arith.constant 0 : i32
        %get3A_1270 = arith.index_cast %get3A_1269 : i32 to index
        %get3A_1271 = arith.index_cast %scan3A_650 : i32 to index
        %get3A_1272 = arith.constant 224 : index
        %get3A_1273 = tpu.vector_load %arg5[%get3A_1270, %get3A_1271, %get3A_1272] {strides = array<i32>} : memref<4x64x256xf32, #tpu.memory_space<vmem>>, vector<1x1x16xf32>,
        %get3A_1274 = vector.shape_cast %get3A_1273 : vector<1x1x16xf32> to vector<16xf32>
        %add3A_1275 = arith.constant 16 : i32
        %add3A_1276 = arith.addi %scan3A_650, %add3A_1275 : i32
        %get3A_1277 = arith.constant 0 : i32
        %get3A_1278 = arith.index_cast %get3A_1277 : i32 to index
        %get3A_1279 = arith.index_cast %add3A_1276 : i32 to index
        %get3A_1280 = arith.constant 224 : index
        %get3A_1281 = tpu.vector_load %arg5[%get3A_1278, %get3A_1279, %get3A_1280] {strides = array<i32>} : memref<4x64x256xf32, #tpu.memory_space<vmem>>, vector<1x1x16xf32>,
        %get3A_1282 = vector.shape_cast %get3A_1281 : vector<1x1x16xf32> to vector<16xf32>
        %add3A_1283 = arith.constant 9.99999997E-7 : f32
        %add3A_1284 = vector.broadcast %add3A_1283 : f32 to vector<16xf32>
        %add3A_1285 = arith.addf %get3A_1282, %add3A_1284 : vector<16xf32>
        %add3A_1286 = arith.constant 48 : i32
        %add3A_1287 = arith.addi %scan3A_650, %add3A_1286 : i32
        %get3A_1288 = arith.constant 0 : i32
        %get3A_1289 = arith.index_cast %get3A_1288 : i32 to index
        %get3A_1290 = arith.index_cast %add3A_1287 : i32 to index
        %get3A_1291 = arith.constant 224 : index
        %get3A_1292 = tpu.vector_load %arg5[%get3A_1289, %get3A_1290, %get3A_1291] {strides = array<i32>} : memref<4x64x256xf32, #tpu.memory_space<vmem>>, vector<1x1x16xf32>,
        %get3A_1293 = vector.shape_cast %get3A_1292 : vector<1x1x16xf32> to vector<16xf32>
        %sub3A_1294 = arith.constant 9.99999997E-7 : f32
        %sub3A_1295 = vector.broadcast %sub3A_1294 : f32 to vector<16xf32>
        %sub3A_1296 = arith.subf %get3A_1293, %sub3A_1295 : vector<16xf32>
        %max3A_1297 = arith.maximumf %add3A_1285, %sub3A_1296 : vector<16xf32>
        %sub3A_1298 = arith.subf %max3A_1297, %get3A_1268 : vector<16xf32>
        %max3A_1299 = arith.maximumf %get3A_1274, %sub3A_1298 : vector<16xf32>
        %swap3A_1300 = arith.constant 0 : i32
        %swap3A_1301 = arith.index_cast %swap3A_1300 : i32 to index
        %swap3A_1302 = arith.index_cast %scan3A_650 : i32 to index
        %swap3A_1303 = arith.constant 224 : index
        %swap3A_1304 = tpu.vector_load %arg5[%swap3A_1301, %swap3A_1302, %swap3A_1303] {strides = array<i32>} : memref<4x64x256xf32, #tpu.memory_space<vmem>>, vector<1x1x16xf32>,
        %swap3A_1305 = vector.shape_cast %swap3A_1304 : vector<1x1x16xf32> to vector<16xf32>
        %swap3A_1306 = vector.shape_cast %max3A_1299 : vector<16xf32> to vector<1x1x16xf32>
        tpu.vector_store %arg5[%swap3A_1301, %swap3A_1302, %swap3A_1303], %swap3A_1306 {strides = array<i32>} : memref<4x64x256xf32, #tpu.memory_space<vmem>>, vector<1x1x16xf32>,
        %get3A_1307 = arith.constant 0 : i32
        %get3A_1308 = arith.index_cast %get3A_1307 : i32 to index
        %get3A_1309 = arith.index_cast %scan3A_650 : i32 to index
        %get3A_1310 = arith.constant 240 : index
        %get3A_1311 = tpu.vector_load %arg6[%get3A_1308, %get3A_1309, %get3A_1310] {strides = array<i32>} : memref<4x16x256xf32, #tpu.memory_space<vmem>>, vector<1x1x16xf32>,
        %get3A_1312 = vector.shape_cast %get3A_1311 : vector<1x1x16xf32> to vector<16xf32>
        %get3A_1313 = arith.constant 0 : i32
        %get3A_1314 = arith.index_cast %get3A_1313 : i32 to index
        %get3A_1315 = arith.index_cast %scan3A_650 : i32 to index
        %get3A_1316 = arith.constant 240 : index
        %get3A_1317 = tpu.vector_load %arg5[%get3A_1314, %get3A_1315, %get3A_1316] {strides = array<i32>} : memref<4x64x256xf32, #tpu.memory_space<vmem>>, vector<1x1x16xf32>,
        %get3A_1318 = vector.shape_cast %get3A_1317 : vector<1x1x16xf32> to vector<16xf32>
        %add3A_1319 = arith.constant 16 : i32
        %add3A_1320 = arith.addi %scan3A_650, %add3A_1319 : i32
        %get3A_1321 = arith.constant 0 : i32
        %get3A_1322 = arith.index_cast %get3A_1321 : i32 to index
        %get3A_1323 = arith.index_cast %add3A_1320 : i32 to index
        %get3A_1324 = arith.constant 240 : index
        %get3A_1325 = tpu.vector_load %arg5[%get3A_1322, %get3A_1323, %get3A_1324] {strides = array<i32>} : memref<4x64x256xf32, #tpu.memory_space<vmem>>, vector<1x1x16xf32>,
        %get3A_1326 = vector.shape_cast %get3A_1325 : vector<1x1x16xf32> to vector<16xf32>
        %add3A_1327 = arith.constant 9.99999997E-7 : f32
        %add3A_1328 = vector.broadcast %add3A_1327 : f32 to vector<16xf32>
        %add3A_1329 = arith.addf %get3A_1326, %add3A_1328 : vector<16xf32>
        %add3A_1330 = arith.constant 48 : i32
        %add3A_1331 = arith.addi %scan3A_650, %add3A_1330 : i32
        %get3A_1332 = arith.constant 0 : i32
        %get3A_1333 = arith.index_cast %get3A_1332 : i32 to index
        %get3A_1334 = arith.index_cast %add3A_1331 : i32 to index
        %get3A_1335 = arith.constant 240 : index
        %get3A_1336 = tpu.vector_load %arg5[%get3A_1333, %get3A_1334, %get3A_1335] {strides = array<i32>} : memref<4x64x256xf32, #tpu.memory_space<vmem>>, vector<1x1x16xf32>,
        %get3A_1337 = vector.shape_cast %get3A_1336 : vector<1x1x16xf32> to vector<16xf32>
        %sub3A_1338 = arith.constant 9.99999997E-7 : f32
        %sub3A_1339 = vector.broadcast %sub3A_1338 : f32 to vector<16xf32>
        %sub3A_1340 = arith.subf %get3A_1337, %sub3A_1339 : vector<16xf32>
        %max3A_1341 = arith.maximumf %add3A_1329, %sub3A_1340 : vector<16xf32>
        %sub3A_1342 = arith.subf %max3A_1341, %get3A_1312 : vector<16xf32>
        %max3A_1343 = arith.maximumf %get3A_1318, %sub3A_1342 : vector<16xf32>
        %swap3A_1344 = arith.constant 0 : i32
        %swap3A_1345 = arith.index_cast %swap3A_1344 : i32 to index
        %swap3A_1346 = arith.index_cast %scan3A_650 : i32 to index
        %swap3A_1347 = arith.constant 240 : index
        %swap3A_1348 = tpu.vector_load %arg5[%swap3A_1345, %swap3A_1346, %swap3A_1347] {strides = array<i32>} : memref<4x64x256xf32, #tpu.memory_space<vmem>>, vector<1x1x16xf32>,
        %swap3A_1349 = vector.shape_cast %swap3A_1348 : vector<1x1x16xf32> to vector<16xf32>
        %swap3A_1350 = vector.shape_cast %max3A_1343 : vector<16xf32> to vector<1x1x16xf32>
        tpu.vector_store %arg5[%swap3A_1345, %swap3A_1346, %swap3A_1347], %swap3A_1350 {strides = array<i32>} : memref<4x64x256xf32, #tpu.memory_space<vmem>>, vector<1x1x16xf32>,
      }
      %scan3A_364 = arith.constant 16 : i32
      %add3A_365 = arith.constant 0 : i32
      %add3A_366 = arith.addi %add3A_297, %add3A_365 : i32
      %dma_start3A_367 = arith.constant 0 : i32
      %dma_start3A_368 = arith.constant 0 : i32
      %dma_start3A_369 = arith.constant 0 : i32
      %dma_start3A_370 = tpu.memref_slice %arg5[%dma_start3A_367, %dma_start3A_368, %dma_start3A_369] : memref<4x64x256xf32, #tpu.memory_space<vmem>> -> memref<1x16x256xf32, #tpu.memory_space<vmem>>
      %dma_start3A_371 = tpu.memref_squeeze %dma_start3A_370 : memref<1x16x256xf32, #tpu.memory_space<vmem>> -> memref<16x256xf32, #tpu.memory_space<vmem>>
      %dma_start3A_372 = arith.constant 0 : i32
      %dma_start3A_373 = arith.constant 0 : i32
      %dma_start3A_374 = tpu.memref_slice %arg4[%add3A_366, %dma_start3A_372, %dma_start3A_373] : memref<1024x64x256xf32, #tpu.memory_space<hbm>> -> memref<1x16x256xf32, #tpu.memory_space<hbm>>
      %dma_start3A_375 = tpu.memref_squeeze %dma_start3A_374 : memref<1x16x256xf32, #tpu.memory_space<hbm>> -> memref<16x256xf32, #tpu.memory_space<hbm>>
      %dma_start3A_376 = arith.constant 0 : i32
      %dma_start3A_377 = arith.constant 0 : i32
      %dma_start3A_378 = tpu.memref_slice %arg4[%add3A_366, %dma_start3A_376, %dma_start3A_377] : memref<1024x64x256xf32, #tpu.memory_space<hbm>> -> memref<1x16x256xf32, #tpu.memory_space<hbm>>
      %dma_start3A_379 = tpu.memref_squeeze %dma_start3A_378 : memref<1x16x256xf32, #tpu.memory_space<hbm>> -> memref<16x256xf32, #tpu.memory_space<hbm>>
      %dma_start3A_380 = arith.constant 0 : i32
      %dma_start3A_381 = arith.constant 0 : i32
      %dma_start3A_382 = tpu.memref_slice %arg5[%dma_start3A_367, %dma_start3A_380, %dma_start3A_381] : memref<4x64x256xf32, #tpu.memory_space<vmem>> -> memref<1x16x256xf32, #tpu.memory_space<vmem>>
      %dma_start3A_383 = tpu.memref_squeeze %dma_start3A_382 : memref<1x16x256xf32, #tpu.memory_space<vmem>> -> memref<16x256xf32, #tpu.memory_space<vmem>>
      tpu.enqueue_dma source(%dma_start3A_383 : memref<16x256xf32, #tpu.memory_space<vmem>>) target(%dma_start3A_379 : memref<16x256xf32, #tpu.memory_space<hbm>>) target_semaphore(%arg11 : memref<!tpu.dma_semaphore, #tpu.memory_space<semaphore_mem>>)
      %dma_wait3A_384 = arith.constant 0 : i32
      %dma_wait3A_385 = arith.constant 1 : i32
      %dma_wait3A_386 = arith.constant 0 : i32
      %dma_wait3A_387 = arith.constant 0 : i32
      %dma_wait3A_388 = tpu.memref_slice %arg5[%dma_wait3A_385, %dma_wait3A_386, %dma_wait3A_387] : memref<4x64x256xf32, #tpu.memory_space<vmem>> -> memref<1x64x256xf32, #tpu.memory_space<vmem>>
      %dma_wait3A_389 = tpu.memref_squeeze %dma_wait3A_388 : memref<1x64x256xf32, #tpu.memory_space<vmem>> -> memref<64x256xf32, #tpu.memory_space<vmem>>
      %dma_wait3A_390 = arith.constant 0 : i32
      %dma_wait3A_391 = arith.constant 0 : i32
      %dma_wait3A_392 = tpu.memref_slice %arg2[%dma_wait3A_384, %dma_wait3A_390, %dma_wait3A_391] : memref<1024x64x256xf32, #tpu.memory_space<hbm>> -> memref<1x64x256xf32, #tpu.memory_space<hbm>>
      %dma_wait3A_393 = tpu.memref_squeeze %dma_wait3A_392 : memref<1x64x256xf32, #tpu.memory_space<hbm>> -> memref<64x256xf32, #tpu.memory_space<hbm>>
      %dma_wait3A_394 = arith.constant 0 : i32
      %dma_wait3A_395 = arith.constant 0 : i32
      %dma_wait3A_396 = tpu.memref_slice %arg5[%dma_wait3A_385, %dma_wait3A_394, %dma_wait3A_395] : memref<4x64x256xf32, #tpu.memory_space<vmem>> -> memref<1x64x256xf32, #tpu.memory_space<vmem>>
      %dma_wait3A_397 = tpu.memref_squeeze %dma_wait3A_396 : memref<1x64x256xf32, #tpu.memory_space<vmem>> -> memref<64x256xf32, #tpu.memory_space<vmem>>
      %dma_wait3A_398 = arith.constant 0 : i32
      %dma_wait3A_399 = arith.constant 0 : i32
      %dma_wait3A_400 = tpu.memref_slice %arg2[%dma_wait3A_384, %dma_wait3A_398, %dma_wait3A_399] : memref<1024x64x256xf32, #tpu.memory_space<hbm>> -> memref<1x64x256xf32, #tpu.memory_space<hbm>>
      %dma_wait3A_401 = tpu.memref_squeeze %dma_wait3A_400 : memref<1x64x256xf32, #tpu.memory_space<hbm>> -> memref<64x256xf32, #tpu.memory_space<hbm>>
      tpu.wait_dma2 semaphore(%arg8 : memref<!tpu.dma_semaphore, #tpu.memory_space<semaphore_mem>>) src(%dma_wait3A_401 : memref<64x256xf32, #tpu.memory_space<hbm>>) dst(%dma_wait3A_397 : memref<64x256xf32, #tpu.memory_space<vmem>>)
      %add3A_402 = arith.constant 1 : i32
      %add3A_403 = arith.addi %add3A_297, %add3A_402 : i32
      %dma_start3A_404 = arith.constant 1 : i32
      %dma_start3A_405 = arith.constant 16 : i32
      %dma_start3A_406 = arith.constant 0 : i32
      %dma_start3A_407 = tpu.memref_slice %arg5[%dma_start3A_404, %dma_start3A_405, %dma_start3A_406] : memref<4x64x256xf32, #tpu.memory_space<vmem>> -> memref<1x48x256xf32, #tpu.memory_space<vmem>>
      %dma_start3A_408 = tpu.memref_squeeze %dma_start3A_407 : memref<1x48x256xf32, #tpu.memory_space<vmem>> -> memref<48x256xf32, #tpu.memory_space<vmem>>
      %dma_start3A_409 = arith.constant 16 : i32
      %dma_start3A_410 = arith.constant 0 : i32
      %dma_start3A_411 = tpu.memref_slice %arg4[%add3A_403, %dma_start3A_409, %dma_start3A_410] : memref<1024x64x256xf32, #tpu.memory_space<hbm>> -> memref<1x48x256xf32, #tpu.memory_space<hbm>>
      %dma_start3A_412 = tpu.memref_squeeze %dma_start3A_411 : memref<1x48x256xf32, #tpu.memory_space<hbm>> -> memref<48x256xf32, #tpu.memory_space<hbm>>
      %dma_start3A_413 = arith.constant 16 : i32
      %dma_start3A_414 = arith.constant 0 : i32
      %dma_start3A_415 = tpu.memref_slice %arg4[%add3A_403, %dma_start3A_413, %dma_start3A_414] : memref<1024x64x256xf32, #tpu.memory_space<hbm>> -> memref<1x48x256xf32, #tpu.memory_space<hbm>>
      %dma_start3A_416 = tpu.memref_squeeze %dma_start3A_415 : memref<1x48x256xf32, #tpu.memory_space<hbm>> -> memref<48x256xf32, #tpu.memory_space<hbm>>
      %dma_start3A_417 = arith.constant 16 : i32
      %dma_start3A_418 = arith.constant 0 : i32
      %dma_start3A_419 = tpu.memref_slice %arg5[%dma_start3A_404, %dma_start3A_417, %dma_start3A_418] : memref<4x64x256xf32, #tpu.memory_space<vmem>> -> memref<1x48x256xf32, #tpu.memory_space<vmem>>
      %dma_start3A_420 = tpu.memref_squeeze %dma_start3A_419 : memref<1x48x256xf32, #tpu.memory_space<vmem>> -> memref<48x256xf32, #tpu.memory_space<vmem>>
      tpu.enqueue_dma source(%dma_start3A_420 : memref<48x256xf32, #tpu.memory_space<vmem>>) target(%dma_start3A_416 : memref<48x256xf32, #tpu.memory_space<hbm>>) target_semaphore(%arg12 : memref<!tpu.dma_semaphore, #tpu.memory_space<semaphore_mem>>)
      %ge3A_421 = arith.constant 1 : i32
      %ge3A_422 = arith.cmpi sge, %scan3A_294, %ge3A_421 : i32
      %add3A_423 = arith.constant 1 : i32
      %add3A_424 = arith.addi %add3A_297, %add3A_423 : i32
      %add3A_425 = arith.constant 2 : i32
      %add3A_426 = arith.addi %add3A_424, %add3A_425 : i32
      %convert_element_type3A_427 = arith.extui %ge3A_422 : i1 to i32
      %cond3A_428 = arith.constant 0 : i32
      %cond3A_429 = arith.cmpi ne, %convert_element_type3A_427, %cond3A_428 : i32
      scf.if %cond3A_429 {
        %dma_wait3A_650 = arith.constant 3 : i32
        %dma_wait3A_651 = arith.constant 0 : i32
        %dma_wait3A_652 = arith.constant 16 : i32
        %dma_wait3A_653 = arith.constant 0 : i32
        %dma_wait3A_654 = tpu.memref_slice %arg5[%dma_wait3A_650, %dma_wait3A_652, %dma_wait3A_653] : memref<4x64x256xf32, #tpu.memory_space<vmem>> -> memref<1x48x256xf32, #tpu.memory_space<vmem>>
        %dma_wait3A_655 = tpu.memref_squeeze %dma_wait3A_654 : memref<1x48x256xf32, #tpu.memory_space<vmem>> -> memref<48x256xf32, #tpu.memory_space<vmem>>
        %dma_wait3A_656 = arith.constant 16 : i32
        %dma_wait3A_657 = arith.constant 0 : i32
        %dma_wait3A_658 = tpu.memref_slice %arg4[%dma_wait3A_651, %dma_wait3A_656, %dma_wait3A_657] : memref<1024x64x256xf32, #tpu.memory_space<hbm>> -> memref<1x48x256xf32, #tpu.memory_space<hbm>>
        %dma_wait3A_659 = tpu.memref_squeeze %dma_wait3A_658 : memref<1x48x256xf32, #tpu.memory_space<hbm>> -> memref<48x256xf32, #tpu.memory_space<hbm>>
        %dma_wait3A_660 = arith.constant 16 : i32
        %dma_wait3A_661 = arith.constant 0 : i32
        %dma_wait3A_662 = tpu.memref_slice %arg4[%dma_wait3A_651, %dma_wait3A_660, %dma_wait3A_661] : memref<1024x64x256xf32, #tpu.memory_space<hbm>> -> memref<1x48x256xf32, #tpu.memory_space<hbm>>
        %dma_wait3A_663 = tpu.memref_squeeze %dma_wait3A_662 : memref<1x48x256xf32, #tpu.memory_space<hbm>> -> memref<48x256xf32, #tpu.memory_space<hbm>>
        %dma_wait3A_664 = arith.constant 16 : i32
        %dma_wait3A_665 = arith.constant 0 : i32
        %dma_wait3A_666 = tpu.memref_slice %arg5[%dma_wait3A_650, %dma_wait3A_664, %dma_wait3A_665] : memref<4x64x256xf32, #tpu.memory_space<vmem>> -> memref<1x48x256xf32, #tpu.memory_space<vmem>>
        %dma_wait3A_667 = tpu.memref_squeeze %dma_wait3A_666 : memref<1x48x256xf32, #tpu.memory_space<vmem>> -> memref<48x256xf32, #tpu.memory_space<vmem>>
        tpu.wait_dma2 semaphore(%arg14 : memref<!tpu.dma_semaphore, #tpu.memory_space<semaphore_mem>>) src(%dma_wait3A_667 : memref<48x256xf32, #tpu.memory_space<vmem>>) dst(%dma_wait3A_663 : memref<48x256xf32, #tpu.memory_space<hbm>>)
        %dma_wait3A_668 = arith.constant 3 : i32
        %dma_wait3A_669 = arith.constant 0 : i32
        %dma_wait3A_670 = arith.constant 0 : i32
        %dma_wait3A_671 = arith.constant 0 : i32
        %dma_wait3A_672 = tpu.memref_slice %arg5[%dma_wait3A_668, %dma_wait3A_670, %dma_wait3A_671] : memref<4x64x256xf32, #tpu.memory_space<vmem>> -> memref<1x16x256xf32, #tpu.memory_space<vmem>>
        %dma_wait3A_673 = tpu.memref_squeeze %dma_wait3A_672 : memref<1x16x256xf32, #tpu.memory_space<vmem>> -> memref<16x256xf32, #tpu.memory_space<vmem>>
        %dma_wait3A_674 = arith.constant 0 : i32
        %dma_wait3A_675 = arith.constant 0 : i32
        %dma_wait3A_676 = tpu.memref_slice %arg4[%dma_wait3A_669, %dma_wait3A_674, %dma_wait3A_675] : memref<1024x64x256xf32, #tpu.memory_space<hbm>> -> memref<1x16x256xf32, #tpu.memory_space<hbm>>
        %dma_wait3A_677 = tpu.memref_squeeze %dma_wait3A_676 : memref<1x16x256xf32, #tpu.memory_space<hbm>> -> memref<16x256xf32, #tpu.memory_space<hbm>>
        %dma_wait3A_678 = arith.constant 0 : i32
        %dma_wait3A_679 = arith.constant 0 : i32
        %dma_wait3A_680 = tpu.memref_slice %arg4[%dma_wait3A_669, %dma_wait3A_678, %dma_wait3A_679] : memref<1024x64x256xf32, #tpu.memory_space<hbm>> -> memref<1x16x256xf32, #tpu.memory_space<hbm>>
        %dma_wait3A_681 = tpu.memref_squeeze %dma_wait3A_680 : memref<1x16x256xf32, #tpu.memory_space<hbm>> -> memref<16x256xf32, #tpu.memory_space<hbm>>
        %dma_wait3A_682 = arith.constant 0 : i32
        %dma_wait3A_683 = arith.constant 0 : i32
        %dma_wait3A_684 = tpu.memref_slice %arg5[%dma_wait3A_668, %dma_wait3A_682, %dma_wait3A_683] : memref<4x64x256xf32, #tpu.memory_space<vmem>> -> memref<1x16x256xf32, #tpu.memory_space<vmem>>
        %dma_wait3A_685 = tpu.memref_squeeze %dma_wait3A_684 : memref<1x16x256xf32, #tpu.memory_space<vmem>> -> memref<16x256xf32, #tpu.memory_space<vmem>>
        tpu.wait_dma2 semaphore(%arg14 : memref<!tpu.dma_semaphore, #tpu.memory_space<semaphore_mem>>) src(%dma_wait3A_685 : memref<16x256xf32, #tpu.memory_space<vmem>>) dst(%dma_wait3A_681 : memref<16x256xf32, #tpu.memory_space<hbm>>)
        %dma_start3A_686 = arith.constant 3 : i32
        %dma_start3A_687 = arith.constant 0 : i32
        %dma_start3A_688 = arith.constant 0 : i32
        %dma_start3A_689 = tpu.memref_slice %arg5[%dma_start3A_686, %dma_start3A_687, %dma_start3A_688] : memref<4x64x256xf32, #tpu.memory_space<vmem>> -> memref<1x64x256xf32, #tpu.memory_space<vmem>>
        %dma_start3A_690 = tpu.memref_squeeze %dma_start3A_689 : memref<1x64x256xf32, #tpu.memory_space<vmem>> -> memref<64x256xf32, #tpu.memory_space<vmem>>
        %dma_start3A_691 = arith.constant 0 : i32
        %dma_start3A_692 = arith.constant 0 : i32
        %dma_start3A_693 = tpu.memref_slice %arg2[%add3A_426, %dma_start3A_691, %dma_start3A_692] : memref<1024x64x256xf32, #tpu.memory_space<hbm>> -> memref<1x64x256xf32, #tpu.memory_space<hbm>>
        %dma_start3A_694 = tpu.memref_squeeze %dma_start3A_693 : memref<1x64x256xf32, #tpu.memory_space<hbm>> -> memref<64x256xf32, #tpu.memory_space<hbm>>
        %dma_start3A_695 = arith.constant 0 : i32
        %dma_start3A_696 = arith.constant 0 : i32
        %dma_start3A_697 = tpu.memref_slice %arg5[%dma_start3A_686, %dma_start3A_695, %dma_start3A_696] : memref<4x64x256xf32, #tpu.memory_space<vmem>> -> memref<1x64x256xf32, #tpu.memory_space<vmem>>
        %dma_start3A_698 = tpu.memref_squeeze %dma_start3A_697 : memref<1x64x256xf32, #tpu.memory_space<vmem>> -> memref<64x256xf32, #tpu.memory_space<vmem>>
        %dma_start3A_699 = arith.constant 0 : i32
        %dma_start3A_700 = arith.constant 0 : i32
        %dma_start3A_701 = tpu.memref_slice %arg2[%add3A_426, %dma_start3A_699, %dma_start3A_700] : memref<1024x64x256xf32, #tpu.memory_space<hbm>> -> memref<1x64x256xf32, #tpu.memory_space<hbm>>
        %dma_start3A_702 = tpu.memref_squeeze %dma_start3A_701 : memref<1x64x256xf32, #tpu.memory_space<hbm>> -> memref<64x256xf32, #tpu.memory_space<hbm>>
        tpu.enqueue_dma source(%dma_start3A_702 : memref<64x256xf32, #tpu.memory_space<hbm>>) target(%dma_start3A_698 : memref<64x256xf32, #tpu.memory_space<vmem>>) target_semaphore(%arg10 : memref<!tpu.dma_semaphore, #tpu.memory_space<semaphore_mem>>)
        %dma_start3A_703 = arith.constant 3 : i32
        %dma_start3A_704 = arith.constant 0 : i32
        %dma_start3A_705 = arith.constant 0 : i32
        %dma_start3A_706 = tpu.memref_slice %arg6[%dma_start3A_703, %dma_start3A_704, %dma_start3A_705] : memref<4x16x256xf32, #tpu.memory_space<vmem>> -> memref<1x16x256xf32, #tpu.memory_space<vmem>>
        %dma_start3A_707 = tpu.memref_squeeze %dma_start3A_706 : memref<1x16x256xf32, #tpu.memory_space<vmem>> -> memref<16x256xf32, #tpu.memory_space<vmem>>
        %dma_start3A_708 = arith.constant 32 : i32
        %dma_start3A_709 = arith.constant 0 : i32
        %dma_start3A_710 = tpu.memref_slice %arg3[%add3A_426, %dma_start3A_708, %dma_start3A_709] : memref<1024x64x256xf32, #tpu.memory_space<hbm>> -> memref<1x16x256xf32, #tpu.memory_space<hbm>>
        %dma_start3A_711 = tpu.memref_squeeze %dma_start3A_710 : memref<1x16x256xf32, #tpu.memory_space<hbm>> -> memref<16x256xf32, #tpu.memory_space<hbm>>
        %dma_start3A_712 = arith.constant 0 : i32
        %dma_start3A_713 = arith.constant 0 : i32
        %dma_start3A_714 = tpu.memref_slice %arg6[%dma_start3A_703, %dma_start3A_712, %dma_start3A_713] : memref<4x16x256xf32, #tpu.memory_space<vmem>> -> memref<1x16x256xf32, #tpu.memory_space<vmem>>
        %dma_start3A_715 = tpu.memref_squeeze %dma_start3A_714 : memref<1x16x256xf32, #tpu.memory_space<vmem>> -> memref<16x256xf32, #tpu.memory_space<vmem>>
        %dma_start3A_716 = arith.constant 32 : i32
        %dma_start3A_717 = arith.constant 0 : i32
        %dma_start3A_718 = tpu.memref_slice %arg3[%add3A_426, %dma_start3A_716, %dma_start3A_717] : memref<1024x64x256xf32, #tpu.memory_space<hbm>> -> memref<1x16x256xf32, #tpu.memory_space<hbm>>
        %dma_start3A_719 = tpu.memref_squeeze %dma_start3A_718 : memref<1x16x256xf32, #tpu.memory_space<hbm>> -> memref<16x256xf32, #tpu.memory_space<hbm>>
        tpu.enqueue_dma source(%dma_start3A_719 : memref<16x256xf32, #tpu.memory_space<hbm>>) target(%dma_start3A_715 : memref<16x256xf32, #tpu.memory_space<vmem>>) target_semaphore(%arg10 : memref<!tpu.dma_semaphore, #tpu.memory_space<semaphore_mem>>)
      } else {
      }
      %dma_wait3A_430 = arith.constant 0 : i32
      %dma_wait3A_431 = arith.constant 1 : i32
      %dma_wait3A_432 = arith.constant 0 : i32
      %dma_wait3A_433 = arith.constant 0 : i32
      %dma_wait3A_434 = tpu.memref_slice %arg6[%dma_wait3A_431, %dma_wait3A_432, %dma_wait3A_433] : memref<4x16x256xf32, #tpu.memory_space<vmem>> -> memref<1x16x256xf32, #tpu.memory_space<vmem>>
      %dma_wait3A_435 = tpu.memref_squeeze %dma_wait3A_434 : memref<1x16x256xf32, #tpu.memory_space<vmem>> -> memref<16x256xf32, #tpu.memory_space<vmem>>
      %dma_wait3A_436 = arith.constant 32 : i32
      %dma_wait3A_437 = arith.constant 0 : i32
      %dma_wait3A_438 = tpu.memref_slice %arg3[%dma_wait3A_430, %dma_wait3A_436, %dma_wait3A_437] : memref<1024x64x256xf32, #tpu.memory_space<hbm>> -> memref<1x16x256xf32, #tpu.memory_space<hbm>>
      %dma_wait3A_439 = tpu.memref_squeeze %dma_wait3A_438 : memref<1x16x256xf32, #tpu.memory_space<hbm>> -> memref<16x256xf32, #tpu.memory_space<hbm>>
      %dma_wait3A_440 = arith.constant 0 : i32
      %dma_wait3A_441 = arith.constant 0 : i32
      %dma_wait3A_442 = tpu.memref_slice %arg6[%dma_wait3A_431, %dma_wait3A_440, %dma_wait3A_441] : memref<4x16x256xf32, #tpu.memory_space<vmem>> -> memref<1x16x256xf32, #tpu.memory_space<vmem>>
      %dma_wait3A_443 = tpu.memref_squeeze %dma_wait3A_442 : memref<1x16x256xf32, #tpu.memory_space<vmem>> -> memref<16x256xf32, #tpu.memory_space<vmem>>
      %dma_wait3A_444 = arith.constant 32 : i32
      %dma_wait3A_445 = arith.constant 0 : i32
      %dma_wait3A_446 = tpu.memref_slice %arg3[%dma_wait3A_430, %dma_wait3A_444, %dma_wait3A_445] : memref<1024x64x256xf32, #tpu.memory_space<hbm>> -> memref<1x16x256xf32, #tpu.memory_space<hbm>>
      %dma_wait3A_447 = tpu.memref_squeeze %dma_wait3A_446 : memref<1x16x256xf32, #tpu.memory_space<hbm>> -> memref<16x256xf32, #tpu.memory_space<hbm>>
      tpu.wait_dma2 semaphore(%arg8 : memref<!tpu.dma_semaphore, #tpu.memory_space<semaphore_mem>>) src(%dma_wait3A_447 : memref<16x256xf32, #tpu.memory_space<hbm>>) dst(%dma_wait3A_443 : memref<16x256xf32, #tpu.memory_space<vmem>>)
      %scan3A_448 = arith.constant 0 : i32
      %scan3A_449 = arith.constant 0 : i32
      %scan3A_450 = arith.constant 16 : i32
      %scan3A_451 = arith.addi %scan3A_449, %scan3A_450 : i32
      %scan3A_452 = arith.constant 1 : i32
      scf.for %scan3A_650 = %scan3A_449 to %scan3A_451 step %scan3A_452  : i32 {
        %get3A = arith.constant 1 : i32
        %get3A_651 = arith.index_cast %get3A : i32 to index
        %get3A_652 = arith.index_cast %scan3A_650 : i32 to index
        %get3A_653 = arith.constant 0 : index
        %get3A_654 = tpu.vector_load %arg6[%get3A_651, %get3A_652, %get3A_653] {strides = array<i32>} : memref<4x16x256xf32, #tpu.memory_space<vmem>>, vector<1x1x16xf32>,
        %get3A_655 = vector.shape_cast %get3A_654 : vector<1x1x16xf32> to vector<16xf32>
        %get3A_656 = arith.constant 1 : i32
        %get3A_657 = arith.index_cast %get3A_656 : i32 to index
        %get3A_658 = arith.index_cast %scan3A_650 : i32 to index
        %get3A_659 = arith.constant 0 : index
        %get3A_660 = tpu.vector_load %arg5[%get3A_657, %get3A_658, %get3A_659] {strides = array<i32>} : memref<4x64x256xf32, #tpu.memory_space<vmem>>, vector<1x1x16xf32>,
        %get3A_661 = vector.shape_cast %get3A_660 : vector<1x1x16xf32> to vector<16xf32>
        %add3A_662 = arith.constant 16 : i32
        %add3A_663 = arith.addi %scan3A_650, %add3A_662 : i32
        %get3A_664 = arith.constant 1 : i32
        %get3A_665 = arith.index_cast %get3A_664 : i32 to index
        %get3A_666 = arith.index_cast %add3A_663 : i32 to index
        %get3A_667 = arith.constant 0 : index
        %get3A_668 = tpu.vector_load %arg5[%get3A_665, %get3A_666, %get3A_667] {strides = array<i32>} : memref<4x64x256xf32, #tpu.memory_space<vmem>>, vector<1x1x16xf32>,
        %get3A_669 = vector.shape_cast %get3A_668 : vector<1x1x16xf32> to vector<16xf32>
        %add3A_670 = arith.constant 9.99999997E-7 : f32
        %add3A_671 = vector.broadcast %add3A_670 : f32 to vector<16xf32>
        %add3A_672 = arith.addf %get3A_669, %add3A_671 : vector<16xf32>
        %add3A_673 = arith.constant 48 : i32
        %add3A_674 = arith.addi %scan3A_650, %add3A_673 : i32
        %get3A_675 = arith.constant 1 : i32
        %get3A_676 = arith.index_cast %get3A_675 : i32 to index
        %get3A_677 = arith.index_cast %add3A_674 : i32 to index
        %get3A_678 = arith.constant 0 : index
        %get3A_679 = tpu.vector_load %arg5[%get3A_676, %get3A_677, %get3A_678] {strides = array<i32>} : memref<4x64x256xf32, #tpu.memory_space<vmem>>, vector<1x1x16xf32>,
        %get3A_680 = vector.shape_cast %get3A_679 : vector<1x1x16xf32> to vector<16xf32>
        %sub3A = arith.constant 9.99999997E-7 : f32
        %sub3A_681 = vector.broadcast %sub3A : f32 to vector<16xf32>
        %sub3A_682 = arith.subf %get3A_680, %sub3A_681 : vector<16xf32>
        %max3A = arith.maximumf %add3A_672, %sub3A_682 : vector<16xf32>
        %sub3A_683 = arith.subf %max3A, %get3A_655 : vector<16xf32>
        %max3A_684 = arith.maximumf %get3A_661, %sub3A_683 : vector<16xf32>
        %swap3A = arith.constant 1 : i32
        %swap3A_685 = arith.index_cast %swap3A : i32 to index
        %swap3A_686 = arith.index_cast %scan3A_650 : i32 to index
        %swap3A_687 = arith.constant 0 : index
        %swap3A_688 = tpu.vector_load %arg5[%swap3A_685, %swap3A_686, %swap3A_687] {strides = array<i32>} : memref<4x64x256xf32, #tpu.memory_space<vmem>>, vector<1x1x16xf32>,
        %swap3A_689 = vector.shape_cast %swap3A_688 : vector<1x1x16xf32> to vector<16xf32>
        %swap3A_690 = vector.shape_cast %max3A_684 : vector<16xf32> to vector<1x1x16xf32>
        tpu.vector_store %arg5[%swap3A_685, %swap3A_686, %swap3A_687], %swap3A_690 {strides = array<i32>} : memref<4x64x256xf32, #tpu.memory_space<vmem>>, vector<1x1x16xf32>,
        %get3A_691 = arith.constant 1 : i32
        %get3A_692 = arith.index_cast %get3A_691 : i32 to index
        %get3A_693 = arith.index_cast %scan3A_650 : i32 to index
        %get3A_694 = arith.constant 16 : index
        %get3A_695 = tpu.vector_load %arg6[%get3A_692, %get3A_693, %get3A_694] {strides = array<i32>} : memref<4x16x256xf32, #tpu.memory_space<vmem>>, vector<1x1x16xf32>,
        %get3A_696 = vector.shape_cast %get3A_695 : vector<1x1x16xf32> to vector<16xf32>
        %get3A_697 = arith.constant 1 : i32
        %get3A_698 = arith.index_cast %get3A_697 : i32 to index
        %get3A_699 = arith.index_cast %scan3A_650 : i32 to index
        %get3A_700 = arith.constant 16 : index
        %get3A_701 = tpu.vector_load %arg5[%get3A_698, %get3A_699, %get3A_700] {strides = array<i32>} : memref<4x64x256xf32, #tpu.memory_space<vmem>>, vector<1x1x16xf32>,
        %get3A_702 = vector.shape_cast %get3A_701 : vector<1x1x16xf32> to vector<16xf32>
        %add3A_703 = arith.constant 16 : i32
        %add3A_704 = arith.addi %scan3A_650, %add3A_703 : i32
        %get3A_705 = arith.constant 1 : i32
        %get3A_706 = arith.index_cast %get3A_705 : i32 to index
        %get3A_707 = arith.index_cast %add3A_704 : i32 to index
        %get3A_708 = arith.constant 16 : index
        %get3A_709 = tpu.vector_load %arg5[%get3A_706, %get3A_707, %get3A_708] {strides = array<i32>} : memref<4x64x256xf32, #tpu.memory_space<vmem>>, vector<1x1x16xf32>,
        %get3A_710 = vector.shape_cast %get3A_709 : vector<1x1x16xf32> to vector<16xf32>
        %add3A_711 = arith.constant 9.99999997E-7 : f32
        %add3A_712 = vector.broadcast %add3A_711 : f32 to vector<16xf32>
        %add3A_713 = arith.addf %get3A_710, %add3A_712 : vector<16xf32>
        %add3A_714 = arith.constant 48 : i32
        %add3A_715 = arith.addi %scan3A_650, %add3A_714 : i32
        %get3A_716 = arith.constant 1 : i32
        %get3A_717 = arith.index_cast %get3A_716 : i32 to index
        %get3A_718 = arith.index_cast %add3A_715 : i32 to index
        %get3A_719 = arith.constant 16 : index
        %get3A_720 = tpu.vector_load %arg5[%get3A_717, %get3A_718, %get3A_719] {strides = array<i32>} : memref<4x64x256xf32, #tpu.memory_space<vmem>>, vector<1x1x16xf32>,
        %get3A_721 = vector.shape_cast %get3A_720 : vector<1x1x16xf32> to vector<16xf32>
        %sub3A_722 = arith.constant 9.99999997E-7 : f32
        %sub3A_723 = vector.broadcast %sub3A_722 : f32 to vector<16xf32>
        %sub3A_724 = arith.subf %get3A_721, %sub3A_723 : vector<16xf32>
        %max3A_725 = arith.maximumf %add3A_713, %sub3A_724 : vector<16xf32>
        %sub3A_726 = arith.subf %max3A_725, %get3A_696 : vector<16xf32>
        %max3A_727 = arith.maximumf %get3A_702, %sub3A_726 : vector<16xf32>
        %swap3A_728 = arith.constant 1 : i32
        %swap3A_729 = arith.index_cast %swap3A_728 : i32 to index
        %swap3A_730 = arith.index_cast %scan3A_650 : i32 to index
        %swap3A_731 = arith.constant 16 : index
        %swap3A_732 = tpu.vector_load %arg5[%swap3A_729, %swap3A_730, %swap3A_731] {strides = array<i32>} : memref<4x64x256xf32, #tpu.memory_space<vmem>>, vector<1x1x16xf32>,
        %swap3A_733 = vector.shape_cast %swap3A_732 : vector<1x1x16xf32> to vector<16xf32>
        %swap3A_734 = vector.shape_cast %max3A_727 : vector<16xf32> to vector<1x1x16xf32>
        tpu.vector_store %arg5[%swap3A_729, %swap3A_730, %swap3A_731], %swap3A_734 {strides = array<i32>} : memref<4x64x256xf32, #tpu.memory_space<vmem>>, vector<1x1x16xf32>,
        %get3A_735 = arith.constant 1 : i32
        %get3A_736 = arith.index_cast %get3A_735 : i32 to index
        %get3A_737 = arith.index_cast %scan3A_650 : i32 to index
        %get3A_738 = arith.constant 32 : index
        %get3A_739 = tpu.vector_load %arg6[%get3A_736, %get3A_737, %get3A_738] {strides = array<i32>} : memref<4x16x256xf32, #tpu.memory_space<vmem>>, vector<1x1x16xf32>,
        %get3A_740 = vector.shape_cast %get3A_739 : vector<1x1x16xf32> to vector<16xf32>
        %get3A_741 = arith.constant 1 : i32
        %get3A_742 = arith.index_cast %get3A_741 : i32 to index
        %get3A_743 = arith.index_cast %scan3A_650 : i32 to index
        %get3A_744 = arith.constant 32 : index
        %get3A_745 = tpu.vector_load %arg5[%get3A_742, %get3A_743, %get3A_744] {strides = array<i32>} : memref<4x64x256xf32, #tpu.memory_space<vmem>>, vector<1x1x16xf32>,
        %get3A_746 = vector.shape_cast %get3A_745 : vector<1x1x16xf32> to vector<16xf32>
        %add3A_747 = arith.constant 16 : i32
        %add3A_748 = arith.addi %scan3A_650, %add3A_747 : i32
        %get3A_749 = arith.constant 1 : i32
        %get3A_750 = arith.index_cast %get3A_749 : i32 to index
        %get3A_751 = arith.index_cast %add3A_748 : i32 to index
        %get3A_752 = arith.constant 32 : index
        %get3A_753 = tpu.vector_load %arg5[%get3A_750, %get3A_751, %get3A_752] {strides = array<i32>} : memref<4x64x256xf32, #tpu.memory_space<vmem>>, vector<1x1x16xf32>,
        %get3A_754 = vector.shape_cast %get3A_753 : vector<1x1x16xf32> to vector<16xf32>
        %add3A_755 = arith.constant 9.99999997E-7 : f32
        %add3A_756 = vector.broadcast %add3A_755 : f32 to vector<16xf32>
        %add3A_757 = arith.addf %get3A_754, %add3A_756 : vector<16xf32>
        %add3A_758 = arith.constant 48 : i32
        %add3A_759 = arith.addi %scan3A_650, %add3A_758 : i32
        %get3A_760 = arith.constant 1 : i32
        %get3A_761 = arith.index_cast %get3A_760 : i32 to index
        %get3A_762 = arith.index_cast %add3A_759 : i32 to index
        %get3A_763 = arith.constant 32 : index
        %get3A_764 = tpu.vector_load %arg5[%get3A_761, %get3A_762, %get3A_763] {strides = array<i32>} : memref<4x64x256xf32, #tpu.memory_space<vmem>>, vector<1x1x16xf32>,
        %get3A_765 = vector.shape_cast %get3A_764 : vector<1x1x16xf32> to vector<16xf32>
        %sub3A_766 = arith.constant 9.99999997E-7 : f32
        %sub3A_767 = vector.broadcast %sub3A_766 : f32 to vector<16xf32>
        %sub3A_768 = arith.subf %get3A_765, %sub3A_767 : vector<16xf32>
        %max3A_769 = arith.maximumf %add3A_757, %sub3A_768 : vector<16xf32>
        %sub3A_770 = arith.subf %max3A_769, %get3A_740 : vector<16xf32>
        %max3A_771 = arith.maximumf %get3A_746, %sub3A_770 : vector<16xf32>
        %swap3A_772 = arith.constant 1 : i32
        %swap3A_773 = arith.index_cast %swap3A_772 : i32 to index
        %swap3A_774 = arith.index_cast %scan3A_650 : i32 to index
        %swap3A_775 = arith.constant 32 : index
        %swap3A_776 = tpu.vector_load %arg5[%swap3A_773, %swap3A_774, %swap3A_775] {strides = array<i32>} : memref<4x64x256xf32, #tpu.memory_space<vmem>>, vector<1x1x16xf32>,
        %swap3A_777 = vector.shape_cast %swap3A_776 : vector<1x1x16xf32> to vector<16xf32>
        %swap3A_778 = vector.shape_cast %max3A_771 : vector<16xf32> to vector<1x1x16xf32>
        tpu.vector_store %arg5[%swap3A_773, %swap3A_774, %swap3A_775], %swap3A_778 {strides = array<i32>} : memref<4x64x256xf32, #tpu.memory_space<vmem>>, vector<1x1x16xf32>,
        %get3A_779 = arith.constant 1 : i32
        %get3A_780 = arith.index_cast %get3A_779 : i32 to index
        %get3A_781 = arith.index_cast %scan3A_650 : i32 to index
        %get3A_782 = arith.constant 48 : index
        %get3A_783 = tpu.vector_load %arg6[%get3A_780, %get3A_781, %get3A_782] {strides = array<i32>} : memref<4x16x256xf32, #tpu.memory_space<vmem>>, vector<1x1x16xf32>,
        %get3A_784 = vector.shape_cast %get3A_783 : vector<1x1x16xf32> to vector<16xf32>
        %get3A_785 = arith.constant 1 : i32
        %get3A_786 = arith.index_cast %get3A_785 : i32 to index
        %get3A_787 = arith.index_cast %scan3A_650 : i32 to index
        %get3A_788 = arith.constant 48 : index
        %get3A_789 = tpu.vector_load %arg5[%get3A_786, %get3A_787, %get3A_788] {strides = array<i32>} : memref<4x64x256xf32, #tpu.memory_space<vmem>>, vector<1x1x16xf32>,
        %get3A_790 = vector.shape_cast %get3A_789 : vector<1x1x16xf32> to vector<16xf32>
        %add3A_791 = arith.constant 16 : i32
        %add3A_792 = arith.addi %scan3A_650, %add3A_791 : i32
        %get3A_793 = arith.constant 1 : i32
        %get3A_794 = arith.index_cast %get3A_793 : i32 to index
        %get3A_795 = arith.index_cast %add3A_792 : i32 to index
        %get3A_796 = arith.constant 48 : index
        %get3A_797 = tpu.vector_load %arg5[%get3A_794, %get3A_795, %get3A_796] {strides = array<i32>} : memref<4x64x256xf32, #tpu.memory_space<vmem>>, vector<1x1x16xf32>,
        %get3A_798 = vector.shape_cast %get3A_797 : vector<1x1x16xf32> to vector<16xf32>
        %add3A_799 = arith.constant 9.99999997E-7 : f32
        %add3A_800 = vector.broadcast %add3A_799 : f32 to vector<16xf32>
        %add3A_801 = arith.addf %get3A_798, %add3A_800 : vector<16xf32>
        %add3A_802 = arith.constant 48 : i32
        %add3A_803 = arith.addi %scan3A_650, %add3A_802 : i32
        %get3A_804 = arith.constant 1 : i32
        %get3A_805 = arith.index_cast %get3A_804 : i32 to index
        %get3A_806 = arith.index_cast %add3A_803 : i32 to index
        %get3A_807 = arith.constant 48 : index
        %get3A_808 = tpu.vector_load %arg5[%get3A_805, %get3A_806, %get3A_807] {strides = array<i32>} : memref<4x64x256xf32, #tpu.memory_space<vmem>>, vector<1x1x16xf32>,
        %get3A_809 = vector.shape_cast %get3A_808 : vector<1x1x16xf32> to vector<16xf32>
        %sub3A_810 = arith.constant 9.99999997E-7 : f32
        %sub3A_811 = vector.broadcast %sub3A_810 : f32 to vector<16xf32>
        %sub3A_812 = arith.subf %get3A_809, %sub3A_811 : vector<16xf32>
        %max3A_813 = arith.maximumf %add3A_801, %sub3A_812 : vector<16xf32>
        %sub3A_814 = arith.subf %max3A_813, %get3A_784 : vector<16xf32>
        %max3A_815 = arith.maximumf %get3A_790, %sub3A_814 : vector<16xf32>
        %swap3A_816 = arith.constant 1 : i32
        %swap3A_817 = arith.index_cast %swap3A_816 : i32 to index
        %swap3A_818 = arith.index_cast %scan3A_650 : i32 to index
        %swap3A_819 = arith.constant 48 : index
        %swap3A_820 = tpu.vector_load %arg5[%swap3A_817, %swap3A_818, %swap3A_819] {strides = array<i32>} : memref<4x64x256xf32, #tpu.memory_space<vmem>>, vector<1x1x16xf32>,
        %swap3A_821 = vector.shape_cast %swap3A_820 : vector<1x1x16xf32> to vector<16xf32>
        %swap3A_822 = vector.shape_cast %max3A_815 : vector<16xf32> to vector<1x1x16xf32>
        tpu.vector_store %arg5[%swap3A_817, %swap3A_818, %swap3A_819], %swap3A_822 {strides = array<i32>} : memref<4x64x256xf32, #tpu.memory_space<vmem>>, vector<1x1x16xf32>,
        %get3A_823 = arith.constant 1 : i32
        %get3A_824 = arith.index_cast %get3A_823 : i32 to index
        %get3A_825 = arith.index_cast %scan3A_650 : i32 to index
        %get3A_826 = arith.constant 64 : index
        %get3A_827 = tpu.vector_load %arg6[%get3A_824, %get3A_825, %get3A_826] {strides = array<i32>} : memref<4x16x256xf32, #tpu.memory_space<vmem>>, vector<1x1x16xf32>,
        %get3A_828 = vector.shape_cast %get3A_827 : vector<1x1x16xf32> to vector<16xf32>
        %get3A_829 = arith.constant 1 : i32
        %get3A_830 = arith.index_cast %get3A_829 : i32 to index
        %get3A_831 = arith.index_cast %scan3A_650 : i32 to index
        %get3A_832 = arith.constant 64 : index
        %get3A_833 = tpu.vector_load %arg5[%get3A_830, %get3A_831, %get3A_832] {strides = array<i32>} : memref<4x64x256xf32, #tpu.memory_space<vmem>>, vector<1x1x16xf32>,
        %get3A_834 = vector.shape_cast %get3A_833 : vector<1x1x16xf32> to vector<16xf32>
        %add3A_835 = arith.constant 16 : i32
        %add3A_836 = arith.addi %scan3A_650, %add3A_835 : i32
        %get3A_837 = arith.constant 1 : i32
        %get3A_838 = arith.index_cast %get3A_837 : i32 to index
        %get3A_839 = arith.index_cast %add3A_836 : i32 to index
        %get3A_840 = arith.constant 64 : index
        %get3A_841 = tpu.vector_load %arg5[%get3A_838, %get3A_839, %get3A_840] {strides = array<i32>} : memref<4x64x256xf32, #tpu.memory_space<vmem>>, vector<1x1x16xf32>,
        %get3A_842 = vector.shape_cast %get3A_841 : vector<1x1x16xf32> to vector<16xf32>
        %add3A_843 = arith.constant 9.99999997E-7 : f32
        %add3A_844 = vector.broadcast %add3A_843 : f32 to vector<16xf32>
        %add3A_845 = arith.addf %get3A_842, %add3A_844 : vector<16xf32>
        %add3A_846 = arith.constant 48 : i32
        %add3A_847 = arith.addi %scan3A_650, %add3A_846 : i32
        %get3A_848 = arith.constant 1 : i32
        %get3A_849 = arith.index_cast %get3A_848 : i32 to index
        %get3A_850 = arith.index_cast %add3A_847 : i32 to index
        %get3A_851 = arith.constant 64 : index
        %get3A_852 = tpu.vector_load %arg5[%get3A_849, %get3A_850, %get3A_851] {strides = array<i32>} : memref<4x64x256xf32, #tpu.memory_space<vmem>>, vector<1x1x16xf32>,
        %get3A_853 = vector.shape_cast %get3A_852 : vector<1x1x16xf32> to vector<16xf32>
        %sub3A_854 = arith.constant 9.99999997E-7 : f32
        %sub3A_855 = vector.broadcast %sub3A_854 : f32 to vector<16xf32>
        %sub3A_856 = arith.subf %get3A_853, %sub3A_855 : vector<16xf32>
        %max3A_857 = arith.maximumf %add3A_845, %sub3A_856 : vector<16xf32>
        %sub3A_858 = arith.subf %max3A_857, %get3A_828 : vector<16xf32>
        %max3A_859 = arith.maximumf %get3A_834, %sub3A_858 : vector<16xf32>
        %swap3A_860 = arith.constant 1 : i32
        %swap3A_861 = arith.index_cast %swap3A_860 : i32 to index
        %swap3A_862 = arith.index_cast %scan3A_650 : i32 to index
        %swap3A_863 = arith.constant 64 : index
        %swap3A_864 = tpu.vector_load %arg5[%swap3A_861, %swap3A_862, %swap3A_863] {strides = array<i32>} : memref<4x64x256xf32, #tpu.memory_space<vmem>>, vector<1x1x16xf32>,
        %swap3A_865 = vector.shape_cast %swap3A_864 : vector<1x1x16xf32> to vector<16xf32>
        %swap3A_866 = vector.shape_cast %max3A_859 : vector<16xf32> to vector<1x1x16xf32>
        tpu.vector_store %arg5[%swap3A_861, %swap3A_862, %swap3A_863], %swap3A_866 {strides = array<i32>} : memref<4x64x256xf32, #tpu.memory_space<vmem>>, vector<1x1x16xf32>,
        %get3A_867 = arith.constant 1 : i32
        %get3A_868 = arith.index_cast %get3A_867 : i32 to index
        %get3A_869 = arith.index_cast %scan3A_650 : i32 to index
        %get3A_870 = arith.constant 80 : index
        %get3A_871 = tpu.vector_load %arg6[%get3A_868, %get3A_869, %get3A_870] {strides = array<i32>} : memref<4x16x256xf32, #tpu.memory_space<vmem>>, vector<1x1x16xf32>,
        %get3A_872 = vector.shape_cast %get3A_871 : vector<1x1x16xf32> to vector<16xf32>
        %get3A_873 = arith.constant 1 : i32
        %get3A_874 = arith.index_cast %get3A_873 : i32 to index
        %get3A_875 = arith.index_cast %scan3A_650 : i32 to index
        %get3A_876 = arith.constant 80 : index
        %get3A_877 = tpu.vector_load %arg5[%get3A_874, %get3A_875, %get3A_876] {strides = array<i32>} : memref<4x64x256xf32, #tpu.memory_space<vmem>>, vector<1x1x16xf32>,
        %get3A_878 = vector.shape_cast %get3A_877 : vector<1x1x16xf32> to vector<16xf32>
        %add3A_879 = arith.constant 16 : i32
        %add3A_880 = arith.addi %scan3A_650, %add3A_879 : i32
        %get3A_881 = arith.constant 1 : i32
        %get3A_882 = arith.index_cast %get3A_881 : i32 to index
        %get3A_883 = arith.index_cast %add3A_880 : i32 to index
        %get3A_884 = arith.constant 80 : index
        %get3A_885 = tpu.vector_load %arg5[%get3A_882, %get3A_883, %get3A_884] {strides = array<i32>} : memref<4x64x256xf32, #tpu.memory_space<vmem>>, vector<1x1x16xf32>,
        %get3A_886 = vector.shape_cast %get3A_885 : vector<1x1x16xf32> to vector<16xf32>
        %add3A_887 = arith.constant 9.99999997E-7 : f32
        %add3A_888 = vector.broadcast %add3A_887 : f32 to vector<16xf32>
        %add3A_889 = arith.addf %get3A_886, %add3A_888 : vector<16xf32>
        %add3A_890 = arith.constant 48 : i32
        %add3A_891 = arith.addi %scan3A_650, %add3A_890 : i32
        %get3A_892 = arith.constant 1 : i32
        %get3A_893 = arith.index_cast %get3A_892 : i32 to index
        %get3A_894 = arith.index_cast %add3A_891 : i32 to index
        %get3A_895 = arith.constant 80 : index
        %get3A_896 = tpu.vector_load %arg5[%get3A_893, %get3A_894, %get3A_895] {strides = array<i32>} : memref<4x64x256xf32, #tpu.memory_space<vmem>>, vector<1x1x16xf32>,
        %get3A_897 = vector.shape_cast %get3A_896 : vector<1x1x16xf32> to vector<16xf32>
        %sub3A_898 = arith.constant 9.99999997E-7 : f32
        %sub3A_899 = vector.broadcast %sub3A_898 : f32 to vector<16xf32>
        %sub3A_900 = arith.subf %get3A_897, %sub3A_899 : vector<16xf32>
        %max3A_901 = arith.maximumf %add3A_889, %sub3A_900 : vector<16xf32>
        %sub3A_902 = arith.subf %max3A_901, %get3A_872 : vector<16xf32>
        %max3A_903 = arith.maximumf %get3A_878, %sub3A_902 : vector<16xf32>
        %swap3A_904 = arith.constant 1 : i32
        %swap3A_905 = arith.index_cast %swap3A_904 : i32 to index
        %swap3A_906 = arith.index_cast %scan3A_650 : i32 to index
        %swap3A_907 = arith.constant 80 : index
        %swap3A_908 = tpu.vector_load %arg5[%swap3A_905, %swap3A_906, %swap3A_907] {strides = array<i32>} : memref<4x64x256xf32, #tpu.memory_space<vmem>>, vector<1x1x16xf32>,
        %swap3A_909 = vector.shape_cast %swap3A_908 : vector<1x1x16xf32> to vector<16xf32>
        %swap3A_910 = vector.shape_cast %max3A_903 : vector<16xf32> to vector<1x1x16xf32>
        tpu.vector_store %arg5[%swap3A_905, %swap3A_906, %swap3A_907], %swap3A_910 {strides = array<i32>} : memref<4x64x256xf32, #tpu.memory_space<vmem>>, vector<1x1x16xf32>,
        %get3A_911 = arith.constant 1 : i32
        %get3A_912 = arith.index_cast %get3A_911 : i32 to index
        %get3A_913 = arith.index_cast %scan3A_650 : i32 to index
        %get3A_914 = arith.constant 96 : index
        %get3A_915 = tpu.vector_load %arg6[%get3A_912, %get3A_913, %get3A_914] {strides = array<i32>} : memref<4x16x256xf32, #tpu.memory_space<vmem>>, vector<1x1x16xf32>,
        %get3A_916 = vector.shape_cast %get3A_915 : vector<1x1x16xf32> to vector<16xf32>
        %get3A_917 = arith.constant 1 : i32
        %get3A_918 = arith.index_cast %get3A_917 : i32 to index
        %get3A_919 = arith.index_cast %scan3A_650 : i32 to index
        %get3A_920 = arith.constant 96 : index
        %get3A_921 = tpu.vector_load %arg5[%get3A_918, %get3A_919, %get3A_920] {strides = array<i32>} : memref<4x64x256xf32, #tpu.memory_space<vmem>>, vector<1x1x16xf32>,
        %get3A_922 = vector.shape_cast %get3A_921 : vector<1x1x16xf32> to vector<16xf32>
        %add3A_923 = arith.constant 16 : i32
        %add3A_924 = arith.addi %scan3A_650, %add3A_923 : i32
        %get3A_925 = arith.constant 1 : i32
        %get3A_926 = arith.index_cast %get3A_925 : i32 to index
        %get3A_927 = arith.index_cast %add3A_924 : i32 to index
        %get3A_928 = arith.constant 96 : index
        %get3A_929 = tpu.vector_load %arg5[%get3A_926, %get3A_927, %get3A_928] {strides = array<i32>} : memref<4x64x256xf32, #tpu.memory_space<vmem>>, vector<1x1x16xf32>,
        %get3A_930 = vector.shape_cast %get3A_929 : vector<1x1x16xf32> to vector<16xf32>
        %add3A_931 = arith.constant 9.99999997E-7 : f32
        %add3A_932 = vector.broadcast %add3A_931 : f32 to vector<16xf32>
        %add3A_933 = arith.addf %get3A_930, %add3A_932 : vector<16xf32>
        %add3A_934 = arith.constant 48 : i32
        %add3A_935 = arith.addi %scan3A_650, %add3A_934 : i32
        %get3A_936 = arith.constant 1 : i32
        %get3A_937 = arith.index_cast %get3A_936 : i32 to index
        %get3A_938 = arith.index_cast %add3A_935 : i32 to index
        %get3A_939 = arith.constant 96 : index
        %get3A_940 = tpu.vector_load %arg5[%get3A_937, %get3A_938, %get3A_939] {strides = array<i32>} : memref<4x64x256xf32, #tpu.memory_space<vmem>>, vector<1x1x16xf32>,
        %get3A_941 = vector.shape_cast %get3A_940 : vector<1x1x16xf32> to vector<16xf32>
        %sub3A_942 = arith.constant 9.99999997E-7 : f32
        %sub3A_943 = vector.broadcast %sub3A_942 : f32 to vector<16xf32>
        %sub3A_944 = arith.subf %get3A_941, %sub3A_943 : vector<16xf32>
        %max3A_945 = arith.maximumf %add3A_933, %sub3A_944 : vector<16xf32>
        %sub3A_946 = arith.subf %max3A_945, %get3A_916 : vector<16xf32>
        %max3A_947 = arith.maximumf %get3A_922, %sub3A_946 : vector<16xf32>
        %swap3A_948 = arith.constant 1 : i32
        %swap3A_949 = arith.index_cast %swap3A_948 : i32 to index
        %swap3A_950 = arith.index_cast %scan3A_650 : i32 to index
        %swap3A_951 = arith.constant 96 : index
        %swap3A_952 = tpu.vector_load %arg5[%swap3A_949, %swap3A_950, %swap3A_951] {strides = array<i32>} : memref<4x64x256xf32, #tpu.memory_space<vmem>>, vector<1x1x16xf32>,
        %swap3A_953 = vector.shape_cast %swap3A_952 : vector<1x1x16xf32> to vector<16xf32>
        %swap3A_954 = vector.shape_cast %max3A_947 : vector<16xf32> to vector<1x1x16xf32>
        tpu.vector_store %arg5[%swap3A_949, %swap3A_950, %swap3A_951], %swap3A_954 {strides = array<i32>} : memref<4x64x256xf32, #tpu.memory_space<vmem>>, vector<1x1x16xf32>,
        %get3A_955 = arith.constant 1 : i32
        %get3A_956 = arith.index_cast %get3A_955 : i32 to index
        %get3A_957 = arith.index_cast %scan3A_650 : i32 to index
        %get3A_958 = arith.constant 112 : index
        %get3A_959 = tpu.vector_load %arg6[%get3A_956, %get3A_957, %get3A_958] {strides = array<i32>} : memref<4x16x256xf32, #tpu.memory_space<vmem>>, vector<1x1x16xf32>,
        %get3A_960 = vector.shape_cast %get3A_959 : vector<1x1x16xf32> to vector<16xf32>
        %get3A_961 = arith.constant 1 : i32
        %get3A_962 = arith.index_cast %get3A_961 : i32 to index
        %get3A_963 = arith.index_cast %scan3A_650 : i32 to index
        %get3A_964 = arith.constant 112 : index
        %get3A_965 = tpu.vector_load %arg5[%get3A_962, %get3A_963, %get3A_964] {strides = array<i32>} : memref<4x64x256xf32, #tpu.memory_space<vmem>>, vector<1x1x16xf32>,
        %get3A_966 = vector.shape_cast %get3A_965 : vector<1x1x16xf32> to vector<16xf32>
        %add3A_967 = arith.constant 16 : i32
        %add3A_968 = arith.addi %scan3A_650, %add3A_967 : i32
        %get3A_969 = arith.constant 1 : i32
        %get3A_970 = arith.index_cast %get3A_969 : i32 to index
        %get3A_971 = arith.index_cast %add3A_968 : i32 to index
        %get3A_972 = arith.constant 112 : index
        %get3A_973 = tpu.vector_load %arg5[%get3A_970, %get3A_971, %get3A_972] {strides = array<i32>} : memref<4x64x256xf32, #tpu.memory_space<vmem>>, vector<1x1x16xf32>,
        %get3A_974 = vector.shape_cast %get3A_973 : vector<1x1x16xf32> to vector<16xf32>
        %add3A_975 = arith.constant 9.99999997E-7 : f32
        %add3A_976 = vector.broadcast %add3A_975 : f32 to vector<16xf32>
        %add3A_977 = arith.addf %get3A_974, %add3A_976 : vector<16xf32>
        %add3A_978 = arith.constant 48 : i32
        %add3A_979 = arith.addi %scan3A_650, %add3A_978 : i32
        %get3A_980 = arith.constant 1 : i32
        %get3A_981 = arith.index_cast %get3A_980 : i32 to index
        %get3A_982 = arith.index_cast %add3A_979 : i32 to index
        %get3A_983 = arith.constant 112 : index
        %get3A_984 = tpu.vector_load %arg5[%get3A_981, %get3A_982, %get3A_983] {strides = array<i32>} : memref<4x64x256xf32, #tpu.memory_space<vmem>>, vector<1x1x16xf32>,
        %get3A_985 = vector.shape_cast %get3A_984 : vector<1x1x16xf32> to vector<16xf32>
        %sub3A_986 = arith.constant 9.99999997E-7 : f32
        %sub3A_987 = vector.broadcast %sub3A_986 : f32 to vector<16xf32>
        %sub3A_988 = arith.subf %get3A_985, %sub3A_987 : vector<16xf32>
        %max3A_989 = arith.maximumf %add3A_977, %sub3A_988 : vector<16xf32>
        %sub3A_990 = arith.subf %max3A_989, %get3A_960 : vector<16xf32>
        %max3A_991 = arith.maximumf %get3A_966, %sub3A_990 : vector<16xf32>
        %swap3A_992 = arith.constant 1 : i32
        %swap3A_993 = arith.index_cast %swap3A_992 : i32 to index
        %swap3A_994 = arith.index_cast %scan3A_650 : i32 to index
        %swap3A_995 = arith.constant 112 : index
        %swap3A_996 = tpu.vector_load %arg5[%swap3A_993, %swap3A_994, %swap3A_995] {strides = array<i32>} : memref<4x64x256xf32, #tpu.memory_space<vmem>>, vector<1x1x16xf32>,
        %swap3A_997 = vector.shape_cast %swap3A_996 : vector<1x1x16xf32> to vector<16xf32>
        %swap3A_998 = vector.shape_cast %max3A_991 : vector<16xf32> to vector<1x1x16xf32>
        tpu.vector_store %arg5[%swap3A_993, %swap3A_994, %swap3A_995], %swap3A_998 {strides = array<i32>} : memref<4x64x256xf32, #tpu.memory_space<vmem>>, vector<1x1x16xf32>,
        %get3A_999 = arith.constant 1 : i32
        %get3A_1000 = arith.index_cast %get3A_999 : i32 to index
        %get3A_1001 = arith.index_cast %scan3A_650 : i32 to index
        %get3A_1002 = arith.constant 128 : index
        %get3A_1003 = tpu.vector_load %arg6[%get3A_1000, %get3A_1001, %get3A_1002] {strides = array<i32>} : memref<4x16x256xf32, #tpu.memory_space<vmem>>, vector<1x1x16xf32>,
        %get3A_1004 = vector.shape_cast %get3A_1003 : vector<1x1x16xf32> to vector<16xf32>
        %get3A_1005 = arith.constant 1 : i32
        %get3A_1006 = arith.index_cast %get3A_1005 : i32 to index
        %get3A_1007 = arith.index_cast %scan3A_650 : i32 to index
        %get3A_1008 = arith.constant 128 : index
        %get3A_1009 = tpu.vector_load %arg5[%get3A_1006, %get3A_1007, %get3A_1008] {strides = array<i32>} : memref<4x64x256xf32, #tpu.memory_space<vmem>>, vector<1x1x16xf32>,
        %get3A_1010 = vector.shape_cast %get3A_1009 : vector<1x1x16xf32> to vector<16xf32>
        %add3A_1011 = arith.constant 16 : i32
        %add3A_1012 = arith.addi %scan3A_650, %add3A_1011 : i32
        %get3A_1013 = arith.constant 1 : i32
        %get3A_1014 = arith.index_cast %get3A_1013 : i32 to index
        %get3A_1015 = arith.index_cast %add3A_1012 : i32 to index
        %get3A_1016 = arith.constant 128 : index
        %get3A_1017 = tpu.vector_load %arg5[%get3A_1014, %get3A_1015, %get3A_1016] {strides = array<i32>} : memref<4x64x256xf32, #tpu.memory_space<vmem>>, vector<1x1x16xf32>,
        %get3A_1018 = vector.shape_cast %get3A_1017 : vector<1x1x16xf32> to vector<16xf32>
        %add3A_1019 = arith.constant 9.99999997E-7 : f32
        %add3A_1020 = vector.broadcast %add3A_1019 : f32 to vector<16xf32>
        %add3A_1021 = arith.addf %get3A_1018, %add3A_1020 : vector<16xf32>
        %add3A_1022 = arith.constant 48 : i32
        %add3A_1023 = arith.addi %scan3A_650, %add3A_1022 : i32
        %get3A_1024 = arith.constant 1 : i32
        %get3A_1025 = arith.index_cast %get3A_1024 : i32 to index
        %get3A_1026 = arith.index_cast %add3A_1023 : i32 to index
        %get3A_1027 = arith.constant 128 : index
        %get3A_1028 = tpu.vector_load %arg5[%get3A_1025, %get3A_1026, %get3A_1027] {strides = array<i32>} : memref<4x64x256xf32, #tpu.memory_space<vmem>>, vector<1x1x16xf32>,
        %get3A_1029 = vector.shape_cast %get3A_1028 : vector<1x1x16xf32> to vector<16xf32>
        %sub3A_1030 = arith.constant 9.99999997E-7 : f32
        %sub3A_1031 = vector.broadcast %sub3A_1030 : f32 to vector<16xf32>
        %sub3A_1032 = arith.subf %get3A_1029, %sub3A_1031 : vector<16xf32>
        %max3A_1033 = arith.maximumf %add3A_1021, %sub3A_1032 : vector<16xf32>
        %sub3A_1034 = arith.subf %max3A_1033, %get3A_1004 : vector<16xf32>
        %max3A_1035 = arith.maximumf %get3A_1010, %sub3A_1034 : vector<16xf32>
        %swap3A_1036 = arith.constant 1 : i32
        %swap3A_1037 = arith.index_cast %swap3A_1036 : i32 to index
        %swap3A_1038 = arith.index_cast %scan3A_650 : i32 to index
        %swap3A_1039 = arith.constant 128 : index
        %swap3A_1040 = tpu.vector_load %arg5[%swap3A_1037, %swap3A_1038, %swap3A_1039] {strides = array<i32>} : memref<4x64x256xf32, #tpu.memory_space<vmem>>, vector<1x1x16xf32>,
        %swap3A_1041 = vector.shape_cast %swap3A_1040 : vector<1x1x16xf32> to vector<16xf32>
        %swap3A_1042 = vector.shape_cast %max3A_1035 : vector<16xf32> to vector<1x1x16xf32>
        tpu.vector_store %arg5[%swap3A_1037, %swap3A_1038, %swap3A_1039], %swap3A_1042 {strides = array<i32>} : memref<4x64x256xf32, #tpu.memory_space<vmem>>, vector<1x1x16xf32>,
        %get3A_1043 = arith.constant 1 : i32
        %get3A_1044 = arith.index_cast %get3A_1043 : i32 to index
        %get3A_1045 = arith.index_cast %scan3A_650 : i32 to index
        %get3A_1046 = arith.constant 144 : index
        %get3A_1047 = tpu.vector_load %arg6[%get3A_1044, %get3A_1045, %get3A_1046] {strides = array<i32>} : memref<4x16x256xf32, #tpu.memory_space<vmem>>, vector<1x1x16xf32>,
        %get3A_1048 = vector.shape_cast %get3A_1047 : vector<1x1x16xf32> to vector<16xf32>
        %get3A_1049 = arith.constant 1 : i32
        %get3A_1050 = arith.index_cast %get3A_1049 : i32 to index
        %get3A_1051 = arith.index_cast %scan3A_650 : i32 to index
        %get3A_1052 = arith.constant 144 : index
        %get3A_1053 = tpu.vector_load %arg5[%get3A_1050, %get3A_1051, %get3A_1052] {strides = array<i32>} : memref<4x64x256xf32, #tpu.memory_space<vmem>>, vector<1x1x16xf32>,
        %get3A_1054 = vector.shape_cast %get3A_1053 : vector<1x1x16xf32> to vector<16xf32>
        %add3A_1055 = arith.constant 16 : i32
        %add3A_1056 = arith.addi %scan3A_650, %add3A_1055 : i32
        %get3A_1057 = arith.constant 1 : i32
        %get3A_1058 = arith.index_cast %get3A_1057 : i32 to index
        %get3A_1059 = arith.index_cast %add3A_1056 : i32 to index
        %get3A_1060 = arith.constant 144 : index
        %get3A_1061 = tpu.vector_load %arg5[%get3A_1058, %get3A_1059, %get3A_1060] {strides = array<i32>} : memref<4x64x256xf32, #tpu.memory_space<vmem>>, vector<1x1x16xf32>,
        %get3A_1062 = vector.shape_cast %get3A_1061 : vector<1x1x16xf32> to vector<16xf32>
        %add3A_1063 = arith.constant 9.99999997E-7 : f32
        %add3A_1064 = vector.broadcast %add3A_1063 : f32 to vector<16xf32>
        %add3A_1065 = arith.addf %get3A_1062, %add3A_1064 : vector<16xf32>
        %add3A_1066 = arith.constant 48 : i32
        %add3A_1067 = arith.addi %scan3A_650, %add3A_1066 : i32
        %get3A_1068 = arith.constant 1 : i32
        %get3A_1069 = arith.index_cast %get3A_1068 : i32 to index
        %get3A_1070 = arith.index_cast %add3A_1067 : i32 to index
        %get3A_1071 = arith.constant 144 : index
        %get3A_1072 = tpu.vector_load %arg5[%get3A_1069, %get3A_1070, %get3A_1071] {strides = array<i32>} : memref<4x64x256xf32, #tpu.memory_space<vmem>>, vector<1x1x16xf32>,
        %get3A_1073 = vector.shape_cast %get3A_1072 : vector<1x1x16xf32> to vector<16xf32>
        %sub3A_1074 = arith.constant 9.99999997E-7 : f32
        %sub3A_1075 = vector.broadcast %sub3A_1074 : f32 to vector<16xf32>
        %sub3A_1076 = arith.subf %get3A_1073, %sub3A_1075 : vector<16xf32>
        %max3A_1077 = arith.maximumf %add3A_1065, %sub3A_1076 : vector<16xf32>
        %sub3A_1078 = arith.subf %max3A_1077, %get3A_1048 : vector<16xf32>
        %max3A_1079 = arith.maximumf %get3A_1054, %sub3A_1078 : vector<16xf32>
        %swap3A_1080 = arith.constant 1 : i32
        %swap3A_1081 = arith.index_cast %swap3A_1080 : i32 to index
        %swap3A_1082 = arith.index_cast %scan3A_650 : i32 to index
        %swap3A_1083 = arith.constant 144 : index
        %swap3A_1084 = tpu.vector_load %arg5[%swap3A_1081, %swap3A_1082, %swap3A_1083] {strides = array<i32>} : memref<4x64x256xf32, #tpu.memory_space<vmem>>, vector<1x1x16xf32>,
        %swap3A_1085 = vector.shape_cast %swap3A_1084 : vector<1x1x16xf32> to vector<16xf32>
        %swap3A_1086 = vector.shape_cast %max3A_1079 : vector<16xf32> to vector<1x1x16xf32>
        tpu.vector_store %arg5[%swap3A_1081, %swap3A_1082, %swap3A_1083], %swap3A_1086 {strides = array<i32>} : memref<4x64x256xf32, #tpu.memory_space<vmem>>, vector<1x1x16xf32>,
        %get3A_1087 = arith.constant 1 : i32
        %get3A_1088 = arith.index_cast %get3A_1087 : i32 to index
        %get3A_1089 = arith.index_cast %scan3A_650 : i32 to index
        %get3A_1090 = arith.constant 160 : index
        %get3A_1091 = tpu.vector_load %arg6[%get3A_1088, %get3A_1089, %get3A_1090] {strides = array<i32>} : memref<4x16x256xf32, #tpu.memory_space<vmem>>, vector<1x1x16xf32>,
        %get3A_1092 = vector.shape_cast %get3A_1091 : vector<1x1x16xf32> to vector<16xf32>
        %get3A_1093 = arith.constant 1 : i32
        %get3A_1094 = arith.index_cast %get3A_1093 : i32 to index
        %get3A_1095 = arith.index_cast %scan3A_650 : i32 to index
        %get3A_1096 = arith.constant 160 : index
        %get3A_1097 = tpu.vector_load %arg5[%get3A_1094, %get3A_1095, %get3A_1096] {strides = array<i32>} : memref<4x64x256xf32, #tpu.memory_space<vmem>>, vector<1x1x16xf32>,
        %get3A_1098 = vector.shape_cast %get3A_1097 : vector<1x1x16xf32> to vector<16xf32>
        %add3A_1099 = arith.constant 16 : i32
        %add3A_1100 = arith.addi %scan3A_650, %add3A_1099 : i32
        %get3A_1101 = arith.constant 1 : i32
        %get3A_1102 = arith.index_cast %get3A_1101 : i32 to index
        %get3A_1103 = arith.index_cast %add3A_1100 : i32 to index
        %get3A_1104 = arith.constant 160 : index
        %get3A_1105 = tpu.vector_load %arg5[%get3A_1102, %get3A_1103, %get3A_1104] {strides = array<i32>} : memref<4x64x256xf32, #tpu.memory_space<vmem>>, vector<1x1x16xf32>,
        %get3A_1106 = vector.shape_cast %get3A_1105 : vector<1x1x16xf32> to vector<16xf32>
        %add3A_1107 = arith.constant 9.99999997E-7 : f32
        %add3A_1108 = vector.broadcast %add3A_1107 : f32 to vector<16xf32>
        %add3A_1109 = arith.addf %get3A_1106, %add3A_1108 : vector<16xf32>
        %add3A_1110 = arith.constant 48 : i32
        %add3A_1111 = arith.addi %scan3A_650, %add3A_1110 : i32
        %get3A_1112 = arith.constant 1 : i32
        %get3A_1113 = arith.index_cast %get3A_1112 : i32 to index
        %get3A_1114 = arith.index_cast %add3A_1111 : i32 to index
        %get3A_1115 = arith.constant 160 : index
        %get3A_1116 = tpu.vector_load %arg5[%get3A_1113, %get3A_1114, %get3A_1115] {strides = array<i32>} : memref<4x64x256xf32, #tpu.memory_space<vmem>>, vector<1x1x16xf32>,
        %get3A_1117 = vector.shape_cast %get3A_1116 : vector<1x1x16xf32> to vector<16xf32>
        %sub3A_1118 = arith.constant 9.99999997E-7 : f32
        %sub3A_1119 = vector.broadcast %sub3A_1118 : f32 to vector<16xf32>
        %sub3A_1120 = arith.subf %get3A_1117, %sub3A_1119 : vector<16xf32>
        %max3A_1121 = arith.maximumf %add3A_1109, %sub3A_1120 : vector<16xf32>
        %sub3A_1122 = arith.subf %max3A_1121, %get3A_1092 : vector<16xf32>
        %max3A_1123 = arith.maximumf %get3A_1098, %sub3A_1122 : vector<16xf32>
        %swap3A_1124 = arith.constant 1 : i32
        %swap3A_1125 = arith.index_cast %swap3A_1124 : i32 to index
        %swap3A_1126 = arith.index_cast %scan3A_650 : i32 to index
        %swap3A_1127 = arith.constant 160 : index
        %swap3A_1128 = tpu.vector_load %arg5[%swap3A_1125, %swap3A_1126, %swap3A_1127] {strides = array<i32>} : memref<4x64x256xf32, #tpu.memory_space<vmem>>, vector<1x1x16xf32>,
        %swap3A_1129 = vector.shape_cast %swap3A_1128 : vector<1x1x16xf32> to vector<16xf32>
        %swap3A_1130 = vector.shape_cast %max3A_1123 : vector<16xf32> to vector<1x1x16xf32>
        tpu.vector_store %arg5[%swap3A_1125, %swap3A_1126, %swap3A_1127], %swap3A_1130 {strides = array<i32>} : memref<4x64x256xf32, #tpu.memory_space<vmem>>, vector<1x1x16xf32>,
        %get3A_1131 = arith.constant 1 : i32
        %get3A_1132 = arith.index_cast %get3A_1131 : i32 to index
        %get3A_1133 = arith.index_cast %scan3A_650 : i32 to index
        %get3A_1134 = arith.constant 176 : index
        %get3A_1135 = tpu.vector_load %arg6[%get3A_1132, %get3A_1133, %get3A_1134] {strides = array<i32>} : memref<4x16x256xf32, #tpu.memory_space<vmem>>, vector<1x1x16xf32>,
        %get3A_1136 = vector.shape_cast %get3A_1135 : vector<1x1x16xf32> to vector<16xf32>
        %get3A_1137 = arith.constant 1 : i32
        %get3A_1138 = arith.index_cast %get3A_1137 : i32 to index
        %get3A_1139 = arith.index_cast %scan3A_650 : i32 to index
        %get3A_1140 = arith.constant 176 : index
        %get3A_1141 = tpu.vector_load %arg5[%get3A_1138, %get3A_1139, %get3A_1140] {strides = array<i32>} : memref<4x64x256xf32, #tpu.memory_space<vmem>>, vector<1x1x16xf32>,
        %get3A_1142 = vector.shape_cast %get3A_1141 : vector<1x1x16xf32> to vector<16xf32>
        %add3A_1143 = arith.constant 16 : i32
        %add3A_1144 = arith.addi %scan3A_650, %add3A_1143 : i32
        %get3A_1145 = arith.constant 1 : i32
        %get3A_1146 = arith.index_cast %get3A_1145 : i32 to index
        %get3A_1147 = arith.index_cast %add3A_1144 : i32 to index
        %get3A_1148 = arith.constant 176 : index
        %get3A_1149 = tpu.vector_load %arg5[%get3A_1146, %get3A_1147, %get3A_1148] {strides = array<i32>} : memref<4x64x256xf32, #tpu.memory_space<vmem>>, vector<1x1x16xf32>,
        %get3A_1150 = vector.shape_cast %get3A_1149 : vector<1x1x16xf32> to vector<16xf32>
        %add3A_1151 = arith.constant 9.99999997E-7 : f32
        %add3A_1152 = vector.broadcast %add3A_1151 : f32 to vector<16xf32>
        %add3A_1153 = arith.addf %get3A_1150, %add3A_1152 : vector<16xf32>
        %add3A_1154 = arith.constant 48 : i32
        %add3A_1155 = arith.addi %scan3A_650, %add3A_1154 : i32
        %get3A_1156 = arith.constant 1 : i32
        %get3A_1157 = arith.index_cast %get3A_1156 : i32 to index
        %get3A_1158 = arith.index_cast %add3A_1155 : i32 to index
        %get3A_1159 = arith.constant 176 : index
        %get3A_1160 = tpu.vector_load %arg5[%get3A_1157, %get3A_1158, %get3A_1159] {strides = array<i32>} : memref<4x64x256xf32, #tpu.memory_space<vmem>>, vector<1x1x16xf32>,
        %get3A_1161 = vector.shape_cast %get3A_1160 : vector<1x1x16xf32> to vector<16xf32>
        %sub3A_1162 = arith.constant 9.99999997E-7 : f32
        %sub3A_1163 = vector.broadcast %sub3A_1162 : f32 to vector<16xf32>
        %sub3A_1164 = arith.subf %get3A_1161, %sub3A_1163 : vector<16xf32>
        %max3A_1165 = arith.maximumf %add3A_1153, %sub3A_1164 : vector<16xf32>
        %sub3A_1166 = arith.subf %max3A_1165, %get3A_1136 : vector<16xf32>
        %max3A_1167 = arith.maximumf %get3A_1142, %sub3A_1166 : vector<16xf32>
        %swap3A_1168 = arith.constant 1 : i32
        %swap3A_1169 = arith.index_cast %swap3A_1168 : i32 to index
        %swap3A_1170 = arith.index_cast %scan3A_650 : i32 to index
        %swap3A_1171 = arith.constant 176 : index
        %swap3A_1172 = tpu.vector_load %arg5[%swap3A_1169, %swap3A_1170, %swap3A_1171] {strides = array<i32>} : memref<4x64x256xf32, #tpu.memory_space<vmem>>, vector<1x1x16xf32>,
        %swap3A_1173 = vector.shape_cast %swap3A_1172 : vector<1x1x16xf32> to vector<16xf32>
        %swap3A_1174 = vector.shape_cast %max3A_1167 : vector<16xf32> to vector<1x1x16xf32>
        tpu.vector_store %arg5[%swap3A_1169, %swap3A_1170, %swap3A_1171], %swap3A_1174 {strides = array<i32>} : memref<4x64x256xf32, #tpu.memory_space<vmem>>, vector<1x1x16xf32>,
        %get3A_1175 = arith.constant 1 : i32
        %get3A_1176 = arith.index_cast %get3A_1175 : i32 to index
        %get3A_1177 = arith.index_cast %scan3A_650 : i32 to index
        %get3A_1178 = arith.constant 192 : index
        %get3A_1179 = tpu.vector_load %arg6[%get3A_1176, %get3A_1177, %get3A_1178] {strides = array<i32>} : memref<4x16x256xf32, #tpu.memory_space<vmem>>, vector<1x1x16xf32>,
        %get3A_1180 = vector.shape_cast %get3A_1179 : vector<1x1x16xf32> to vector<16xf32>
        %get3A_1181 = arith.constant 1 : i32
        %get3A_1182 = arith.index_cast %get3A_1181 : i32 to index
        %get3A_1183 = arith.index_cast %scan3A_650 : i32 to index
        %get3A_1184 = arith.constant 192 : index
        %get3A_1185 = tpu.vector_load %arg5[%get3A_1182, %get3A_1183, %get3A_1184] {strides = array<i32>} : memref<4x64x256xf32, #tpu.memory_space<vmem>>, vector<1x1x16xf32>,
        %get3A_1186 = vector.shape_cast %get3A_1185 : vector<1x1x16xf32> to vector<16xf32>
        %add3A_1187 = arith.constant 16 : i32
        %add3A_1188 = arith.addi %scan3A_650, %add3A_1187 : i32
        %get3A_1189 = arith.constant 1 : i32
        %get3A_1190 = arith.index_cast %get3A_1189 : i32 to index
        %get3A_1191 = arith.index_cast %add3A_1188 : i32 to index
        %get3A_1192 = arith.constant 192 : index
        %get3A_1193 = tpu.vector_load %arg5[%get3A_1190, %get3A_1191, %get3A_1192] {strides = array<i32>} : memref<4x64x256xf32, #tpu.memory_space<vmem>>, vector<1x1x16xf32>,
        %get3A_1194 = vector.shape_cast %get3A_1193 : vector<1x1x16xf32> to vector<16xf32>
        %add3A_1195 = arith.constant 9.99999997E-7 : f32
        %add3A_1196 = vector.broadcast %add3A_1195 : f32 to vector<16xf32>
        %add3A_1197 = arith.addf %get3A_1194, %add3A_1196 : vector<16xf32>
        %add3A_1198 = arith.constant 48 : i32
        %add3A_1199 = arith.addi %scan3A_650, %add3A_1198 : i32
        %get3A_1200 = arith.constant 1 : i32
        %get3A_1201 = arith.index_cast %get3A_1200 : i32 to index
        %get3A_1202 = arith.index_cast %add3A_1199 : i32 to index
        %get3A_1203 = arith.constant 192 : index
        %get3A_1204 = tpu.vector_load %arg5[%get3A_1201, %get3A_1202, %get3A_1203] {strides = array<i32>} : memref<4x64x256xf32, #tpu.memory_space<vmem>>, vector<1x1x16xf32>,
        %get3A_1205 = vector.shape_cast %get3A_1204 : vector<1x1x16xf32> to vector<16xf32>
        %sub3A_1206 = arith.constant 9.99999997E-7 : f32
        %sub3A_1207 = vector.broadcast %sub3A_1206 : f32 to vector<16xf32>
        %sub3A_1208 = arith.subf %get3A_1205, %sub3A_1207 : vector<16xf32>
        %max3A_1209 = arith.maximumf %add3A_1197, %sub3A_1208 : vector<16xf32>
        %sub3A_1210 = arith.subf %max3A_1209, %get3A_1180 : vector<16xf32>
        %max3A_1211 = arith.maximumf %get3A_1186, %sub3A_1210 : vector<16xf32>
        %swap3A_1212 = arith.constant 1 : i32
        %swap3A_1213 = arith.index_cast %swap3A_1212 : i32 to index
        %swap3A_1214 = arith.index_cast %scan3A_650 : i32 to index
        %swap3A_1215 = arith.constant 192 : index
        %swap3A_1216 = tpu.vector_load %arg5[%swap3A_1213, %swap3A_1214, %swap3A_1215] {strides = array<i32>} : memref<4x64x256xf32, #tpu.memory_space<vmem>>, vector<1x1x16xf32>,
        %swap3A_1217 = vector.shape_cast %swap3A_1216 : vector<1x1x16xf32> to vector<16xf32>
        %swap3A_1218 = vector.shape_cast %max3A_1211 : vector<16xf32> to vector<1x1x16xf32>
        tpu.vector_store %arg5[%swap3A_1213, %swap3A_1214, %swap3A_1215], %swap3A_1218 {strides = array<i32>} : memref<4x64x256xf32, #tpu.memory_space<vmem>>, vector<1x1x16xf32>,
        %get3A_1219 = arith.constant 1 : i32
        %get3A_1220 = arith.index_cast %get3A_1219 : i32 to index
        %get3A_1221 = arith.index_cast %scan3A_650 : i32 to index
        %get3A_1222 = arith.constant 208 : index
        %get3A_1223 = tpu.vector_load %arg6[%get3A_1220, %get3A_1221, %get3A_1222] {strides = array<i32>} : memref<4x16x256xf32, #tpu.memory_space<vmem>>, vector<1x1x16xf32>,
        %get3A_1224 = vector.shape_cast %get3A_1223 : vector<1x1x16xf32> to vector<16xf32>
        %get3A_1225 = arith.constant 1 : i32
        %get3A_1226 = arith.index_cast %get3A_1225 : i32 to index
        %get3A_1227 = arith.index_cast %scan3A_650 : i32 to index
        %get3A_1228 = arith.constant 208 : index
        %get3A_1229 = tpu.vector_load %arg5[%get3A_1226, %get3A_1227, %get3A_1228] {strides = array<i32>} : memref<4x64x256xf32, #tpu.memory_space<vmem>>, vector<1x1x16xf32>,
        %get3A_1230 = vector.shape_cast %get3A_1229 : vector<1x1x16xf32> to vector<16xf32>
        %add3A_1231 = arith.constant 16 : i32
        %add3A_1232 = arith.addi %scan3A_650, %add3A_1231 : i32
        %get3A_1233 = arith.constant 1 : i32
        %get3A_1234 = arith.index_cast %get3A_1233 : i32 to index
        %get3A_1235 = arith.index_cast %add3A_1232 : i32 to index
        %get3A_1236 = arith.constant 208 : index
        %get3A_1237 = tpu.vector_load %arg5[%get3A_1234, %get3A_1235, %get3A_1236] {strides = array<i32>} : memref<4x64x256xf32, #tpu.memory_space<vmem>>, vector<1x1x16xf32>,
        %get3A_1238 = vector.shape_cast %get3A_1237 : vector<1x1x16xf32> to vector<16xf32>
        %add3A_1239 = arith.constant 9.99999997E-7 : f32
        %add3A_1240 = vector.broadcast %add3A_1239 : f32 to vector<16xf32>
        %add3A_1241 = arith.addf %get3A_1238, %add3A_1240 : vector<16xf32>
        %add3A_1242 = arith.constant 48 : i32
        %add3A_1243 = arith.addi %scan3A_650, %add3A_1242 : i32
        %get3A_1244 = arith.constant 1 : i32
        %get3A_1245 = arith.index_cast %get3A_1244 : i32 to index
        %get3A_1246 = arith.index_cast %add3A_1243 : i32 to index
        %get3A_1247 = arith.constant 208 : index
        %get3A_1248 = tpu.vector_load %arg5[%get3A_1245, %get3A_1246, %get3A_1247] {strides = array<i32>} : memref<4x64x256xf32, #tpu.memory_space<vmem>>, vector<1x1x16xf32>,
        %get3A_1249 = vector.shape_cast %get3A_1248 : vector<1x1x16xf32> to vector<16xf32>
        %sub3A_1250 = arith.constant 9.99999997E-7 : f32
        %sub3A_1251 = vector.broadcast %sub3A_1250 : f32 to vector<16xf32>
        %sub3A_1252 = arith.subf %get3A_1249, %sub3A_1251 : vector<16xf32>
        %max3A_1253 = arith.maximumf %add3A_1241, %sub3A_1252 : vector<16xf32>
        %sub3A_1254 = arith.subf %max3A_1253, %get3A_1224 : vector<16xf32>
        %max3A_1255 = arith.maximumf %get3A_1230, %sub3A_1254 : vector<16xf32>
        %swap3A_1256 = arith.constant 1 : i32
        %swap3A_1257 = arith.index_cast %swap3A_1256 : i32 to index
        %swap3A_1258 = arith.index_cast %scan3A_650 : i32 to index
        %swap3A_1259 = arith.constant 208 : index
        %swap3A_1260 = tpu.vector_load %arg5[%swap3A_1257, %swap3A_1258, %swap3A_1259] {strides = array<i32>} : memref<4x64x256xf32, #tpu.memory_space<vmem>>, vector<1x1x16xf32>,
        %swap3A_1261 = vector.shape_cast %swap3A_1260 : vector<1x1x16xf32> to vector<16xf32>
        %swap3A_1262 = vector.shape_cast %max3A_1255 : vector<16xf32> to vector<1x1x16xf32>
        tpu.vector_store %arg5[%swap3A_1257, %swap3A_1258, %swap3A_1259], %swap3A_1262 {strides = array<i32>} : memref<4x64x256xf32, #tpu.memory_space<vmem>>, vector<1x1x16xf32>,
        %get3A_1263 = arith.constant 1 : i32
        %get3A_1264 = arith.index_cast %get3A_1263 : i32 to index
        %get3A_1265 = arith.index_cast %scan3A_650 : i32 to index
        %get3A_1266 = arith.constant 224 : index
        %get3A_1267 = tpu.vector_load %arg6[%get3A_1264, %get3A_1265, %get3A_1266] {strides = array<i32>} : memref<4x16x256xf32, #tpu.memory_space<vmem>>, vector<1x1x16xf32>,
        %get3A_1268 = vector.shape_cast %get3A_1267 : vector<1x1x16xf32> to vector<16xf32>
        %get3A_1269 = arith.constant 1 : i32
        %get3A_1270 = arith.index_cast %get3A_1269 : i32 to index
        %get3A_1271 = arith.index_cast %scan3A_650 : i32 to index
        %get3A_1272 = arith.constant 224 : index
        %get3A_1273 = tpu.vector_load %arg5[%get3A_1270, %get3A_1271, %get3A_1272] {strides = array<i32>} : memref<4x64x256xf32, #tpu.memory_space<vmem>>, vector<1x1x16xf32>,
        %get3A_1274 = vector.shape_cast %get3A_1273 : vector<1x1x16xf32> to vector<16xf32>
        %add3A_1275 = arith.constant 16 : i32
        %add3A_1276 = arith.addi %scan3A_650, %add3A_1275 : i32
        %get3A_1277 = arith.constant 1 : i32
        %get3A_1278 = arith.index_cast %get3A_1277 : i32 to index
        %get3A_1279 = arith.index_cast %add3A_1276 : i32 to index
        %get3A_1280 = arith.constant 224 : index
        %get3A_1281 = tpu.vector_load %arg5[%get3A_1278, %get3A_1279, %get3A_1280] {strides = array<i32>} : memref<4x64x256xf32, #tpu.memory_space<vmem>>, vector<1x1x16xf32>,
        %get3A_1282 = vector.shape_cast %get3A_1281 : vector<1x1x16xf32> to vector<16xf32>
        %add3A_1283 = arith.constant 9.99999997E-7 : f32
        %add3A_1284 = vector.broadcast %add3A_1283 : f32 to vector<16xf32>
        %add3A_1285 = arith.addf %get3A_1282, %add3A_1284 : vector<16xf32>
        %add3A_1286 = arith.constant 48 : i32
        %add3A_1287 = arith.addi %scan3A_650, %add3A_1286 : i32
        %get3A_1288 = arith.constant 1 : i32
        %get3A_1289 = arith.index_cast %get3A_1288 : i32 to index
        %get3A_1290 = arith.index_cast %add3A_1287 : i32 to index
        %get3A_1291 = arith.constant 224 : index
        %get3A_1292 = tpu.vector_load %arg5[%get3A_1289, %get3A_1290, %get3A_1291] {strides = array<i32>} : memref<4x64x256xf32, #tpu.memory_space<vmem>>, vector<1x1x16xf32>,
        %get3A_1293 = vector.shape_cast %get3A_1292 : vector<1x1x16xf32> to vector<16xf32>
        %sub3A_1294 = arith.constant 9.99999997E-7 : f32
        %sub3A_1295 = vector.broadcast %sub3A_1294 : f32 to vector<16xf32>
        %sub3A_1296 = arith.subf %get3A_1293, %sub3A_1295 : vector<16xf32>
        %max3A_1297 = arith.maximumf %add3A_1285, %sub3A_1296 : vector<16xf32>
        %sub3A_1298 = arith.subf %max3A_1297, %get3A_1268 : vector<16xf32>
        %max3A_1299 = arith.maximumf %get3A_1274, %sub3A_1298 : vector<16xf32>
        %swap3A_1300 = arith.constant 1 : i32
        %swap3A_1301 = arith.index_cast %swap3A_1300 : i32 to index
        %swap3A_1302 = arith.index_cast %scan3A_650 : i32 to index
        %swap3A_1303 = arith.constant 224 : index
        %swap3A_1304 = tpu.vector_load %arg5[%swap3A_1301, %swap3A_1302, %swap3A_1303] {strides = array<i32>} : memref<4x64x256xf32, #tpu.memory_space<vmem>>, vector<1x1x16xf32>,
        %swap3A_1305 = vector.shape_cast %swap3A_1304 : vector<1x1x16xf32> to vector<16xf32>
        %swap3A_1306 = vector.shape_cast %max3A_1299 : vector<16xf32> to vector<1x1x16xf32>
        tpu.vector_store %arg5[%swap3A_1301, %swap3A_1302, %swap3A_1303], %swap3A_1306 {strides = array<i32>} : memref<4x64x256xf32, #tpu.memory_space<vmem>>, vector<1x1x16xf32>,
        %get3A_1307 = arith.constant 1 : i32
        %get3A_1308 = arith.index_cast %get3A_1307 : i32 to index
        %get3A_1309 = arith.index_cast %scan3A_650 : i32 to index
        %get3A_1310 = arith.constant 240 : index
        %get3A_1311 = tpu.vector_load %arg6[%get3A_1308, %get3A_1309, %get3A_1310] {strides = array<i32>} : memref<4x16x256xf32, #tpu.memory_space<vmem>>, vector<1x1x16xf32>,
        %get3A_1312 = vector.shape_cast %get3A_1311 : vector<1x1x16xf32> to vector<16xf32>
        %get3A_1313 = arith.constant 1 : i32
        %get3A_1314 = arith.index_cast %get3A_1313 : i32 to index
        %get3A_1315 = arith.index_cast %scan3A_650 : i32 to index
        %get3A_1316 = arith.constant 240 : index
        %get3A_1317 = tpu.vector_load %arg5[%get3A_1314, %get3A_1315, %get3A_1316] {strides = array<i32>} : memref<4x64x256xf32, #tpu.memory_space<vmem>>, vector<1x1x16xf32>,
        %get3A_1318 = vector.shape_cast %get3A_1317 : vector<1x1x16xf32> to vector<16xf32>
        %add3A_1319 = arith.constant 16 : i32
        %add3A_1320 = arith.addi %scan3A_650, %add3A_1319 : i32
        %get3A_1321 = arith.constant 1 : i32
        %get3A_1322 = arith.index_cast %get3A_1321 : i32 to index
        %get3A_1323 = arith.index_cast %add3A_1320 : i32 to index
        %get3A_1324 = arith.constant 240 : index
        %get3A_1325 = tpu.vector_load %arg5[%get3A_1322, %get3A_1323, %get3A_1324] {strides = array<i32>} : memref<4x64x256xf32, #tpu.memory_space<vmem>>, vector<1x1x16xf32>,
        %get3A_1326 = vector.shape_cast %get3A_1325 : vector<1x1x16xf32> to vector<16xf32>
        %add3A_1327 = arith.constant 9.99999997E-7 : f32
        %add3A_1328 = vector.broadcast %add3A_1327 : f32 to vector<16xf32>
        %add3A_1329 = arith.addf %get3A_1326, %add3A_1328 : vector<16xf32>
        %add3A_1330 = arith.constant 48 : i32
        %add3A_1331 = arith.addi %scan3A_650, %add3A_1330 : i32
        %get3A_1332 = arith.constant 1 : i32
        %get3A_1333 = arith.index_cast %get3A_1332 : i32 to index
        %get3A_1334 = arith.index_cast %add3A_1331 : i32 to index
        %get3A_1335 = arith.constant 240 : index
        %get3A_1336 = tpu.vector_load %arg5[%get3A_1333, %get3A_1334, %get3A_1335] {strides = array<i32>} : memref<4x64x256xf32, #tpu.memory_space<vmem>>, vector<1x1x16xf32>,
        %get3A_1337 = vector.shape_cast %get3A_1336 : vector<1x1x16xf32> to vector<16xf32>
        %sub3A_1338 = arith.constant 9.99999997E-7 : f32
        %sub3A_1339 = vector.broadcast %sub3A_1338 : f32 to vector<16xf32>
        %sub3A_1340 = arith.subf %get3A_1337, %sub3A_1339 : vector<16xf32>
        %max3A_1341 = arith.maximumf %add3A_1329, %sub3A_1340 : vector<16xf32>
        %sub3A_1342 = arith.subf %max3A_1341, %get3A_1312 : vector<16xf32>
        %max3A_1343 = arith.maximumf %get3A_1318, %sub3A_1342 : vector<16xf32>
        %swap3A_1344 = arith.constant 1 : i32
        %swap3A_1345 = arith.index_cast %swap3A_1344 : i32 to index
        %swap3A_1346 = arith.index_cast %scan3A_650 : i32 to index
        %swap3A_1347 = arith.constant 240 : index
        %swap3A_1348 = tpu.vector_load %arg5[%swap3A_1345, %swap3A_1346, %swap3A_1347] {strides = array<i32>} : memref<4x64x256xf32, #tpu.memory_space<vmem>>, vector<1x1x16xf32>,
        %swap3A_1349 = vector.shape_cast %swap3A_1348 : vector<1x1x16xf32> to vector<16xf32>
        %swap3A_1350 = vector.shape_cast %max3A_1343 : vector<16xf32> to vector<1x1x16xf32>
        tpu.vector_store %arg5[%swap3A_1345, %swap3A_1346, %swap3A_1347], %swap3A_1350 {strides = array<i32>} : memref<4x64x256xf32, #tpu.memory_space<vmem>>, vector<1x1x16xf32>,
      }
      %scan3A_453 = arith.constant 16 : i32
      %add3A_454 = arith.constant 1 : i32
      %add3A_455 = arith.addi %add3A_297, %add3A_454 : i32
      %dma_start3A_456 = arith.constant 1 : i32
      %dma_start3A_457 = arith.constant 0 : i32
      %dma_start3A_458 = arith.constant 0 : i32
      %dma_start3A_459 = tpu.memref_slice %arg5[%dma_start3A_456, %dma_start3A_457, %dma_start3A_458] : memref<4x64x256xf32, #tpu.memory_space<vmem>> -> memref<1x16x256xf32, #tpu.memory_space<vmem>>
      %dma_start3A_460 = tpu.memref_squeeze %dma_start3A_459 : memref<1x16x256xf32, #tpu.memory_space<vmem>> -> memref<16x256xf32, #tpu.memory_space<vmem>>
      %dma_start3A_461 = arith.constant 0 : i32
      %dma_start3A_462 = arith.constant 0 : i32
      %dma_start3A_463 = tpu.memref_slice %arg4[%add3A_455, %dma_start3A_461, %dma_start3A_462] : memref<1024x64x256xf32, #tpu.memory_space<hbm>> -> memref<1x16x256xf32, #tpu.memory_space<hbm>>
      %dma_start3A_464 = tpu.memref_squeeze %dma_start3A_463 : memref<1x16x256xf32, #tpu.memory_space<hbm>> -> memref<16x256xf32, #tpu.memory_space<hbm>>
      %dma_start3A_465 = arith.constant 0 : i32
      %dma_start3A_466 = arith.constant 0 : i32
      %dma_start3A_467 = tpu.memref_slice %arg4[%add3A_455, %dma_start3A_465, %dma_start3A_466] : memref<1024x64x256xf32, #tpu.memory_space<hbm>> -> memref<1x16x256xf32, #tpu.memory_space<hbm>>
      %dma_start3A_468 = tpu.memref_squeeze %dma_start3A_467 : memref<1x16x256xf32, #tpu.memory_space<hbm>> -> memref<16x256xf32, #tpu.memory_space<hbm>>
      %dma_start3A_469 = arith.constant 0 : i32
      %dma_start3A_470 = arith.constant 0 : i32
      %dma_start3A_471 = tpu.memref_slice %arg5[%dma_start3A_456, %dma_start3A_469, %dma_start3A_470] : memref<4x64x256xf32, #tpu.memory_space<vmem>> -> memref<1x16x256xf32, #tpu.memory_space<vmem>>
      %dma_start3A_472 = tpu.memref_squeeze %dma_start3A_471 : memref<1x16x256xf32, #tpu.memory_space<vmem>> -> memref<16x256xf32, #tpu.memory_space<vmem>>
      tpu.enqueue_dma source(%dma_start3A_472 : memref<16x256xf32, #tpu.memory_space<vmem>>) target(%dma_start3A_468 : memref<16x256xf32, #tpu.memory_space<hbm>>) target_semaphore(%arg12 : memref<!tpu.dma_semaphore, #tpu.memory_space<semaphore_mem>>)
      %dma_wait3A_473 = arith.constant 0 : i32
      %dma_wait3A_474 = arith.constant 2 : i32
      %dma_wait3A_475 = arith.constant 0 : i32
      %dma_wait3A_476 = arith.constant 0 : i32
      %dma_wait3A_477 = tpu.memref_slice %arg5[%dma_wait3A_474, %dma_wait3A_475, %dma_wait3A_476] : memref<4x64x256xf32, #tpu.memory_space<vmem>> -> memref<1x64x256xf32, #tpu.memory_space<vmem>>
      %dma_wait3A_478 = tpu.memref_squeeze %dma_wait3A_477 : memref<1x64x256xf32, #tpu.memory_space<vmem>> -> memref<64x256xf32, #tpu.memory_space<vmem>>
      %dma_wait3A_479 = arith.constant 0 : i32
      %dma_wait3A_480 = arith.constant 0 : i32
      %dma_wait3A_481 = tpu.memref_slice %arg2[%dma_wait3A_473, %dma_wait3A_479, %dma_wait3A_480] : memref<1024x64x256xf32, #tpu.memory_space<hbm>> -> memref<1x64x256xf32, #tpu.memory_space<hbm>>
      %dma_wait3A_482 = tpu.memref_squeeze %dma_wait3A_481 : memref<1x64x256xf32, #tpu.memory_space<hbm>> -> memref<64x256xf32, #tpu.memory_space<hbm>>
      %dma_wait3A_483 = arith.constant 0 : i32
      %dma_wait3A_484 = arith.constant 0 : i32
      %dma_wait3A_485 = tpu.memref_slice %arg5[%dma_wait3A_474, %dma_wait3A_483, %dma_wait3A_484] : memref<4x64x256xf32, #tpu.memory_space<vmem>> -> memref<1x64x256xf32, #tpu.memory_space<vmem>>
      %dma_wait3A_486 = tpu.memref_squeeze %dma_wait3A_485 : memref<1x64x256xf32, #tpu.memory_space<vmem>> -> memref<64x256xf32, #tpu.memory_space<vmem>>
      %dma_wait3A_487 = arith.constant 0 : i32
      %dma_wait3A_488 = arith.constant 0 : i32
      %dma_wait3A_489 = tpu.memref_slice %arg2[%dma_wait3A_473, %dma_wait3A_487, %dma_wait3A_488] : memref<1024x64x256xf32, #tpu.memory_space<hbm>> -> memref<1x64x256xf32, #tpu.memory_space<hbm>>
      %dma_wait3A_490 = tpu.memref_squeeze %dma_wait3A_489 : memref<1x64x256xf32, #tpu.memory_space<hbm>> -> memref<64x256xf32, #tpu.memory_space<hbm>>
      tpu.wait_dma2 semaphore(%arg9 : memref<!tpu.dma_semaphore, #tpu.memory_space<semaphore_mem>>) src(%dma_wait3A_490 : memref<64x256xf32, #tpu.memory_space<hbm>>) dst(%dma_wait3A_486 : memref<64x256xf32, #tpu.memory_space<vmem>>)
      %add3A_491 = arith.constant 2 : i32
      %add3A_492 = arith.addi %add3A_297, %add3A_491 : i32
      %dma_start3A_493 = arith.constant 2 : i32
      %dma_start3A_494 = arith.constant 16 : i32
      %dma_start3A_495 = arith.constant 0 : i32
      %dma_start3A_496 = tpu.memref_slice %arg5[%dma_start3A_493, %dma_start3A_494, %dma_start3A_495] : memref<4x64x256xf32, #tpu.memory_space<vmem>> -> memref<1x48x256xf32, #tpu.memory_space<vmem>>
      %dma_start3A_497 = tpu.memref_squeeze %dma_start3A_496 : memref<1x48x256xf32, #tpu.memory_space<vmem>> -> memref<48x256xf32, #tpu.memory_space<vmem>>
      %dma_start3A_498 = arith.constant 16 : i32
      %dma_start3A_499 = arith.constant 0 : i32
      %dma_start3A_500 = tpu.memref_slice %arg4[%add3A_492, %dma_start3A_498, %dma_start3A_499] : memref<1024x64x256xf32, #tpu.memory_space<hbm>> -> memref<1x48x256xf32, #tpu.memory_space<hbm>>
      %dma_start3A_501 = tpu.memref_squeeze %dma_start3A_500 : memref<1x48x256xf32, #tpu.memory_space<hbm>> -> memref<48x256xf32, #tpu.memory_space<hbm>>
      %dma_start3A_502 = arith.constant 16 : i32
      %dma_start3A_503 = arith.constant 0 : i32
      %dma_start3A_504 = tpu.memref_slice %arg4[%add3A_492, %dma_start3A_502, %dma_start3A_503] : memref<1024x64x256xf32, #tpu.memory_space<hbm>> -> memref<1x48x256xf32, #tpu.memory_space<hbm>>
      %dma_start3A_505 = tpu.memref_squeeze %dma_start3A_504 : memref<1x48x256xf32, #tpu.memory_space<hbm>> -> memref<48x256xf32, #tpu.memory_space<hbm>>
      %dma_start3A_506 = arith.constant 16 : i32
      %dma_start3A_507 = arith.constant 0 : i32
      %dma_start3A_508 = tpu.memref_slice %arg5[%dma_start3A_493, %dma_start3A_506, %dma_start3A_507] : memref<4x64x256xf32, #tpu.memory_space<vmem>> -> memref<1x48x256xf32, #tpu.memory_space<vmem>>
      %dma_start3A_509 = tpu.memref_squeeze %dma_start3A_508 : memref<1x48x256xf32, #tpu.memory_space<vmem>> -> memref<48x256xf32, #tpu.memory_space<vmem>>
      tpu.enqueue_dma source(%dma_start3A_509 : memref<48x256xf32, #tpu.memory_space<vmem>>) target(%dma_start3A_505 : memref<48x256xf32, #tpu.memory_space<hbm>>) target_semaphore(%arg13 : memref<!tpu.dma_semaphore, #tpu.memory_space<semaphore_mem>>)
      %lt3A = arith.constant 7 : i32
      %lt3A_510 = arith.cmpi slt, %scan3A_294, %lt3A : i32
      %add3A_511 = arith.constant 2 : i32
      %add3A_512 = arith.addi %add3A_297, %add3A_511 : i32
      %add3A_513 = arith.constant 2 : i32
      %add3A_514 = arith.addi %add3A_512, %add3A_513 : i32
      %convert_element_type3A_515 = arith.extui %lt3A_510 : i1 to i32
      %cond3A_516 = arith.constant 0 : i32
      %cond3A_517 = arith.cmpi ne, %convert_element_type3A_515, %cond3A_516 : i32
      scf.if %cond3A_517 {
        %dma_wait3A_650 = arith.constant 0 : i32
        %dma_wait3A_651 = arith.constant 0 : i32
        %dma_wait3A_652 = arith.constant 16 : i32
        %dma_wait3A_653 = arith.constant 0 : i32
        %dma_wait3A_654 = tpu.memref_slice %arg5[%dma_wait3A_650, %dma_wait3A_652, %dma_wait3A_653] : memref<4x64x256xf32, #tpu.memory_space<vmem>> -> memref<1x48x256xf32, #tpu.memory_space<vmem>>
        %dma_wait3A_655 = tpu.memref_squeeze %dma_wait3A_654 : memref<1x48x256xf32, #tpu.memory_space<vmem>> -> memref<48x256xf32, #tpu.memory_space<vmem>>
        %dma_wait3A_656 = arith.constant 16 : i32
        %dma_wait3A_657 = arith.constant 0 : i32
        %dma_wait3A_658 = tpu.memref_slice %arg4[%dma_wait3A_651, %dma_wait3A_656, %dma_wait3A_657] : memref<1024x64x256xf32, #tpu.memory_space<hbm>> -> memref<1x48x256xf32, #tpu.memory_space<hbm>>
        %dma_wait3A_659 = tpu.memref_squeeze %dma_wait3A_658 : memref<1x48x256xf32, #tpu.memory_space<hbm>> -> memref<48x256xf32, #tpu.memory_space<hbm>>
        %dma_wait3A_660 = arith.constant 16 : i32
        %dma_wait3A_661 = arith.constant 0 : i32
        %dma_wait3A_662 = tpu.memref_slice %arg4[%dma_wait3A_651, %dma_wait3A_660, %dma_wait3A_661] : memref<1024x64x256xf32, #tpu.memory_space<hbm>> -> memref<1x48x256xf32, #tpu.memory_space<hbm>>
        %dma_wait3A_663 = tpu.memref_squeeze %dma_wait3A_662 : memref<1x48x256xf32, #tpu.memory_space<hbm>> -> memref<48x256xf32, #tpu.memory_space<hbm>>
        %dma_wait3A_664 = arith.constant 16 : i32
        %dma_wait3A_665 = arith.constant 0 : i32
        %dma_wait3A_666 = tpu.memref_slice %arg5[%dma_wait3A_650, %dma_wait3A_664, %dma_wait3A_665] : memref<4x64x256xf32, #tpu.memory_space<vmem>> -> memref<1x48x256xf32, #tpu.memory_space<vmem>>
        %dma_wait3A_667 = tpu.memref_squeeze %dma_wait3A_666 : memref<1x48x256xf32, #tpu.memory_space<vmem>> -> memref<48x256xf32, #tpu.memory_space<vmem>>
        tpu.wait_dma2 semaphore(%arg11 : memref<!tpu.dma_semaphore, #tpu.memory_space<semaphore_mem>>) src(%dma_wait3A_667 : memref<48x256xf32, #tpu.memory_space<vmem>>) dst(%dma_wait3A_663 : memref<48x256xf32, #tpu.memory_space<hbm>>)
        %dma_wait3A_668 = arith.constant 0 : i32
        %dma_wait3A_669 = arith.constant 0 : i32
        %dma_wait3A_670 = arith.constant 0 : i32
        %dma_wait3A_671 = arith.constant 0 : i32
        %dma_wait3A_672 = tpu.memref_slice %arg5[%dma_wait3A_668, %dma_wait3A_670, %dma_wait3A_671] : memref<4x64x256xf32, #tpu.memory_space<vmem>> -> memref<1x16x256xf32, #tpu.memory_space<vmem>>
        %dma_wait3A_673 = tpu.memref_squeeze %dma_wait3A_672 : memref<1x16x256xf32, #tpu.memory_space<vmem>> -> memref<16x256xf32, #tpu.memory_space<vmem>>
        %dma_wait3A_674 = arith.constant 0 : i32
        %dma_wait3A_675 = arith.constant 0 : i32
        %dma_wait3A_676 = tpu.memref_slice %arg4[%dma_wait3A_669, %dma_wait3A_674, %dma_wait3A_675] : memref<1024x64x256xf32, #tpu.memory_space<hbm>> -> memref<1x16x256xf32, #tpu.memory_space<hbm>>
        %dma_wait3A_677 = tpu.memref_squeeze %dma_wait3A_676 : memref<1x16x256xf32, #tpu.memory_space<hbm>> -> memref<16x256xf32, #tpu.memory_space<hbm>>
        %dma_wait3A_678 = arith.constant 0 : i32
        %dma_wait3A_679 = arith.constant 0 : i32
        %dma_wait3A_680 = tpu.memref_slice %arg4[%dma_wait3A_669, %dma_wait3A_678, %dma_wait3A_679] : memref<1024x64x256xf32, #tpu.memory_space<hbm>> -> memref<1x16x256xf32, #tpu.memory_space<hbm>>
        %dma_wait3A_681 = tpu.memref_squeeze %dma_wait3A_680 : memref<1x16x256xf32, #tpu.memory_space<hbm>> -> memref<16x256xf32, #tpu.memory_space<hbm>>
        %dma_wait3A_682 = arith.constant 0 : i32
        %dma_wait3A_683 = arith.constant 0 : i32
        %dma_wait3A_684 = tpu.memref_slice %arg5[%dma_wait3A_668, %dma_wait3A_682, %dma_wait3A_683] : memref<4x64x256xf32, #tpu.memory_space<vmem>> -> memref<1x16x256xf32, #tpu.memory_space<vmem>>
        %dma_wait3A_685 = tpu.memref_squeeze %dma_wait3A_684 : memref<1x16x256xf32, #tpu.memory_space<vmem>> -> memref<16x256xf32, #tpu.memory_space<vmem>>
        tpu.wait_dma2 semaphore(%arg11 : memref<!tpu.dma_semaphore, #tpu.memory_space<semaphore_mem>>) src(%dma_wait3A_685 : memref<16x256xf32, #tpu.memory_space<vmem>>) dst(%dma_wait3A_681 : memref<16x256xf32, #tpu.memory_space<hbm>>)
        %dma_start3A_686 = arith.constant 0 : i32
        %dma_start3A_687 = arith.constant 0 : i32
        %dma_start3A_688 = arith.constant 0 : i32
        %dma_start3A_689 = tpu.memref_slice %arg5[%dma_start3A_686, %dma_start3A_687, %dma_start3A_688] : memref<4x64x256xf32, #tpu.memory_space<vmem>> -> memref<1x64x256xf32, #tpu.memory_space<vmem>>
        %dma_start3A_690 = tpu.memref_squeeze %dma_start3A_689 : memref<1x64x256xf32, #tpu.memory_space<vmem>> -> memref<64x256xf32, #tpu.memory_space<vmem>>
        %dma_start3A_691 = arith.constant 0 : i32
        %dma_start3A_692 = arith.constant 0 : i32
        %dma_start3A_693 = tpu.memref_slice %arg2[%add3A_514, %dma_start3A_691, %dma_start3A_692] : memref<1024x64x256xf32, #tpu.memory_space<hbm>> -> memref<1x64x256xf32, #tpu.memory_space<hbm>>
        %dma_start3A_694 = tpu.memref_squeeze %dma_start3A_693 : memref<1x64x256xf32, #tpu.memory_space<hbm>> -> memref<64x256xf32, #tpu.memory_space<hbm>>
        %dma_start3A_695 = arith.constant 0 : i32
        %dma_start3A_696 = arith.constant 0 : i32
        %dma_start3A_697 = tpu.memref_slice %arg5[%dma_start3A_686, %dma_start3A_695, %dma_start3A_696] : memref<4x64x256xf32, #tpu.memory_space<vmem>> -> memref<1x64x256xf32, #tpu.memory_space<vmem>>
        %dma_start3A_698 = tpu.memref_squeeze %dma_start3A_697 : memref<1x64x256xf32, #tpu.memory_space<vmem>> -> memref<64x256xf32, #tpu.memory_space<vmem>>
        %dma_start3A_699 = arith.constant 0 : i32
        %dma_start3A_700 = arith.constant 0 : i32
        %dma_start3A_701 = tpu.memref_slice %arg2[%add3A_514, %dma_start3A_699, %dma_start3A_700] : memref<1024x64x256xf32, #tpu.memory_space<hbm>> -> memref<1x64x256xf32, #tpu.memory_space<hbm>>
        %dma_start3A_702 = tpu.memref_squeeze %dma_start3A_701 : memref<1x64x256xf32, #tpu.memory_space<hbm>> -> memref<64x256xf32, #tpu.memory_space<hbm>>
        tpu.enqueue_dma source(%dma_start3A_702 : memref<64x256xf32, #tpu.memory_space<hbm>>) target(%dma_start3A_698 : memref<64x256xf32, #tpu.memory_space<vmem>>) target_semaphore(%arg7 : memref<!tpu.dma_semaphore, #tpu.memory_space<semaphore_mem>>)
        %dma_start3A_703 = arith.constant 0 : i32
        %dma_start3A_704 = arith.constant 0 : i32
        %dma_start3A_705 = arith.constant 0 : i32
        %dma_start3A_706 = tpu.memref_slice %arg6[%dma_start3A_703, %dma_start3A_704, %dma_start3A_705] : memref<4x16x256xf32, #tpu.memory_space<vmem>> -> memref<1x16x256xf32, #tpu.memory_space<vmem>>
        %dma_start3A_707 = tpu.memref_squeeze %dma_start3A_706 : memref<1x16x256xf32, #tpu.memory_space<vmem>> -> memref<16x256xf32, #tpu.memory_space<vmem>>
        %dma_start3A_708 = arith.constant 32 : i32
        %dma_start3A_709 = arith.constant 0 : i32
        %dma_start3A_710 = tpu.memref_slice %arg3[%add3A_514, %dma_start3A_708, %dma_start3A_709] : memref<1024x64x256xf32, #tpu.memory_space<hbm>> -> memref<1x16x256xf32, #tpu.memory_space<hbm>>
        %dma_start3A_711 = tpu.memref_squeeze %dma_start3A_710 : memref<1x16x256xf32, #tpu.memory_space<hbm>> -> memref<16x256xf32, #tpu.memory_space<hbm>>
        %dma_start3A_712 = arith.constant 0 : i32
        %dma_start3A_713 = arith.constant 0 : i32
        %dma_start3A_714 = tpu.memref_slice %arg6[%dma_start3A_703, %dma_start3A_712, %dma_start3A_713] : memref<4x16x256xf32, #tpu.memory_space<vmem>> -> memref<1x16x256xf32, #tpu.memory_space<vmem>>
        %dma_start3A_715 = tpu.memref_squeeze %dma_start3A_714 : memref<1x16x256xf32, #tpu.memory_space<vmem>> -> memref<16x256xf32, #tpu.memory_space<vmem>>
        %dma_start3A_716 = arith.constant 32 : i32
        %dma_start3A_717 = arith.constant 0 : i32
        %dma_start3A_718 = tpu.memref_slice %arg3[%add3A_514, %dma_start3A_716, %dma_start3A_717] : memref<1024x64x256xf32, #tpu.memory_space<hbm>> -> memref<1x16x256xf32, #tpu.memory_space<hbm>>
        %dma_start3A_719 = tpu.memref_squeeze %dma_start3A_718 : memref<1x16x256xf32, #tpu.memory_space<hbm>> -> memref<16x256xf32, #tpu.memory_space<hbm>>
        tpu.enqueue_dma source(%dma_start3A_719 : memref<16x256xf32, #tpu.memory_space<hbm>>) target(%dma_start3A_715 : memref<16x256xf32, #tpu.memory_space<vmem>>) target_semaphore(%arg7 : memref<!tpu.dma_semaphore, #tpu.memory_space<semaphore_mem>>)
      } else {
      }
      %dma_wait3A_518 = arith.constant 0 : i32
      %dma_wait3A_519 = arith.constant 2 : i32
      %dma_wait3A_520 = arith.constant 0 : i32
      %dma_wait3A_521 = arith.constant 0 : i32
      %dma_wait3A_522 = tpu.memref_slice %arg6[%dma_wait3A_519, %dma_wait3A_520, %dma_wait3A_521] : memref<4x16x256xf32, #tpu.memory_space<vmem>> -> memref<1x16x256xf32, #tpu.memory_space<vmem>>
      %dma_wait3A_523 = tpu.memref_squeeze %dma_wait3A_522 : memref<1x16x256xf32, #tpu.memory_space<vmem>> -> memref<16x256xf32, #tpu.memory_space<vmem>>
      %dma_wait3A_524 = arith.constant 32 : i32
      %dma_wait3A_525 = arith.constant 0 : i32
      %dma_wait3A_526 = tpu.memref_slice %arg3[%dma_wait3A_518, %dma_wait3A_524, %dma_wait3A_525] : memref<1024x64x256xf32, #tpu.memory_space<hbm>> -> memref<1x16x256xf32, #tpu.memory_space<hbm>>
      %dma_wait3A_527 = tpu.memref_squeeze %dma_wait3A_526 : memref<1x16x256xf32, #tpu.memory_space<hbm>> -> memref<16x256xf32, #tpu.memory_space<hbm>>
      %dma_wait3A_528 = arith.constant 0 : i32
      %dma_wait3A_529 = arith.constant 0 : i32
      %dma_wait3A_530 = tpu.memref_slice %arg6[%dma_wait3A_519, %dma_wait3A_528, %dma_wait3A_529] : memref<4x16x256xf32, #tpu.memory_space<vmem>> -> memref<1x16x256xf32, #tpu.memory_space<vmem>>
      %dma_wait3A_531 = tpu.memref_squeeze %dma_wait3A_530 : memref<1x16x256xf32, #tpu.memory_space<vmem>> -> memref<16x256xf32, #tpu.memory_space<vmem>>
      %dma_wait3A_532 = arith.constant 32 : i32
      %dma_wait3A_533 = arith.constant 0 : i32
      %dma_wait3A_534 = tpu.memref_slice %arg3[%dma_wait3A_518, %dma_wait3A_532, %dma_wait3A_533] : memref<1024x64x256xf32, #tpu.memory_space<hbm>> -> memref<1x16x256xf32, #tpu.memory_space<hbm>>
      %dma_wait3A_535 = tpu.memref_squeeze %dma_wait3A_534 : memref<1x16x256xf32, #tpu.memory_space<hbm>> -> memref<16x256xf32, #tpu.memory_space<hbm>>
      tpu.wait_dma2 semaphore(%arg9 : memref<!tpu.dma_semaphore, #tpu.memory_space<semaphore_mem>>) src(%dma_wait3A_535 : memref<16x256xf32, #tpu.memory_space<hbm>>) dst(%dma_wait3A_531 : memref<16x256xf32, #tpu.memory_space<vmem>>)
      %scan3A_536 = arith.constant 0 : i32
      %scan3A_537 = arith.constant 0 : i32
      %scan3A_538 = arith.constant 16 : i32
      %scan3A_539 = arith.addi %scan3A_537, %scan3A_538 : i32
      %scan3A_540 = arith.constant 1 : i32
      scf.for %scan3A_650 = %scan3A_537 to %scan3A_539 step %scan3A_540  : i32 {
        %get3A = arith.constant 2 : i32
        %get3A_651 = arith.index_cast %get3A : i32 to index
        %get3A_652 = arith.index_cast %scan3A_650 : i32 to index
        %get3A_653 = arith.constant 0 : index
        %get3A_654 = tpu.vector_load %arg6[%get3A_651, %get3A_652, %get3A_653] {strides = array<i32>} : memref<4x16x256xf32, #tpu.memory_space<vmem>>, vector<1x1x16xf32>,
        %get3A_655 = vector.shape_cast %get3A_654 : vector<1x1x16xf32> to vector<16xf32>
        %get3A_656 = arith.constant 2 : i32
        %get3A_657 = arith.index_cast %get3A_656 : i32 to index
        %get3A_658 = arith.index_cast %scan3A_650 : i32 to index
        %get3A_659 = arith.constant 0 : index
        %get3A_660 = tpu.vector_load %arg5[%get3A_657, %get3A_658, %get3A_659] {strides = array<i32>} : memref<4x64x256xf32, #tpu.memory_space<vmem>>, vector<1x1x16xf32>,
        %get3A_661 = vector.shape_cast %get3A_660 : vector<1x1x16xf32> to vector<16xf32>
        %add3A_662 = arith.constant 16 : i32
        %add3A_663 = arith.addi %scan3A_650, %add3A_662 : i32
        %get3A_664 = arith.constant 2 : i32
        %get3A_665 = arith.index_cast %get3A_664 : i32 to index
        %get3A_666 = arith.index_cast %add3A_663 : i32 to index
        %get3A_667 = arith.constant 0 : index
        %get3A_668 = tpu.vector_load %arg5[%get3A_665, %get3A_666, %get3A_667] {strides = array<i32>} : memref<4x64x256xf32, #tpu.memory_space<vmem>>, vector<1x1x16xf32>,
        %get3A_669 = vector.shape_cast %get3A_668 : vector<1x1x16xf32> to vector<16xf32>
        %add3A_670 = arith.constant 9.99999997E-7 : f32
        %add3A_671 = vector.broadcast %add3A_670 : f32 to vector<16xf32>
        %add3A_672 = arith.addf %get3A_669, %add3A_671 : vector<16xf32>
        %add3A_673 = arith.constant 48 : i32
        %add3A_674 = arith.addi %scan3A_650, %add3A_673 : i32
        %get3A_675 = arith.constant 2 : i32
        %get3A_676 = arith.index_cast %get3A_675 : i32 to index
        %get3A_677 = arith.index_cast %add3A_674 : i32 to index
        %get3A_678 = arith.constant 0 : index
        %get3A_679 = tpu.vector_load %arg5[%get3A_676, %get3A_677, %get3A_678] {strides = array<i32>} : memref<4x64x256xf32, #tpu.memory_space<vmem>>, vector<1x1x16xf32>,
        %get3A_680 = vector.shape_cast %get3A_679 : vector<1x1x16xf32> to vector<16xf32>
        %sub3A = arith.constant 9.99999997E-7 : f32
        %sub3A_681 = vector.broadcast %sub3A : f32 to vector<16xf32>
        %sub3A_682 = arith.subf %get3A_680, %sub3A_681 : vector<16xf32>
        %max3A = arith.maximumf %add3A_672, %sub3A_682 : vector<16xf32>
        %sub3A_683 = arith.subf %max3A, %get3A_655 : vector<16xf32>
        %max3A_684 = arith.maximumf %get3A_661, %sub3A_683 : vector<16xf32>
        %swap3A = arith.constant 2 : i32
        %swap3A_685 = arith.index_cast %swap3A : i32 to index
        %swap3A_686 = arith.index_cast %scan3A_650 : i32 to index
        %swap3A_687 = arith.constant 0 : index
        %swap3A_688 = tpu.vector_load %arg5[%swap3A_685, %swap3A_686, %swap3A_687] {strides = array<i32>} : memref<4x64x256xf32, #tpu.memory_space<vmem>>, vector<1x1x16xf32>,
        %swap3A_689 = vector.shape_cast %swap3A_688 : vector<1x1x16xf32> to vector<16xf32>
        %swap3A_690 = vector.shape_cast %max3A_684 : vector<16xf32> to vector<1x1x16xf32>
        tpu.vector_store %arg5[%swap3A_685, %swap3A_686, %swap3A_687], %swap3A_690 {strides = array<i32>} : memref<4x64x256xf32, #tpu.memory_space<vmem>>, vector<1x1x16xf32>,
        %get3A_691 = arith.constant 2 : i32
        %get3A_692 = arith.index_cast %get3A_691 : i32 to index
        %get3A_693 = arith.index_cast %scan3A_650 : i32 to index
        %get3A_694 = arith.constant 16 : index
        %get3A_695 = tpu.vector_load %arg6[%get3A_692, %get3A_693, %get3A_694] {strides = array<i32>} : memref<4x16x256xf32, #tpu.memory_space<vmem>>, vector<1x1x16xf32>,
        %get3A_696 = vector.shape_cast %get3A_695 : vector<1x1x16xf32> to vector<16xf32>
        %get3A_697 = arith.constant 2 : i32
        %get3A_698 = arith.index_cast %get3A_697 : i32 to index
        %get3A_699 = arith.index_cast %scan3A_650 : i32 to index
        %get3A_700 = arith.constant 16 : index
        %get3A_701 = tpu.vector_load %arg5[%get3A_698, %get3A_699, %get3A_700] {strides = array<i32>} : memref<4x64x256xf32, #tpu.memory_space<vmem>>, vector<1x1x16xf32>,
        %get3A_702 = vector.shape_cast %get3A_701 : vector<1x1x16xf32> to vector<16xf32>
        %add3A_703 = arith.constant 16 : i32
        %add3A_704 = arith.addi %scan3A_650, %add3A_703 : i32
        %get3A_705 = arith.constant 2 : i32
        %get3A_706 = arith.index_cast %get3A_705 : i32 to index
        %get3A_707 = arith.index_cast %add3A_704 : i32 to index
        %get3A_708 = arith.constant 16 : index
        %get3A_709 = tpu.vector_load %arg5[%get3A_706, %get3A_707, %get3A_708] {strides = array<i32>} : memref<4x64x256xf32, #tpu.memory_space<vmem>>, vector<1x1x16xf32>,
        %get3A_710 = vector.shape_cast %get3A_709 : vector<1x1x16xf32> to vector<16xf32>
        %add3A_711 = arith.constant 9.99999997E-7 : f32
        %add3A_712 = vector.broadcast %add3A_711 : f32 to vector<16xf32>
        %add3A_713 = arith.addf %get3A_710, %add3A_712 : vector<16xf32>
        %add3A_714 = arith.constant 48 : i32
        %add3A_715 = arith.addi %scan3A_650, %add3A_714 : i32
        %get3A_716 = arith.constant 2 : i32
        %get3A_717 = arith.index_cast %get3A_716 : i32 to index
        %get3A_718 = arith.index_cast %add3A_715 : i32 to index
        %get3A_719 = arith.constant 16 : index
        %get3A_720 = tpu.vector_load %arg5[%get3A_717, %get3A_718, %get3A_719] {strides = array<i32>} : memref<4x64x256xf32, #tpu.memory_space<vmem>>, vector<1x1x16xf32>,
        %get3A_721 = vector.shape_cast %get3A_720 : vector<1x1x16xf32> to vector<16xf32>
        %sub3A_722 = arith.constant 9.99999997E-7 : f32
        %sub3A_723 = vector.broadcast %sub3A_722 : f32 to vector<16xf32>
        %sub3A_724 = arith.subf %get3A_721, %sub3A_723 : vector<16xf32>
        %max3A_725 = arith.maximumf %add3A_713, %sub3A_724 : vector<16xf32>
        %sub3A_726 = arith.subf %max3A_725, %get3A_696 : vector<16xf32>
        %max3A_727 = arith.maximumf %get3A_702, %sub3A_726 : vector<16xf32>
        %swap3A_728 = arith.constant 2 : i32
        %swap3A_729 = arith.index_cast %swap3A_728 : i32 to index
        %swap3A_730 = arith.index_cast %scan3A_650 : i32 to index
        %swap3A_731 = arith.constant 16 : index
        %swap3A_732 = tpu.vector_load %arg5[%swap3A_729, %swap3A_730, %swap3A_731] {strides = array<i32>} : memref<4x64x256xf32, #tpu.memory_space<vmem>>, vector<1x1x16xf32>,
        %swap3A_733 = vector.shape_cast %swap3A_732 : vector<1x1x16xf32> to vector<16xf32>
        %swap3A_734 = vector.shape_cast %max3A_727 : vector<16xf32> to vector<1x1x16xf32>
        tpu.vector_store %arg5[%swap3A_729, %swap3A_730, %swap3A_731], %swap3A_734 {strides = array<i32>} : memref<4x64x256xf32, #tpu.memory_space<vmem>>, vector<1x1x16xf32>,
        %get3A_735 = arith.constant 2 : i32
        %get3A_736 = arith.index_cast %get3A_735 : i32 to index
        %get3A_737 = arith.index_cast %scan3A_650 : i32 to index
        %get3A_738 = arith.constant 32 : index
        %get3A_739 = tpu.vector_load %arg6[%get3A_736, %get3A_737, %get3A_738] {strides = array<i32>} : memref<4x16x256xf32, #tpu.memory_space<vmem>>, vector<1x1x16xf32>,
        %get3A_740 = vector.shape_cast %get3A_739 : vector<1x1x16xf32> to vector<16xf32>
        %get3A_741 = arith.constant 2 : i32
        %get3A_742 = arith.index_cast %get3A_741 : i32 to index
        %get3A_743 = arith.index_cast %scan3A_650 : i32 to index
        %get3A_744 = arith.constant 32 : index
        %get3A_745 = tpu.vector_load %arg5[%get3A_742, %get3A_743, %get3A_744] {strides = array<i32>} : memref<4x64x256xf32, #tpu.memory_space<vmem>>, vector<1x1x16xf32>,
        %get3A_746 = vector.shape_cast %get3A_745 : vector<1x1x16xf32> to vector<16xf32>
        %add3A_747 = arith.constant 16 : i32
        %add3A_748 = arith.addi %scan3A_650, %add3A_747 : i32
        %get3A_749 = arith.constant 2 : i32
        %get3A_750 = arith.index_cast %get3A_749 : i32 to index
        %get3A_751 = arith.index_cast %add3A_748 : i32 to index
        %get3A_752 = arith.constant 32 : index
        %get3A_753 = tpu.vector_load %arg5[%get3A_750, %get3A_751, %get3A_752] {strides = array<i32>} : memref<4x64x256xf32, #tpu.memory_space<vmem>>, vector<1x1x16xf32>,
        %get3A_754 = vector.shape_cast %get3A_753 : vector<1x1x16xf32> to vector<16xf32>
        %add3A_755 = arith.constant 9.99999997E-7 : f32
        %add3A_756 = vector.broadcast %add3A_755 : f32 to vector<16xf32>
        %add3A_757 = arith.addf %get3A_754, %add3A_756 : vector<16xf32>
        %add3A_758 = arith.constant 48 : i32
        %add3A_759 = arith.addi %scan3A_650, %add3A_758 : i32
        %get3A_760 = arith.constant 2 : i32
        %get3A_761 = arith.index_cast %get3A_760 : i32 to index
        %get3A_762 = arith.index_cast %add3A_759 : i32 to index
        %get3A_763 = arith.constant 32 : index
        %get3A_764 = tpu.vector_load %arg5[%get3A_761, %get3A_762, %get3A_763] {strides = array<i32>} : memref<4x64x256xf32, #tpu.memory_space<vmem>>, vector<1x1x16xf32>,
        %get3A_765 = vector.shape_cast %get3A_764 : vector<1x1x16xf32> to vector<16xf32>
        %sub3A_766 = arith.constant 9.99999997E-7 : f32
        %sub3A_767 = vector.broadcast %sub3A_766 : f32 to vector<16xf32>
        %sub3A_768 = arith.subf %get3A_765, %sub3A_767 : vector<16xf32>
        %max3A_769 = arith.maximumf %add3A_757, %sub3A_768 : vector<16xf32>
        %sub3A_770 = arith.subf %max3A_769, %get3A_740 : vector<16xf32>
        %max3A_771 = arith.maximumf %get3A_746, %sub3A_770 : vector<16xf32>
        %swap3A_772 = arith.constant 2 : i32
        %swap3A_773 = arith.index_cast %swap3A_772 : i32 to index
        %swap3A_774 = arith.index_cast %scan3A_650 : i32 to index
        %swap3A_775 = arith.constant 32 : index
        %swap3A_776 = tpu.vector_load %arg5[%swap3A_773, %swap3A_774, %swap3A_775] {strides = array<i32>} : memref<4x64x256xf32, #tpu.memory_space<vmem>>, vector<1x1x16xf32>,
        %swap3A_777 = vector.shape_cast %swap3A_776 : vector<1x1x16xf32> to vector<16xf32>
        %swap3A_778 = vector.shape_cast %max3A_771 : vector<16xf32> to vector<1x1x16xf32>
        tpu.vector_store %arg5[%swap3A_773, %swap3A_774, %swap3A_775], %swap3A_778 {strides = array<i32>} : memref<4x64x256xf32, #tpu.memory_space<vmem>>, vector<1x1x16xf32>,
        %get3A_779 = arith.constant 2 : i32
        %get3A_780 = arith.index_cast %get3A_779 : i32 to index
        %get3A_781 = arith.index_cast %scan3A_650 : i32 to index
        %get3A_782 = arith.constant 48 : index
        %get3A_783 = tpu.vector_load %arg6[%get3A_780, %get3A_781, %get3A_782] {strides = array<i32>} : memref<4x16x256xf32, #tpu.memory_space<vmem>>, vector<1x1x16xf32>,
        %get3A_784 = vector.shape_cast %get3A_783 : vector<1x1x16xf32> to vector<16xf32>
        %get3A_785 = arith.constant 2 : i32
        %get3A_786 = arith.index_cast %get3A_785 : i32 to index
        %get3A_787 = arith.index_cast %scan3A_650 : i32 to index
        %get3A_788 = arith.constant 48 : index
        %get3A_789 = tpu.vector_load %arg5[%get3A_786, %get3A_787, %get3A_788] {strides = array<i32>} : memref<4x64x256xf32, #tpu.memory_space<vmem>>, vector<1x1x16xf32>,
        %get3A_790 = vector.shape_cast %get3A_789 : vector<1x1x16xf32> to vector<16xf32>
        %add3A_791 = arith.constant 16 : i32
        %add3A_792 = arith.addi %scan3A_650, %add3A_791 : i32
        %get3A_793 = arith.constant 2 : i32
        %get3A_794 = arith.index_cast %get3A_793 : i32 to index
        %get3A_795 = arith.index_cast %add3A_792 : i32 to index
        %get3A_796 = arith.constant 48 : index
        %get3A_797 = tpu.vector_load %arg5[%get3A_794, %get3A_795, %get3A_796] {strides = array<i32>} : memref<4x64x256xf32, #tpu.memory_space<vmem>>, vector<1x1x16xf32>,
        %get3A_798 = vector.shape_cast %get3A_797 : vector<1x1x16xf32> to vector<16xf32>
        %add3A_799 = arith.constant 9.99999997E-7 : f32
        %add3A_800 = vector.broadcast %add3A_799 : f32 to vector<16xf32>
        %add3A_801 = arith.addf %get3A_798, %add3A_800 : vector<16xf32>
        %add3A_802 = arith.constant 48 : i32
        %add3A_803 = arith.addi %scan3A_650, %add3A_802 : i32
        %get3A_804 = arith.constant 2 : i32
        %get3A_805 = arith.index_cast %get3A_804 : i32 to index
        %get3A_806 = arith.index_cast %add3A_803 : i32 to index
        %get3A_807 = arith.constant 48 : index
        %get3A_808 = tpu.vector_load %arg5[%get3A_805, %get3A_806, %get3A_807] {strides = array<i32>} : memref<4x64x256xf32, #tpu.memory_space<vmem>>, vector<1x1x16xf32>,
        %get3A_809 = vector.shape_cast %get3A_808 : vector<1x1x16xf32> to vector<16xf32>
        %sub3A_810 = arith.constant 9.99999997E-7 : f32
        %sub3A_811 = vector.broadcast %sub3A_810 : f32 to vector<16xf32>
        %sub3A_812 = arith.subf %get3A_809, %sub3A_811 : vector<16xf32>
        %max3A_813 = arith.maximumf %add3A_801, %sub3A_812 : vector<16xf32>
        %sub3A_814 = arith.subf %max3A_813, %get3A_784 : vector<16xf32>
        %max3A_815 = arith.maximumf %get3A_790, %sub3A_814 : vector<16xf32>
        %swap3A_816 = arith.constant 2 : i32
        %swap3A_817 = arith.index_cast %swap3A_816 : i32 to index
        %swap3A_818 = arith.index_cast %scan3A_650 : i32 to index
        %swap3A_819 = arith.constant 48 : index
        %swap3A_820 = tpu.vector_load %arg5[%swap3A_817, %swap3A_818, %swap3A_819] {strides = array<i32>} : memref<4x64x256xf32, #tpu.memory_space<vmem>>, vector<1x1x16xf32>,
        %swap3A_821 = vector.shape_cast %swap3A_820 : vector<1x1x16xf32> to vector<16xf32>
        %swap3A_822 = vector.shape_cast %max3A_815 : vector<16xf32> to vector<1x1x16xf32>
        tpu.vector_store %arg5[%swap3A_817, %swap3A_818, %swap3A_819], %swap3A_822 {strides = array<i32>} : memref<4x64x256xf32, #tpu.memory_space<vmem>>, vector<1x1x16xf32>,
        %get3A_823 = arith.constant 2 : i32
        %get3A_824 = arith.index_cast %get3A_823 : i32 to index
        %get3A_825 = arith.index_cast %scan3A_650 : i32 to index
        %get3A_826 = arith.constant 64 : index
        %get3A_827 = tpu.vector_load %arg6[%get3A_824, %get3A_825, %get3A_826] {strides = array<i32>} : memref<4x16x256xf32, #tpu.memory_space<vmem>>, vector<1x1x16xf32>,
        %get3A_828 = vector.shape_cast %get3A_827 : vector<1x1x16xf32> to vector<16xf32>
        %get3A_829 = arith.constant 2 : i32
        %get3A_830 = arith.index_cast %get3A_829 : i32 to index
        %get3A_831 = arith.index_cast %scan3A_650 : i32 to index
        %get3A_832 = arith.constant 64 : index
        %get3A_833 = tpu.vector_load %arg5[%get3A_830, %get3A_831, %get3A_832] {strides = array<i32>} : memref<4x64x256xf32, #tpu.memory_space<vmem>>, vector<1x1x16xf32>,
        %get3A_834 = vector.shape_cast %get3A_833 : vector<1x1x16xf32> to vector<16xf32>
        %add3A_835 = arith.constant 16 : i32
        %add3A_836 = arith.addi %scan3A_650, %add3A_835 : i32
        %get3A_837 = arith.constant 2 : i32
        %get3A_838 = arith.index_cast %get3A_837 : i32 to index
        %get3A_839 = arith.index_cast %add3A_836 : i32 to index
        %get3A_840 = arith.constant 64 : index
        %get3A_841 = tpu.vector_load %arg5[%get3A_838, %get3A_839, %get3A_840] {strides = array<i32>} : memref<4x64x256xf32, #tpu.memory_space<vmem>>, vector<1x1x16xf32>,
        %get3A_842 = vector.shape_cast %get3A_841 : vector<1x1x16xf32> to vector<16xf32>
        %add3A_843 = arith.constant 9.99999997E-7 : f32
        %add3A_844 = vector.broadcast %add3A_843 : f32 to vector<16xf32>
        %add3A_845 = arith.addf %get3A_842, %add3A_844 : vector<16xf32>
        %add3A_846 = arith.constant 48 : i32
        %add3A_847 = arith.addi %scan3A_650, %add3A_846 : i32
        %get3A_848 = arith.constant 2 : i32
        %get3A_849 = arith.index_cast %get3A_848 : i32 to index
        %get3A_850 = arith.index_cast %add3A_847 : i32 to index
        %get3A_851 = arith.constant 64 : index
        %get3A_852 = tpu.vector_load %arg5[%get3A_849, %get3A_850, %get3A_851] {strides = array<i32>} : memref<4x64x256xf32, #tpu.memory_space<vmem>>, vector<1x1x16xf32>,
        %get3A_853 = vector.shape_cast %get3A_852 : vector<1x1x16xf32> to vector<16xf32>
        %sub3A_854 = arith.constant 9.99999997E-7 : f32
        %sub3A_855 = vector.broadcast %sub3A_854 : f32 to vector<16xf32>
        %sub3A_856 = arith.subf %get3A_853, %sub3A_855 : vector<16xf32>
        %max3A_857 = arith.maximumf %add3A_845, %sub3A_856 : vector<16xf32>
        %sub3A_858 = arith.subf %max3A_857, %get3A_828 : vector<16xf32>
        %max3A_859 = arith.maximumf %get3A_834, %sub3A_858 : vector<16xf32>
        %swap3A_860 = arith.constant 2 : i32
        %swap3A_861 = arith.index_cast %swap3A_860 : i32 to index
        %swap3A_862 = arith.index_cast %scan3A_650 : i32 to index
        %swap3A_863 = arith.constant 64 : index
        %swap3A_864 = tpu.vector_load %arg5[%swap3A_861, %swap3A_862, %swap3A_863] {strides = array<i32>} : memref<4x64x256xf32, #tpu.memory_space<vmem>>, vector<1x1x16xf32>,
        %swap3A_865 = vector.shape_cast %swap3A_864 : vector<1x1x16xf32> to vector<16xf32>
        %swap3A_866 = vector.shape_cast %max3A_859 : vector<16xf32> to vector<1x1x16xf32>
        tpu.vector_store %arg5[%swap3A_861, %swap3A_862, %swap3A_863], %swap3A_866 {strides = array<i32>} : memref<4x64x256xf32, #tpu.memory_space<vmem>>, vector<1x1x16xf32>,
        %get3A_867 = arith.constant 2 : i32
        %get3A_868 = arith.index_cast %get3A_867 : i32 to index
        %get3A_869 = arith.index_cast %scan3A_650 : i32 to index
        %get3A_870 = arith.constant 80 : index
        %get3A_871 = tpu.vector_load %arg6[%get3A_868, %get3A_869, %get3A_870] {strides = array<i32>} : memref<4x16x256xf32, #tpu.memory_space<vmem>>, vector<1x1x16xf32>,
        %get3A_872 = vector.shape_cast %get3A_871 : vector<1x1x16xf32> to vector<16xf32>
        %get3A_873 = arith.constant 2 : i32
        %get3A_874 = arith.index_cast %get3A_873 : i32 to index
        %get3A_875 = arith.index_cast %scan3A_650 : i32 to index
        %get3A_876 = arith.constant 80 : index
        %get3A_877 = tpu.vector_load %arg5[%get3A_874, %get3A_875, %get3A_876] {strides = array<i32>} : memref<4x64x256xf32, #tpu.memory_space<vmem>>, vector<1x1x16xf32>,
        %get3A_878 = vector.shape_cast %get3A_877 : vector<1x1x16xf32> to vector<16xf32>
        %add3A_879 = arith.constant 16 : i32
        %add3A_880 = arith.addi %scan3A_650, %add3A_879 : i32
        %get3A_881 = arith.constant 2 : i32
        %get3A_882 = arith.index_cast %get3A_881 : i32 to index
        %get3A_883 = arith.index_cast %add3A_880 : i32 to index
        %get3A_884 = arith.constant 80 : index
        %get3A_885 = tpu.vector_load %arg5[%get3A_882, %get3A_883, %get3A_884] {strides = array<i32>} : memref<4x64x256xf32, #tpu.memory_space<vmem>>, vector<1x1x16xf32>,
        %get3A_886 = vector.shape_cast %get3A_885 : vector<1x1x16xf32> to vector<16xf32>
        %add3A_887 = arith.constant 9.99999997E-7 : f32
        %add3A_888 = vector.broadcast %add3A_887 : f32 to vector<16xf32>
        %add3A_889 = arith.addf %get3A_886, %add3A_888 : vector<16xf32>
        %add3A_890 = arith.constant 48 : i32
        %add3A_891 = arith.addi %scan3A_650, %add3A_890 : i32
        %get3A_892 = arith.constant 2 : i32
        %get3A_893 = arith.index_cast %get3A_892 : i32 to index
        %get3A_894 = arith.index_cast %add3A_891 : i32 to index
        %get3A_895 = arith.constant 80 : index
        %get3A_896 = tpu.vector_load %arg5[%get3A_893, %get3A_894, %get3A_895] {strides = array<i32>} : memref<4x64x256xf32, #tpu.memory_space<vmem>>, vector<1x1x16xf32>,
        %get3A_897 = vector.shape_cast %get3A_896 : vector<1x1x16xf32> to vector<16xf32>
        %sub3A_898 = arith.constant 9.99999997E-7 : f32
        %sub3A_899 = vector.broadcast %sub3A_898 : f32 to vector<16xf32>
        %sub3A_900 = arith.subf %get3A_897, %sub3A_899 : vector<16xf32>
        %max3A_901 = arith.maximumf %add3A_889, %sub3A_900 : vector<16xf32>
        %sub3A_902 = arith.subf %max3A_901, %get3A_872 : vector<16xf32>
        %max3A_903 = arith.maximumf %get3A_878, %sub3A_902 : vector<16xf32>
        %swap3A_904 = arith.constant 2 : i32
        %swap3A_905 = arith.index_cast %swap3A_904 : i32 to index
        %swap3A_906 = arith.index_cast %scan3A_650 : i32 to index
        %swap3A_907 = arith.constant 80 : index
        %swap3A_908 = tpu.vector_load %arg5[%swap3A_905, %swap3A_906, %swap3A_907] {strides = array<i32>} : memref<4x64x256xf32, #tpu.memory_space<vmem>>, vector<1x1x16xf32>,
        %swap3A_909 = vector.shape_cast %swap3A_908 : vector<1x1x16xf32> to vector<16xf32>
        %swap3A_910 = vector.shape_cast %max3A_903 : vector<16xf32> to vector<1x1x16xf32>
        tpu.vector_store %arg5[%swap3A_905, %swap3A_906, %swap3A_907], %swap3A_910 {strides = array<i32>} : memref<4x64x256xf32, #tpu.memory_space<vmem>>, vector<1x1x16xf32>,
        %get3A_911 = arith.constant 2 : i32
        %get3A_912 = arith.index_cast %get3A_911 : i32 to index
        %get3A_913 = arith.index_cast %scan3A_650 : i32 to index
        %get3A_914 = arith.constant 96 : index
        %get3A_915 = tpu.vector_load %arg6[%get3A_912, %get3A_913, %get3A_914] {strides = array<i32>} : memref<4x16x256xf32, #tpu.memory_space<vmem>>, vector<1x1x16xf32>,
        %get3A_916 = vector.shape_cast %get3A_915 : vector<1x1x16xf32> to vector<16xf32>
        %get3A_917 = arith.constant 2 : i32
        %get3A_918 = arith.index_cast %get3A_917 : i32 to index
        %get3A_919 = arith.index_cast %scan3A_650 : i32 to index
        %get3A_920 = arith.constant 96 : index
        %get3A_921 = tpu.vector_load %arg5[%get3A_918, %get3A_919, %get3A_920] {strides = array<i32>} : memref<4x64x256xf32, #tpu.memory_space<vmem>>, vector<1x1x16xf32>,
        %get3A_922 = vector.shape_cast %get3A_921 : vector<1x1x16xf32> to vector<16xf32>
        %add3A_923 = arith.constant 16 : i32
        %add3A_924 = arith.addi %scan3A_650, %add3A_923 : i32
        %get3A_925 = arith.constant 2 : i32
        %get3A_926 = arith.index_cast %get3A_925 : i32 to index
        %get3A_927 = arith.index_cast %add3A_924 : i32 to index
        %get3A_928 = arith.constant 96 : index
        %get3A_929 = tpu.vector_load %arg5[%get3A_926, %get3A_927, %get3A_928] {strides = array<i32>} : memref<4x64x256xf32, #tpu.memory_space<vmem>>, vector<1x1x16xf32>,
        %get3A_930 = vector.shape_cast %get3A_929 : vector<1x1x16xf32> to vector<16xf32>
        %add3A_931 = arith.constant 9.99999997E-7 : f32
        %add3A_932 = vector.broadcast %add3A_931 : f32 to vector<16xf32>
        %add3A_933 = arith.addf %get3A_930, %add3A_932 : vector<16xf32>
        %add3A_934 = arith.constant 48 : i32
        %add3A_935 = arith.addi %scan3A_650, %add3A_934 : i32
        %get3A_936 = arith.constant 2 : i32
        %get3A_937 = arith.index_cast %get3A_936 : i32 to index
        %get3A_938 = arith.index_cast %add3A_935 : i32 to index
        %get3A_939 = arith.constant 96 : index
        %get3A_940 = tpu.vector_load %arg5[%get3A_937, %get3A_938, %get3A_939] {strides = array<i32>} : memref<4x64x256xf32, #tpu.memory_space<vmem>>, vector<1x1x16xf32>,
        %get3A_941 = vector.shape_cast %get3A_940 : vector<1x1x16xf32> to vector<16xf32>
        %sub3A_942 = arith.constant 9.99999997E-7 : f32
        %sub3A_943 = vector.broadcast %sub3A_942 : f32 to vector<16xf32>
        %sub3A_944 = arith.subf %get3A_941, %sub3A_943 : vector<16xf32>
        %max3A_945 = arith.maximumf %add3A_933, %sub3A_944 : vector<16xf32>
        %sub3A_946 = arith.subf %max3A_945, %get3A_916 : vector<16xf32>
        %max3A_947 = arith.maximumf %get3A_922, %sub3A_946 : vector<16xf32>
        %swap3A_948 = arith.constant 2 : i32
        %swap3A_949 = arith.index_cast %swap3A_948 : i32 to index
        %swap3A_950 = arith.index_cast %scan3A_650 : i32 to index
        %swap3A_951 = arith.constant 96 : index
        %swap3A_952 = tpu.vector_load %arg5[%swap3A_949, %swap3A_950, %swap3A_951] {strides = array<i32>} : memref<4x64x256xf32, #tpu.memory_space<vmem>>, vector<1x1x16xf32>,
        %swap3A_953 = vector.shape_cast %swap3A_952 : vector<1x1x16xf32> to vector<16xf32>
        %swap3A_954 = vector.shape_cast %max3A_947 : vector<16xf32> to vector<1x1x16xf32>
        tpu.vector_store %arg5[%swap3A_949, %swap3A_950, %swap3A_951], %swap3A_954 {strides = array<i32>} : memref<4x64x256xf32, #tpu.memory_space<vmem>>, vector<1x1x16xf32>,
        %get3A_955 = arith.constant 2 : i32
        %get3A_956 = arith.index_cast %get3A_955 : i32 to index
        %get3A_957 = arith.index_cast %scan3A_650 : i32 to index
        %get3A_958 = arith.constant 112 : index
        %get3A_959 = tpu.vector_load %arg6[%get3A_956, %get3A_957, %get3A_958] {strides = array<i32>} : memref<4x16x256xf32, #tpu.memory_space<vmem>>, vector<1x1x16xf32>,
        %get3A_960 = vector.shape_cast %get3A_959 : vector<1x1x16xf32> to vector<16xf32>
        %get3A_961 = arith.constant 2 : i32
        %get3A_962 = arith.index_cast %get3A_961 : i32 to index
        %get3A_963 = arith.index_cast %scan3A_650 : i32 to index
        %get3A_964 = arith.constant 112 : index
        %get3A_965 = tpu.vector_load %arg5[%get3A_962, %get3A_963, %get3A_964] {strides = array<i32>} : memref<4x64x256xf32, #tpu.memory_space<vmem>>, vector<1x1x16xf32>,
        %get3A_966 = vector.shape_cast %get3A_965 : vector<1x1x16xf32> to vector<16xf32>
        %add3A_967 = arith.constant 16 : i32
        %add3A_968 = arith.addi %scan3A_650, %add3A_967 : i32
        %get3A_969 = arith.constant 2 : i32
        %get3A_970 = arith.index_cast %get3A_969 : i32 to index
        %get3A_971 = arith.index_cast %add3A_968 : i32 to index
        %get3A_972 = arith.constant 112 : index
        %get3A_973 = tpu.vector_load %arg5[%get3A_970, %get3A_971, %get3A_972] {strides = array<i32>} : memref<4x64x256xf32, #tpu.memory_space<vmem>>, vector<1x1x16xf32>,
        %get3A_974 = vector.shape_cast %get3A_973 : vector<1x1x16xf32> to vector<16xf32>
        %add3A_975 = arith.constant 9.99999997E-7 : f32
        %add3A_976 = vector.broadcast %add3A_975 : f32 to vector<16xf32>
        %add3A_977 = arith.addf %get3A_974, %add3A_976 : vector<16xf32>
        %add3A_978 = arith.constant 48 : i32
        %add3A_979 = arith.addi %scan3A_650, %add3A_978 : i32
        %get3A_980 = arith.constant 2 : i32
        %get3A_981 = arith.index_cast %get3A_980 : i32 to index
        %get3A_982 = arith.index_cast %add3A_979 : i32 to index
        %get3A_983 = arith.constant 112 : index
        %get3A_984 = tpu.vector_load %arg5[%get3A_981, %get3A_982, %get3A_983] {strides = array<i32>} : memref<4x64x256xf32, #tpu.memory_space<vmem>>, vector<1x1x16xf32>,
        %get3A_985 = vector.shape_cast %get3A_984 : vector<1x1x16xf32> to vector<16xf32>
        %sub3A_986 = arith.constant 9.99999997E-7 : f32
        %sub3A_987 = vector.broadcast %sub3A_986 : f32 to vector<16xf32>
        %sub3A_988 = arith.subf %get3A_985, %sub3A_987 : vector<16xf32>
        %max3A_989 = arith.maximumf %add3A_977, %sub3A_988 : vector<16xf32>
        %sub3A_990 = arith.subf %max3A_989, %get3A_960 : vector<16xf32>
        %max3A_991 = arith.maximumf %get3A_966, %sub3A_990 : vector<16xf32>
        %swap3A_992 = arith.constant 2 : i32
        %swap3A_993 = arith.index_cast %swap3A_992 : i32 to index
        %swap3A_994 = arith.index_cast %scan3A_650 : i32 to index
        %swap3A_995 = arith.constant 112 : index
        %swap3A_996 = tpu.vector_load %arg5[%swap3A_993, %swap3A_994, %swap3A_995] {strides = array<i32>} : memref<4x64x256xf32, #tpu.memory_space<vmem>>, vector<1x1x16xf32>,
        %swap3A_997 = vector.shape_cast %swap3A_996 : vector<1x1x16xf32> to vector<16xf32>
        %swap3A_998 = vector.shape_cast %max3A_991 : vector<16xf32> to vector<1x1x16xf32>
        tpu.vector_store %arg5[%swap3A_993, %swap3A_994, %swap3A_995], %swap3A_998 {strides = array<i32>} : memref<4x64x256xf32, #tpu.memory_space<vmem>>, vector<1x1x16xf32>,
        %get3A_999 = arith.constant 2 : i32
        %get3A_1000 = arith.index_cast %get3A_999 : i32 to index
        %get3A_1001 = arith.index_cast %scan3A_650 : i32 to index
        %get3A_1002 = arith.constant 128 : index
        %get3A_1003 = tpu.vector_load %arg6[%get3A_1000, %get3A_1001, %get3A_1002] {strides = array<i32>} : memref<4x16x256xf32, #tpu.memory_space<vmem>>, vector<1x1x16xf32>,
        %get3A_1004 = vector.shape_cast %get3A_1003 : vector<1x1x16xf32> to vector<16xf32>
        %get3A_1005 = arith.constant 2 : i32
        %get3A_1006 = arith.index_cast %get3A_1005 : i32 to index
        %get3A_1007 = arith.index_cast %scan3A_650 : i32 to index
        %get3A_1008 = arith.constant 128 : index
        %get3A_1009 = tpu.vector_load %arg5[%get3A_1006, %get3A_1007, %get3A_1008] {strides = array<i32>} : memref<4x64x256xf32, #tpu.memory_space<vmem>>, vector<1x1x16xf32>,
        %get3A_1010 = vector.shape_cast %get3A_1009 : vector<1x1x16xf32> to vector<16xf32>
        %add3A_1011 = arith.constant 16 : i32
        %add3A_1012 = arith.addi %scan3A_650, %add3A_1011 : i32
        %get3A_1013 = arith.constant 2 : i32
        %get3A_1014 = arith.index_cast %get3A_1013 : i32 to index
        %get3A_1015 = arith.index_cast %add3A_1012 : i32 to index
        %get3A_1016 = arith.constant 128 : index
        %get3A_1017 = tpu.vector_load %arg5[%get3A_1014, %get3A_1015, %get3A_1016] {strides = array<i32>} : memref<4x64x256xf32, #tpu.memory_space<vmem>>, vector<1x1x16xf32>,
        %get3A_1018 = vector.shape_cast %get3A_1017 : vector<1x1x16xf32> to vector<16xf32>
        %add3A_1019 = arith.constant 9.99999997E-7 : f32
        %add3A_1020 = vector.broadcast %add3A_1019 : f32 to vector<16xf32>
        %add3A_1021 = arith.addf %get3A_1018, %add3A_1020 : vector<16xf32>
        %add3A_1022 = arith.constant 48 : i32
        %add3A_1023 = arith.addi %scan3A_650, %add3A_1022 : i32
        %get3A_1024 = arith.constant 2 : i32
        %get3A_1025 = arith.index_cast %get3A_1024 : i32 to index
        %get3A_1026 = arith.index_cast %add3A_1023 : i32 to index
        %get3A_1027 = arith.constant 128 : index
        %get3A_1028 = tpu.vector_load %arg5[%get3A_1025, %get3A_1026, %get3A_1027] {strides = array<i32>} : memref<4x64x256xf32, #tpu.memory_space<vmem>>, vector<1x1x16xf32>,
        %get3A_1029 = vector.shape_cast %get3A_1028 : vector<1x1x16xf32> to vector<16xf32>
        %sub3A_1030 = arith.constant 9.99999997E-7 : f32
        %sub3A_1031 = vector.broadcast %sub3A_1030 : f32 to vector<16xf32>
        %sub3A_1032 = arith.subf %get3A_1029, %sub3A_1031 : vector<16xf32>
        %max3A_1033 = arith.maximumf %add3A_1021, %sub3A_1032 : vector<16xf32>
        %sub3A_1034 = arith.subf %max3A_1033, %get3A_1004 : vector<16xf32>
        %max3A_1035 = arith.maximumf %get3A_1010, %sub3A_1034 : vector<16xf32>
        %swap3A_1036 = arith.constant 2 : i32
        %swap3A_1037 = arith.index_cast %swap3A_1036 : i32 to index
        %swap3A_1038 = arith.index_cast %scan3A_650 : i32 to index
        %swap3A_1039 = arith.constant 128 : index
        %swap3A_1040 = tpu.vector_load %arg5[%swap3A_1037, %swap3A_1038, %swap3A_1039] {strides = array<i32>} : memref<4x64x256xf32, #tpu.memory_space<vmem>>, vector<1x1x16xf32>,
        %swap3A_1041 = vector.shape_cast %swap3A_1040 : vector<1x1x16xf32> to vector<16xf32>
        %swap3A_1042 = vector.shape_cast %max3A_1035 : vector<16xf32> to vector<1x1x16xf32>
        tpu.vector_store %arg5[%swap3A_1037, %swap3A_1038, %swap3A_1039], %swap3A_1042 {strides = array<i32>} : memref<4x64x256xf32, #tpu.memory_space<vmem>>, vector<1x1x16xf32>,
        %get3A_1043 = arith.constant 2 : i32
        %get3A_1044 = arith.index_cast %get3A_1043 : i32 to index
        %get3A_1045 = arith.index_cast %scan3A_650 : i32 to index
        %get3A_1046 = arith.constant 144 : index
        %get3A_1047 = tpu.vector_load %arg6[%get3A_1044, %get3A_1045, %get3A_1046] {strides = array<i32>} : memref<4x16x256xf32, #tpu.memory_space<vmem>>, vector<1x1x16xf32>,
        %get3A_1048 = vector.shape_cast %get3A_1047 : vector<1x1x16xf32> to vector<16xf32>
        %get3A_1049 = arith.constant 2 : i32
        %get3A_1050 = arith.index_cast %get3A_1049 : i32 to index
        %get3A_1051 = arith.index_cast %scan3A_650 : i32 to index
        %get3A_1052 = arith.constant 144 : index
        %get3A_1053 = tpu.vector_load %arg5[%get3A_1050, %get3A_1051, %get3A_1052] {strides = array<i32>} : memref<4x64x256xf32, #tpu.memory_space<vmem>>, vector<1x1x16xf32>,
        %get3A_1054 = vector.shape_cast %get3A_1053 : vector<1x1x16xf32> to vector<16xf32>
        %add3A_1055 = arith.constant 16 : i32
        %add3A_1056 = arith.addi %scan3A_650, %add3A_1055 : i32
        %get3A_1057 = arith.constant 2 : i32
        %get3A_1058 = arith.index_cast %get3A_1057 : i32 to index
        %get3A_1059 = arith.index_cast %add3A_1056 : i32 to index
        %get3A_1060 = arith.constant 144 : index
        %get3A_1061 = tpu.vector_load %arg5[%get3A_1058, %get3A_1059, %get3A_1060] {strides = array<i32>} : memref<4x64x256xf32, #tpu.memory_space<vmem>>, vector<1x1x16xf32>,
        %get3A_1062 = vector.shape_cast %get3A_1061 : vector<1x1x16xf32> to vector<16xf32>
        %add3A_1063 = arith.constant 9.99999997E-7 : f32
        %add3A_1064 = vector.broadcast %add3A_1063 : f32 to vector<16xf32>
        %add3A_1065 = arith.addf %get3A_1062, %add3A_1064 : vector<16xf32>
        %add3A_1066 = arith.constant 48 : i32
        %add3A_1067 = arith.addi %scan3A_650, %add3A_1066 : i32
        %get3A_1068 = arith.constant 2 : i32
        %get3A_1069 = arith.index_cast %get3A_1068 : i32 to index
        %get3A_1070 = arith.index_cast %add3A_1067 : i32 to index
        %get3A_1071 = arith.constant 144 : index
        %get3A_1072 = tpu.vector_load %arg5[%get3A_1069, %get3A_1070, %get3A_1071] {strides = array<i32>} : memref<4x64x256xf32, #tpu.memory_space<vmem>>, vector<1x1x16xf32>,
        %get3A_1073 = vector.shape_cast %get3A_1072 : vector<1x1x16xf32> to vector<16xf32>
        %sub3A_1074 = arith.constant 9.99999997E-7 : f32
        %sub3A_1075 = vector.broadcast %sub3A_1074 : f32 to vector<16xf32>
        %sub3A_1076 = arith.subf %get3A_1073, %sub3A_1075 : vector<16xf32>
        %max3A_1077 = arith.maximumf %add3A_1065, %sub3A_1076 : vector<16xf32>
        %sub3A_1078 = arith.subf %max3A_1077, %get3A_1048 : vector<16xf32>
        %max3A_1079 = arith.maximumf %get3A_1054, %sub3A_1078 : vector<16xf32>
        %swap3A_1080 = arith.constant 2 : i32
        %swap3A_1081 = arith.index_cast %swap3A_1080 : i32 to index
        %swap3A_1082 = arith.index_cast %scan3A_650 : i32 to index
        %swap3A_1083 = arith.constant 144 : index
        %swap3A_1084 = tpu.vector_load %arg5[%swap3A_1081, %swap3A_1082, %swap3A_1083] {strides = array<i32>} : memref<4x64x256xf32, #tpu.memory_space<vmem>>, vector<1x1x16xf32>,
        %swap3A_1085 = vector.shape_cast %swap3A_1084 : vector<1x1x16xf32> to vector<16xf32>
        %swap3A_1086 = vector.shape_cast %max3A_1079 : vector<16xf32> to vector<1x1x16xf32>
        tpu.vector_store %arg5[%swap3A_1081, %swap3A_1082, %swap3A_1083], %swap3A_1086 {strides = array<i32>} : memref<4x64x256xf32, #tpu.memory_space<vmem>>, vector<1x1x16xf32>,
        %get3A_1087 = arith.constant 2 : i32
        %get3A_1088 = arith.index_cast %get3A_1087 : i32 to index
        %get3A_1089 = arith.index_cast %scan3A_650 : i32 to index
        %get3A_1090 = arith.constant 160 : index
        %get3A_1091 = tpu.vector_load %arg6[%get3A_1088, %get3A_1089, %get3A_1090] {strides = array<i32>} : memref<4x16x256xf32, #tpu.memory_space<vmem>>, vector<1x1x16xf32>,
        %get3A_1092 = vector.shape_cast %get3A_1091 : vector<1x1x16xf32> to vector<16xf32>
        %get3A_1093 = arith.constant 2 : i32
        %get3A_1094 = arith.index_cast %get3A_1093 : i32 to index
        %get3A_1095 = arith.index_cast %scan3A_650 : i32 to index
        %get3A_1096 = arith.constant 160 : index
        %get3A_1097 = tpu.vector_load %arg5[%get3A_1094, %get3A_1095, %get3A_1096] {strides = array<i32>} : memref<4x64x256xf32, #tpu.memory_space<vmem>>, vector<1x1x16xf32>,
        %get3A_1098 = vector.shape_cast %get3A_1097 : vector<1x1x16xf32> to vector<16xf32>
        %add3A_1099 = arith.constant 16 : i32
        %add3A_1100 = arith.addi %scan3A_650, %add3A_1099 : i32
        %get3A_1101 = arith.constant 2 : i32
        %get3A_1102 = arith.index_cast %get3A_1101 : i32 to index
        %get3A_1103 = arith.index_cast %add3A_1100 : i32 to index
        %get3A_1104 = arith.constant 160 : index
        %get3A_1105 = tpu.vector_load %arg5[%get3A_1102, %get3A_1103, %get3A_1104] {strides = array<i32>} : memref<4x64x256xf32, #tpu.memory_space<vmem>>, vector<1x1x16xf32>,
        %get3A_1106 = vector.shape_cast %get3A_1105 : vector<1x1x16xf32> to vector<16xf32>
        %add3A_1107 = arith.constant 9.99999997E-7 : f32
        %add3A_1108 = vector.broadcast %add3A_1107 : f32 to vector<16xf32>
        %add3A_1109 = arith.addf %get3A_1106, %add3A_1108 : vector<16xf32>
        %add3A_1110 = arith.constant 48 : i32
        %add3A_1111 = arith.addi %scan3A_650, %add3A_1110 : i32
        %get3A_1112 = arith.constant 2 : i32
        %get3A_1113 = arith.index_cast %get3A_1112 : i32 to index
        %get3A_1114 = arith.index_cast %add3A_1111 : i32 to index
        %get3A_1115 = arith.constant 160 : index
        %get3A_1116 = tpu.vector_load %arg5[%get3A_1113, %get3A_1114, %get3A_1115] {strides = array<i32>} : memref<4x64x256xf32, #tpu.memory_space<vmem>>, vector<1x1x16xf32>,
        %get3A_1117 = vector.shape_cast %get3A_1116 : vector<1x1x16xf32> to vector<16xf32>
        %sub3A_1118 = arith.constant 9.99999997E-7 : f32
        %sub3A_1119 = vector.broadcast %sub3A_1118 : f32 to vector<16xf32>
        %sub3A_1120 = arith.subf %get3A_1117, %sub3A_1119 : vector<16xf32>
        %max3A_1121 = arith.maximumf %add3A_1109, %sub3A_1120 : vector<16xf32>
        %sub3A_1122 = arith.subf %max3A_1121, %get3A_1092 : vector<16xf32>
        %max3A_1123 = arith.maximumf %get3A_1098, %sub3A_1122 : vector<16xf32>
        %swap3A_1124 = arith.constant 2 : i32
        %swap3A_1125 = arith.index_cast %swap3A_1124 : i32 to index
        %swap3A_1126 = arith.index_cast %scan3A_650 : i32 to index
        %swap3A_1127 = arith.constant 160 : index
        %swap3A_1128 = tpu.vector_load %arg5[%swap3A_1125, %swap3A_1126, %swap3A_1127] {strides = array<i32>} : memref<4x64x256xf32, #tpu.memory_space<vmem>>, vector<1x1x16xf32>,
        %swap3A_1129 = vector.shape_cast %swap3A_1128 : vector<1x1x16xf32> to vector<16xf32>
        %swap3A_1130 = vector.shape_cast %max3A_1123 : vector<16xf32> to vector<1x1x16xf32>
        tpu.vector_store %arg5[%swap3A_1125, %swap3A_1126, %swap3A_1127], %swap3A_1130 {strides = array<i32>} : memref<4x64x256xf32, #tpu.memory_space<vmem>>, vector<1x1x16xf32>,
        %get3A_1131 = arith.constant 2 : i32
        %get3A_1132 = arith.index_cast %get3A_1131 : i32 to index
        %get3A_1133 = arith.index_cast %scan3A_650 : i32 to index
        %get3A_1134 = arith.constant 176 : index
        %get3A_1135 = tpu.vector_load %arg6[%get3A_1132, %get3A_1133, %get3A_1134] {strides = array<i32>} : memref<4x16x256xf32, #tpu.memory_space<vmem>>, vector<1x1x16xf32>,
        %get3A_1136 = vector.shape_cast %get3A_1135 : vector<1x1x16xf32> to vector<16xf32>
        %get3A_1137 = arith.constant 2 : i32
        %get3A_1138 = arith.index_cast %get3A_1137 : i32 to index
        %get3A_1139 = arith.index_cast %scan3A_650 : i32 to index
        %get3A_1140 = arith.constant 176 : index
        %get3A_1141 = tpu.vector_load %arg5[%get3A_1138, %get3A_1139, %get3A_1140] {strides = array<i32>} : memref<4x64x256xf32, #tpu.memory_space<vmem>>, vector<1x1x16xf32>,
        %get3A_1142 = vector.shape_cast %get3A_1141 : vector<1x1x16xf32> to vector<16xf32>
        %add3A_1143 = arith.constant 16 : i32
        %add3A_1144 = arith.addi %scan3A_650, %add3A_1143 : i32
        %get3A_1145 = arith.constant 2 : i32
        %get3A_1146 = arith.index_cast %get3A_1145 : i32 to index
        %get3A_1147 = arith.index_cast %add3A_1144 : i32 to index
        %get3A_1148 = arith.constant 176 : index
        %get3A_1149 = tpu.vector_load %arg5[%get3A_1146, %get3A_1147, %get3A_1148] {strides = array<i32>} : memref<4x64x256xf32, #tpu.memory_space<vmem>>, vector<1x1x16xf32>,
        %get3A_1150 = vector.shape_cast %get3A_1149 : vector<1x1x16xf32> to vector<16xf32>
        %add3A_1151 = arith.constant 9.99999997E-7 : f32
        %add3A_1152 = vector.broadcast %add3A_1151 : f32 to vector<16xf32>
        %add3A_1153 = arith.addf %get3A_1150, %add3A_1152 : vector<16xf32>
        %add3A_1154 = arith.constant 48 : i32
        %add3A_1155 = arith.addi %scan3A_650, %add3A_1154 : i32
        %get3A_1156 = arith.constant 2 : i32
        %get3A_1157 = arith.index_cast %get3A_1156 : i32 to index
        %get3A_1158 = arith.index_cast %add3A_1155 : i32 to index
        %get3A_1159 = arith.constant 176 : index
        %get3A_1160 = tpu.vector_load %arg5[%get3A_1157, %get3A_1158, %get3A_1159] {strides = array<i32>} : memref<4x64x256xf32, #tpu.memory_space<vmem>>, vector<1x1x16xf32>,
        %get3A_1161 = vector.shape_cast %get3A_1160 : vector<1x1x16xf32> to vector<16xf32>
        %sub3A_1162 = arith.constant 9.99999997E-7 : f32
        %sub3A_1163 = vector.broadcast %sub3A_1162 : f32 to vector<16xf32>
        %sub3A_1164 = arith.subf %get3A_1161, %sub3A_1163 : vector<16xf32>
        %max3A_1165 = arith.maximumf %add3A_1153, %sub3A_1164 : vector<16xf32>
        %sub3A_1166 = arith.subf %max3A_1165, %get3A_1136 : vector<16xf32>
        %max3A_1167 = arith.maximumf %get3A_1142, %sub3A_1166 : vector<16xf32>
        %swap3A_1168 = arith.constant 2 : i32
        %swap3A_1169 = arith.index_cast %swap3A_1168 : i32 to index
        %swap3A_1170 = arith.index_cast %scan3A_650 : i32 to index
        %swap3A_1171 = arith.constant 176 : index
        %swap3A_1172 = tpu.vector_load %arg5[%swap3A_1169, %swap3A_1170, %swap3A_1171] {strides = array<i32>} : memref<4x64x256xf32, #tpu.memory_space<vmem>>, vector<1x1x16xf32>,
        %swap3A_1173 = vector.shape_cast %swap3A_1172 : vector<1x1x16xf32> to vector<16xf32>
        %swap3A_1174 = vector.shape_cast %max3A_1167 : vector<16xf32> to vector<1x1x16xf32>
        tpu.vector_store %arg5[%swap3A_1169, %swap3A_1170, %swap3A_1171], %swap3A_1174 {strides = array<i32>} : memref<4x64x256xf32, #tpu.memory_space<vmem>>, vector<1x1x16xf32>,
        %get3A_1175 = arith.constant 2 : i32
        %get3A_1176 = arith.index_cast %get3A_1175 : i32 to index
        %get3A_1177 = arith.index_cast %scan3A_650 : i32 to index
        %get3A_1178 = arith.constant 192 : index
        %get3A_1179 = tpu.vector_load %arg6[%get3A_1176, %get3A_1177, %get3A_1178] {strides = array<i32>} : memref<4x16x256xf32, #tpu.memory_space<vmem>>, vector<1x1x16xf32>,
        %get3A_1180 = vector.shape_cast %get3A_1179 : vector<1x1x16xf32> to vector<16xf32>
        %get3A_1181 = arith.constant 2 : i32
        %get3A_1182 = arith.index_cast %get3A_1181 : i32 to index
        %get3A_1183 = arith.index_cast %scan3A_650 : i32 to index
        %get3A_1184 = arith.constant 192 : index
        %get3A_1185 = tpu.vector_load %arg5[%get3A_1182, %get3A_1183, %get3A_1184] {strides = array<i32>} : memref<4x64x256xf32, #tpu.memory_space<vmem>>, vector<1x1x16xf32>,
        %get3A_1186 = vector.shape_cast %get3A_1185 : vector<1x1x16xf32> to vector<16xf32>
        %add3A_1187 = arith.constant 16 : i32
        %add3A_1188 = arith.addi %scan3A_650, %add3A_1187 : i32
        %get3A_1189 = arith.constant 2 : i32
        %get3A_1190 = arith.index_cast %get3A_1189 : i32 to index
        %get3A_1191 = arith.index_cast %add3A_1188 : i32 to index
        %get3A_1192 = arith.constant 192 : index
        %get3A_1193 = tpu.vector_load %arg5[%get3A_1190, %get3A_1191, %get3A_1192] {strides = array<i32>} : memref<4x64x256xf32, #tpu.memory_space<vmem>>, vector<1x1x16xf32>,
        %get3A_1194 = vector.shape_cast %get3A_1193 : vector<1x1x16xf32> to vector<16xf32>
        %add3A_1195 = arith.constant 9.99999997E-7 : f32
        %add3A_1196 = vector.broadcast %add3A_1195 : f32 to vector<16xf32>
        %add3A_1197 = arith.addf %get3A_1194, %add3A_1196 : vector<16xf32>
        %add3A_1198 = arith.constant 48 : i32
        %add3A_1199 = arith.addi %scan3A_650, %add3A_1198 : i32
        %get3A_1200 = arith.constant 2 : i32
        %get3A_1201 = arith.index_cast %get3A_1200 : i32 to index
        %get3A_1202 = arith.index_cast %add3A_1199 : i32 to index
        %get3A_1203 = arith.constant 192 : index
        %get3A_1204 = tpu.vector_load %arg5[%get3A_1201, %get3A_1202, %get3A_1203] {strides = array<i32>} : memref<4x64x256xf32, #tpu.memory_space<vmem>>, vector<1x1x16xf32>,
        %get3A_1205 = vector.shape_cast %get3A_1204 : vector<1x1x16xf32> to vector<16xf32>
        %sub3A_1206 = arith.constant 9.99999997E-7 : f32
        %sub3A_1207 = vector.broadcast %sub3A_1206 : f32 to vector<16xf32>
        %sub3A_1208 = arith.subf %get3A_1205, %sub3A_1207 : vector<16xf32>
        %max3A_1209 = arith.maximumf %add3A_1197, %sub3A_1208 : vector<16xf32>
        %sub3A_1210 = arith.subf %max3A_1209, %get3A_1180 : vector<16xf32>
        %max3A_1211 = arith.maximumf %get3A_1186, %sub3A_1210 : vector<16xf32>
        %swap3A_1212 = arith.constant 2 : i32
        %swap3A_1213 = arith.index_cast %swap3A_1212 : i32 to index
        %swap3A_1214 = arith.index_cast %scan3A_650 : i32 to index
        %swap3A_1215 = arith.constant 192 : index
        %swap3A_1216 = tpu.vector_load %arg5[%swap3A_1213, %swap3A_1214, %swap3A_1215] {strides = array<i32>} : memref<4x64x256xf32, #tpu.memory_space<vmem>>, vector<1x1x16xf32>,
        %swap3A_1217 = vector.shape_cast %swap3A_1216 : vector<1x1x16xf32> to vector<16xf32>
        %swap3A_1218 = vector.shape_cast %max3A_1211 : vector<16xf32> to vector<1x1x16xf32>
        tpu.vector_store %arg5[%swap3A_1213, %swap3A_1214, %swap3A_1215], %swap3A_1218 {strides = array<i32>} : memref<4x64x256xf32, #tpu.memory_space<vmem>>, vector<1x1x16xf32>,
        %get3A_1219 = arith.constant 2 : i32
        %get3A_1220 = arith.index_cast %get3A_1219 : i32 to index
        %get3A_1221 = arith.index_cast %scan3A_650 : i32 to index
        %get3A_1222 = arith.constant 208 : index
        %get3A_1223 = tpu.vector_load %arg6[%get3A_1220, %get3A_1221, %get3A_1222] {strides = array<i32>} : memref<4x16x256xf32, #tpu.memory_space<vmem>>, vector<1x1x16xf32>,
        %get3A_1224 = vector.shape_cast %get3A_1223 : vector<1x1x16xf32> to vector<16xf32>
        %get3A_1225 = arith.constant 2 : i32
        %get3A_1226 = arith.index_cast %get3A_1225 : i32 to index
        %get3A_1227 = arith.index_cast %scan3A_650 : i32 to index
        %get3A_1228 = arith.constant 208 : index
        %get3A_1229 = tpu.vector_load %arg5[%get3A_1226, %get3A_1227, %get3A_1228] {strides = array<i32>} : memref<4x64x256xf32, #tpu.memory_space<vmem>>, vector<1x1x16xf32>,
        %get3A_1230 = vector.shape_cast %get3A_1229 : vector<1x1x16xf32> to vector<16xf32>
        %add3A_1231 = arith.constant 16 : i32
        %add3A_1232 = arith.addi %scan3A_650, %add3A_1231 : i32
        %get3A_1233 = arith.constant 2 : i32
        %get3A_1234 = arith.index_cast %get3A_1233 : i32 to index
        %get3A_1235 = arith.index_cast %add3A_1232 : i32 to index
        %get3A_1236 = arith.constant 208 : index
        %get3A_1237 = tpu.vector_load %arg5[%get3A_1234, %get3A_1235, %get3A_1236] {strides = array<i32>} : memref<4x64x256xf32, #tpu.memory_space<vmem>>, vector<1x1x16xf32>,
        %get3A_1238 = vector.shape_cast %get3A_1237 : vector<1x1x16xf32> to vector<16xf32>
        %add3A_1239 = arith.constant 9.99999997E-7 : f32
        %add3A_1240 = vector.broadcast %add3A_1239 : f32 to vector<16xf32>
        %add3A_1241 = arith.addf %get3A_1238, %add3A_1240 : vector<16xf32>
        %add3A_1242 = arith.constant 48 : i32
        %add3A_1243 = arith.addi %scan3A_650, %add3A_1242 : i32
        %get3A_1244 = arith.constant 2 : i32
        %get3A_1245 = arith.index_cast %get3A_1244 : i32 to index
        %get3A_1246 = arith.index_cast %add3A_1243 : i32 to index
        %get3A_1247 = arith.constant 208 : index
        %get3A_1248 = tpu.vector_load %arg5[%get3A_1245, %get3A_1246, %get3A_1247] {strides = array<i32>} : memref<4x64x256xf32, #tpu.memory_space<vmem>>, vector<1x1x16xf32>,
        %get3A_1249 = vector.shape_cast %get3A_1248 : vector<1x1x16xf32> to vector<16xf32>
        %sub3A_1250 = arith.constant 9.99999997E-7 : f32
        %sub3A_1251 = vector.broadcast %sub3A_1250 : f32 to vector<16xf32>
        %sub3A_1252 = arith.subf %get3A_1249, %sub3A_1251 : vector<16xf32>
        %max3A_1253 = arith.maximumf %add3A_1241, %sub3A_1252 : vector<16xf32>
        %sub3A_1254 = arith.subf %max3A_1253, %get3A_1224 : vector<16xf32>
        %max3A_1255 = arith.maximumf %get3A_1230, %sub3A_1254 : vector<16xf32>
        %swap3A_1256 = arith.constant 2 : i32
        %swap3A_1257 = arith.index_cast %swap3A_1256 : i32 to index
        %swap3A_1258 = arith.index_cast %scan3A_650 : i32 to index
        %swap3A_1259 = arith.constant 208 : index
        %swap3A_1260 = tpu.vector_load %arg5[%swap3A_1257, %swap3A_1258, %swap3A_1259] {strides = array<i32>} : memref<4x64x256xf32, #tpu.memory_space<vmem>>, vector<1x1x16xf32>,
        %swap3A_1261 = vector.shape_cast %swap3A_1260 : vector<1x1x16xf32> to vector<16xf32>
        %swap3A_1262 = vector.shape_cast %max3A_1255 : vector<16xf32> to vector<1x1x16xf32>
        tpu.vector_store %arg5[%swap3A_1257, %swap3A_1258, %swap3A_1259], %swap3A_1262 {strides = array<i32>} : memref<4x64x256xf32, #tpu.memory_space<vmem>>, vector<1x1x16xf32>,
        %get3A_1263 = arith.constant 2 : i32
        %get3A_1264 = arith.index_cast %get3A_1263 : i32 to index
        %get3A_1265 = arith.index_cast %scan3A_650 : i32 to index
        %get3A_1266 = arith.constant 224 : index
        %get3A_1267 = tpu.vector_load %arg6[%get3A_1264, %get3A_1265, %get3A_1266] {strides = array<i32>} : memref<4x16x256xf32, #tpu.memory_space<vmem>>, vector<1x1x16xf32>,
        %get3A_1268 = vector.shape_cast %get3A_1267 : vector<1x1x16xf32> to vector<16xf32>
        %get3A_1269 = arith.constant 2 : i32
        %get3A_1270 = arith.index_cast %get3A_1269 : i32 to index
        %get3A_1271 = arith.index_cast %scan3A_650 : i32 to index
        %get3A_1272 = arith.constant 224 : index
        %get3A_1273 = tpu.vector_load %arg5[%get3A_1270, %get3A_1271, %get3A_1272] {strides = array<i32>} : memref<4x64x256xf32, #tpu.memory_space<vmem>>, vector<1x1x16xf32>,
        %get3A_1274 = vector.shape_cast %get3A_1273 : vector<1x1x16xf32> to vector<16xf32>
        %add3A_1275 = arith.constant 16 : i32
        %add3A_1276 = arith.addi %scan3A_650, %add3A_1275 : i32
        %get3A_1277 = arith.constant 2 : i32
        %get3A_1278 = arith.index_cast %get3A_1277 : i32 to index
        %get3A_1279 = arith.index_cast %add3A_1276 : i32 to index
        %get3A_1280 = arith.constant 224 : index
        %get3A_1281 = tpu.vector_load %arg5[%get3A_1278, %get3A_1279, %get3A_1280] {strides = array<i32>} : memref<4x64x256xf32, #tpu.memory_space<vmem>>, vector<1x1x16xf32>,
        %get3A_1282 = vector.shape_cast %get3A_1281 : vector<1x1x16xf32> to vector<16xf32>
        %add3A_1283 = arith.constant 9.99999997E-7 : f32
        %add3A_1284 = vector.broadcast %add3A_1283 : f32 to vector<16xf32>
        %add3A_1285 = arith.addf %get3A_1282, %add3A_1284 : vector<16xf32>
        %add3A_1286 = arith.constant 48 : i32
        %add3A_1287 = arith.addi %scan3A_650, %add3A_1286 : i32
        %get3A_1288 = arith.constant 2 : i32
        %get3A_1289 = arith.index_cast %get3A_1288 : i32 to index
        %get3A_1290 = arith.index_cast %add3A_1287 : i32 to index
        %get3A_1291 = arith.constant 224 : index
        %get3A_1292 = tpu.vector_load %arg5[%get3A_1289, %get3A_1290, %get3A_1291] {strides = array<i32>} : memref<4x64x256xf32, #tpu.memory_space<vmem>>, vector<1x1x16xf32>,
        %get3A_1293 = vector.shape_cast %get3A_1292 : vector<1x1x16xf32> to vector<16xf32>
        %sub3A_1294 = arith.constant 9.99999997E-7 : f32
        %sub3A_1295 = vector.broadcast %sub3A_1294 : f32 to vector<16xf32>
        %sub3A_1296 = arith.subf %get3A_1293, %sub3A_1295 : vector<16xf32>
        %max3A_1297 = arith.maximumf %add3A_1285, %sub3A_1296 : vector<16xf32>
        %sub3A_1298 = arith.subf %max3A_1297, %get3A_1268 : vector<16xf32>
        %max3A_1299 = arith.maximumf %get3A_1274, %sub3A_1298 : vector<16xf32>
        %swap3A_1300 = arith.constant 2 : i32
        %swap3A_1301 = arith.index_cast %swap3A_1300 : i32 to index
        %swap3A_1302 = arith.index_cast %scan3A_650 : i32 to index
        %swap3A_1303 = arith.constant 224 : index
        %swap3A_1304 = tpu.vector_load %arg5[%swap3A_1301, %swap3A_1302, %swap3A_1303] {strides = array<i32>} : memref<4x64x256xf32, #tpu.memory_space<vmem>>, vector<1x1x16xf32>,
        %swap3A_1305 = vector.shape_cast %swap3A_1304 : vector<1x1x16xf32> to vector<16xf32>
        %swap3A_1306 = vector.shape_cast %max3A_1299 : vector<16xf32> to vector<1x1x16xf32>
        tpu.vector_store %arg5[%swap3A_1301, %swap3A_1302, %swap3A_1303], %swap3A_1306 {strides = array<i32>} : memref<4x64x256xf32, #tpu.memory_space<vmem>>, vector<1x1x16xf32>,
        %get3A_1307 = arith.constant 2 : i32
        %get3A_1308 = arith.index_cast %get3A_1307 : i32 to index
        %get3A_1309 = arith.index_cast %scan3A_650 : i32 to index
        %get3A_1310 = arith.constant 240 : index
        %get3A_1311 = tpu.vector_load %arg6[%get3A_1308, %get3A_1309, %get3A_1310] {strides = array<i32>} : memref<4x16x256xf32, #tpu.memory_space<vmem>>, vector<1x1x16xf32>,
        %get3A_1312 = vector.shape_cast %get3A_1311 : vector<1x1x16xf32> to vector<16xf32>
        %get3A_1313 = arith.constant 2 : i32
        %get3A_1314 = arith.index_cast %get3A_1313 : i32 to index
        %get3A_1315 = arith.index_cast %scan3A_650 : i32 to index
        %get3A_1316 = arith.constant 240 : index
        %get3A_1317 = tpu.vector_load %arg5[%get3A_1314, %get3A_1315, %get3A_1316] {strides = array<i32>} : memref<4x64x256xf32, #tpu.memory_space<vmem>>, vector<1x1x16xf32>,
        %get3A_1318 = vector.shape_cast %get3A_1317 : vector<1x1x16xf32> to vector<16xf32>
        %add3A_1319 = arith.constant 16 : i32
        %add3A_1320 = arith.addi %scan3A_650, %add3A_1319 : i32
        %get3A_1321 = arith.constant 2 : i32
        %get3A_1322 = arith.index_cast %get3A_1321 : i32 to index
        %get3A_1323 = arith.index_cast %add3A_1320 : i32 to index
        %get3A_1324 = arith.constant 240 : index
        %get3A_1325 = tpu.vector_load %arg5[%get3A_1322, %get3A_1323, %get3A_1324] {strides = array<i32>} : memref<4x64x256xf32, #tpu.memory_space<vmem>>, vector<1x1x16xf32>,
        %get3A_1326 = vector.shape_cast %get3A_1325 : vector<1x1x16xf32> to vector<16xf32>
        %add3A_1327 = arith.constant 9.99999997E-7 : f32
        %add3A_1328 = vector.broadcast %add3A_1327 : f32 to vector<16xf32>
        %add3A_1329 = arith.addf %get3A_1326, %add3A_1328 : vector<16xf32>
        %add3A_1330 = arith.constant 48 : i32
        %add3A_1331 = arith.addi %scan3A_650, %add3A_1330 : i32
        %get3A_1332 = arith.constant 2 : i32
        %get3A_1333 = arith.index_cast %get3A_1332 : i32 to index
        %get3A_1334 = arith.index_cast %add3A_1331 : i32 to index
        %get3A_1335 = arith.constant 240 : index
        %get3A_1336 = tpu.vector_load %arg5[%get3A_1333, %get3A_1334, %get3A_1335] {strides = array<i32>} : memref<4x64x256xf32, #tpu.memory_space<vmem>>, vector<1x1x16xf32>,
        %get3A_1337 = vector.shape_cast %get3A_1336 : vector<1x1x16xf32> to vector<16xf32>
        %sub3A_1338 = arith.constant 9.99999997E-7 : f32
        %sub3A_1339 = vector.broadcast %sub3A_1338 : f32 to vector<16xf32>
        %sub3A_1340 = arith.subf %get3A_1337, %sub3A_1339 : vector<16xf32>
        %max3A_1341 = arith.maximumf %add3A_1329, %sub3A_1340 : vector<16xf32>
        %sub3A_1342 = arith.subf %max3A_1341, %get3A_1312 : vector<16xf32>
        %max3A_1343 = arith.maximumf %get3A_1318, %sub3A_1342 : vector<16xf32>
        %swap3A_1344 = arith.constant 2 : i32
        %swap3A_1345 = arith.index_cast %swap3A_1344 : i32 to index
        %swap3A_1346 = arith.index_cast %scan3A_650 : i32 to index
        %swap3A_1347 = arith.constant 240 : index
        %swap3A_1348 = tpu.vector_load %arg5[%swap3A_1345, %swap3A_1346, %swap3A_1347] {strides = array<i32>} : memref<4x64x256xf32, #tpu.memory_space<vmem>>, vector<1x1x16xf32>,
        %swap3A_1349 = vector.shape_cast %swap3A_1348 : vector<1x1x16xf32> to vector<16xf32>
        %swap3A_1350 = vector.shape_cast %max3A_1343 : vector<16xf32> to vector<1x1x16xf32>
        tpu.vector_store %arg5[%swap3A_1345, %swap3A_1346, %swap3A_1347], %swap3A_1350 {strides = array<i32>} : memref<4x64x256xf32, #tpu.memory_space<vmem>>, vector<1x1x16xf32>,
      }
      %scan3A_541 = arith.constant 16 : i32
      %add3A_542 = arith.constant 2 : i32
      %add3A_543 = arith.addi %add3A_297, %add3A_542 : i32
      %dma_start3A_544 = arith.constant 2 : i32
      %dma_start3A_545 = arith.constant 0 : i32
      %dma_start3A_546 = arith.constant 0 : i32
      %dma_start3A_547 = tpu.memref_slice %arg5[%dma_start3A_544, %dma_start3A_545, %dma_start3A_546] : memref<4x64x256xf32, #tpu.memory_space<vmem>> -> memref<1x16x256xf32, #tpu.memory_space<vmem>>
      %dma_start3A_548 = tpu.memref_squeeze %dma_start3A_547 : memref<1x16x256xf32, #tpu.memory_space<vmem>> -> memref<16x256xf32, #tpu.memory_space<vmem>>
      %dma_start3A_549 = arith.constant 0 : i32
      %dma_start3A_550 = arith.constant 0 : i32
      %dma_start3A_551 = tpu.memref_slice %arg4[%add3A_543, %dma_start3A_549, %dma_start3A_550] : memref<1024x64x256xf32, #tpu.memory_space<hbm>> -> memref<1x16x256xf32, #tpu.memory_space<hbm>>
      %dma_start3A_552 = tpu.memref_squeeze %dma_start3A_551 : memref<1x16x256xf32, #tpu.memory_space<hbm>> -> memref<16x256xf32, #tpu.memory_space<hbm>>
      %dma_start3A_553 = arith.constant 0 : i32
      %dma_start3A_554 = arith.constant 0 : i32
      %dma_start3A_555 = tpu.memref_slice %arg4[%add3A_543, %dma_start3A_553, %dma_start3A_554] : memref<1024x64x256xf32, #tpu.memory_space<hbm>> -> memref<1x16x256xf32, #tpu.memory_space<hbm>>
      %dma_start3A_556 = tpu.memref_squeeze %dma_start3A_555 : memref<1x16x256xf32, #tpu.memory_space<hbm>> -> memref<16x256xf32, #tpu.memory_space<hbm>>
      %dma_start3A_557 = arith.constant 0 : i32
      %dma_start3A_558 = arith.constant 0 : i32
      %dma_start3A_559 = tpu.memref_slice %arg5[%dma_start3A_544, %dma_start3A_557, %dma_start3A_558] : memref<4x64x256xf32, #tpu.memory_space<vmem>> -> memref<1x16x256xf32, #tpu.memory_space<vmem>>
      %dma_start3A_560 = tpu.memref_squeeze %dma_start3A_559 : memref<1x16x256xf32, #tpu.memory_space<vmem>> -> memref<16x256xf32, #tpu.memory_space<vmem>>
      tpu.enqueue_dma source(%dma_start3A_560 : memref<16x256xf32, #tpu.memory_space<vmem>>) target(%dma_start3A_556 : memref<16x256xf32, #tpu.memory_space<hbm>>) target_semaphore(%arg13 : memref<!tpu.dma_semaphore, #tpu.memory_space<semaphore_mem>>)
      %dma_wait3A_561 = arith.constant 0 : i32
      %dma_wait3A_562 = arith.constant 3 : i32
      %dma_wait3A_563 = arith.constant 0 : i32
      %dma_wait3A_564 = arith.constant 0 : i32
      %dma_wait3A_565 = tpu.memref_slice %arg5[%dma_wait3A_562, %dma_wait3A_563, %dma_wait3A_564] : memref<4x64x256xf32, #tpu.memory_space<vmem>> -> memref<1x64x256xf32, #tpu.memory_space<vmem>>
      %dma_wait3A_566 = tpu.memref_squeeze %dma_wait3A_565 : memref<1x64x256xf32, #tpu.memory_space<vmem>> -> memref<64x256xf32, #tpu.memory_space<vmem>>
      %dma_wait3A_567 = arith.constant 0 : i32
      %dma_wait3A_568 = arith.constant 0 : i32
      %dma_wait3A_569 = tpu.memref_slice %arg2[%dma_wait3A_561, %dma_wait3A_567, %dma_wait3A_568] : memref<1024x64x256xf32, #tpu.memory_space<hbm>> -> memref<1x64x256xf32, #tpu.memory_space<hbm>>
      %dma_wait3A_570 = tpu.memref_squeeze %dma_wait3A_569 : memref<1x64x256xf32, #tpu.memory_space<hbm>> -> memref<64x256xf32, #tpu.memory_space<hbm>>
      %dma_wait3A_571 = arith.constant 0 : i32
      %dma_wait3A_572 = arith.constant 0 : i32
      %dma_wait3A_573 = tpu.memref_slice %arg5[%dma_wait3A_562, %dma_wait3A_571, %dma_wait3A_572] : memref<4x64x256xf32, #tpu.memory_space<vmem>> -> memref<1x64x256xf32, #tpu.memory_space<vmem>>
      %dma_wait3A_574 = tpu.memref_squeeze %dma_wait3A_573 : memref<1x64x256xf32, #tpu.memory_space<vmem>> -> memref<64x256xf32, #tpu.memory_space<vmem>>
      %dma_wait3A_575 = arith.constant 0 : i32
      %dma_wait3A_576 = arith.constant 0 : i32
      %dma_wait3A_577 = tpu.memref_slice %arg2[%dma_wait3A_561, %dma_wait3A_575, %dma_wait3A_576] : memref<1024x64x256xf32, #tpu.memory_space<hbm>> -> memref<1x64x256xf32, #tpu.memory_space<hbm>>
      %dma_wait3A_578 = tpu.memref_squeeze %dma_wait3A_577 : memref<1x64x256xf32, #tpu.memory_space<hbm>> -> memref<64x256xf32, #tpu.memory_space<hbm>>
      tpu.wait_dma2 semaphore(%arg10 : memref<!tpu.dma_semaphore, #tpu.memory_space<semaphore_mem>>) src(%dma_wait3A_578 : memref<64x256xf32, #tpu.memory_space<hbm>>) dst(%dma_wait3A_574 : memref<64x256xf32, #tpu.memory_space<vmem>>)
      %add3A_579 = arith.constant 3 : i32
      %add3A_580 = arith.addi %add3A_297, %add3A_579 : i32
      %dma_start3A_581 = arith.constant 3 : i32
      %dma_start3A_582 = arith.constant 16 : i32
      %dma_start3A_583 = arith.constant 0 : i32
      %dma_start3A_584 = tpu.memref_slice %arg5[%dma_start3A_581, %dma_start3A_582, %dma_start3A_583] : memref<4x64x256xf32, #tpu.memory_space<vmem>> -> memref<1x48x256xf32, #tpu.memory_space<vmem>>
      %dma_start3A_585 = tpu.memref_squeeze %dma_start3A_584 : memref<1x48x256xf32, #tpu.memory_space<vmem>> -> memref<48x256xf32, #tpu.memory_space<vmem>>
      %dma_start3A_586 = arith.constant 16 : i32
      %dma_start3A_587 = arith.constant 0 : i32
      %dma_start3A_588 = tpu.memref_slice %arg4[%add3A_580, %dma_start3A_586, %dma_start3A_587] : memref<1024x64x256xf32, #tpu.memory_space<hbm>> -> memref<1x48x256xf32, #tpu.memory_space<hbm>>
      %dma_start3A_589 = tpu.memref_squeeze %dma_start3A_588 : memref<1x48x256xf32, #tpu.memory_space<hbm>> -> memref<48x256xf32, #tpu.memory_space<hbm>>
      %dma_start3A_590 = arith.constant 16 : i32
      %dma_start3A_591 = arith.constant 0 : i32
      %dma_start3A_592 = tpu.memref_slice %arg4[%add3A_580, %dma_start3A_590, %dma_start3A_591] : memref<1024x64x256xf32, #tpu.memory_space<hbm>> -> memref<1x48x256xf32, #tpu.memory_space<hbm>>
      %dma_start3A_593 = tpu.memref_squeeze %dma_start3A_592 : memref<1x48x256xf32, #tpu.memory_space<hbm>> -> memref<48x256xf32, #tpu.memory_space<hbm>>
      %dma_start3A_594 = arith.constant 16 : i32
      %dma_start3A_595 = arith.constant 0 : i32
      %dma_start3A_596 = tpu.memref_slice %arg5[%dma_start3A_581, %dma_start3A_594, %dma_start3A_595] : memref<4x64x256xf32, #tpu.memory_space<vmem>> -> memref<1x48x256xf32, #tpu.memory_space<vmem>>
      %dma_start3A_597 = tpu.memref_squeeze %dma_start3A_596 : memref<1x48x256xf32, #tpu.memory_space<vmem>> -> memref<48x256xf32, #tpu.memory_space<vmem>>
      tpu.enqueue_dma source(%dma_start3A_597 : memref<48x256xf32, #tpu.memory_space<vmem>>) target(%dma_start3A_593 : memref<48x256xf32, #tpu.memory_space<hbm>>) target_semaphore(%arg14 : memref<!tpu.dma_semaphore, #tpu.memory_space<semaphore_mem>>)
      %lt3A_598 = arith.constant 7 : i32
      %lt3A_599 = arith.cmpi slt, %scan3A_294, %lt3A_598 : i32
      %add3A_600 = arith.constant 3 : i32
      %add3A_601 = arith.addi %add3A_297, %add3A_600 : i32
      %add3A_602 = arith.constant 2 : i32
      %add3A_603 = arith.addi %add3A_601, %add3A_602 : i32
      %convert_element_type3A_604 = arith.extui %lt3A_599 : i1 to i32
      %cond3A_605 = arith.constant 0 : i32
      %cond3A_606 = arith.cmpi ne, %convert_element_type3A_604, %cond3A_605 : i32
      scf.if %cond3A_606 {
        %dma_wait3A_650 = arith.constant 1 : i32
        %dma_wait3A_651 = arith.constant 0 : i32
        %dma_wait3A_652 = arith.constant 16 : i32
        %dma_wait3A_653 = arith.constant 0 : i32
        %dma_wait3A_654 = tpu.memref_slice %arg5[%dma_wait3A_650, %dma_wait3A_652, %dma_wait3A_653] : memref<4x64x256xf32, #tpu.memory_space<vmem>> -> memref<1x48x256xf32, #tpu.memory_space<vmem>>
        %dma_wait3A_655 = tpu.memref_squeeze %dma_wait3A_654 : memref<1x48x256xf32, #tpu.memory_space<vmem>> -> memref<48x256xf32, #tpu.memory_space<vmem>>
        %dma_wait3A_656 = arith.constant 16 : i32
        %dma_wait3A_657 = arith.constant 0 : i32
        %dma_wait3A_658 = tpu.memref_slice %arg4[%dma_wait3A_651, %dma_wait3A_656, %dma_wait3A_657] : memref<1024x64x256xf32, #tpu.memory_space<hbm>> -> memref<1x48x256xf32, #tpu.memory_space<hbm>>
        %dma_wait3A_659 = tpu.memref_squeeze %dma_wait3A_658 : memref<1x48x256xf32, #tpu.memory_space<hbm>> -> memref<48x256xf32, #tpu.memory_space<hbm>>
        %dma_wait3A_660 = arith.constant 16 : i32
        %dma_wait3A_661 = arith.constant 0 : i32
        %dma_wait3A_662 = tpu.memref_slice %arg4[%dma_wait3A_651, %dma_wait3A_660, %dma_wait3A_661] : memref<1024x64x256xf32, #tpu.memory_space<hbm>> -> memref<1x48x256xf32, #tpu.memory_space<hbm>>
        %dma_wait3A_663 = tpu.memref_squeeze %dma_wait3A_662 : memref<1x48x256xf32, #tpu.memory_space<hbm>> -> memref<48x256xf32, #tpu.memory_space<hbm>>
        %dma_wait3A_664 = arith.constant 16 : i32
        %dma_wait3A_665 = arith.constant 0 : i32
        %dma_wait3A_666 = tpu.memref_slice %arg5[%dma_wait3A_650, %dma_wait3A_664, %dma_wait3A_665] : memref<4x64x256xf32, #tpu.memory_space<vmem>> -> memref<1x48x256xf32, #tpu.memory_space<vmem>>
        %dma_wait3A_667 = tpu.memref_squeeze %dma_wait3A_666 : memref<1x48x256xf32, #tpu.memory_space<vmem>> -> memref<48x256xf32, #tpu.memory_space<vmem>>
        tpu.wait_dma2 semaphore(%arg12 : memref<!tpu.dma_semaphore, #tpu.memory_space<semaphore_mem>>) src(%dma_wait3A_667 : memref<48x256xf32, #tpu.memory_space<vmem>>) dst(%dma_wait3A_663 : memref<48x256xf32, #tpu.memory_space<hbm>>)
        %dma_wait3A_668 = arith.constant 1 : i32
        %dma_wait3A_669 = arith.constant 0 : i32
        %dma_wait3A_670 = arith.constant 0 : i32
        %dma_wait3A_671 = arith.constant 0 : i32
        %dma_wait3A_672 = tpu.memref_slice %arg5[%dma_wait3A_668, %dma_wait3A_670, %dma_wait3A_671] : memref<4x64x256xf32, #tpu.memory_space<vmem>> -> memref<1x16x256xf32, #tpu.memory_space<vmem>>
        %dma_wait3A_673 = tpu.memref_squeeze %dma_wait3A_672 : memref<1x16x256xf32, #tpu.memory_space<vmem>> -> memref<16x256xf32, #tpu.memory_space<vmem>>
        %dma_wait3A_674 = arith.constant 0 : i32
        %dma_wait3A_675 = arith.constant 0 : i32
        %dma_wait3A_676 = tpu.memref_slice %arg4[%dma_wait3A_669, %dma_wait3A_674, %dma_wait3A_675] : memref<1024x64x256xf32, #tpu.memory_space<hbm>> -> memref<1x16x256xf32, #tpu.memory_space<hbm>>
        %dma_wait3A_677 = tpu.memref_squeeze %dma_wait3A_676 : memref<1x16x256xf32, #tpu.memory_space<hbm>> -> memref<16x256xf32, #tpu.memory_space<hbm>>
        %dma_wait3A_678 = arith.constant 0 : i32
        %dma_wait3A_679 = arith.constant 0 : i32
        %dma_wait3A_680 = tpu.memref_slice %arg4[%dma_wait3A_669, %dma_wait3A_678, %dma_wait3A_679] : memref<1024x64x256xf32, #tpu.memory_space<hbm>> -> memref<1x16x256xf32, #tpu.memory_space<hbm>>
        %dma_wait3A_681 = tpu.memref_squeeze %dma_wait3A_680 : memref<1x16x256xf32, #tpu.memory_space<hbm>> -> memref<16x256xf32, #tpu.memory_space<hbm>>
        %dma_wait3A_682 = arith.constant 0 : i32
        %dma_wait3A_683 = arith.constant 0 : i32
        %dma_wait3A_684 = tpu.memref_slice %arg5[%dma_wait3A_668, %dma_wait3A_682, %dma_wait3A_683] : memref<4x64x256xf32, #tpu.memory_space<vmem>> -> memref<1x16x256xf32, #tpu.memory_space<vmem>>
        %dma_wait3A_685 = tpu.memref_squeeze %dma_wait3A_684 : memref<1x16x256xf32, #tpu.memory_space<vmem>> -> memref<16x256xf32, #tpu.memory_space<vmem>>
        tpu.wait_dma2 semaphore(%arg12 : memref<!tpu.dma_semaphore, #tpu.memory_space<semaphore_mem>>) src(%dma_wait3A_685 : memref<16x256xf32, #tpu.memory_space<vmem>>) dst(%dma_wait3A_681 : memref<16x256xf32, #tpu.memory_space<hbm>>)
        %dma_start3A_686 = arith.constant 1 : i32
        %dma_start3A_687 = arith.constant 0 : i32
        %dma_start3A_688 = arith.constant 0 : i32
        %dma_start3A_689 = tpu.memref_slice %arg5[%dma_start3A_686, %dma_start3A_687, %dma_start3A_688] : memref<4x64x256xf32, #tpu.memory_space<vmem>> -> memref<1x64x256xf32, #tpu.memory_space<vmem>>
        %dma_start3A_690 = tpu.memref_squeeze %dma_start3A_689 : memref<1x64x256xf32, #tpu.memory_space<vmem>> -> memref<64x256xf32, #tpu.memory_space<vmem>>
        %dma_start3A_691 = arith.constant 0 : i32
        %dma_start3A_692 = arith.constant 0 : i32
        %dma_start3A_693 = tpu.memref_slice %arg2[%add3A_603, %dma_start3A_691, %dma_start3A_692] : memref<1024x64x256xf32, #tpu.memory_space<hbm>> -> memref<1x64x256xf32, #tpu.memory_space<hbm>>
        %dma_start3A_694 = tpu.memref_squeeze %dma_start3A_693 : memref<1x64x256xf32, #tpu.memory_space<hbm>> -> memref<64x256xf32, #tpu.memory_space<hbm>>
        %dma_start3A_695 = arith.constant 0 : i32
        %dma_start3A_696 = arith.constant 0 : i32
        %dma_start3A_697 = tpu.memref_slice %arg5[%dma_start3A_686, %dma_start3A_695, %dma_start3A_696] : memref<4x64x256xf32, #tpu.memory_space<vmem>> -> memref<1x64x256xf32, #tpu.memory_space<vmem>>
        %dma_start3A_698 = tpu.memref_squeeze %dma_start3A_697 : memref<1x64x256xf32, #tpu.memory_space<vmem>> -> memref<64x256xf32, #tpu.memory_space<vmem>>
        %dma_start3A_699 = arith.constant 0 : i32
        %dma_start3A_700 = arith.constant 0 : i32
        %dma_start3A_701 = tpu.memref_slice %arg2[%add3A_603, %dma_start3A_699, %dma_start3A_700] : memref<1024x64x256xf32, #tpu.memory_space<hbm>> -> memref<1x64x256xf32, #tpu.memory_space<hbm>>
        %dma_start3A_702 = tpu.memref_squeeze %dma_start3A_701 : memref<1x64x256xf32, #tpu.memory_space<hbm>> -> memref<64x256xf32, #tpu.memory_space<hbm>>
        tpu.enqueue_dma source(%dma_start3A_702 : memref<64x256xf32, #tpu.memory_space<hbm>>) target(%dma_start3A_698 : memref<64x256xf32, #tpu.memory_space<vmem>>) target_semaphore(%arg8 : memref<!tpu.dma_semaphore, #tpu.memory_space<semaphore_mem>>)
        %dma_start3A_703 = arith.constant 1 : i32
        %dma_start3A_704 = arith.constant 0 : i32
        %dma_start3A_705 = arith.constant 0 : i32
        %dma_start3A_706 = tpu.memref_slice %arg6[%dma_start3A_703, %dma_start3A_704, %dma_start3A_705] : memref<4x16x256xf32, #tpu.memory_space<vmem>> -> memref<1x16x256xf32, #tpu.memory_space<vmem>>
        %dma_start3A_707 = tpu.memref_squeeze %dma_start3A_706 : memref<1x16x256xf32, #tpu.memory_space<vmem>> -> memref<16x256xf32, #tpu.memory_space<vmem>>
        %dma_start3A_708 = arith.constant 32 : i32
        %dma_start3A_709 = arith.constant 0 : i32
        %dma_start3A_710 = tpu.memref_slice %arg3[%add3A_603, %dma_start3A_708, %dma_start3A_709] : memref<1024x64x256xf32, #tpu.memory_space<hbm>> -> memref<1x16x256xf32, #tpu.memory_space<hbm>>
        %dma_start3A_711 = tpu.memref_squeeze %dma_start3A_710 : memref<1x16x256xf32, #tpu.memory_space<hbm>> -> memref<16x256xf32, #tpu.memory_space<hbm>>
        %dma_start3A_712 = arith.constant 0 : i32
        %dma_start3A_713 = arith.constant 0 : i32
        %dma_start3A_714 = tpu.memref_slice %arg6[%dma_start3A_703, %dma_start3A_712, %dma_start3A_713] : memref<4x16x256xf32, #tpu.memory_space<vmem>> -> memref<1x16x256xf32, #tpu.memory_space<vmem>>
        %dma_start3A_715 = tpu.memref_squeeze %dma_start3A_714 : memref<1x16x256xf32, #tpu.memory_space<vmem>> -> memref<16x256xf32, #tpu.memory_space<vmem>>
        %dma_start3A_716 = arith.constant 32 : i32
        %dma_start3A_717 = arith.constant 0 : i32
        %dma_start3A_718 = tpu.memref_slice %arg3[%add3A_603, %dma_start3A_716, %dma_start3A_717] : memref<1024x64x256xf32, #tpu.memory_space<hbm>> -> memref<1x16x256xf32, #tpu.memory_space<hbm>>
        %dma_start3A_719 = tpu.memref_squeeze %dma_start3A_718 : memref<1x16x256xf32, #tpu.memory_space<hbm>> -> memref<16x256xf32, #tpu.memory_space<hbm>>
        tpu.enqueue_dma source(%dma_start3A_719 : memref<16x256xf32, #tpu.memory_space<hbm>>) target(%dma_start3A_715 : memref<16x256xf32, #tpu.memory_space<vmem>>) target_semaphore(%arg8 : memref<!tpu.dma_semaphore, #tpu.memory_space<semaphore_mem>>)
      } else {
      }
      %dma_wait3A_607 = arith.constant 0 : i32
      %dma_wait3A_608 = arith.constant 3 : i32
      %dma_wait3A_609 = arith.constant 0 : i32
      %dma_wait3A_610 = arith.constant 0 : i32
      %dma_wait3A_611 = tpu.memref_slice %arg6[%dma_wait3A_608, %dma_wait3A_609, %dma_wait3A_610] : memref<4x16x256xf32, #tpu.memory_space<vmem>> -> memref<1x16x256xf32, #tpu.memory_space<vmem>>
      %dma_wait3A_612 = tpu.memref_squeeze %dma_wait3A_611 : memref<1x16x256xf32, #tpu.memory_space<vmem>> -> memref<16x256xf32, #tpu.memory_space<vmem>>
      %dma_wait3A_613 = arith.constant 32 : i32
      %dma_wait3A_614 = arith.constant 0 : i32
      %dma_wait3A_615 = tpu.memref_slice %arg3[%dma_wait3A_607, %dma_wait3A_613, %dma_wait3A_614] : memref<1024x64x256xf32, #tpu.memory_space<hbm>> -> memref<1x16x256xf32, #tpu.memory_space<hbm>>
      %dma_wait3A_616 = tpu.memref_squeeze %dma_wait3A_615 : memref<1x16x256xf32, #tpu.memory_space<hbm>> -> memref<16x256xf32, #tpu.memory_space<hbm>>
      %dma_wait3A_617 = arith.constant 0 : i32
      %dma_wait3A_618 = arith.constant 0 : i32
      %dma_wait3A_619 = tpu.memref_slice %arg6[%dma_wait3A_608, %dma_wait3A_617, %dma_wait3A_618] : memref<4x16x256xf32, #tpu.memory_space<vmem>> -> memref<1x16x256xf32, #tpu.memory_space<vmem>>
      %dma_wait3A_620 = tpu.memref_squeeze %dma_wait3A_619 : memref<1x16x256xf32, #tpu.memory_space<vmem>> -> memref<16x256xf32, #tpu.memory_space<vmem>>
      %dma_wait3A_621 = arith.constant 32 : i32
      %dma_wait3A_622 = arith.constant 0 : i32
      %dma_wait3A_623 = tpu.memref_slice %arg3[%dma_wait3A_607, %dma_wait3A_621, %dma_wait3A_622] : memref<1024x64x256xf32, #tpu.memory_space<hbm>> -> memref<1x16x256xf32, #tpu.memory_space<hbm>>
      %dma_wait3A_624 = tpu.memref_squeeze %dma_wait3A_623 : memref<1x16x256xf32, #tpu.memory_space<hbm>> -> memref<16x256xf32, #tpu.memory_space<hbm>>
      tpu.wait_dma2 semaphore(%arg10 : memref<!tpu.dma_semaphore, #tpu.memory_space<semaphore_mem>>) src(%dma_wait3A_624 : memref<16x256xf32, #tpu.memory_space<hbm>>) dst(%dma_wait3A_620 : memref<16x256xf32, #tpu.memory_space<vmem>>)
      %scan3A_625 = arith.constant 0 : i32
      %scan3A_626 = arith.constant 0 : i32
      %scan3A_627 = arith.constant 16 : i32
      %scan3A_628 = arith.addi %scan3A_626, %scan3A_627 : i32
      %scan3A_629 = arith.constant 1 : i32
      scf.for %scan3A_650 = %scan3A_626 to %scan3A_628 step %scan3A_629  : i32 {
        %get3A = arith.constant 3 : i32
        %get3A_651 = arith.index_cast %get3A : i32 to index
        %get3A_652 = arith.index_cast %scan3A_650 : i32 to index
        %get3A_653 = arith.constant 0 : index
        %get3A_654 = tpu.vector_load %arg6[%get3A_651, %get3A_652, %get3A_653] {strides = array<i32>} : memref<4x16x256xf32, #tpu.memory_space<vmem>>, vector<1x1x16xf32>,
        %get3A_655 = vector.shape_cast %get3A_654 : vector<1x1x16xf32> to vector<16xf32>
        %get3A_656 = arith.constant 3 : i32
        %get3A_657 = arith.index_cast %get3A_656 : i32 to index
        %get3A_658 = arith.index_cast %scan3A_650 : i32 to index
        %get3A_659 = arith.constant 0 : index
        %get3A_660 = tpu.vector_load %arg5[%get3A_657, %get3A_658, %get3A_659] {strides = array<i32>} : memref<4x64x256xf32, #tpu.memory_space<vmem>>, vector<1x1x16xf32>,
        %get3A_661 = vector.shape_cast %get3A_660 : vector<1x1x16xf32> to vector<16xf32>
        %add3A_662 = arith.constant 16 : i32
        %add3A_663 = arith.addi %scan3A_650, %add3A_662 : i32
        %get3A_664 = arith.constant 3 : i32
        %get3A_665 = arith.index_cast %get3A_664 : i32 to index
        %get3A_666 = arith.index_cast %add3A_663 : i32 to index
        %get3A_667 = arith.constant 0 : index
        %get3A_668 = tpu.vector_load %arg5[%get3A_665, %get3A_666, %get3A_667] {strides = array<i32>} : memref<4x64x256xf32, #tpu.memory_space<vmem>>, vector<1x1x16xf32>,
        %get3A_669 = vector.shape_cast %get3A_668 : vector<1x1x16xf32> to vector<16xf32>
        %add3A_670 = arith.constant 9.99999997E-7 : f32
        %add3A_671 = vector.broadcast %add3A_670 : f32 to vector<16xf32>
        %add3A_672 = arith.addf %get3A_669, %add3A_671 : vector<16xf32>
        %add3A_673 = arith.constant 48 : i32
        %add3A_674 = arith.addi %scan3A_650, %add3A_673 : i32
        %get3A_675 = arith.constant 3 : i32
        %get3A_676 = arith.index_cast %get3A_675 : i32 to index
        %get3A_677 = arith.index_cast %add3A_674 : i32 to index
        %get3A_678 = arith.constant 0 : index
        %get3A_679 = tpu.vector_load %arg5[%get3A_676, %get3A_677, %get3A_678] {strides = array<i32>} : memref<4x64x256xf32, #tpu.memory_space<vmem>>, vector<1x1x16xf32>,
        %get3A_680 = vector.shape_cast %get3A_679 : vector<1x1x16xf32> to vector<16xf32>
        %sub3A = arith.constant 9.99999997E-7 : f32
        %sub3A_681 = vector.broadcast %sub3A : f32 to vector<16xf32>
        %sub3A_682 = arith.subf %get3A_680, %sub3A_681 : vector<16xf32>
        %max3A = arith.maximumf %add3A_672, %sub3A_682 : vector<16xf32>
        %sub3A_683 = arith.subf %max3A, %get3A_655 : vector<16xf32>
        %max3A_684 = arith.maximumf %get3A_661, %sub3A_683 : vector<16xf32>
        %swap3A = arith.constant 3 : i32
        %swap3A_685 = arith.index_cast %swap3A : i32 to index
        %swap3A_686 = arith.index_cast %scan3A_650 : i32 to index
        %swap3A_687 = arith.constant 0 : index
        %swap3A_688 = tpu.vector_load %arg5[%swap3A_685, %swap3A_686, %swap3A_687] {strides = array<i32>} : memref<4x64x256xf32, #tpu.memory_space<vmem>>, vector<1x1x16xf32>,
        %swap3A_689 = vector.shape_cast %swap3A_688 : vector<1x1x16xf32> to vector<16xf32>
        %swap3A_690 = vector.shape_cast %max3A_684 : vector<16xf32> to vector<1x1x16xf32>
        tpu.vector_store %arg5[%swap3A_685, %swap3A_686, %swap3A_687], %swap3A_690 {strides = array<i32>} : memref<4x64x256xf32, #tpu.memory_space<vmem>>, vector<1x1x16xf32>,
        %get3A_691 = arith.constant 3 : i32
        %get3A_692 = arith.index_cast %get3A_691 : i32 to index
        %get3A_693 = arith.index_cast %scan3A_650 : i32 to index
        %get3A_694 = arith.constant 16 : index
        %get3A_695 = tpu.vector_load %arg6[%get3A_692, %get3A_693, %get3A_694] {strides = array<i32>} : memref<4x16x256xf32, #tpu.memory_space<vmem>>, vector<1x1x16xf32>,
        %get3A_696 = vector.shape_cast %get3A_695 : vector<1x1x16xf32> to vector<16xf32>
        %get3A_697 = arith.constant 3 : i32
        %get3A_698 = arith.index_cast %get3A_697 : i32 to index
        %get3A_699 = arith.index_cast %scan3A_650 : i32 to index
        %get3A_700 = arith.constant 16 : index
        %get3A_701 = tpu.vector_load %arg5[%get3A_698, %get3A_699, %get3A_700] {strides = array<i32>} : memref<4x64x256xf32, #tpu.memory_space<vmem>>, vector<1x1x16xf32>,
        %get3A_702 = vector.shape_cast %get3A_701 : vector<1x1x16xf32> to vector<16xf32>
        %add3A_703 = arith.constant 16 : i32
        %add3A_704 = arith.addi %scan3A_650, %add3A_703 : i32
        %get3A_705 = arith.constant 3 : i32
        %get3A_706 = arith.index_cast %get3A_705 : i32 to index
        %get3A_707 = arith.index_cast %add3A_704 : i32 to index
        %get3A_708 = arith.constant 16 : index
        %get3A_709 = tpu.vector_load %arg5[%get3A_706, %get3A_707, %get3A_708] {strides = array<i32>} : memref<4x64x256xf32, #tpu.memory_space<vmem>>, vector<1x1x16xf32>,
        %get3A_710 = vector.shape_cast %get3A_709 : vector<1x1x16xf32> to vector<16xf32>
        %add3A_711 = arith.constant 9.99999997E-7 : f32
        %add3A_712 = vector.broadcast %add3A_711 : f32 to vector<16xf32>
        %add3A_713 = arith.addf %get3A_710, %add3A_712 : vector<16xf32>
        %add3A_714 = arith.constant 48 : i32
        %add3A_715 = arith.addi %scan3A_650, %add3A_714 : i32
        %get3A_716 = arith.constant 3 : i32
        %get3A_717 = arith.index_cast %get3A_716 : i32 to index
        %get3A_718 = arith.index_cast %add3A_715 : i32 to index
        %get3A_719 = arith.constant 16 : index
        %get3A_720 = tpu.vector_load %arg5[%get3A_717, %get3A_718, %get3A_719] {strides = array<i32>} : memref<4x64x256xf32, #tpu.memory_space<vmem>>, vector<1x1x16xf32>,
        %get3A_721 = vector.shape_cast %get3A_720 : vector<1x1x16xf32> to vector<16xf32>
        %sub3A_722 = arith.constant 9.99999997E-7 : f32
        %sub3A_723 = vector.broadcast %sub3A_722 : f32 to vector<16xf32>
        %sub3A_724 = arith.subf %get3A_721, %sub3A_723 : vector<16xf32>
        %max3A_725 = arith.maximumf %add3A_713, %sub3A_724 : vector<16xf32>
        %sub3A_726 = arith.subf %max3A_725, %get3A_696 : vector<16xf32>
        %max3A_727 = arith.maximumf %get3A_702, %sub3A_726 : vector<16xf32>
        %swap3A_728 = arith.constant 3 : i32
        %swap3A_729 = arith.index_cast %swap3A_728 : i32 to index
        %swap3A_730 = arith.index_cast %scan3A_650 : i32 to index
        %swap3A_731 = arith.constant 16 : index
        %swap3A_732 = tpu.vector_load %arg5[%swap3A_729, %swap3A_730, %swap3A_731] {strides = array<i32>} : memref<4x64x256xf32, #tpu.memory_space<vmem>>, vector<1x1x16xf32>,
        %swap3A_733 = vector.shape_cast %swap3A_732 : vector<1x1x16xf32> to vector<16xf32>
        %swap3A_734 = vector.shape_cast %max3A_727 : vector<16xf32> to vector<1x1x16xf32>
        tpu.vector_store %arg5[%swap3A_729, %swap3A_730, %swap3A_731], %swap3A_734 {strides = array<i32>} : memref<4x64x256xf32, #tpu.memory_space<vmem>>, vector<1x1x16xf32>,
        %get3A_735 = arith.constant 3 : i32
        %get3A_736 = arith.index_cast %get3A_735 : i32 to index
        %get3A_737 = arith.index_cast %scan3A_650 : i32 to index
        %get3A_738 = arith.constant 32 : index
        %get3A_739 = tpu.vector_load %arg6[%get3A_736, %get3A_737, %get3A_738] {strides = array<i32>} : memref<4x16x256xf32, #tpu.memory_space<vmem>>, vector<1x1x16xf32>,
        %get3A_740 = vector.shape_cast %get3A_739 : vector<1x1x16xf32> to vector<16xf32>
        %get3A_741 = arith.constant 3 : i32
        %get3A_742 = arith.index_cast %get3A_741 : i32 to index
        %get3A_743 = arith.index_cast %scan3A_650 : i32 to index
        %get3A_744 = arith.constant 32 : index
        %get3A_745 = tpu.vector_load %arg5[%get3A_742, %get3A_743, %get3A_744] {strides = array<i32>} : memref<4x64x256xf32, #tpu.memory_space<vmem>>, vector<1x1x16xf32>,
        %get3A_746 = vector.shape_cast %get3A_745 : vector<1x1x16xf32> to vector<16xf32>
        %add3A_747 = arith.constant 16 : i32
        %add3A_748 = arith.addi %scan3A_650, %add3A_747 : i32
        %get3A_749 = arith.constant 3 : i32
        %get3A_750 = arith.index_cast %get3A_749 : i32 to index
        %get3A_751 = arith.index_cast %add3A_748 : i32 to index
        %get3A_752 = arith.constant 32 : index
        %get3A_753 = tpu.vector_load %arg5[%get3A_750, %get3A_751, %get3A_752] {strides = array<i32>} : memref<4x64x256xf32, #tpu.memory_space<vmem>>, vector<1x1x16xf32>,
        %get3A_754 = vector.shape_cast %get3A_753 : vector<1x1x16xf32> to vector<16xf32>
        %add3A_755 = arith.constant 9.99999997E-7 : f32
        %add3A_756 = vector.broadcast %add3A_755 : f32 to vector<16xf32>
        %add3A_757 = arith.addf %get3A_754, %add3A_756 : vector<16xf32>
        %add3A_758 = arith.constant 48 : i32
        %add3A_759 = arith.addi %scan3A_650, %add3A_758 : i32
        %get3A_760 = arith.constant 3 : i32
        %get3A_761 = arith.index_cast %get3A_760 : i32 to index
        %get3A_762 = arith.index_cast %add3A_759 : i32 to index
        %get3A_763 = arith.constant 32 : index
        %get3A_764 = tpu.vector_load %arg5[%get3A_761, %get3A_762, %get3A_763] {strides = array<i32>} : memref<4x64x256xf32, #tpu.memory_space<vmem>>, vector<1x1x16xf32>,
        %get3A_765 = vector.shape_cast %get3A_764 : vector<1x1x16xf32> to vector<16xf32>
        %sub3A_766 = arith.constant 9.99999997E-7 : f32
        %sub3A_767 = vector.broadcast %sub3A_766 : f32 to vector<16xf32>
        %sub3A_768 = arith.subf %get3A_765, %sub3A_767 : vector<16xf32>
        %max3A_769 = arith.maximumf %add3A_757, %sub3A_768 : vector<16xf32>
        %sub3A_770 = arith.subf %max3A_769, %get3A_740 : vector<16xf32>
        %max3A_771 = arith.maximumf %get3A_746, %sub3A_770 : vector<16xf32>
        %swap3A_772 = arith.constant 3 : i32
        %swap3A_773 = arith.index_cast %swap3A_772 : i32 to index
        %swap3A_774 = arith.index_cast %scan3A_650 : i32 to index
        %swap3A_775 = arith.constant 32 : index
        %swap3A_776 = tpu.vector_load %arg5[%swap3A_773, %swap3A_774, %swap3A_775] {strides = array<i32>} : memref<4x64x256xf32, #tpu.memory_space<vmem>>, vector<1x1x16xf32>,
        %swap3A_777 = vector.shape_cast %swap3A_776 : vector<1x1x16xf32> to vector<16xf32>
        %swap3A_778 = vector.shape_cast %max3A_771 : vector<16xf32> to vector<1x1x16xf32>
        tpu.vector_store %arg5[%swap3A_773, %swap3A_774, %swap3A_775], %swap3A_778 {strides = array<i32>} : memref<4x64x256xf32, #tpu.memory_space<vmem>>, vector<1x1x16xf32>,
        %get3A_779 = arith.constant 3 : i32
        %get3A_780 = arith.index_cast %get3A_779 : i32 to index
        %get3A_781 = arith.index_cast %scan3A_650 : i32 to index
        %get3A_782 = arith.constant 48 : index
        %get3A_783 = tpu.vector_load %arg6[%get3A_780, %get3A_781, %get3A_782] {strides = array<i32>} : memref<4x16x256xf32, #tpu.memory_space<vmem>>, vector<1x1x16xf32>,
        %get3A_784 = vector.shape_cast %get3A_783 : vector<1x1x16xf32> to vector<16xf32>
        %get3A_785 = arith.constant 3 : i32
        %get3A_786 = arith.index_cast %get3A_785 : i32 to index
        %get3A_787 = arith.index_cast %scan3A_650 : i32 to index
        %get3A_788 = arith.constant 48 : index
        %get3A_789 = tpu.vector_load %arg5[%get3A_786, %get3A_787, %get3A_788] {strides = array<i32>} : memref<4x64x256xf32, #tpu.memory_space<vmem>>, vector<1x1x16xf32>,
        %get3A_790 = vector.shape_cast %get3A_789 : vector<1x1x16xf32> to vector<16xf32>
        %add3A_791 = arith.constant 16 : i32
        %add3A_792 = arith.addi %scan3A_650, %add3A_791 : i32
        %get3A_793 = arith.constant 3 : i32
        %get3A_794 = arith.index_cast %get3A_793 : i32 to index
        %get3A_795 = arith.index_cast %add3A_792 : i32 to index
        %get3A_796 = arith.constant 48 : index
        %get3A_797 = tpu.vector_load %arg5[%get3A_794, %get3A_795, %get3A_796] {strides = array<i32>} : memref<4x64x256xf32, #tpu.memory_space<vmem>>, vector<1x1x16xf32>,
        %get3A_798 = vector.shape_cast %get3A_797 : vector<1x1x16xf32> to vector<16xf32>
        %add3A_799 = arith.constant 9.99999997E-7 : f32
        %add3A_800 = vector.broadcast %add3A_799 : f32 to vector<16xf32>
        %add3A_801 = arith.addf %get3A_798, %add3A_800 : vector<16xf32>
        %add3A_802 = arith.constant 48 : i32
        %add3A_803 = arith.addi %scan3A_650, %add3A_802 : i32
        %get3A_804 = arith.constant 3 : i32
        %get3A_805 = arith.index_cast %get3A_804 : i32 to index
        %get3A_806 = arith.index_cast %add3A_803 : i32 to index
        %get3A_807 = arith.constant 48 : index
        %get3A_808 = tpu.vector_load %arg5[%get3A_805, %get3A_806, %get3A_807] {strides = array<i32>} : memref<4x64x256xf32, #tpu.memory_space<vmem>>, vector<1x1x16xf32>,
        %get3A_809 = vector.shape_cast %get3A_808 : vector<1x1x16xf32> to vector<16xf32>
        %sub3A_810 = arith.constant 9.99999997E-7 : f32
        %sub3A_811 = vector.broadcast %sub3A_810 : f32 to vector<16xf32>
        %sub3A_812 = arith.subf %get3A_809, %sub3A_811 : vector<16xf32>
        %max3A_813 = arith.maximumf %add3A_801, %sub3A_812 : vector<16xf32>
        %sub3A_814 = arith.subf %max3A_813, %get3A_784 : vector<16xf32>
        %max3A_815 = arith.maximumf %get3A_790, %sub3A_814 : vector<16xf32>
        %swap3A_816 = arith.constant 3 : i32
        %swap3A_817 = arith.index_cast %swap3A_816 : i32 to index
        %swap3A_818 = arith.index_cast %scan3A_650 : i32 to index
        %swap3A_819 = arith.constant 48 : index
        %swap3A_820 = tpu.vector_load %arg5[%swap3A_817, %swap3A_818, %swap3A_819] {strides = array<i32>} : memref<4x64x256xf32, #tpu.memory_space<vmem>>, vector<1x1x16xf32>,
        %swap3A_821 = vector.shape_cast %swap3A_820 : vector<1x1x16xf32> to vector<16xf32>
        %swap3A_822 = vector.shape_cast %max3A_815 : vector<16xf32> to vector<1x1x16xf32>
        tpu.vector_store %arg5[%swap3A_817, %swap3A_818, %swap3A_819], %swap3A_822 {strides = array<i32>} : memref<4x64x256xf32, #tpu.memory_space<vmem>>, vector<1x1x16xf32>,
        %get3A_823 = arith.constant 3 : i32
        %get3A_824 = arith.index_cast %get3A_823 : i32 to index
        %get3A_825 = arith.index_cast %scan3A_650 : i32 to index
        %get3A_826 = arith.constant 64 : index
        %get3A_827 = tpu.vector_load %arg6[%get3A_824, %get3A_825, %get3A_826] {strides = array<i32>} : memref<4x16x256xf32, #tpu.memory_space<vmem>>, vector<1x1x16xf32>,
        %get3A_828 = vector.shape_cast %get3A_827 : vector<1x1x16xf32> to vector<16xf32>
        %get3A_829 = arith.constant 3 : i32
        %get3A_830 = arith.index_cast %get3A_829 : i32 to index
        %get3A_831 = arith.index_cast %scan3A_650 : i32 to index
        %get3A_832 = arith.constant 64 : index
        %get3A_833 = tpu.vector_load %arg5[%get3A_830, %get3A_831, %get3A_832] {strides = array<i32>} : memref<4x64x256xf32, #tpu.memory_space<vmem>>, vector<1x1x16xf32>,
        %get3A_834 = vector.shape_cast %get3A_833 : vector<1x1x16xf32> to vector<16xf32>
        %add3A_835 = arith.constant 16 : i32
        %add3A_836 = arith.addi %scan3A_650, %add3A_835 : i32
        %get3A_837 = arith.constant 3 : i32
        %get3A_838 = arith.index_cast %get3A_837 : i32 to index
        %get3A_839 = arith.index_cast %add3A_836 : i32 to index
        %get3A_840 = arith.constant 64 : index
        %get3A_841 = tpu.vector_load %arg5[%get3A_838, %get3A_839, %get3A_840] {strides = array<i32>} : memref<4x64x256xf32, #tpu.memory_space<vmem>>, vector<1x1x16xf32>,
        %get3A_842 = vector.shape_cast %get3A_841 : vector<1x1x16xf32> to vector<16xf32>
        %add3A_843 = arith.constant 9.99999997E-7 : f32
        %add3A_844 = vector.broadcast %add3A_843 : f32 to vector<16xf32>
        %add3A_845 = arith.addf %get3A_842, %add3A_844 : vector<16xf32>
        %add3A_846 = arith.constant 48 : i32
        %add3A_847 = arith.addi %scan3A_650, %add3A_846 : i32
        %get3A_848 = arith.constant 3 : i32
        %get3A_849 = arith.index_cast %get3A_848 : i32 to index
        %get3A_850 = arith.index_cast %add3A_847 : i32 to index
        %get3A_851 = arith.constant 64 : index
        %get3A_852 = tpu.vector_load %arg5[%get3A_849, %get3A_850, %get3A_851] {strides = array<i32>} : memref<4x64x256xf32, #tpu.memory_space<vmem>>, vector<1x1x16xf32>,
        %get3A_853 = vector.shape_cast %get3A_852 : vector<1x1x16xf32> to vector<16xf32>
        %sub3A_854 = arith.constant 9.99999997E-7 : f32
        %sub3A_855 = vector.broadcast %sub3A_854 : f32 to vector<16xf32>
        %sub3A_856 = arith.subf %get3A_853, %sub3A_855 : vector<16xf32>
        %max3A_857 = arith.maximumf %add3A_845, %sub3A_856 : vector<16xf32>
        %sub3A_858 = arith.subf %max3A_857, %get3A_828 : vector<16xf32>
        %max3A_859 = arith.maximumf %get3A_834, %sub3A_858 : vector<16xf32>
        %swap3A_860 = arith.constant 3 : i32
        %swap3A_861 = arith.index_cast %swap3A_860 : i32 to index
        %swap3A_862 = arith.index_cast %scan3A_650 : i32 to index
        %swap3A_863 = arith.constant 64 : index
        %swap3A_864 = tpu.vector_load %arg5[%swap3A_861, %swap3A_862, %swap3A_863] {strides = array<i32>} : memref<4x64x256xf32, #tpu.memory_space<vmem>>, vector<1x1x16xf32>,
        %swap3A_865 = vector.shape_cast %swap3A_864 : vector<1x1x16xf32> to vector<16xf32>
        %swap3A_866 = vector.shape_cast %max3A_859 : vector<16xf32> to vector<1x1x16xf32>
        tpu.vector_store %arg5[%swap3A_861, %swap3A_862, %swap3A_863], %swap3A_866 {strides = array<i32>} : memref<4x64x256xf32, #tpu.memory_space<vmem>>, vector<1x1x16xf32>,
        %get3A_867 = arith.constant 3 : i32
        %get3A_868 = arith.index_cast %get3A_867 : i32 to index
        %get3A_869 = arith.index_cast %scan3A_650 : i32 to index
        %get3A_870 = arith.constant 80 : index
        %get3A_871 = tpu.vector_load %arg6[%get3A_868, %get3A_869, %get3A_870] {strides = array<i32>} : memref<4x16x256xf32, #tpu.memory_space<vmem>>, vector<1x1x16xf32>,
        %get3A_872 = vector.shape_cast %get3A_871 : vector<1x1x16xf32> to vector<16xf32>
        %get3A_873 = arith.constant 3 : i32
        %get3A_874 = arith.index_cast %get3A_873 : i32 to index
        %get3A_875 = arith.index_cast %scan3A_650 : i32 to index
        %get3A_876 = arith.constant 80 : index
        %get3A_877 = tpu.vector_load %arg5[%get3A_874, %get3A_875, %get3A_876] {strides = array<i32>} : memref<4x64x256xf32, #tpu.memory_space<vmem>>, vector<1x1x16xf32>,
        %get3A_878 = vector.shape_cast %get3A_877 : vector<1x1x16xf32> to vector<16xf32>
        %add3A_879 = arith.constant 16 : i32
        %add3A_880 = arith.addi %scan3A_650, %add3A_879 : i32
        %get3A_881 = arith.constant 3 : i32
        %get3A_882 = arith.index_cast %get3A_881 : i32 to index
        %get3A_883 = arith.index_cast %add3A_880 : i32 to index
        %get3A_884 = arith.constant 80 : index
        %get3A_885 = tpu.vector_load %arg5[%get3A_882, %get3A_883, %get3A_884] {strides = array<i32>} : memref<4x64x256xf32, #tpu.memory_space<vmem>>, vector<1x1x16xf32>,
        %get3A_886 = vector.shape_cast %get3A_885 : vector<1x1x16xf32> to vector<16xf32>
        %add3A_887 = arith.constant 9.99999997E-7 : f32
        %add3A_888 = vector.broadcast %add3A_887 : f32 to vector<16xf32>
        %add3A_889 = arith.addf %get3A_886, %add3A_888 : vector<16xf32>
        %add3A_890 = arith.constant 48 : i32
        %add3A_891 = arith.addi %scan3A_650, %add3A_890 : i32
        %get3A_892 = arith.constant 3 : i32
        %get3A_893 = arith.index_cast %get3A_892 : i32 to index
        %get3A_894 = arith.index_cast %add3A_891 : i32 to index
        %get3A_895 = arith.constant 80 : index
        %get3A_896 = tpu.vector_load %arg5[%get3A_893, %get3A_894, %get3A_895] {strides = array<i32>} : memref<4x64x256xf32, #tpu.memory_space<vmem>>, vector<1x1x16xf32>,
        %get3A_897 = vector.shape_cast %get3A_896 : vector<1x1x16xf32> to vector<16xf32>
        %sub3A_898 = arith.constant 9.99999997E-7 : f32
        %sub3A_899 = vector.broadcast %sub3A_898 : f32 to vector<16xf32>
        %sub3A_900 = arith.subf %get3A_897, %sub3A_899 : vector<16xf32>
        %max3A_901 = arith.maximumf %add3A_889, %sub3A_900 : vector<16xf32>
        %sub3A_902 = arith.subf %max3A_901, %get3A_872 : vector<16xf32>
        %max3A_903 = arith.maximumf %get3A_878, %sub3A_902 : vector<16xf32>
        %swap3A_904 = arith.constant 3 : i32
        %swap3A_905 = arith.index_cast %swap3A_904 : i32 to index
        %swap3A_906 = arith.index_cast %scan3A_650 : i32 to index
        %swap3A_907 = arith.constant 80 : index
        %swap3A_908 = tpu.vector_load %arg5[%swap3A_905, %swap3A_906, %swap3A_907] {strides = array<i32>} : memref<4x64x256xf32, #tpu.memory_space<vmem>>, vector<1x1x16xf32>,
        %swap3A_909 = vector.shape_cast %swap3A_908 : vector<1x1x16xf32> to vector<16xf32>
        %swap3A_910 = vector.shape_cast %max3A_903 : vector<16xf32> to vector<1x1x16xf32>
        tpu.vector_store %arg5[%swap3A_905, %swap3A_906, %swap3A_907], %swap3A_910 {strides = array<i32>} : memref<4x64x256xf32, #tpu.memory_space<vmem>>, vector<1x1x16xf32>,
        %get3A_911 = arith.constant 3 : i32
        %get3A_912 = arith.index_cast %get3A_911 : i32 to index
        %get3A_913 = arith.index_cast %scan3A_650 : i32 to index
        %get3A_914 = arith.constant 96 : index
        %get3A_915 = tpu.vector_load %arg6[%get3A_912, %get3A_913, %get3A_914] {strides = array<i32>} : memref<4x16x256xf32, #tpu.memory_space<vmem>>, vector<1x1x16xf32>,
        %get3A_916 = vector.shape_cast %get3A_915 : vector<1x1x16xf32> to vector<16xf32>
        %get3A_917 = arith.constant 3 : i32
        %get3A_918 = arith.index_cast %get3A_917 : i32 to index
        %get3A_919 = arith.index_cast %scan3A_650 : i32 to index
        %get3A_920 = arith.constant 96 : index
        %get3A_921 = tpu.vector_load %arg5[%get3A_918, %get3A_919, %get3A_920] {strides = array<i32>} : memref<4x64x256xf32, #tpu.memory_space<vmem>>, vector<1x1x16xf32>,
        %get3A_922 = vector.shape_cast %get3A_921 : vector<1x1x16xf32> to vector<16xf32>
        %add3A_923 = arith.constant 16 : i32
        %add3A_924 = arith.addi %scan3A_650, %add3A_923 : i32
        %get3A_925 = arith.constant 3 : i32
        %get3A_926 = arith.index_cast %get3A_925 : i32 to index
        %get3A_927 = arith.index_cast %add3A_924 : i32 to index
        %get3A_928 = arith.constant 96 : index
        %get3A_929 = tpu.vector_load %arg5[%get3A_926, %get3A_927, %get3A_928] {strides = array<i32>} : memref<4x64x256xf32, #tpu.memory_space<vmem>>, vector<1x1x16xf32>,
        %get3A_930 = vector.shape_cast %get3A_929 : vector<1x1x16xf32> to vector<16xf32>
        %add3A_931 = arith.constant 9.99999997E-7 : f32
        %add3A_932 = vector.broadcast %add3A_931 : f32 to vector<16xf32>
        %add3A_933 = arith.addf %get3A_930, %add3A_932 : vector<16xf32>
        %add3A_934 = arith.constant 48 : i32
        %add3A_935 = arith.addi %scan3A_650, %add3A_934 : i32
        %get3A_936 = arith.constant 3 : i32
        %get3A_937 = arith.index_cast %get3A_936 : i32 to index
        %get3A_938 = arith.index_cast %add3A_935 : i32 to index
        %get3A_939 = arith.constant 96 : index
        %get3A_940 = tpu.vector_load %arg5[%get3A_937, %get3A_938, %get3A_939] {strides = array<i32>} : memref<4x64x256xf32, #tpu.memory_space<vmem>>, vector<1x1x16xf32>,
        %get3A_941 = vector.shape_cast %get3A_940 : vector<1x1x16xf32> to vector<16xf32>
        %sub3A_942 = arith.constant 9.99999997E-7 : f32
        %sub3A_943 = vector.broadcast %sub3A_942 : f32 to vector<16xf32>
        %sub3A_944 = arith.subf %get3A_941, %sub3A_943 : vector<16xf32>
        %max3A_945 = arith.maximumf %add3A_933, %sub3A_944 : vector<16xf32>
        %sub3A_946 = arith.subf %max3A_945, %get3A_916 : vector<16xf32>
        %max3A_947 = arith.maximumf %get3A_922, %sub3A_946 : vector<16xf32>
        %swap3A_948 = arith.constant 3 : i32
        %swap3A_949 = arith.index_cast %swap3A_948 : i32 to index
        %swap3A_950 = arith.index_cast %scan3A_650 : i32 to index
        %swap3A_951 = arith.constant 96 : index
        %swap3A_952 = tpu.vector_load %arg5[%swap3A_949, %swap3A_950, %swap3A_951] {strides = array<i32>} : memref<4x64x256xf32, #tpu.memory_space<vmem>>, vector<1x1x16xf32>,
        %swap3A_953 = vector.shape_cast %swap3A_952 : vector<1x1x16xf32> to vector<16xf32>
        %swap3A_954 = vector.shape_cast %max3A_947 : vector<16xf32> to vector<1x1x16xf32>
        tpu.vector_store %arg5[%swap3A_949, %swap3A_950, %swap3A_951], %swap3A_954 {strides = array<i32>} : memref<4x64x256xf32, #tpu.memory_space<vmem>>, vector<1x1x16xf32>,
        %get3A_955 = arith.constant 3 : i32
        %get3A_956 = arith.index_cast %get3A_955 : i32 to index
        %get3A_957 = arith.index_cast %scan3A_650 : i32 to index
        %get3A_958 = arith.constant 112 : index
        %get3A_959 = tpu.vector_load %arg6[%get3A_956, %get3A_957, %get3A_958] {strides = array<i32>} : memref<4x16x256xf32, #tpu.memory_space<vmem>>, vector<1x1x16xf32>,
        %get3A_960 = vector.shape_cast %get3A_959 : vector<1x1x16xf32> to vector<16xf32>
        %get3A_961 = arith.constant 3 : i32
        %get3A_962 = arith.index_cast %get3A_961 : i32 to index
        %get3A_963 = arith.index_cast %scan3A_650 : i32 to index
        %get3A_964 = arith.constant 112 : index
        %get3A_965 = tpu.vector_load %arg5[%get3A_962, %get3A_963, %get3A_964] {strides = array<i32>} : memref<4x64x256xf32, #tpu.memory_space<vmem>>, vector<1x1x16xf32>,
        %get3A_966 = vector.shape_cast %get3A_965 : vector<1x1x16xf32> to vector<16xf32>
        %add3A_967 = arith.constant 16 : i32
        %add3A_968 = arith.addi %scan3A_650, %add3A_967 : i32
        %get3A_969 = arith.constant 3 : i32
        %get3A_970 = arith.index_cast %get3A_969 : i32 to index
        %get3A_971 = arith.index_cast %add3A_968 : i32 to index
        %get3A_972 = arith.constant 112 : index
        %get3A_973 = tpu.vector_load %arg5[%get3A_970, %get3A_971, %get3A_972] {strides = array<i32>} : memref<4x64x256xf32, #tpu.memory_space<vmem>>, vector<1x1x16xf32>,
        %get3A_974 = vector.shape_cast %get3A_973 : vector<1x1x16xf32> to vector<16xf32>
        %add3A_975 = arith.constant 9.99999997E-7 : f32
        %add3A_976 = vector.broadcast %add3A_975 : f32 to vector<16xf32>
        %add3A_977 = arith.addf %get3A_974, %add3A_976 : vector<16xf32>
        %add3A_978 = arith.constant 48 : i32
        %add3A_979 = arith.addi %scan3A_650, %add3A_978 : i32
        %get3A_980 = arith.constant 3 : i32
        %get3A_981 = arith.index_cast %get3A_980 : i32 to index
        %get3A_982 = arith.index_cast %add3A_979 : i32 to index
        %get3A_983 = arith.constant 112 : index
        %get3A_984 = tpu.vector_load %arg5[%get3A_981, %get3A_982, %get3A_983] {strides = array<i32>} : memref<4x64x256xf32, #tpu.memory_space<vmem>>, vector<1x1x16xf32>,
        %get3A_985 = vector.shape_cast %get3A_984 : vector<1x1x16xf32> to vector<16xf32>
        %sub3A_986 = arith.constant 9.99999997E-7 : f32
        %sub3A_987 = vector.broadcast %sub3A_986 : f32 to vector<16xf32>
        %sub3A_988 = arith.subf %get3A_985, %sub3A_987 : vector<16xf32>
        %max3A_989 = arith.maximumf %add3A_977, %sub3A_988 : vector<16xf32>
        %sub3A_990 = arith.subf %max3A_989, %get3A_960 : vector<16xf32>
        %max3A_991 = arith.maximumf %get3A_966, %sub3A_990 : vector<16xf32>
        %swap3A_992 = arith.constant 3 : i32
        %swap3A_993 = arith.index_cast %swap3A_992 : i32 to index
        %swap3A_994 = arith.index_cast %scan3A_650 : i32 to index
        %swap3A_995 = arith.constant 112 : index
        %swap3A_996 = tpu.vector_load %arg5[%swap3A_993, %swap3A_994, %swap3A_995] {strides = array<i32>} : memref<4x64x256xf32, #tpu.memory_space<vmem>>, vector<1x1x16xf32>,
        %swap3A_997 = vector.shape_cast %swap3A_996 : vector<1x1x16xf32> to vector<16xf32>
        %swap3A_998 = vector.shape_cast %max3A_991 : vector<16xf32> to vector<1x1x16xf32>
        tpu.vector_store %arg5[%swap3A_993, %swap3A_994, %swap3A_995], %swap3A_998 {strides = array<i32>} : memref<4x64x256xf32, #tpu.memory_space<vmem>>, vector<1x1x16xf32>,
        %get3A_999 = arith.constant 3 : i32
        %get3A_1000 = arith.index_cast %get3A_999 : i32 to index
        %get3A_1001 = arith.index_cast %scan3A_650 : i32 to index
        %get3A_1002 = arith.constant 128 : index
        %get3A_1003 = tpu.vector_load %arg6[%get3A_1000, %get3A_1001, %get3A_1002] {strides = array<i32>} : memref<4x16x256xf32, #tpu.memory_space<vmem>>, vector<1x1x16xf32>,
        %get3A_1004 = vector.shape_cast %get3A_1003 : vector<1x1x16xf32> to vector<16xf32>
        %get3A_1005 = arith.constant 3 : i32
        %get3A_1006 = arith.index_cast %get3A_1005 : i32 to index
        %get3A_1007 = arith.index_cast %scan3A_650 : i32 to index
        %get3A_1008 = arith.constant 128 : index
        %get3A_1009 = tpu.vector_load %arg5[%get3A_1006, %get3A_1007, %get3A_1008] {strides = array<i32>} : memref<4x64x256xf32, #tpu.memory_space<vmem>>, vector<1x1x16xf32>,
        %get3A_1010 = vector.shape_cast %get3A_1009 : vector<1x1x16xf32> to vector<16xf32>
        %add3A_1011 = arith.constant 16 : i32
        %add3A_1012 = arith.addi %scan3A_650, %add3A_1011 : i32
        %get3A_1013 = arith.constant 3 : i32
        %get3A_1014 = arith.index_cast %get3A_1013 : i32 to index
        %get3A_1015 = arith.index_cast %add3A_1012 : i32 to index
        %get3A_1016 = arith.constant 128 : index
        %get3A_1017 = tpu.vector_load %arg5[%get3A_1014, %get3A_1015, %get3A_1016] {strides = array<i32>} : memref<4x64x256xf32, #tpu.memory_space<vmem>>, vector<1x1x16xf32>,
        %get3A_1018 = vector.shape_cast %get3A_1017 : vector<1x1x16xf32> to vector<16xf32>
        %add3A_1019 = arith.constant 9.99999997E-7 : f32
        %add3A_1020 = vector.broadcast %add3A_1019 : f32 to vector<16xf32>
        %add3A_1021 = arith.addf %get3A_1018, %add3A_1020 : vector<16xf32>
        %add3A_1022 = arith.constant 48 : i32
        %add3A_1023 = arith.addi %scan3A_650, %add3A_1022 : i32
        %get3A_1024 = arith.constant 3 : i32
        %get3A_1025 = arith.index_cast %get3A_1024 : i32 to index
        %get3A_1026 = arith.index_cast %add3A_1023 : i32 to index
        %get3A_1027 = arith.constant 128 : index
        %get3A_1028 = tpu.vector_load %arg5[%get3A_1025, %get3A_1026, %get3A_1027] {strides = array<i32>} : memref<4x64x256xf32, #tpu.memory_space<vmem>>, vector<1x1x16xf32>,
        %get3A_1029 = vector.shape_cast %get3A_1028 : vector<1x1x16xf32> to vector<16xf32>
        %sub3A_1030 = arith.constant 9.99999997E-7 : f32
        %sub3A_1031 = vector.broadcast %sub3A_1030 : f32 to vector<16xf32>
        %sub3A_1032 = arith.subf %get3A_1029, %sub3A_1031 : vector<16xf32>
        %max3A_1033 = arith.maximumf %add3A_1021, %sub3A_1032 : vector<16xf32>
        %sub3A_1034 = arith.subf %max3A_1033, %get3A_1004 : vector<16xf32>
        %max3A_1035 = arith.maximumf %get3A_1010, %sub3A_1034 : vector<16xf32>
        %swap3A_1036 = arith.constant 3 : i32
        %swap3A_1037 = arith.index_cast %swap3A_1036 : i32 to index
        %swap3A_1038 = arith.index_cast %scan3A_650 : i32 to index
        %swap3A_1039 = arith.constant 128 : index
        %swap3A_1040 = tpu.vector_load %arg5[%swap3A_1037, %swap3A_1038, %swap3A_1039] {strides = array<i32>} : memref<4x64x256xf32, #tpu.memory_space<vmem>>, vector<1x1x16xf32>,
        %swap3A_1041 = vector.shape_cast %swap3A_1040 : vector<1x1x16xf32> to vector<16xf32>
        %swap3A_1042 = vector.shape_cast %max3A_1035 : vector<16xf32> to vector<1x1x16xf32>
        tpu.vector_store %arg5[%swap3A_1037, %swap3A_1038, %swap3A_1039], %swap3A_1042 {strides = array<i32>} : memref<4x64x256xf32, #tpu.memory_space<vmem>>, vector<1x1x16xf32>,
        %get3A_1043 = arith.constant 3 : i32
        %get3A_1044 = arith.index_cast %get3A_1043 : i32 to index
        %get3A_1045 = arith.index_cast %scan3A_650 : i32 to index
        %get3A_1046 = arith.constant 144 : index
        %get3A_1047 = tpu.vector_load %arg6[%get3A_1044, %get3A_1045, %get3A_1046] {strides = array<i32>} : memref<4x16x256xf32, #tpu.memory_space<vmem>>, vector<1x1x16xf32>,
        %get3A_1048 = vector.shape_cast %get3A_1047 : vector<1x1x16xf32> to vector<16xf32>
        %get3A_1049 = arith.constant 3 : i32
        %get3A_1050 = arith.index_cast %get3A_1049 : i32 to index
        %get3A_1051 = arith.index_cast %scan3A_650 : i32 to index
        %get3A_1052 = arith.constant 144 : index
        %get3A_1053 = tpu.vector_load %arg5[%get3A_1050, %get3A_1051, %get3A_1052] {strides = array<i32>} : memref<4x64x256xf32, #tpu.memory_space<vmem>>, vector<1x1x16xf32>,
        %get3A_1054 = vector.shape_cast %get3A_1053 : vector<1x1x16xf32> to vector<16xf32>
        %add3A_1055 = arith.constant 16 : i32
        %add3A_1056 = arith.addi %scan3A_650, %add3A_1055 : i32
        %get3A_1057 = arith.constant 3 : i32
        %get3A_1058 = arith.index_cast %get3A_1057 : i32 to index
        %get3A_1059 = arith.index_cast %add3A_1056 : i32 to index
        %get3A_1060 = arith.constant 144 : index
        %get3A_1061 = tpu.vector_load %arg5[%get3A_1058, %get3A_1059, %get3A_1060] {strides = array<i32>} : memref<4x64x256xf32, #tpu.memory_space<vmem>>, vector<1x1x16xf32>,
        %get3A_1062 = vector.shape_cast %get3A_1061 : vector<1x1x16xf32> to vector<16xf32>
        %add3A_1063 = arith.constant 9.99999997E-7 : f32
        %add3A_1064 = vector.broadcast %add3A_1063 : f32 to vector<16xf32>
        %add3A_1065 = arith.addf %get3A_1062, %add3A_1064 : vector<16xf32>
        %add3A_1066 = arith.constant 48 : i32
        %add3A_1067 = arith.addi %scan3A_650, %add3A_1066 : i32
        %get3A_1068 = arith.constant 3 : i32
        %get3A_1069 = arith.index_cast %get3A_1068 : i32 to index
        %get3A_1070 = arith.index_cast %add3A_1067 : i32 to index
        %get3A_1071 = arith.constant 144 : index
        %get3A_1072 = tpu.vector_load %arg5[%get3A_1069, %get3A_1070, %get3A_1071] {strides = array<i32>} : memref<4x64x256xf32, #tpu.memory_space<vmem>>, vector<1x1x16xf32>,
        %get3A_1073 = vector.shape_cast %get3A_1072 : vector<1x1x16xf32> to vector<16xf32>
        %sub3A_1074 = arith.constant 9.99999997E-7 : f32
        %sub3A_1075 = vector.broadcast %sub3A_1074 : f32 to vector<16xf32>
        %sub3A_1076 = arith.subf %get3A_1073, %sub3A_1075 : vector<16xf32>
        %max3A_1077 = arith.maximumf %add3A_1065, %sub3A_1076 : vector<16xf32>
        %sub3A_1078 = arith.subf %max3A_1077, %get3A_1048 : vector<16xf32>
        %max3A_1079 = arith.maximumf %get3A_1054, %sub3A_1078 : vector<16xf32>
        %swap3A_1080 = arith.constant 3 : i32
        %swap3A_1081 = arith.index_cast %swap3A_1080 : i32 to index
        %swap3A_1082 = arith.index_cast %scan3A_650 : i32 to index
        %swap3A_1083 = arith.constant 144 : index
        %swap3A_1084 = tpu.vector_load %arg5[%swap3A_1081, %swap3A_1082, %swap3A_1083] {strides = array<i32>} : memref<4x64x256xf32, #tpu.memory_space<vmem>>, vector<1x1x16xf32>,
        %swap3A_1085 = vector.shape_cast %swap3A_1084 : vector<1x1x16xf32> to vector<16xf32>
        %swap3A_1086 = vector.shape_cast %max3A_1079 : vector<16xf32> to vector<1x1x16xf32>
        tpu.vector_store %arg5[%swap3A_1081, %swap3A_1082, %swap3A_1083], %swap3A_1086 {strides = array<i32>} : memref<4x64x256xf32, #tpu.memory_space<vmem>>, vector<1x1x16xf32>,
        %get3A_1087 = arith.constant 3 : i32
        %get3A_1088 = arith.index_cast %get3A_1087 : i32 to index
        %get3A_1089 = arith.index_cast %scan3A_650 : i32 to index
        %get3A_1090 = arith.constant 160 : index
        %get3A_1091 = tpu.vector_load %arg6[%get3A_1088, %get3A_1089, %get3A_1090] {strides = array<i32>} : memref<4x16x256xf32, #tpu.memory_space<vmem>>, vector<1x1x16xf32>,
        %get3A_1092 = vector.shape_cast %get3A_1091 : vector<1x1x16xf32> to vector<16xf32>
        %get3A_1093 = arith.constant 3 : i32
        %get3A_1094 = arith.index_cast %get3A_1093 : i32 to index
        %get3A_1095 = arith.index_cast %scan3A_650 : i32 to index
        %get3A_1096 = arith.constant 160 : index
        %get3A_1097 = tpu.vector_load %arg5[%get3A_1094, %get3A_1095, %get3A_1096] {strides = array<i32>} : memref<4x64x256xf32, #tpu.memory_space<vmem>>, vector<1x1x16xf32>,
        %get3A_1098 = vector.shape_cast %get3A_1097 : vector<1x1x16xf32> to vector<16xf32>
        %add3A_1099 = arith.constant 16 : i32
        %add3A_1100 = arith.addi %scan3A_650, %add3A_1099 : i32
        %get3A_1101 = arith.constant 3 : i32
        %get3A_1102 = arith.index_cast %get3A_1101 : i32 to index
        %get3A_1103 = arith.index_cast %add3A_1100 : i32 to index
        %get3A_1104 = arith.constant 160 : index
        %get3A_1105 = tpu.vector_load %arg5[%get3A_1102, %get3A_1103, %get3A_1104] {strides = array<i32>} : memref<4x64x256xf32, #tpu.memory_space<vmem>>, vector<1x1x16xf32>,
        %get3A_1106 = vector.shape_cast %get3A_1105 : vector<1x1x16xf32> to vector<16xf32>
        %add3A_1107 = arith.constant 9.99999997E-7 : f32
        %add3A_1108 = vector.broadcast %add3A_1107 : f32 to vector<16xf32>
        %add3A_1109 = arith.addf %get3A_1106, %add3A_1108 : vector<16xf32>
        %add3A_1110 = arith.constant 48 : i32
        %add3A_1111 = arith.addi %scan3A_650, %add3A_1110 : i32
        %get3A_1112 = arith.constant 3 : i32
        %get3A_1113 = arith.index_cast %get3A_1112 : i32 to index
        %get3A_1114 = arith.index_cast %add3A_1111 : i32 to index
        %get3A_1115 = arith.constant 160 : index
        %get3A_1116 = tpu.vector_load %arg5[%get3A_1113, %get3A_1114, %get3A_1115] {strides = array<i32>} : memref<4x64x256xf32, #tpu.memory_space<vmem>>, vector<1x1x16xf32>,
        %get3A_1117 = vector.shape_cast %get3A_1116 : vector<1x1x16xf32> to vector<16xf32>
        %sub3A_1118 = arith.constant 9.99999997E-7 : f32
        %sub3A_1119 = vector.broadcast %sub3A_1118 : f32 to vector<16xf32>
        %sub3A_1120 = arith.subf %get3A_1117, %sub3A_1119 : vector<16xf32>
        %max3A_1121 = arith.maximumf %add3A_1109, %sub3A_1120 : vector<16xf32>
        %sub3A_1122 = arith.subf %max3A_1121, %get3A_1092 : vector<16xf32>
        %max3A_1123 = arith.maximumf %get3A_1098, %sub3A_1122 : vector<16xf32>
        %swap3A_1124 = arith.constant 3 : i32
        %swap3A_1125 = arith.index_cast %swap3A_1124 : i32 to index
        %swap3A_1126 = arith.index_cast %scan3A_650 : i32 to index
        %swap3A_1127 = arith.constant 160 : index
        %swap3A_1128 = tpu.vector_load %arg5[%swap3A_1125, %swap3A_1126, %swap3A_1127] {strides = array<i32>} : memref<4x64x256xf32, #tpu.memory_space<vmem>>, vector<1x1x16xf32>,
        %swap3A_1129 = vector.shape_cast %swap3A_1128 : vector<1x1x16xf32> to vector<16xf32>
        %swap3A_1130 = vector.shape_cast %max3A_1123 : vector<16xf32> to vector<1x1x16xf32>
        tpu.vector_store %arg5[%swap3A_1125, %swap3A_1126, %swap3A_1127], %swap3A_1130 {strides = array<i32>} : memref<4x64x256xf32, #tpu.memory_space<vmem>>, vector<1x1x16xf32>,
        %get3A_1131 = arith.constant 3 : i32
        %get3A_1132 = arith.index_cast %get3A_1131 : i32 to index
        %get3A_1133 = arith.index_cast %scan3A_650 : i32 to index
        %get3A_1134 = arith.constant 176 : index
        %get3A_1135 = tpu.vector_load %arg6[%get3A_1132, %get3A_1133, %get3A_1134] {strides = array<i32>} : memref<4x16x256xf32, #tpu.memory_space<vmem>>, vector<1x1x16xf32>,
        %get3A_1136 = vector.shape_cast %get3A_1135 : vector<1x1x16xf32> to vector<16xf32>
        %get3A_1137 = arith.constant 3 : i32
        %get3A_1138 = arith.index_cast %get3A_1137 : i32 to index
        %get3A_1139 = arith.index_cast %scan3A_650 : i32 to index
        %get3A_1140 = arith.constant 176 : index
        %get3A_1141 = tpu.vector_load %arg5[%get3A_1138, %get3A_1139, %get3A_1140] {strides = array<i32>} : memref<4x64x256xf32, #tpu.memory_space<vmem>>, vector<1x1x16xf32>,
        %get3A_1142 = vector.shape_cast %get3A_1141 : vector<1x1x16xf32> to vector<16xf32>
        %add3A_1143 = arith.constant 16 : i32
        %add3A_1144 = arith.addi %scan3A_650, %add3A_1143 : i32
        %get3A_1145 = arith.constant 3 : i32
        %get3A_1146 = arith.index_cast %get3A_1145 : i32 to index
        %get3A_1147 = arith.index_cast %add3A_1144 : i32 to index
        %get3A_1148 = arith.constant 176 : index
        %get3A_1149 = tpu.vector_load %arg5[%get3A_1146, %get3A_1147, %get3A_1148] {strides = array<i32>} : memref<4x64x256xf32, #tpu.memory_space<vmem>>, vector<1x1x16xf32>,
        %get3A_1150 = vector.shape_cast %get3A_1149 : vector<1x1x16xf32> to vector<16xf32>
        %add3A_1151 = arith.constant 9.99999997E-7 : f32
        %add3A_1152 = vector.broadcast %add3A_1151 : f32 to vector<16xf32>
        %add3A_1153 = arith.addf %get3A_1150, %add3A_1152 : vector<16xf32>
        %add3A_1154 = arith.constant 48 : i32
        %add3A_1155 = arith.addi %scan3A_650, %add3A_1154 : i32
        %get3A_1156 = arith.constant 3 : i32
        %get3A_1157 = arith.index_cast %get3A_1156 : i32 to index
        %get3A_1158 = arith.index_cast %add3A_1155 : i32 to index
        %get3A_1159 = arith.constant 176 : index
        %get3A_1160 = tpu.vector_load %arg5[%get3A_1157, %get3A_1158, %get3A_1159] {strides = array<i32>} : memref<4x64x256xf32, #tpu.memory_space<vmem>>, vector<1x1x16xf32>,
        %get3A_1161 = vector.shape_cast %get3A_1160 : vector<1x1x16xf32> to vector<16xf32>
        %sub3A_1162 = arith.constant 9.99999997E-7 : f32
        %sub3A_1163 = vector.broadcast %sub3A_1162 : f32 to vector<16xf32>
        %sub3A_1164 = arith.subf %get3A_1161, %sub3A_1163 : vector<16xf32>
        %max3A_1165 = arith.maximumf %add3A_1153, %sub3A_1164 : vector<16xf32>
        %sub3A_1166 = arith.subf %max3A_1165, %get3A_1136 : vector<16xf32>
        %max3A_1167 = arith.maximumf %get3A_1142, %sub3A_1166 : vector<16xf32>
        %swap3A_1168 = arith.constant 3 : i32
        %swap3A_1169 = arith.index_cast %swap3A_1168 : i32 to index
        %swap3A_1170 = arith.index_cast %scan3A_650 : i32 to index
        %swap3A_1171 = arith.constant 176 : index
        %swap3A_1172 = tpu.vector_load %arg5[%swap3A_1169, %swap3A_1170, %swap3A_1171] {strides = array<i32>} : memref<4x64x256xf32, #tpu.memory_space<vmem>>, vector<1x1x16xf32>,
        %swap3A_1173 = vector.shape_cast %swap3A_1172 : vector<1x1x16xf32> to vector<16xf32>
        %swap3A_1174 = vector.shape_cast %max3A_1167 : vector<16xf32> to vector<1x1x16xf32>
        tpu.vector_store %arg5[%swap3A_1169, %swap3A_1170, %swap3A_1171], %swap3A_1174 {strides = array<i32>} : memref<4x64x256xf32, #tpu.memory_space<vmem>>, vector<1x1x16xf32>,
        %get3A_1175 = arith.constant 3 : i32
        %get3A_1176 = arith.index_cast %get3A_1175 : i32 to index
        %get3A_1177 = arith.index_cast %scan3A_650 : i32 to index
        %get3A_1178 = arith.constant 192 : index
        %get3A_1179 = tpu.vector_load %arg6[%get3A_1176, %get3A_1177, %get3A_1178] {strides = array<i32>} : memref<4x16x256xf32, #tpu.memory_space<vmem>>, vector<1x1x16xf32>,
        %get3A_1180 = vector.shape_cast %get3A_1179 : vector<1x1x16xf32> to vector<16xf32>
        %get3A_1181 = arith.constant 3 : i32
        %get3A_1182 = arith.index_cast %get3A_1181 : i32 to index
        %get3A_1183 = arith.index_cast %scan3A_650 : i32 to index
        %get3A_1184 = arith.constant 192 : index
        %get3A_1185 = tpu.vector_load %arg5[%get3A_1182, %get3A_1183, %get3A_1184] {strides = array<i32>} : memref<4x64x256xf32, #tpu.memory_space<vmem>>, vector<1x1x16xf32>,
        %get3A_1186 = vector.shape_cast %get3A_1185 : vector<1x1x16xf32> to vector<16xf32>
        %add3A_1187 = arith.constant 16 : i32
        %add3A_1188 = arith.addi %scan3A_650, %add3A_1187 : i32
        %get3A_1189 = arith.constant 3 : i32
        %get3A_1190 = arith.index_cast %get3A_1189 : i32 to index
        %get3A_1191 = arith.index_cast %add3A_1188 : i32 to index
        %get3A_1192 = arith.constant 192 : index
        %get3A_1193 = tpu.vector_load %arg5[%get3A_1190, %get3A_1191, %get3A_1192] {strides = array<i32>} : memref<4x64x256xf32, #tpu.memory_space<vmem>>, vector<1x1x16xf32>,
        %get3A_1194 = vector.shape_cast %get3A_1193 : vector<1x1x16xf32> to vector<16xf32>
        %add3A_1195 = arith.constant 9.99999997E-7 : f32
        %add3A_1196 = vector.broadcast %add3A_1195 : f32 to vector<16xf32>
        %add3A_1197 = arith.addf %get3A_1194, %add3A_1196 : vector<16xf32>
        %add3A_1198 = arith.constant 48 : i32
        %add3A_1199 = arith.addi %scan3A_650, %add3A_1198 : i32
        %get3A_1200 = arith.constant 3 : i32
        %get3A_1201 = arith.index_cast %get3A_1200 : i32 to index
        %get3A_1202 = arith.index_cast %add3A_1199 : i32 to index
        %get3A_1203 = arith.constant 192 : index
        %get3A_1204 = tpu.vector_load %arg5[%get3A_1201, %get3A_1202, %get3A_1203] {strides = array<i32>} : memref<4x64x256xf32, #tpu.memory_space<vmem>>, vector<1x1x16xf32>,
        %get3A_1205 = vector.shape_cast %get3A_1204 : vector<1x1x16xf32> to vector<16xf32>
        %sub3A_1206 = arith.constant 9.99999997E-7 : f32
        %sub3A_1207 = vector.broadcast %sub3A_1206 : f32 to vector<16xf32>
        %sub3A_1208 = arith.subf %get3A_1205, %sub3A_1207 : vector<16xf32>
        %max3A_1209 = arith.maximumf %add3A_1197, %sub3A_1208 : vector<16xf32>
        %sub3A_1210 = arith.subf %max3A_1209, %get3A_1180 : vector<16xf32>
        %max3A_1211 = arith.maximumf %get3A_1186, %sub3A_1210 : vector<16xf32>
        %swap3A_1212 = arith.constant 3 : i32
        %swap3A_1213 = arith.index_cast %swap3A_1212 : i32 to index
        %swap3A_1214 = arith.index_cast %scan3A_650 : i32 to index
        %swap3A_1215 = arith.constant 192 : index
        %swap3A_1216 = tpu.vector_load %arg5[%swap3A_1213, %swap3A_1214, %swap3A_1215] {strides = array<i32>} : memref<4x64x256xf32, #tpu.memory_space<vmem>>, vector<1x1x16xf32>,
        %swap3A_1217 = vector.shape_cast %swap3A_1216 : vector<1x1x16xf32> to vector<16xf32>
        %swap3A_1218 = vector.shape_cast %max3A_1211 : vector<16xf32> to vector<1x1x16xf32>
        tpu.vector_store %arg5[%swap3A_1213, %swap3A_1214, %swap3A_1215], %swap3A_1218 {strides = array<i32>} : memref<4x64x256xf32, #tpu.memory_space<vmem>>, vector<1x1x16xf32>,
        %get3A_1219 = arith.constant 3 : i32
        %get3A_1220 = arith.index_cast %get3A_1219 : i32 to index
        %get3A_1221 = arith.index_cast %scan3A_650 : i32 to index
        %get3A_1222 = arith.constant 208 : index
        %get3A_1223 = tpu.vector_load %arg6[%get3A_1220, %get3A_1221, %get3A_1222] {strides = array<i32>} : memref<4x16x256xf32, #tpu.memory_space<vmem>>, vector<1x1x16xf32>,
        %get3A_1224 = vector.shape_cast %get3A_1223 : vector<1x1x16xf32> to vector<16xf32>
        %get3A_1225 = arith.constant 3 : i32
        %get3A_1226 = arith.index_cast %get3A_1225 : i32 to index
        %get3A_1227 = arith.index_cast %scan3A_650 : i32 to index
        %get3A_1228 = arith.constant 208 : index
        %get3A_1229 = tpu.vector_load %arg5[%get3A_1226, %get3A_1227, %get3A_1228] {strides = array<i32>} : memref<4x64x256xf32, #tpu.memory_space<vmem>>, vector<1x1x16xf32>,
        %get3A_1230 = vector.shape_cast %get3A_1229 : vector<1x1x16xf32> to vector<16xf32>
        %add3A_1231 = arith.constant 16 : i32
        %add3A_1232 = arith.addi %scan3A_650, %add3A_1231 : i32
        %get3A_1233 = arith.constant 3 : i32
        %get3A_1234 = arith.index_cast %get3A_1233 : i32 to index
        %get3A_1235 = arith.index_cast %add3A_1232 : i32 to index
        %get3A_1236 = arith.constant 208 : index
        %get3A_1237 = tpu.vector_load %arg5[%get3A_1234, %get3A_1235, %get3A_1236] {strides = array<i32>} : memref<4x64x256xf32, #tpu.memory_space<vmem>>, vector<1x1x16xf32>,
        %get3A_1238 = vector.shape_cast %get3A_1237 : vector<1x1x16xf32> to vector<16xf32>
        %add3A_1239 = arith.constant 9.99999997E-7 : f32
        %add3A_1240 = vector.broadcast %add3A_1239 : f32 to vector<16xf32>
        %add3A_1241 = arith.addf %get3A_1238, %add3A_1240 : vector<16xf32>
        %add3A_1242 = arith.constant 48 : i32
        %add3A_1243 = arith.addi %scan3A_650, %add3A_1242 : i32
        %get3A_1244 = arith.constant 3 : i32
        %get3A_1245 = arith.index_cast %get3A_1244 : i32 to index
        %get3A_1246 = arith.index_cast %add3A_1243 : i32 to index
        %get3A_1247 = arith.constant 208 : index
        %get3A_1248 = tpu.vector_load %arg5[%get3A_1245, %get3A_1246, %get3A_1247] {strides = array<i32>} : memref<4x64x256xf32, #tpu.memory_space<vmem>>, vector<1x1x16xf32>,
        %get3A_1249 = vector.shape_cast %get3A_1248 : vector<1x1x16xf32> to vector<16xf32>
        %sub3A_1250 = arith.constant 9.99999997E-7 : f32
        %sub3A_1251 = vector.broadcast %sub3A_1250 : f32 to vector<16xf32>
        %sub3A_1252 = arith.subf %get3A_1249, %sub3A_1251 : vector<16xf32>
        %max3A_1253 = arith.maximumf %add3A_1241, %sub3A_1252 : vector<16xf32>
        %sub3A_1254 = arith.subf %max3A_1253, %get3A_1224 : vector<16xf32>
        %max3A_1255 = arith.maximumf %get3A_1230, %sub3A_1254 : vector<16xf32>
        %swap3A_1256 = arith.constant 3 : i32
        %swap3A_1257 = arith.index_cast %swap3A_1256 : i32 to index
        %swap3A_1258 = arith.index_cast %scan3A_650 : i32 to index
        %swap3A_1259 = arith.constant 208 : index
        %swap3A_1260 = tpu.vector_load %arg5[%swap3A_1257, %swap3A_1258, %swap3A_1259] {strides = array<i32>} : memref<4x64x256xf32, #tpu.memory_space<vmem>>, vector<1x1x16xf32>,
        %swap3A_1261 = vector.shape_cast %swap3A_1260 : vector<1x1x16xf32> to vector<16xf32>
        %swap3A_1262 = vector.shape_cast %max3A_1255 : vector<16xf32> to vector<1x1x16xf32>
        tpu.vector_store %arg5[%swap3A_1257, %swap3A_1258, %swap3A_1259], %swap3A_1262 {strides = array<i32>} : memref<4x64x256xf32, #tpu.memory_space<vmem>>, vector<1x1x16xf32>,
        %get3A_1263 = arith.constant 3 : i32
        %get3A_1264 = arith.index_cast %get3A_1263 : i32 to index
        %get3A_1265 = arith.index_cast %scan3A_650 : i32 to index
        %get3A_1266 = arith.constant 224 : index
        %get3A_1267 = tpu.vector_load %arg6[%get3A_1264, %get3A_1265, %get3A_1266] {strides = array<i32>} : memref<4x16x256xf32, #tpu.memory_space<vmem>>, vector<1x1x16xf32>,
        %get3A_1268 = vector.shape_cast %get3A_1267 : vector<1x1x16xf32> to vector<16xf32>
        %get3A_1269 = arith.constant 3 : i32
        %get3A_1270 = arith.index_cast %get3A_1269 : i32 to index
        %get3A_1271 = arith.index_cast %scan3A_650 : i32 to index
        %get3A_1272 = arith.constant 224 : index
        %get3A_1273 = tpu.vector_load %arg5[%get3A_1270, %get3A_1271, %get3A_1272] {strides = array<i32>} : memref<4x64x256xf32, #tpu.memory_space<vmem>>, vector<1x1x16xf32>,
        %get3A_1274 = vector.shape_cast %get3A_1273 : vector<1x1x16xf32> to vector<16xf32>
        %add3A_1275 = arith.constant 16 : i32
        %add3A_1276 = arith.addi %scan3A_650, %add3A_1275 : i32
        %get3A_1277 = arith.constant 3 : i32
        %get3A_1278 = arith.index_cast %get3A_1277 : i32 to index
        %get3A_1279 = arith.index_cast %add3A_1276 : i32 to index
        %get3A_1280 = arith.constant 224 : index
        %get3A_1281 = tpu.vector_load %arg5[%get3A_1278, %get3A_1279, %get3A_1280] {strides = array<i32>} : memref<4x64x256xf32, #tpu.memory_space<vmem>>, vector<1x1x16xf32>,
        %get3A_1282 = vector.shape_cast %get3A_1281 : vector<1x1x16xf32> to vector<16xf32>
        %add3A_1283 = arith.constant 9.99999997E-7 : f32
        %add3A_1284 = vector.broadcast %add3A_1283 : f32 to vector<16xf32>
        %add3A_1285 = arith.addf %get3A_1282, %add3A_1284 : vector<16xf32>
        %add3A_1286 = arith.constant 48 : i32
        %add3A_1287 = arith.addi %scan3A_650, %add3A_1286 : i32
        %get3A_1288 = arith.constant 3 : i32
        %get3A_1289 = arith.index_cast %get3A_1288 : i32 to index
        %get3A_1290 = arith.index_cast %add3A_1287 : i32 to index
        %get3A_1291 = arith.constant 224 : index
        %get3A_1292 = tpu.vector_load %arg5[%get3A_1289, %get3A_1290, %get3A_1291] {strides = array<i32>} : memref<4x64x256xf32, #tpu.memory_space<vmem>>, vector<1x1x16xf32>,
        %get3A_1293 = vector.shape_cast %get3A_1292 : vector<1x1x16xf32> to vector<16xf32>
        %sub3A_1294 = arith.constant 9.99999997E-7 : f32
        %sub3A_1295 = vector.broadcast %sub3A_1294 : f32 to vector<16xf32>
        %sub3A_1296 = arith.subf %get3A_1293, %sub3A_1295 : vector<16xf32>
        %max3A_1297 = arith.maximumf %add3A_1285, %sub3A_1296 : vector<16xf32>
        %sub3A_1298 = arith.subf %max3A_1297, %get3A_1268 : vector<16xf32>
        %max3A_1299 = arith.maximumf %get3A_1274, %sub3A_1298 : vector<16xf32>
        %swap3A_1300 = arith.constant 3 : i32
        %swap3A_1301 = arith.index_cast %swap3A_1300 : i32 to index
        %swap3A_1302 = arith.index_cast %scan3A_650 : i32 to index
        %swap3A_1303 = arith.constant 224 : index
        %swap3A_1304 = tpu.vector_load %arg5[%swap3A_1301, %swap3A_1302, %swap3A_1303] {strides = array<i32>} : memref<4x64x256xf32, #tpu.memory_space<vmem>>, vector<1x1x16xf32>,
        %swap3A_1305 = vector.shape_cast %swap3A_1304 : vector<1x1x16xf32> to vector<16xf32>
        %swap3A_1306 = vector.shape_cast %max3A_1299 : vector<16xf32> to vector<1x1x16xf32>
        tpu.vector_store %arg5[%swap3A_1301, %swap3A_1302, %swap3A_1303], %swap3A_1306 {strides = array<i32>} : memref<4x64x256xf32, #tpu.memory_space<vmem>>, vector<1x1x16xf32>,
        %get3A_1307 = arith.constant 3 : i32
        %get3A_1308 = arith.index_cast %get3A_1307 : i32 to index
        %get3A_1309 = arith.index_cast %scan3A_650 : i32 to index
        %get3A_1310 = arith.constant 240 : index
        %get3A_1311 = tpu.vector_load %arg6[%get3A_1308, %get3A_1309, %get3A_1310] {strides = array<i32>} : memref<4x16x256xf32, #tpu.memory_space<vmem>>, vector<1x1x16xf32>,
        %get3A_1312 = vector.shape_cast %get3A_1311 : vector<1x1x16xf32> to vector<16xf32>
        %get3A_1313 = arith.constant 3 : i32
        %get3A_1314 = arith.index_cast %get3A_1313 : i32 to index
        %get3A_1315 = arith.index_cast %scan3A_650 : i32 to index
        %get3A_1316 = arith.constant 240 : index
        %get3A_1317 = tpu.vector_load %arg5[%get3A_1314, %get3A_1315, %get3A_1316] {strides = array<i32>} : memref<4x64x256xf32, #tpu.memory_space<vmem>>, vector<1x1x16xf32>,
        %get3A_1318 = vector.shape_cast %get3A_1317 : vector<1x1x16xf32> to vector<16xf32>
        %add3A_1319 = arith.constant 16 : i32
        %add3A_1320 = arith.addi %scan3A_650, %add3A_1319 : i32
        %get3A_1321 = arith.constant 3 : i32
        %get3A_1322 = arith.index_cast %get3A_1321 : i32 to index
        %get3A_1323 = arith.index_cast %add3A_1320 : i32 to index
        %get3A_1324 = arith.constant 240 : index
        %get3A_1325 = tpu.vector_load %arg5[%get3A_1322, %get3A_1323, %get3A_1324] {strides = array<i32>} : memref<4x64x256xf32, #tpu.memory_space<vmem>>, vector<1x1x16xf32>,
        %get3A_1326 = vector.shape_cast %get3A_1325 : vector<1x1x16xf32> to vector<16xf32>
        %add3A_1327 = arith.constant 9.99999997E-7 : f32
        %add3A_1328 = vector.broadcast %add3A_1327 : f32 to vector<16xf32>
        %add3A_1329 = arith.addf %get3A_1326, %add3A_1328 : vector<16xf32>
        %add3A_1330 = arith.constant 48 : i32
        %add3A_1331 = arith.addi %scan3A_650, %add3A_1330 : i32
        %get3A_1332 = arith.constant 3 : i32
        %get3A_1333 = arith.index_cast %get3A_1332 : i32 to index
        %get3A_1334 = arith.index_cast %add3A_1331 : i32 to index
        %get3A_1335 = arith.constant 240 : index
        %get3A_1336 = tpu.vector_load %arg5[%get3A_1333, %get3A_1334, %get3A_1335] {strides = array<i32>} : memref<4x64x256xf32, #tpu.memory_space<vmem>>, vector<1x1x16xf32>,
        %get3A_1337 = vector.shape_cast %get3A_1336 : vector<1x1x16xf32> to vector<16xf32>
        %sub3A_1338 = arith.constant 9.99999997E-7 : f32
        %sub3A_1339 = vector.broadcast %sub3A_1338 : f32 to vector<16xf32>
        %sub3A_1340 = arith.subf %get3A_1337, %sub3A_1339 : vector<16xf32>
        %max3A_1341 = arith.maximumf %add3A_1329, %sub3A_1340 : vector<16xf32>
        %sub3A_1342 = arith.subf %max3A_1341, %get3A_1312 : vector<16xf32>
        %max3A_1343 = arith.maximumf %get3A_1318, %sub3A_1342 : vector<16xf32>
        %swap3A_1344 = arith.constant 3 : i32
        %swap3A_1345 = arith.index_cast %swap3A_1344 : i32 to index
        %swap3A_1346 = arith.index_cast %scan3A_650 : i32 to index
        %swap3A_1347 = arith.constant 240 : index
        %swap3A_1348 = tpu.vector_load %arg5[%swap3A_1345, %swap3A_1346, %swap3A_1347] {strides = array<i32>} : memref<4x64x256xf32, #tpu.memory_space<vmem>>, vector<1x1x16xf32>,
        %swap3A_1349 = vector.shape_cast %swap3A_1348 : vector<1x1x16xf32> to vector<16xf32>
        %swap3A_1350 = vector.shape_cast %max3A_1343 : vector<16xf32> to vector<1x1x16xf32>
        tpu.vector_store %arg5[%swap3A_1345, %swap3A_1346, %swap3A_1347], %swap3A_1350 {strides = array<i32>} : memref<4x64x256xf32, #tpu.memory_space<vmem>>, vector<1x1x16xf32>,
      }
      %scan3A_630 = arith.constant 16 : i32
      %add3A_631 = arith.constant 3 : i32
      %add3A_632 = arith.addi %add3A_297, %add3A_631 : i32
      %dma_start3A_633 = arith.constant 3 : i32
      %dma_start3A_634 = arith.constant 0 : i32
      %dma_start3A_635 = arith.constant 0 : i32
      %dma_start3A_636 = tpu.memref_slice %arg5[%dma_start3A_633, %dma_start3A_634, %dma_start3A_635] : memref<4x64x256xf32, #tpu.memory_space<vmem>> -> memref<1x16x256xf32, #tpu.memory_space<vmem>>
      %dma_start3A_637 = tpu.memref_squeeze %dma_start3A_636 : memref<1x16x256xf32, #tpu.memory_space<vmem>> -> memref<16x256xf32, #tpu.memory_space<vmem>>
      %dma_start3A_638 = arith.constant 0 : i32
      %dma_start3A_639 = arith.constant 0 : i32
      %dma_start3A_640 = tpu.memref_slice %arg4[%add3A_632, %dma_start3A_638, %dma_start3A_639] : memref<1024x64x256xf32, #tpu.memory_space<hbm>> -> memref<1x16x256xf32, #tpu.memory_space<hbm>>
      %dma_start3A_641 = tpu.memref_squeeze %dma_start3A_640 : memref<1x16x256xf32, #tpu.memory_space<hbm>> -> memref<16x256xf32, #tpu.memory_space<hbm>>
      %dma_start3A_642 = arith.constant 0 : i32
      %dma_start3A_643 = arith.constant 0 : i32
      %dma_start3A_644 = tpu.memref_slice %arg4[%add3A_632, %dma_start3A_642, %dma_start3A_643] : memref<1024x64x256xf32, #tpu.memory_space<hbm>> -> memref<1x16x256xf32, #tpu.memory_space<hbm>>
      %dma_start3A_645 = tpu.memref_squeeze %dma_start3A_644 : memref<1x16x256xf32, #tpu.memory_space<hbm>> -> memref<16x256xf32, #tpu.memory_space<hbm>>
      %dma_start3A_646 = arith.constant 0 : i32
      %dma_start3A_647 = arith.constant 0 : i32
      %dma_start3A_648 = tpu.memref_slice %arg5[%dma_start3A_633, %dma_start3A_646, %dma_start3A_647] : memref<4x64x256xf32, #tpu.memory_space<vmem>> -> memref<1x16x256xf32, #tpu.memory_space<vmem>>
      %dma_start3A_649 = tpu.memref_squeeze %dma_start3A_648 : memref<1x16x256xf32, #tpu.memory_space<vmem>> -> memref<16x256xf32, #tpu.memory_space<vmem>>
      tpu.enqueue_dma source(%dma_start3A_649 : memref<16x256xf32, #tpu.memory_space<vmem>>) target(%dma_start3A_645 : memref<16x256xf32, #tpu.memory_space<hbm>>) target_semaphore(%arg14 : memref<!tpu.dma_semaphore, #tpu.memory_space<semaphore_mem>>)
    }
    %scan3A_150 = arith.constant 8 : i32
    %dma_wait3A = arith.constant 0 : i32
    %dma_wait3A_151 = arith.constant 0 : i32
    %dma_wait3A_152 = arith.constant 16 : i32
    %dma_wait3A_153 = arith.constant 0 : i32
    %dma_wait3A_154 = tpu.memref_slice %arg5[%dma_wait3A, %dma_wait3A_152, %dma_wait3A_153] : memref<4x64x256xf32, #tpu.memory_space<vmem>> -> memref<1x48x256xf32, #tpu.memory_space<vmem>>
    %dma_wait3A_155 = tpu.memref_squeeze %dma_wait3A_154 : memref<1x48x256xf32, #tpu.memory_space<vmem>> -> memref<48x256xf32, #tpu.memory_space<vmem>>
    %dma_wait3A_156 = arith.constant 16 : i32
    %dma_wait3A_157 = arith.constant 0 : i32
    %dma_wait3A_158 = tpu.memref_slice %arg4[%dma_wait3A_151, %dma_wait3A_156, %dma_wait3A_157] : memref<1024x64x256xf32, #tpu.memory_space<hbm>> -> memref<1x48x256xf32, #tpu.memory_space<hbm>>
    %dma_wait3A_159 = tpu.memref_squeeze %dma_wait3A_158 : memref<1x48x256xf32, #tpu.memory_space<hbm>> -> memref<48x256xf32, #tpu.memory_space<hbm>>
    %dma_wait3A_160 = arith.constant 16 : i32
    %dma_wait3A_161 = arith.constant 0 : i32
    %dma_wait3A_162 = tpu.memref_slice %arg4[%dma_wait3A_151, %dma_wait3A_160, %dma_wait3A_161] : memref<1024x64x256xf32, #tpu.memory_space<hbm>> -> memref<1x48x256xf32, #tpu.memory_space<hbm>>
    %dma_wait3A_163 = tpu.memref_squeeze %dma_wait3A_162 : memref<1x48x256xf32, #tpu.memory_space<hbm>> -> memref<48x256xf32, #tpu.memory_space<hbm>>
    %dma_wait3A_164 = arith.constant 16 : i32
    %dma_wait3A_165 = arith.constant 0 : i32
    %dma_wait3A_166 = tpu.memref_slice %arg5[%dma_wait3A, %dma_wait3A_164, %dma_wait3A_165] : memref<4x64x256xf32, #tpu.memory_space<vmem>> -> memref<1x48x256xf32, #tpu.memory_space<vmem>>
    %dma_wait3A_167 = tpu.memref_squeeze %dma_wait3A_166 : memref<1x48x256xf32, #tpu.memory_space<vmem>> -> memref<48x256xf32, #tpu.memory_space<vmem>>
    tpu.wait_dma2 semaphore(%arg11 : memref<!tpu.dma_semaphore, #tpu.memory_space<semaphore_mem>>) src(%dma_wait3A_167 : memref<48x256xf32, #tpu.memory_space<vmem>>) dst(%dma_wait3A_163 : memref<48x256xf32, #tpu.memory_space<hbm>>)
    %dma_wait3A_168 = arith.constant 0 : i32
    %dma_wait3A_169 = arith.constant 0 : i32
    %dma_wait3A_170 = arith.constant 0 : i32
    %dma_wait3A_171 = arith.constant 0 : i32
    %dma_wait3A_172 = tpu.memref_slice %arg5[%dma_wait3A_168, %dma_wait3A_170, %dma_wait3A_171] : memref<4x64x256xf32, #tpu.memory_space<vmem>> -> memref<1x16x256xf32, #tpu.memory_space<vmem>>
    %dma_wait3A_173 = tpu.memref_squeeze %dma_wait3A_172 : memref<1x16x256xf32, #tpu.memory_space<vmem>> -> memref<16x256xf32, #tpu.memory_space<vmem>>
    %dma_wait3A_174 = arith.constant 0 : i32
    %dma_wait3A_175 = arith.constant 0 : i32
    %dma_wait3A_176 = tpu.memref_slice %arg4[%dma_wait3A_169, %dma_wait3A_174, %dma_wait3A_175] : memref<1024x64x256xf32, #tpu.memory_space<hbm>> -> memref<1x16x256xf32, #tpu.memory_space<hbm>>
    %dma_wait3A_177 = tpu.memref_squeeze %dma_wait3A_176 : memref<1x16x256xf32, #tpu.memory_space<hbm>> -> memref<16x256xf32, #tpu.memory_space<hbm>>
    %dma_wait3A_178 = arith.constant 0 : i32
    %dma_wait3A_179 = arith.constant 0 : i32
    %dma_wait3A_180 = tpu.memref_slice %arg4[%dma_wait3A_169, %dma_wait3A_178, %dma_wait3A_179] : memref<1024x64x256xf32, #tpu.memory_space<hbm>> -> memref<1x16x256xf32, #tpu.memory_space<hbm>>
    %dma_wait3A_181 = tpu.memref_squeeze %dma_wait3A_180 : memref<1x16x256xf32, #tpu.memory_space<hbm>> -> memref<16x256xf32, #tpu.memory_space<hbm>>
    %dma_wait3A_182 = arith.constant 0 : i32
    %dma_wait3A_183 = arith.constant 0 : i32
    %dma_wait3A_184 = tpu.memref_slice %arg5[%dma_wait3A_168, %dma_wait3A_182, %dma_wait3A_183] : memref<4x64x256xf32, #tpu.memory_space<vmem>> -> memref<1x16x256xf32, #tpu.memory_space<vmem>>
    %dma_wait3A_185 = tpu.memref_squeeze %dma_wait3A_184 : memref<1x16x256xf32, #tpu.memory_space<vmem>> -> memref<16x256xf32, #tpu.memory_space<vmem>>
    tpu.wait_dma2 semaphore(%arg11 : memref<!tpu.dma_semaphore, #tpu.memory_space<semaphore_mem>>) src(%dma_wait3A_185 : memref<16x256xf32, #tpu.memory_space<vmem>>) dst(%dma_wait3A_181 : memref<16x256xf32, #tpu.memory_space<hbm>>)
    %dma_wait3A_186 = arith.constant 1 : i32
    %dma_wait3A_187 = arith.constant 0 : i32
    %dma_wait3A_188 = arith.constant 16 : i32
    %dma_wait3A_189 = arith.constant 0 : i32
    %dma_wait3A_190 = tpu.memref_slice %arg5[%dma_wait3A_186, %dma_wait3A_188, %dma_wait3A_189] : memref<4x64x256xf32, #tpu.memory_space<vmem>> -> memref<1x48x256xf32, #tpu.memory_space<vmem>>
    %dma_wait3A_191 = tpu.memref_squeeze %dma_wait3A_190 : memref<1x48x256xf32, #tpu.memory_space<vmem>> -> memref<48x256xf32, #tpu.memory_space<vmem>>
    %dma_wait3A_192 = arith.constant 16 : i32
    %dma_wait3A_193 = arith.constant 0 : i32
    %dma_wait3A_194 = tpu.memref_slice %arg4[%dma_wait3A_187, %dma_wait3A_192, %dma_wait3A_193] : memref<1024x64x256xf32, #tpu.memory_space<hbm>> -> memref<1x48x256xf32, #tpu.memory_space<hbm>>
    %dma_wait3A_195 = tpu.memref_squeeze %dma_wait3A_194 : memref<1x48x256xf32, #tpu.memory_space<hbm>> -> memref<48x256xf32, #tpu.memory_space<hbm>>
    %dma_wait3A_196 = arith.constant 16 : i32
    %dma_wait3A_197 = arith.constant 0 : i32
    %dma_wait3A_198 = tpu.memref_slice %arg4[%dma_wait3A_187, %dma_wait3A_196, %dma_wait3A_197] : memref<1024x64x256xf32, #tpu.memory_space<hbm>> -> memref<1x48x256xf32, #tpu.memory_space<hbm>>
    %dma_wait3A_199 = tpu.memref_squeeze %dma_wait3A_198 : memref<1x48x256xf32, #tpu.memory_space<hbm>> -> memref<48x256xf32, #tpu.memory_space<hbm>>
    %dma_wait3A_200 = arith.constant 16 : i32
    %dma_wait3A_201 = arith.constant 0 : i32
    %dma_wait3A_202 = tpu.memref_slice %arg5[%dma_wait3A_186, %dma_wait3A_200, %dma_wait3A_201] : memref<4x64x256xf32, #tpu.memory_space<vmem>> -> memref<1x48x256xf32, #tpu.memory_space<vmem>>
    %dma_wait3A_203 = tpu.memref_squeeze %dma_wait3A_202 : memref<1x48x256xf32, #tpu.memory_space<vmem>> -> memref<48x256xf32, #tpu.memory_space<vmem>>
    tpu.wait_dma2 semaphore(%arg12 : memref<!tpu.dma_semaphore, #tpu.memory_space<semaphore_mem>>) src(%dma_wait3A_203 : memref<48x256xf32, #tpu.memory_space<vmem>>) dst(%dma_wait3A_199 : memref<48x256xf32, #tpu.memory_space<hbm>>)
    %dma_wait3A_204 = arith.constant 1 : i32
    %dma_wait3A_205 = arith.constant 0 : i32
    %dma_wait3A_206 = arith.constant 0 : i32
    %dma_wait3A_207 = arith.constant 0 : i32
    %dma_wait3A_208 = tpu.memref_slice %arg5[%dma_wait3A_204, %dma_wait3A_206, %dma_wait3A_207] : memref<4x64x256xf32, #tpu.memory_space<vmem>> -> memref<1x16x256xf32, #tpu.memory_space<vmem>>
    %dma_wait3A_209 = tpu.memref_squeeze %dma_wait3A_208 : memref<1x16x256xf32, #tpu.memory_space<vmem>> -> memref<16x256xf32, #tpu.memory_space<vmem>>
    %dma_wait3A_210 = arith.constant 0 : i32
    %dma_wait3A_211 = arith.constant 0 : i32
    %dma_wait3A_212 = tpu.memref_slice %arg4[%dma_wait3A_205, %dma_wait3A_210, %dma_wait3A_211] : memref<1024x64x256xf32, #tpu.memory_space<hbm>> -> memref<1x16x256xf32, #tpu.memory_space<hbm>>
    %dma_wait3A_213 = tpu.memref_squeeze %dma_wait3A_212 : memref<1x16x256xf32, #tpu.memory_space<hbm>> -> memref<16x256xf32, #tpu.memory_space<hbm>>
    %dma_wait3A_214 = arith.constant 0 : i32
    %dma_wait3A_215 = arith.constant 0 : i32
    %dma_wait3A_216 = tpu.memref_slice %arg4[%dma_wait3A_205, %dma_wait3A_214, %dma_wait3A_215] : memref<1024x64x256xf32, #tpu.memory_space<hbm>> -> memref<1x16x256xf32, #tpu.memory_space<hbm>>
    %dma_wait3A_217 = tpu.memref_squeeze %dma_wait3A_216 : memref<1x16x256xf32, #tpu.memory_space<hbm>> -> memref<16x256xf32, #tpu.memory_space<hbm>>
    %dma_wait3A_218 = arith.constant 0 : i32
    %dma_wait3A_219 = arith.constant 0 : i32
    %dma_wait3A_220 = tpu.memref_slice %arg5[%dma_wait3A_204, %dma_wait3A_218, %dma_wait3A_219] : memref<4x64x256xf32, #tpu.memory_space<vmem>> -> memref<1x16x256xf32, #tpu.memory_space<vmem>>
    %dma_wait3A_221 = tpu.memref_squeeze %dma_wait3A_220 : memref<1x16x256xf32, #tpu.memory_space<vmem>> -> memref<16x256xf32, #tpu.memory_space<vmem>>
    tpu.wait_dma2 semaphore(%arg12 : memref<!tpu.dma_semaphore, #tpu.memory_space<semaphore_mem>>) src(%dma_wait3A_221 : memref<16x256xf32, #tpu.memory_space<vmem>>) dst(%dma_wait3A_217 : memref<16x256xf32, #tpu.memory_space<hbm>>)
    %dma_wait3A_222 = arith.constant 2 : i32
    %dma_wait3A_223 = arith.constant 0 : i32
    %dma_wait3A_224 = arith.constant 16 : i32
    %dma_wait3A_225 = arith.constant 0 : i32
    %dma_wait3A_226 = tpu.memref_slice %arg5[%dma_wait3A_222, %dma_wait3A_224, %dma_wait3A_225] : memref<4x64x256xf32, #tpu.memory_space<vmem>> -> memref<1x48x256xf32, #tpu.memory_space<vmem>>
    %dma_wait3A_227 = tpu.memref_squeeze %dma_wait3A_226 : memref<1x48x256xf32, #tpu.memory_space<vmem>> -> memref<48x256xf32, #tpu.memory_space<vmem>>
    %dma_wait3A_228 = arith.constant 16 : i32
    %dma_wait3A_229 = arith.constant 0 : i32
    %dma_wait3A_230 = tpu.memref_slice %arg4[%dma_wait3A_223, %dma_wait3A_228, %dma_wait3A_229] : memref<1024x64x256xf32, #tpu.memory_space<hbm>> -> memref<1x48x256xf32, #tpu.memory_space<hbm>>
    %dma_wait3A_231 = tpu.memref_squeeze %dma_wait3A_230 : memref<1x48x256xf32, #tpu.memory_space<hbm>> -> memref<48x256xf32, #tpu.memory_space<hbm>>
    %dma_wait3A_232 = arith.constant 16 : i32
    %dma_wait3A_233 = arith.constant 0 : i32
    %dma_wait3A_234 = tpu.memref_slice %arg4[%dma_wait3A_223, %dma_wait3A_232, %dma_wait3A_233] : memref<1024x64x256xf32, #tpu.memory_space<hbm>> -> memref<1x48x256xf32, #tpu.memory_space<hbm>>
    %dma_wait3A_235 = tpu.memref_squeeze %dma_wait3A_234 : memref<1x48x256xf32, #tpu.memory_space<hbm>> -> memref<48x256xf32, #tpu.memory_space<hbm>>
    %dma_wait3A_236 = arith.constant 16 : i32
    %dma_wait3A_237 = arith.constant 0 : i32
    %dma_wait3A_238 = tpu.memref_slice %arg5[%dma_wait3A_222, %dma_wait3A_236, %dma_wait3A_237] : memref<4x64x256xf32, #tpu.memory_space<vmem>> -> memref<1x48x256xf32, #tpu.memory_space<vmem>>
    %dma_wait3A_239 = tpu.memref_squeeze %dma_wait3A_238 : memref<1x48x256xf32, #tpu.memory_space<vmem>> -> memref<48x256xf32, #tpu.memory_space<vmem>>
    tpu.wait_dma2 semaphore(%arg13 : memref<!tpu.dma_semaphore, #tpu.memory_space<semaphore_mem>>) src(%dma_wait3A_239 : memref<48x256xf32, #tpu.memory_space<vmem>>) dst(%dma_wait3A_235 : memref<48x256xf32, #tpu.memory_space<hbm>>)
    %dma_wait3A_240 = arith.constant 2 : i32
    %dma_wait3A_241 = arith.constant 0 : i32
    %dma_wait3A_242 = arith.constant 0 : i32
    %dma_wait3A_243 = arith.constant 0 : i32
    %dma_wait3A_244 = tpu.memref_slice %arg5[%dma_wait3A_240, %dma_wait3A_242, %dma_wait3A_243] : memref<4x64x256xf32, #tpu.memory_space<vmem>> -> memref<1x16x256xf32, #tpu.memory_space<vmem>>
    %dma_wait3A_245 = tpu.memref_squeeze %dma_wait3A_244 : memref<1x16x256xf32, #tpu.memory_space<vmem>> -> memref<16x256xf32, #tpu.memory_space<vmem>>
    %dma_wait3A_246 = arith.constant 0 : i32
    %dma_wait3A_247 = arith.constant 0 : i32
    %dma_wait3A_248 = tpu.memref_slice %arg4[%dma_wait3A_241, %dma_wait3A_246, %dma_wait3A_247] : memref<1024x64x256xf32, #tpu.memory_space<hbm>> -> memref<1x16x256xf32, #tpu.memory_space<hbm>>
    %dma_wait3A_249 = tpu.memref_squeeze %dma_wait3A_248 : memref<1x16x256xf32, #tpu.memory_space<hbm>> -> memref<16x256xf32, #tpu.memory_space<hbm>>
    %dma_wait3A_250 = arith.constant 0 : i32
    %dma_wait3A_251 = arith.constant 0 : i32
    %dma_wait3A_252 = tpu.memref_slice %arg4[%dma_wait3A_241, %dma_wait3A_250, %dma_wait3A_251] : memref<1024x64x256xf32, #tpu.memory_space<hbm>> -> memref<1x16x256xf32, #tpu.memory_space<hbm>>
    %dma_wait3A_253 = tpu.memref_squeeze %dma_wait3A_252 : memref<1x16x256xf32, #tpu.memory_space<hbm>> -> memref<16x256xf32, #tpu.memory_space<hbm>>
    %dma_wait3A_254 = arith.constant 0 : i32
    %dma_wait3A_255 = arith.constant 0 : i32
    %dma_wait3A_256 = tpu.memref_slice %arg5[%dma_wait3A_240, %dma_wait3A_254, %dma_wait3A_255] : memref<4x64x256xf32, #tpu.memory_space<vmem>> -> memref<1x16x256xf32, #tpu.memory_space<vmem>>
    %dma_wait3A_257 = tpu.memref_squeeze %dma_wait3A_256 : memref<1x16x256xf32, #tpu.memory_space<vmem>> -> memref<16x256xf32, #tpu.memory_space<vmem>>
    tpu.wait_dma2 semaphore(%arg13 : memref<!tpu.dma_semaphore, #tpu.memory_space<semaphore_mem>>) src(%dma_wait3A_257 : memref<16x256xf32, #tpu.memory_space<vmem>>) dst(%dma_wait3A_253 : memref<16x256xf32, #tpu.memory_space<hbm>>)
    %dma_wait3A_258 = arith.constant 3 : i32
    %dma_wait3A_259 = arith.constant 0 : i32
    %dma_wait3A_260 = arith.constant 16 : i32
    %dma_wait3A_261 = arith.constant 0 : i32
    %dma_wait3A_262 = tpu.memref_slice %arg5[%dma_wait3A_258, %dma_wait3A_260, %dma_wait3A_261] : memref<4x64x256xf32, #tpu.memory_space<vmem>> -> memref<1x48x256xf32, #tpu.memory_space<vmem>>
    %dma_wait3A_263 = tpu.memref_squeeze %dma_wait3A_262 : memref<1x48x256xf32, #tpu.memory_space<vmem>> -> memref<48x256xf32, #tpu.memory_space<vmem>>
    %dma_wait3A_264 = arith.constant 16 : i32
    %dma_wait3A_265 = arith.constant 0 : i32
    %dma_wait3A_266 = tpu.memref_slice %arg4[%dma_wait3A_259, %dma_wait3A_264, %dma_wait3A_265] : memref<1024x64x256xf32, #tpu.memory_space<hbm>> -> memref<1x48x256xf32, #tpu.memory_space<hbm>>
    %dma_wait3A_267 = tpu.memref_squeeze %dma_wait3A_266 : memref<1x48x256xf32, #tpu.memory_space<hbm>> -> memref<48x256xf32, #tpu.memory_space<hbm>>
    %dma_wait3A_268 = arith.constant 16 : i32
    %dma_wait3A_269 = arith.constant 0 : i32
    %dma_wait3A_270 = tpu.memref_slice %arg4[%dma_wait3A_259, %dma_wait3A_268, %dma_wait3A_269] : memref<1024x64x256xf32, #tpu.memory_space<hbm>> -> memref<1x48x256xf32, #tpu.memory_space<hbm>>
    %dma_wait3A_271 = tpu.memref_squeeze %dma_wait3A_270 : memref<1x48x256xf32, #tpu.memory_space<hbm>> -> memref<48x256xf32, #tpu.memory_space<hbm>>
    %dma_wait3A_272 = arith.constant 16 : i32
    %dma_wait3A_273 = arith.constant 0 : i32
    %dma_wait3A_274 = tpu.memref_slice %arg5[%dma_wait3A_258, %dma_wait3A_272, %dma_wait3A_273] : memref<4x64x256xf32, #tpu.memory_space<vmem>> -> memref<1x48x256xf32, #tpu.memory_space<vmem>>
    %dma_wait3A_275 = tpu.memref_squeeze %dma_wait3A_274 : memref<1x48x256xf32, #tpu.memory_space<vmem>> -> memref<48x256xf32, #tpu.memory_space<vmem>>
    tpu.wait_dma2 semaphore(%arg14 : memref<!tpu.dma_semaphore, #tpu.memory_space<semaphore_mem>>) src(%dma_wait3A_275 : memref<48x256xf32, #tpu.memory_space<vmem>>) dst(%dma_wait3A_271 : memref<48x256xf32, #tpu.memory_space<hbm>>)
    %dma_wait3A_276 = arith.constant 3 : i32
    %dma_wait3A_277 = arith.constant 0 : i32
    %dma_wait3A_278 = arith.constant 0 : i32
    %dma_wait3A_279 = arith.constant 0 : i32
    %dma_wait3A_280 = tpu.memref_slice %arg5[%dma_wait3A_276, %dma_wait3A_278, %dma_wait3A_279] : memref<4x64x256xf32, #tpu.memory_space<vmem>> -> memref<1x16x256xf32, #tpu.memory_space<vmem>>
    %dma_wait3A_281 = tpu.memref_squeeze %dma_wait3A_280 : memref<1x16x256xf32, #tpu.memory_space<vmem>> -> memref<16x256xf32, #tpu.memory_space<vmem>>
    %dma_wait3A_282 = arith.constant 0 : i32
    %dma_wait3A_283 = arith.constant 0 : i32
    %dma_wait3A_284 = tpu.memref_slice %arg4[%dma_wait3A_277, %dma_wait3A_282, %dma_wait3A_283] : memref<1024x64x256xf32, #tpu.memory_space<hbm>> -> memref<1x16x256xf32, #tpu.memory_space<hbm>>
    %dma_wait3A_285 = tpu.memref_squeeze %dma_wait3A_284 : memref<1x16x256xf32, #tpu.memory_space<hbm>> -> memref<16x256xf32, #tpu.memory_space<hbm>>
    %dma_wait3A_286 = arith.constant 0 : i32
    %dma_wait3A_287 = arith.constant 0 : i32
    %dma_wait3A_288 = tpu.memref_slice %arg4[%dma_wait3A_277, %dma_wait3A_286, %dma_wait3A_287] : memref<1024x64x256xf32, #tpu.memory_space<hbm>> -> memref<1x16x256xf32, #tpu.memory_space<hbm>>
    %dma_wait3A_289 = tpu.memref_squeeze %dma_wait3A_288 : memref<1x16x256xf32, #tpu.memory_space<hbm>> -> memref<16x256xf32, #tpu.memory_space<hbm>>
    %dma_wait3A_290 = arith.constant 0 : i32
    %dma_wait3A_291 = arith.constant 0 : i32
    %dma_wait3A_292 = tpu.memref_slice %arg5[%dma_wait3A_276, %dma_wait3A_290, %dma_wait3A_291] : memref<4x64x256xf32, #tpu.memory_space<vmem>> -> memref<1x16x256xf32, #tpu.memory_space<vmem>>
    %dma_wait3A_293 = tpu.memref_squeeze %dma_wait3A_292 : memref<1x16x256xf32, #tpu.memory_space<vmem>> -> memref<16x256xf32, #tpu.memory_space<vmem>>
    tpu.wait_dma2 semaphore(%arg14 : memref<!tpu.dma_semaphore, #tpu.memory_space<semaphore_mem>>) src(%dma_wait3A_293 : memref<16x256xf32, #tpu.memory_space<vmem>>) dst(%dma_wait3A_289 : memref<16x256xf32, #tpu.memory_space<hbm>>)
    return
  }
}

</mosaic_0001>

<sc_bundles>
// kernel: kernel.3.cloned.1.call-start
scs
__scs_entry_jumppad:
0x0: {  	(pc) =	sbr.rel $0x88, $3  }
0x1: {  	(tag) =	ssettag $0x0;
	lr =	simm.s32 $0x1  }
0x2: {  	[smem:$0x3F9F] =	sst lr;
	_ =	strace $0xD0000000  }
0x3: {  	_ = 	snop  }
0x4: {  	_ = 	snop  }
0x5: {  	_ = 	snop  }
0x6: {  	_ = 	snop  }
0x7: {  	_ = 	snop  }
__scs_overlays_trampoline_lowered:
0x8: {  	[smem:$0x3FAE] =	sst s0  }
0x9: {  	[smem:$0x3FAF] =	sst s1  }
0xa: {  	[smem:$0x3FB0] =	sst s2  }
0xb: {  	[smem:$0x3FB1] =	sst s3  }
0xc: {  	[smem:$0x3FB2] =	sst s4  }
0xd: {  	[smem:$0x3FB3] =	sst s5  }
0xe: {  	[smem:$0x3FB4] =	sst s6  }
0xf: {  	[smem:$0x3FB5] =	sst s7  }
0x10: {  	[smem:$0x3FB6] =	sst s8  }
0x11: {  	[smem:$0x3FB7] =	sst s9;
	s0 =	simm.s32 @!p0 $0x0  }
0x12: {  	s1 =	sld [smem:$0x3F9D];
	s0 =	simm.s32 @p0 $0x1  }
0x13: {  	[smem:$0x3FB8] =	sst s0;
	s0 =	simm.s32 @!p1 $0x0  }
0x14: {  	s2 =	sld [smem:$0x3F9C];
	s0 =	simm.s32 @p1 $0x1  }
0x15: {  	[smem:$0x3FB9] =	sst s0;
	s0 =	simm.s32 @!p2 $0x0  }
0x16: {  	s3 =	sld [smem:$0x3FDB];
	s0 =	simm.s32 @p2 $0x1  }
0x17: {  	s4 =	simm.s32 $0x1BF5;
	[smem:$0x3FBB] =	sst s0  }
0x18: {  	s0 =	sld [smem:$0x3F9E];
	_ =	swait.ge [sflag:s4], $0x0  }
0x19: {  	s7 =	sld [smem:$0x3F9F]  }
0x1a: {  	s8 =	sadd.s32 $0xFFFFE003, lr  }
0x1b: {  	s9 =	sadd.s32 $0xFFFFFEF7, lr;
	s5 =	simm.s32 $0xFFFFFFFF;
	p2 =	slt.u32 s8, $0xFFFFF086  }
0x1c: {  	p1 =	slt.u32 s9, $0xF7A;
	s5 =	simm.s32 @!p2 $0x0  }
0x1d: {  	s5 =	simm.s32 @p1 $0x1;
	p0 =	seq.s32 s7, s2  }
0x1e: {  	s7 =	smul.u32 @!p0 $0xF7A, s2;
	p2 =	seq.s32 @!p0 s5, $0x0  }
0x1f: {  	s9 =	smul.u32 $0xF7A, s1;
	s8 =	simm.s32 @!p0 $0x1BF5;
	p2 =	por !p2, p0  }
0x20: {  	[sflag:s8] =	ssyncset.s32 @!p0 $0xFFFFF086;
	s6 =	sadd.s32 @!p0 s3, s7;
	s7 =	simm.s32 @!p0 $0x108  }
0x21: {  	s3 =	sadd.s32 s3, s9;
	s6 =	sadd.s32 @!p0 $0x88, s6;
	s7 =	simm.s32 @p2 $0x1082  }
0x22: {  	[simem:s7], [sflag:s8] =	dma.local @!p0 [hbm:s6], $0xF7A  }
0x23: {  	s9 =	sor.u32 $0xD0000000, s2;
	s6 =	simm.s32 $0x108;
	_ =	swait.ge @!p0 [sflag:s8], $0x0  }
0x24: {  	s3 =	sadd.s32 $0x88, s3;
	s6 =	simm.s32 @!p1 $0x1082;
	[sflag:s4] =	ssyncset.s32 $0xFFFFF086  }
0x25: {  	[simem:s6], [sflag:s4] =	dma.local [hbm:s3], $0xF7A  }
0x26: {  	[smem:$0x3F9F] =	sst s1;
	(tag) =	ssettag s2;
	_ =	strace s9  }
0x27: {  	s1 =	sld [smem:$0x3FAF]  }
0x28: {  	s2 =	sld [smem:$0x3FB0]  }
0x29: {  	s4 =	sld [smem:$0x3FB2]  }
0x2a: {  	p0 =	seq.s32 s5, $0x0;
	s5 =	sld [smem:$0x3FB3]  }
0x2b: {  	s6 =	sld [smem:$0x3FB4]  }
0x2c: {  	s7 =	sld [smem:$0x3FB5]  }
0x2d: {  	s3 =	simm.s32 $0x108;
	s8 =	sld [smem:$0x3FB6]  }
0x2e: {  	s3 =	simm.s32 @!p0 $0x1082;
	s9 =	sld [smem:$0x3FB7]  }
0x2f: {  	lr =	sadd.s32 s0, s3;
	s0 =	sld [smem:$0x3FAE]  }
0x30: {  	s3 =	sld [smem:$0x3FB1]  }
0x31: {  	[smem:$0x3FBA] =	sst s10  }
0x32: {  	s10 =	sld [smem:$0x3FB8];
	_ =	sdelay $0x3  }
0x33: {  	p0 =	seq.s32 s10, $0x1;
	s10 =	sld [smem:$0x3FBA];
	_ =	sdelay $0x3  }
0x34: {  	[smem:$0x3FBA] =	sst s10  }
0x35: {  	s10 =	sld [smem:$0x3FB9];
	_ =	sdelay $0x3  }
0x36: {  	p1 =	seq.s32 s10, $0x1;
	s10 =	sld [smem:$0x3FBA];
	_ =	sdelay $0x3  }
0x37: {  	[smem:$0x3FBA] =	sst s10  }
0x38: {  	s10 =	sld [smem:$0x3FBB]  }
0x39: {  	_ = 	snop;
	(pc) =	sbr.ind lr, $3  }
0x3a: {  	_ = 	snop  }
0x3b: {  	_ = 	snop  }
0x3c: {  	p2 =	seq.s32 s10, $0x1;
	s10 =	sld [smem:$0x3FBA]  }
0x3d: {  	_ =	shalt  }
0x3e: {  	_ =	shalt  }
0x3f: {  	_ =	shalt  }
0x40: {  	_ =	shalt  }
0x41: {  	_ =	shalt  }
0x42: {  	_ =	shalt  }
0x43: {  	_ =	shalt  }
0x44: {  	_ =	shalt  }
0x45: {  	_ =	shalt  }
0x46: {  	_ =	shalt  }
0x47: {  	_ =	shalt  }
0x48: {  	_ =	shalt  }
0x49: {  	_ =	shalt  }
0x4a: {  	_ =	shalt  }
0x4b: {  	_ =	shalt  }
0x4c: {  	_ =	shalt  }
0x4d: {  	_ =	shalt  }
0x4e: {  	_ =	shalt  }
0x4f: {  	_ =	shalt  }
0x50: {  	_ =	shalt  }
0x51: {  	_ =	shalt  }
0x52: {  	_ =	shalt  }
0x53: {  	_ =	shalt  }
0x54: {  	_ =	shalt  }
0x55: {  	_ =	shalt  }
0x56: {  	_ =	shalt  }
0x57: {  	_ =	shalt  }
0x58: {  	_ =	shalt  }
0x59: {  	_ =	shalt  }
0x5a: {  	_ =	shalt  }
0x5b: {  	_ =	shalt  }
0x5c: {  	_ =	shalt  }
0x5d: {  	_ =	shalt  }
0x5e: {  	_ =	shalt  }
0x5f: {  	_ =	shalt  }
0x60: {  	_ =	shalt  }
0x61: {  	_ =	shalt  }
0x62: {  	_ =	shalt  }
0x63: {  	_ =	shalt  }
0x64: {  	_ =	shalt  }
0x65: {  	_ =	shalt  }
0x66: {  	_ =	shalt  }
0x67: {  	_ =	shalt  }
0x68: {  	_ =	shalt  }
0x69: {  	_ =	shalt  }
0x6a: {  	_ =	shalt  }
0x6b: {  	_ =	shalt  }
0x6c: {  	_ =	shalt  }
0x6d: {  	_ =	shalt  }
0x6e: {  	_ =	shalt  }
0x6f: {  	_ =	shalt  }
0x70: {  	_ =	shalt  }
0x71: {  	_ =	shalt  }
0x72: {  	_ =	shalt  }
0x73: {  	_ =	shalt  }
0x74: {  	_ =	shalt  }
0x75: {  	_ =	shalt  }
0x76: {  	_ =	shalt  }
0x77: {  	_ =	shalt  }
0x78: {  	_ =	shalt  }
0x79: {  	_ =	shalt  }
0x7a: {  	_ =	shalt  }
0x7b: {  	_ =	shalt  }
0x7c: {  	_ =	shalt  }
0x7d: {  	_ =	shalt  }
0x7e: {  	_ =	shalt  }
0x7f: {  	_ =	shalt  }
0x80: {  	_ =	shalt  }
0x81: {  	_ =	shalt  }
0x82: {  	_ =	shalt  }
0x83: {  	_ =	shalt  }
0x84: {  	_ =	shalt  }
0x85: {  	_ =	shalt  }
0x86: {  	_ =	shalt  }
0x87: {  	_ =	shalt  }
.Lfunc_end0:
.L_simem_size_0:
called_computation_lowered:
.L_overlay_start_0:
0x88: {  	s2 =	sld [smem:$0x3FD9]  }
0x89: {  	s3 =	sld [smem:$0x3FFE];
	_ =	sdelay $0x1  }
0x8a: {  	s1 =	srdreg.scid  }
0x8b: {  	s0 =	sand.u32 $0x1, s1  }
0x8c: {  	s18 =	sshll.u32 s0, $0xA;
	s2 =	sadd.s32 s3, s2  }
0x8d: {  	s2 =	sadd.s32 s2, s18  }
0x8e: {  	[smem:$0x3FC6] =	sst s2  }
0x8f: {  	_ = 	snop  }
0x90: {  	s2 =	sld [smem:$0x3FC9]  }
0x91: {  	s19 =	sld [smem:$0x3FC8]  }
0x92: {  	s4 =	sld [smem:$0x3FD0];
	(tm) =	ssettm $0x1  }
0x93: {  	s5 =	sld [smem:$0x3FFB];
	_ =	sdelay $0x3  }
0x94: {  	_ =	strace s5  }
0x95: {  	s5 =	sld [smem:$0x3FFC];
	_ =	sdelay $0x3  }
0x96: {  	_ =	strace s5  }
0x97: {  	s5 =	sld [smem:$0x3FFD];
	_ =	sdelay $0x3  }
0x98: {  	_ =	strace s5  }
0x99: {  	_ =	strace $0x8FFFFFFF  }
0x9a: {  	s20 =	sld [smem:$0x3FDB];
	_ =	sdelay $0x1  }
0x9b: {  	s6 =	simm.s32 $_scs_section_size  }
0x9c: {  	s7 =	simm.s32 $_size__tile_overlayer_lowered;
	s8 =	simm.s32 $_tile_overlayer_lowered  }
0x9d: {  	s23 =	simm.s32 $0x1BFF;
	s22 =	sshll.u32 s8, $0x1;
	s5 =	sadd.s32 s6, s20  }
0x9e: {  	s9 =	simm.s32 $0x0;
	s21 =	sshll.u32 s7, $0x1;
	s7 =	sadd.s32 s22, s5  }
0x9f: {  	[timem:s9], [sflag:s23] =	dma.local [hbm:s7], s21  }
0xa0: {  	_ =	swait.ge [sflag:s23], s21  }
0xa1: {  	s6 =	ssub.s32 $0x0, s21;
	[sflag:s23] =	ssyncset.done $0x0  }
0xa2: {  	[sflag:s23] =	ssyncadd.s32 s6;
	_ =	sdelay $0x1  }
0xa3: {  	s24 =	simm.s32 $0x1B8B  }
0xa4: {  	_ =	swait.ge [sflag:s24], $0x1  }
0xa5: {  	[sflag:s24] =	ssyncset.done $0x0  }
0xa6: {  	s25 =	simm.s32 $0x1B8E;
	[sflag:s24] =	ssyncadd.s32 $0xFFFFFFFF  }
0xa7: {  	s26 =	simm.s32 $execute0_lowered;
	[smem:$0x3FD2] =	sst s25  }
0xa8: {  	s6 =	sshll.u32 s26, $0x1;
	_ =	strace $0x80000046;
	[dreg:$0x1] =	wrdreg $0xFFFFFFFF  }
0xa9: {  	s28 =	simm.s32 $_size_execute0_lowered;
	s5 =	sadd.s32 s5, s6;
	[dreg:$0x0] =	wrdreg $0x0  }
0xaa: {  	s6 =	sshll.u32 s28, $0x1;
	[dreg:$0x2] =	wrdreg s5  }
0xab: {  	[dreg:$0x3] =	wrdreg s6  }
0xac: {  	[dreg:$0x4] =	wrdreg $0xC0  }
0xad: {  	_ =	task [dreg:s9], $0x5FFFF  }
0xae: {  	[dreg:$0x1] =	wrdreg $0xFFFFFFFF  }
0xaf: {  	[dreg:$0x0] =	wrdreg $0x60  }
0xb0: {  	[dreg:$0x2] =	wrdreg s2  }
0xb1: {  	[dreg:$0x3] =	wrdreg s19  }
0xb2: {  	[dreg:$0x4] =	wrdreg s4  }
0xb3: {  	[dreg:$0x5] =	wrdreg $0x9  }
0xb4: {  	_ =	task.clear_ibuf [dreg:s9], $0x6FFFF;
	_ =	strace $0x90000046  }
0xb5: {  	s29 =	simm.s32 $0x9;
	_ =	strace $0x80000048  }
0xb6: {  	_ =	swait.ge [sflag:s29], $0x1  }
0xb7: {  	[sflag:s29] =	ssyncadd.s32 $0xFFFFFFFF  }
0xb8: {  	_ =	strace $0x90000048  }
0xb9: {  	_ =	sfence  }
0xba: {  	s30 =	sld [smem:$0x0];
	_ =	sdelay $0x2  }
0xbb: {  	s31 =	sshll.u32 s1, $0xD;
	s1 =	sshrl.u32 s1, $0x2  }
0xbc: {  	s3 =	sand.u32 $0x4000, s31;
	s1 =	sadd.s32 s1, s30  }
0xbd: {  	s0 =	sor.u32 s3, s0;
	s1 =	sshll.u32 s1, $0x11  }
0xbe: {  	s0 =	sor.u32 s1, s0  }
0xbf: {  	s0 =	sadd.s32 $0x8F2B, s0  }
0xc0: {  	[sflag:s0] =	ssyncadd.remote.s32 $0x1  }
0xc1: {  	_ =	sfence.sel $0xFFFF  }
0xc2: {  	[dreg:$0x0] =	wrdreg $0xFFFFFFFF;
	(pc) =	sbr.abs _section_cstart, $3  }
0xc3: {  	[dreg:$0x1] =	wrdreg $0xFFFFFFFF  }
0xc4: {  	_ =	task.clear_ibuf [dreg:s9], $0x2FFFF;
	_ =	strace $0x9FFFFFFF  }
0xc5: {  	(tm) =	ssettm $0x7FFFFFFF  }
tec
execute0_lowered:
.L_overlay_start_1:
0x0: {  	(tag) =	ssettag $0x1  }
0x1: {  	s1 =	rddreg [dreg:$0x0]  }
0x2: {  	s8 =	rddreg [dreg:$0x1]  }
0x3: {  	s3 =	rddreg [dreg:$0x2]  }
0x4: {  	s5 =	simm.s32 $0x0;
	s0 =	srdreg.scid;
	s4 =	stileid.u32  }
0x5: {  	s28 =	simm.s32 $0x1;
	s30 =	simm.s32 $0x2;
	s0 =	sand.u32 $0x1, s0  }
0x6: {  	s4 =	sshll.u32 s4, $0x6;
	s2 =	ssub.s32 $0x2, s0;
	s0 =	sshll.u32 s0, $0x5  }
0x7: {  	s31 =	simm.s32 $0x5000;
	s7 =	sshrl.u32 s2, $0x1;
	s6 =	sor.u32 s0, s4  }
0x8: {  	s20 =	ssub.s32 s2, s7;
	s21 =	sshll.u32 s6, $0xB;
	s7 =	sadd.s32 $0x400, s8  }
0x9: {  	[smem:$0x7FF] =	sst s5;
	s29 =	smov.u32 s8;
	s9 =	sadd.s32 s21, s7  }
0xa: {  	_ =	strace $0x80000047;
	s22 =	sadd.s32 s1, s21;
	[dreg:$0x5] =	wrdreg s9  }
0xb: {  	s16 =	sadd.s32 $0x200, s3;
	s0 =	smax.u32 s20, $0x1;
	[dreg:$0x4] =	wrdreg s22  }
0xc: {  	s2 =	sadd.s32 s21, s8;
	s23 =	sadd.s32 $0x800, s22;
	[dreg:$0xc] =	wrdreg s0  }
0xd: {  	s17 =	sadd.s32 $0xA00, s3;
	s24 =	sadd.s32 $0xC00, s2;
	[dreg:$0x6] =	wrdreg s23  }
0xe: {  	s18 =	sadd.s32 $0x800, s3;
	s25 =	sadd.s32 $0x1000, s22;
	[dreg:$0x7] =	wrdreg s24  }
0xf: {  	s21 =	simm.s32 $0x4000;
	s26 =	sadd.s32 $0x1400, s2;
	[dreg:$0x8] =	wrdreg s25  }
0x10: {  	s20 =	simm.s32 $0x4;
	s4 =	sadd.s32 $0x1800, s22;
	[dreg:$0x9] =	wrdreg s26  }
0x11: {  	s2 =	sadd.s32 $0x1C00, s2;
	s0 =	simm.s32 $0x3;
	[dreg:$0xa] =	wrdreg s4  }
0x12: {  	s22 =	simm.s32 $0xD000;
	s9 =	simm.s32 $0x0;
	[dreg:$0xb] =	wrdreg s2  }
0x13: {  	s23 =	simm.s32 $0x8000;
	s25 =	simm.s32 $0xC000;
	s4 =	simm.s32 $0x9000  }
.LBB2_1:
0x14: {  	[dreg:$0xd] =	wrdreg s9  }
0x15: {  	s2 =	rddreg [dreg:$0x4]  }
0x16: {  	[tilespmem:s5], [sflag:$0x1] =	stream.linear.gather [hbm4b:s2+s5], $0x4000, $0x38;
	[tilespmem:$0x14000] =	vst v63  }
0x17: {  	s9 =	rddreg [dreg:$0x5];
	s8 =	simm.s32 $0x10000  }
0x18: {  	[tilespmem:s8], [sflag:$0x1] =	stream.linear.gather [hbm4b:s9+s5], $0x1000, $0x38;
	[tilespmem:$0x14000] =	vst v63  }
0x19: {  	s10 =	rddreg [dreg:$0x6]  }
0x1a: {  	[tilespmem:s21], [sflag:$0x2] =	stream.linear.gather [hbm4b:s10+s5], $0x4000, $0x38;
	[tilespmem:$0x14000] =	vst v63  }
0x1b: {  	s11 =	rddreg [dreg:$0x7];
	s12 =	simm.s32 $0x11000  }
0x1c: {  	[tilespmem:s12], [sflag:$0x2] =	stream.linear.gather [hbm4b:s11+s5], $0x1000, $0x38;
	[tilespmem:$0x14000] =	vst v63  }
0x1d: {  	s13 =	rddreg [dreg:$0x8]  }
0x1e: {  	[tilespmem:s23], [sflag:$0x3] =	stream.linear.gather [hbm4b:s13+s5], $0x4000, $0x38;
	[tilespmem:$0x14000] =	vst v63  }
0x1f: {  	s14 =	rddreg [dreg:$0x9];
	s15 =	simm.s32 $0x12000  }
0x20: {  	[tilespmem:s15], [sflag:$0x3] =	stream.linear.gather [hbm4b:s14+s5], $0x1000, $0x38;
	[tilespmem:$0x14000] =	vst v63  }
0x21: {  	s19 =	rddreg [dreg:$0xa]  }
0x22: {  	[tilespmem:s25], [sflag:$0x4] =	stream.linear.gather [hbm4b:s19+s5], $0x4000, $0x38;
	[tilespmem:$0x14000] =	vst v63  }
0x23: {  	s24 =	rddreg [dreg:$0xb];
	s26 =	simm.s32 $0x13000;
	s12 =	simm.s32 $0x0  }
0x24: {  	[tilespmem:s26], [sflag:$0x4] =	stream.linear.gather [hbm4b:s24+s5], $0x1000, $0x38;
	[tilespmem:$0x14000] =	vst v63  }
.LBB2_2:
0x25: {  	s2 =	sshll.u32 s12, $0x2  }
0x26: {  	_ =	swait.ge [sflag:s28], $0x4000;
	s8 =	simm.s32 $0x1000;
	s13 =	sadd.s32 s6, s2  }
0x27: {  	p0 =	seq.s32 s12, $0x0;
	[sflag:s28] =	ssyncset.done $0x0;
	s14 =	sshll.u32 s13, $0xB  }
0x28: {  	s2 =	simm.s32 @!p0 $0x7;
	[sflag:s28] =	ssyncadd.s32 $0xFFFFC000;
	s10 =	sadd.s32 s14, s16  }
0x29: {  	[hbm4b:s10+s5] =	stream.linear.scatter [tilespmem:s8], [sflag:$0x5], $0x3000, $0x38;
	[tilespmem:$0x14000] =	vst v63  }
0x2a: {  	_ =	swait.ge @!p0 [sflag:s2], $0x3000  }
0x2b: {  	[sflag:s2] =	ssyncset.done @!p0 $0x0  }
0x2c: {  	[sflag:s2] =	ssyncadd.s32 @!p0 $0xFFFFD000  }
0x2d: {  	_ =	swait.ge @!p0 [sflag:s2], $0x1000  }
0x2e: {  	s15 =	sor.u32 $0x2, s13;
	[sflag:s2] =	ssyncset.done @!p0 $0x0  }
0x2f: {  	[sflag:s2] =	ssyncadd.s32 @!p0 $0xFFFFF000;
	s2 =	sshll.u32 @!p0 s15, $0xB  }
0x30: {  	s9 =	simm.s32 @!p0 $0x0;
	s10 =	simm.s32 @!p0 $0x8000;
	s8 =	sadd.s32 @!p0 s1, s2  }
0x31: {  	[tilespmem:s10], [sflag:$0x3] =	stream.linear.gather @!p0 [hbm4b:s8+s9], $0x4000, $0x38;
	[tilespmem:$0x14000] =	vst v63  }
0x32: {  	s2 =	sadd.s32 @!p0 s2, s7;
	s8 =	simm.s32 @!p0 $0x12000  }
0x33: {  	[tilespmem:s8], [sflag:$0x3] =	stream.linear.gather @!p0 [hbm4b:s2+s9], $0x1000, $0x38;
	[tilespmem:$0x14000] =	vst v63  }
0x34: {  	s11 =	simm.s32 $0x0;
	_ =	swait.ge [sflag:s28], $0x1000  }
0x35: {  	s24 =	sand.u32 $0x800, s11;
	s26 =	sand.u32 $0x380, s11;
	[sflag:s28] =	ssyncset.done $0x0  }
0x36: {  	s19 =	sor.u32 s26, s24;
	[sflag:s28] =	ssyncadd.s32 $0xFFFFF000  }
0x37: {  	v0 =	vld [tilespmem:s19+$0x10060]  }
0x38: {  	v1 =	vld [tilespmem:s19+$0x3000]  }
0x39: {  	v2 =	vld [tilespmem:s19+$0x1060]  }
0x3a: {  	v3 =	vld [tilespmem:s19+$0x3070]  }
0x3b: {  	v4 =	vld [tilespmem:s19+$0x1030]  }
0x3c: {  	v5 =	vld [tilespmem:s19+$0x1000]  }
0x3d: {  	v6 =	vld [tilespmem:s19+$0x3030]  }
0x3e: {  	v7 =	vld [tilespmem:s19+$0x1070]  }
0x3f: {  	v8 =	vld [tilespmem:s19+$0x3060]  }
0x40: {  	v9 =	vld [tilespmem:s19+$0x10070]  }
0x41: {  	v10 =	vld [tilespmem:s19+$0x10000]  }
0x42: {  	v11 =	vld [tilespmem:s19+$0x10030]  }
0x43: {  	v12 =	vld [tilespmem:s19+$0x0]  }
0x44: {  	v13 =	vld [tilespmem:s19+$0x3040]  }
0x45: {  	v14 =	vld [tilespmem:s19+$0x1040]  }
0x46: {  	v18 =	vld [tilespmem:s19+$0x3050]  }
0x47: {  	v19 =	vld [tilespmem:s19+$0x1050]  }
0x48: {  	v20 =	vld [tilespmem:s19+$0x3020]  }
0x49: {  	v21 =	vld [tilespmem:s19+$0x1020]  }
0x4a: {  	v15 =	vld [tilespmem:s19+$0x30]  }
0x4b: {  	v16 =	vld [tilespmem:s19+$0x70];
	v4 =	vadd.f32 $9.999999970e-07, v4;
	v3 =	vadd.f32 $-9.999999970e-07, v3  }
0x4c: {  	v51 =	vld [tilespmem:s19+$0x3010];
	v6 =	vadd.f32 $-9.999999970e-07, v6;
	v7 =	vadd.f32 $9.999999970e-07, v7  }
0x4d: {  	v52 =	vld [tilespmem:s19+$0x1010];
	v54 =	vadd.f32 $-9.999999970e-07, v18;
	v55 =	vadd.f32 $9.999999970e-07, v19  }
0x4e: {  	v17 =	vld [tilespmem:s19+$0x10020];
	v57 =	vadd.f32 $9.999999970e-07, v21;
	v20 =	vadd.f32 $-9.999999970e-07, v20  }
0x4f: {  	v22 =	vld [tilespmem:s19+$0x10050];
	v1 =	vadd.f32 $-9.999999970e-07, v1;
	v5 =	vadd.f32 $9.999999970e-07, v5  }
0x50: {  	v53 =	vld [tilespmem:s19+$0x50];
	v8 =	vadd.f32 $-9.999999970e-07, v8;
	v2 =	vadd.f32 $9.999999970e-07, v2;
	v3 =	vmax.f32 v7, v3  }
0x51: {  	v59 =	vld [tilespmem:s19+$0x60];
	v4 =	vmax.f32 v4, v6;
	v6 =	vadd.f32 $-9.999999970e-07, v51;
	v3 =	vsub.f32 v3, v9  }
0x52: {  	v58 =	vld [tilespmem:s19+$0x10010];
	v1 =	vmax.f32 v5, v1;
	v7 =	vadd.f32 $9.999999970e-07, v52;
	v4 =	vsub.f32 v4, v11  }
0x53: {  	v56 =	vld [tilespmem:s19+$0x20];
	v2 =	vmax.f32 v2, v8;
	v1 =	vsub.f32 v1, v10;
	v3 =	vmax.f32 v16, v3  }
0x54: {  	v60 =	vld [tilespmem:s19+$0x10];
	v11 =	vmax.f32 v55, v54;
	v0 =	vsub.f32 v2, v0;
	v4 =	vmax.f32 v15, v4;
	[tilespmem:s19+$0x70] =	vst v3  }
0x55: {  	v19 =	vmax.f32 v57, v20;
	v11 =	vsub.f32 v11, v22;
	v1 =	vmax.f32 v12, v1;
	[tilespmem:s19+$0x30] =	vst v4  }
0x56: {  	v6 =	vmax.f32 v7, v6;
	v0 =	vmax.f32 v59, v0;
	v3 =	vsub.f32 v19, v17;
	[tilespmem:s19+$0x0] =	vst v1  }
0x57: {  	v61 =	vld [tilespmem:s19+$0x10040];
	v62 =	vsub.f32 v6, v58;
	v9 =	vmax.f32 v53, v11;
	[tilespmem:s19+$0x60] =	vst v0  }
0x58: {  	s2 =	sand.u32 $0xFFFFF800, s11;
	[tilespmem:s19+$0x50] =	vst v9;
	v3 =	vmax.f32 v56, v3  }
0x59: {  	s2 =	sadd.s32 $0x0, s2;
	v63 =	vld [tilespmem:s19+$0x40];
	v2 =	vadd.f32 $-9.999999970e-07, v13;
	v1 =	vmax.f32 v60, v62;
	[tilespmem:s19+$0x20] =	vst v3;
	v3 =	vadd.f32 $9.999999970e-07, v14  }
0x5a: {  	s10 =	sor.u32 $0x3400, s2;
	[tilespmem:s19+$0x10] =	vst v1  }
0x5b: {  	s9 =	sor.u32 $0x1400, s2;
	v1 =	vmax.f32 v3, v2;
	v2 =	vld [tilespmem:s10+$0x0]  }
0x5c: {  	v0 =	vsub.f32 v1, v61;
	v1 =	vld [tilespmem:s9+$0x0];
	_ =	sdelay $0x1  }
0x5d: {  	v0 =	vmax.f32 v63, v0  }
0x5e: {  	[tilespmem:s19+$0x40] =	vst v0;
	v0 =	vld [tilespmem:s19+$0x10400];
	_ =	sdelay $0x1  }
0x5f: {  	v3 =	vld [tilespmem:s19+$0x400];
	v2 =	vadd.f32 $-9.999999970e-07, v2;
	v1 =	vadd.f32 $9.999999970e-07, v1;
	_ =	sdelay $0x1  }
0x60: {  	v1 =	vmax.f32 v1, v2  }
0x61: {  	v0 =	vsub.f32 v1, v0;
	_ =	sdelay $0x1  }
0x62: {  	v0 =	vmax.f32 v3, v0  }
0x63: {  	[tilespmem:s19+$0x400] =	vst v0  }
0x64: {  	v0 =	vld [tilespmem:s9+$0x10]  }
0x65: {  	v1 =	vld [tilespmem:s10+$0x10];
	_ =	sdelay $0x2  }
0x66: {  	v2 =	vld [tilespmem:s19+$0x10410];
	_ =	sdelay $0x1  }
0x67: {  	v3 =	vld [tilespmem:s19+$0x410];
	v0 =	vadd.f32 $9.999999970e-07, v0;
	v1 =	vadd.f32 $-9.999999970e-07, v1;
	_ =	sdelay $0x1  }
0x68: {  	v0 =	vmax.f32 v0, v1  }
0x69: {  	v0 =	vsub.f32 v0, v2;
	_ =	sdelay $0x1  }
0x6a: {  	v0 =	vmax.f32 v3, v0  }
0x6b: {  	[tilespmem:s19+$0x410] =	vst v0  }
0x6c: {  	v0 =	vld [tilespmem:s9+$0x20]  }
0x6d: {  	v1 =	vld [tilespmem:s10+$0x20];
	_ =	sdelay $0x2  }
0x6e: {  	v2 =	vld [tilespmem:s19+$0x10420];
	_ =	sdelay $0x1  }
0x6f: {  	v3 =	vld [tilespmem:s19+$0x420];
	v0 =	vadd.f32 $9.999999970e-07, v0;
	v1 =	vadd.f32 $-9.999999970e-07, v1;
	_ =	sdelay $0x1  }
0x70: {  	v0 =	vmax.f32 v0, v1  }
0x71: {  	v0 =	vsub.f32 v0, v2;
	_ =	sdelay $0x1  }
0x72: {  	v0 =	vmax.f32 v3, v0  }
0x73: {  	[tilespmem:s19+$0x420] =	vst v0  }
0x74: {  	v0 =	vld [tilespmem:s9+$0x30]  }
0x75: {  	v1 =	vld [tilespmem:s10+$0x30];
	_ =	sdelay $0x4  }
0x76: {  	v2 =	vld [tilespmem:s19+$0x10430];
	v0 =	vadd.f32 $9.999999970e-07, v0;
	v1 =	vadd.f32 $-9.999999970e-07, v1;
	_ =	sdelay $0x1  }
0x77: {  	v1 =	vmax.f32 v0, v1;
	v0 =	vld [tilespmem:s19+$0x430];
	_ =	sdelay $0x1  }
0x78: {  	s24 =	simm.s32 $0x100;
	s8 =	simm.s32 $0x80  }
0x79: {  	s26 =	sand.u32 $0x380, s8;
	s2 =	sand.u32 $0x800, s24;
	v1 =	vsub.f32 v1, v2  }
0x7a: {  	s11 =	simm.s32 $0x200;
	s26 =	sor.u32 s26, s2  }
.LBB2_3:
0x7b: {  	p1 =	sne.s32 s11, $0xF00;
	v0 =	vmax.f32 v0, v1;
	v1 =	vld [tilespmem:s19+$0x10440];
	s2 =	smov.u32 s11;
	s11 =	sadd.s32 $0x100, s11  }
0x7c: {  	[tilespmem:s19+$0x430] =	vst v0;
	v0 =	vld [tilespmem:s19+$0x440]  }
0x7d: {  	v2 =	vld [tilespmem:s9+$0x40]  }
0x7e: {  	v3 =	vld [tilespmem:s26+$0x10060]  }
0x7f: {  	v4 =	vld [tilespmem:s10+$0x40]  }
0x80: {  	v5 =	vld [tilespmem:s26+$0x3000]  }
0x81: {  	v6 =	vld [tilespmem:s26+$0x1060]  }
0x82: {  	v7 =	vld [tilespmem:s26+$0x3070]  }
0x83: {  	v8 =	vld [tilespmem:s26+$0x1030]  }
0x84: {  	v2 =	vadd.f32 $9.999999970e-07, v2;
	v9 =	vld [tilespmem:s26+$0x1000];
	v4 =	vadd.f32 $-9.999999970e-07, v4  }
0x85: {  	v10 =	vld [tilespmem:s26+$0x3030]  }
0x86: {  	v11 =	vld [tilespmem:s26+$0x1070];
	v2 =	vmax.f32 v2, v4  }
0x87: {  	v4 =	vld [tilespmem:s26+$0x3060];
	v1 =	vsub.f32 v2, v1  }
0x88: {  	v2 =	vadd.f32 $-9.999999970e-07, v5;
	v5 =	vadd.f32 $9.999999970e-07, v8;
	v8 =	vld [tilespmem:s26+$0x10070]  }
0x89: {  	v7 =	vadd.f32 $-9.999999970e-07, v7;
	v12 =	vld [tilespmem:s26+$0x10000];
	v9 =	vadd.f32 $9.999999970e-07, v9;
	v0 =	vmax.f32 v0, v1  }
0x8a: {  	v1 =	vld [tilespmem:s26+$0x10030];
	v10 =	vadd.f32 $-9.999999970e-07, v10;
	[tilespmem:s19+$0x440] =	vst v0  }
0x8b: {  	v0 =	vld [tilespmem:s26+$0x0];
	v2 =	vmax.f32 v9, v2;
	v9 =	vadd.f32 $9.999999970e-07, v11  }
0x8c: {  	v5 =	vmax.f32 v5, v10;
	v4 =	vadd.f32 $-9.999999970e-07, v4;
	v10 =	vld [tilespmem:s9+$0x50]  }
0x8d: {  	v6 =	vadd.f32 $9.999999970e-07, v6;
	v7 =	vmax.f32 v9, v7;
	v9 =	vld [tilespmem:s10+$0x50]  }
0x8e: {  	v2 =	vsub.f32 v2, v12  }
0x8f: {  	v4 =	vmax.f32 v6, v4;
	v1 =	vsub.f32 v5, v1;
	v5 =	vsub.f32 v7, v8  }
0x90: {  	v0 =	vmax.f32 v0, v2;
	v2 =	vsub.f32 v4, v3;
	v3 =	vld [tilespmem:s19+$0x10450]  }
0x91: {  	v4 =	vld [tilespmem:s19+$0x10470]  }
0x92: {  	v7 =	vadd.f32 $9.999999970e-07, v10;
	v6 =	vld [tilespmem:s19+$0x450];
	v8 =	vadd.f32 $-9.999999970e-07, v9  }
0x93: {  	v9 =	vld [tilespmem:s19+$0x10460]  }
0x94: {  	v7 =	vmax.f32 v7, v8;
	v8 =	vld [tilespmem:s19+$0x460]  }
0x95: {  	v10 =	vld [tilespmem:s26+$0x3040];
	v3 =	vsub.f32 v7, v3  }
0x96: {  	v7 =	vld [tilespmem:s26+$0x1040]  }
0x97: {  	v11 =	vld [tilespmem:s26+$0x30];
	v3 =	vmax.f32 v6, v3  }
0x98: {  	v6 =	vld [tilespmem:s26+$0x70];
	[tilespmem:s19+$0x450] =	vst v3  }
0x99: {  	v3 =	vld [tilespmem:s9+$0x60]  }
0x9a: {  	v10 =	vadd.f32 $-9.999999970e-07, v10;
	v12 =	vld [tilespmem:s10+$0x60]  }
0x9b: {  	v13 =	vld [tilespmem:s26+$0x20];
	v7 =	vadd.f32 $9.999999970e-07, v7  }
0x9c: {  	v14 =	vld [tilespmem:s26+$0x50]  }
0x9d: {  	v15 =	vld [tilespmem:s26+$0x10020];
	v7 =	vmax.f32 v7, v10;
	v5 =	vmax.f32 v6, v5  }
0x9e: {  	v6 =	vld [tilespmem:s26+$0x60];
	v3 =	vadd.f32 $9.999999970e-07, v3  }
0x9f: {  	v1 =	vmax.f32 v11, v1;
	v10 =	vld [tilespmem:s26+$0x3050];
	v11 =	vadd.f32 $-9.999999970e-07, v12  }
0xa0: {  	v12 =	vld [tilespmem:s26+$0x1050]  }
0xa1: {  	v16 =	vld [tilespmem:s26+$0x3020];
	v3 =	vmax.f32 v3, v11  }
0xa2: {  	v11 =	vld [tilespmem:s26+$0x1020];
	v3 =	vsub.f32 v3, v9  }
0xa3: {  	v9 =	vld [tilespmem:s26+$0x10050]  }
0xa4: {  	v17 =	vld [tilespmem:s26+$0x3010];
	v10 =	vadd.f32 $-9.999999970e-07, v10;
	v3 =	vmax.f32 v8, v3  }
0xa5: {  	v2 =	vmax.f32 v6, v2;
	v8 =	vld [tilespmem:s26+$0x1010];
	v12 =	vadd.f32 $9.999999970e-07, v12;
	[tilespmem:s19+$0x460] =	vst v3  }
0xa6: {  	v3 =	vld [tilespmem:s9+$0x70]  }
0xa7: {  	v6 =	vadd.f32 $9.999999970e-07, v11;
	v11 =	vadd.f32 $-9.999999970e-07, v16;
	v10 =	vmax.f32 v12, v10;
	v12 =	vld [tilespmem:s10+$0x70]  }
0xa8: {  	v16 =	vld [tilespmem:s26+$0x10010];
	v9 =	vsub.f32 v10, v9;
	[tilespmem:s26+$0x70] =	vst v5  }
0xa9: {  	v5 =	vadd.f32 $-9.999999970e-07, v17;
	v6 =	vmax.f32 v6, v11;
	v10 =	vld [tilespmem:s19+$0x470]  }
0xaa: {  	v11 =	vld [tilespmem:s26+$0x10];
	v8 =	vadd.f32 $9.999999970e-07, v8;
	v6 =	vsub.f32 v6, v15;
	v9 =	vmax.f32 v14, v9  }
0xab: {  	v14 =	vld [tilespmem:s26+$0x10040];
	[tilespmem:s26+$0x50] =	vst v9;
	v3 =	vadd.f32 $9.999999970e-07, v3  }
0xac: {  	v5 =	vmax.f32 v8, v5;
	v6 =	vmax.f32 v13, v6;
	[tilespmem:s26+$0x30] =	vst v1;
	v1 =	vadd.f32 $-9.999999970e-07, v12  }
0xad: {  	v5 =	vsub.f32 v5, v16;
	[tilespmem:s26+$0x20] =	vst v6;
	v6 =	vld [tilespmem:s26+$0x40]  }
0xae: {  	v1 =	vmax.f32 v3, v1  }
0xaf: {  	[tilespmem:s26+$0x0] =	vst v0;
	v0 =	vmax.f32 v11, v5;
	v1 =	vsub.f32 v1, v4  }
0xb0: {  	s9 =	sand.u32 $0xFFFFF800, s24;
	s24 =	smov.u32 s2;
	[tilespmem:s26+$0x10] =	vst v0;
	v0 =	vsub.f32 v7, v14  }
0xb1: {  	s2 =	sadd.s32 s9, s8;
	[tilespmem:s26+$0x60] =	vst v2;
	v1 =	vmax.f32 v10, v1  }
0xb2: {  	s9 =	sor.u32 $0x1400, s2;
	v0 =	vmax.f32 v6, v0;
	[tilespmem:s19+$0x470] =	vst v1;
	s19 =	smov.u32 s26  }
0xb3: {  	s10 =	sor.u32 $0x3400, s2;
	[tilespmem:s19+$0x40] =	vst v0;
	v0 =	vld [tilespmem:s9+$0x0]  }
0xb4: {  	v1 =	vld [tilespmem:s10+$0x0];
	_ =	sdelay $0x2  }
0xb5: {  	v2 =	vld [tilespmem:s19+$0x10400];
	_ =	sdelay $0x1  }
0xb6: {  	v0 =	vadd.f32 $9.999999970e-07, v0;
	v3 =	vld [tilespmem:s19+$0x400];
	v1 =	vadd.f32 $-9.999999970e-07, v1;
	_ =	sdelay $0x1  }
0xb7: {  	v0 =	vmax.f32 v0, v1  }
0xb8: {  	v0 =	vsub.f32 v0, v2;
	_ =	sdelay $0x1  }
0xb9: {  	v0 =	vmax.f32 v3, v0  }
0xba: {  	[tilespmem:s19+$0x400] =	vst v0  }
0xbb: {  	v0 =	vld [tilespmem:s9+$0x10];
	_ =	sdelay $0x1  }
0xbc: {  	v1 =	vld [tilespmem:s10+$0x10];
	_ =	sdelay $0x2  }
0xbd: {  	v2 =	vld [tilespmem:s19+$0x10410];
	_ =	sdelay $0x1  }
0xbe: {  	v0 =	vadd.f32 $9.999999970e-07, v0;
	v3 =	vld [tilespmem:s19+$0x410];
	v1 =	vadd.f32 $-9.999999970e-07, v1;
	_ =	sdelay $0x1  }
0xbf: {  	v0 =	vmax.f32 v0, v1  }
0xc0: {  	v0 =	vsub.f32 v0, v2;
	_ =	sdelay $0x1  }
0xc1: {  	v0 =	vmax.f32 v3, v0  }
0xc2: {  	[tilespmem:s19+$0x410] =	vst v0  }
0xc3: {  	v0 =	vld [tilespmem:s9+$0x20]  }
0xc4: {  	v1 =	vld [tilespmem:s10+$0x20];
	_ =	sdelay $0x2  }
0xc5: {  	v2 =	vld [tilespmem:s19+$0x10420];
	_ =	sdelay $0x1  }
0xc6: {  	v0 =	vadd.f32 $9.999999970e-07, v0;
	v3 =	vld [tilespmem:s19+$0x420];
	v1 =	vadd.f32 $-9.999999970e-07, v1;
	_ =	sdelay $0x1  }
0xc7: {  	v0 =	vmax.f32 v0, v1  }
0xc8: {  	v0 =	vsub.f32 v0, v2;
	_ =	sdelay $0x1  }
0xc9: {  	v0 =	vmax.f32 v3, v0  }
0xca: {  	[tilespmem:s19+$0x420] =	vst v0  }
0xcb: {  	v0 =	vld [tilespmem:s9+$0x30]  }
0xcc: {  	v1 =	vld [tilespmem:s10+$0x30];
	_ =	sdelay $0x2  }
0xcd: {  	v2 =	vld [tilespmem:s19+$0x10430]  }
0xce: {  	v3 =	vadd.f32 $9.999999970e-07, v0  }
.Ltmp0:
0xcf: {  	v0 =	vld [tilespmem:s19+$0x430];
	v1 =	vadd.f32 $-9.999999970e-07, v1;
	(pc) =	sbr.rel @p1 .LBB2_3-.Ltmp0, $4  }
0xd0: {  	_ = 	snop  }
0xd1: {  	s8 =	sadd.s32 $0x80, s8;
	v1 =	vmax.f32 v3, v1  }
0xd2: {  	s2 =	sand.u32 $0x800, s24;
	s26 =	sand.u32 $0x380, s8;
	v1 =	vsub.f32 v1, v2  }
0xd3: {  	s26 =	sor.u32 s26, s2  }
0xd4: {  	v0 =	vmax.f32 v0, v1;
	v1 =	vld [tilespmem:s19+$0x10440]  }
0xd5: {  	[tilespmem:s19+$0x430] =	vst v0;
	v0 =	vld [tilespmem:s19+$0x440]  }
0xd6: {  	v2 =	vld [tilespmem:s9+$0x40]  }
0xd7: {  	v3 =	vld [tilespmem:s26+$0x10060]  }
0xd8: {  	v4 =	vld [tilespmem:s10+$0x40]  }
0xd9: {  	v5 =	vld [tilespmem:s26+$0x3000]  }
0xda: {  	v6 =	vld [tilespmem:s26+$0x1060]  }
0xdb: {  	v7 =	vld [tilespmem:s26+$0x3070]  }
0xdc: {  	v8 =	vld [tilespmem:s26+$0x1030]  }
0xdd: {  	v9 =	vld [tilespmem:s26+$0x1000];
	v2 =	vadd.f32 $9.999999970e-07, v2;
	v4 =	vadd.f32 $-9.999999970e-07, v4  }
0xde: {  	v10 =	vld [tilespmem:s26+$0x3030]  }
0xdf: {  	v11 =	vld [tilespmem:s26+$0x1070];
	v2 =	vmax.f32 v2, v4  }
0xe0: {  	v12 =	vld [tilespmem:s26+$0x10000];
	v1 =	vsub.f32 v2, v1  }
0xe1: {  	v4 =	vld [tilespmem:s26+$0x3060]  }
0xe2: {  	v2 =	vld [tilespmem:s26+$0x10070];
	v0 =	vmax.f32 v0, v1  }
0xe3: {  	v1 =	vld [tilespmem:s26+$0x10030];
	[tilespmem:s19+$0x440] =	vst v0  }
0xe4: {  	v0 =	vld [tilespmem:s9+$0x50]  }
0xe5: {  	v13 =	vld [tilespmem:s10+$0x50];
	_ =	sdelay $0x2  }
0xe6: {  	v14 =	vld [tilespmem:s19+$0x10450];
	_ =	sdelay $0x1  }
0xe7: {  	v16 =	vld [tilespmem:s19+$0x450];
	v0 =	vadd.f32 $9.999999970e-07, v0;
	v13 =	vadd.f32 $-9.999999970e-07, v13  }
0xe8: {  	v15 =	vld [tilespmem:s26+$0x0]  }
0xe9: {  	v18 =	vld [tilespmem:s19+$0x10460];
	v0 =	vmax.f32 v0, v13  }
0xea: {  	v45 =	vld [tilespmem:s19+$0x460];
	v0 =	vsub.f32 v0, v14  }
0xeb: {  	v47 =	vld [tilespmem:s26+$0x30]  }
0xec: {  	v46 =	vld [tilespmem:s26+$0x3040];
	v0 =	vmax.f32 v16, v0  }
0xed: {  	v19 =	vld [tilespmem:s26+$0x1040];
	[tilespmem:s19+$0x450] =	vst v0  }
0xee: {  	v0 =	vld [tilespmem:s9+$0x60]  }
0xef: {  	v20 =	vld [tilespmem:s10+$0x60]  }
0xf0: {  	v21 =	vld [tilespmem:s26+$0x70]  }
0xf1: {  	v22 =	vld [tilespmem:s26+$0x20]  }
0xf2: {  	v23 =	vld [tilespmem:s26+$0x10020]  }
0xf3: {  	v24 =	vld [tilespmem:s26+$0x3050]  }
0xf4: {  	v25 =	vld [tilespmem:s26+$0x1050];
	v0 =	vadd.f32 $9.999999970e-07, v0;
	v20 =	vadd.f32 $-9.999999970e-07, v20  }
0xf5: {  	v26 =	vld [tilespmem:s26+$0x3020]  }
0xf6: {  	v5 =	vadd.f32 $-9.999999970e-07, v5;
	v48 =	vld [tilespmem:s26+$0x1020];
	v0 =	vmax.f32 v0, v20  }
0xf7: {  	v8 =	vadd.f32 $9.999999970e-07, v8;
	v49 =	vld [tilespmem:s26+$0x10050];
	v0 =	vsub.f32 v0, v18  }
0xf8: {  	v9 =	vadd.f32 $9.999999970e-07, v9;
	v7 =	vadd.f32 $-9.999999970e-07, v7;
	v27 =	vld [tilespmem:s26+$0x3010]  }
0xf9: {  	v10 =	vadd.f32 $-9.999999970e-07, v10;
	v11 =	vadd.f32 $9.999999970e-07, v11;
	v50 =	vld [tilespmem:s26+$0x1010];
	v0 =	vmax.f32 v45, v0  }
0xfa: {  	v6 =	vadd.f32 $9.999999970e-07, v6;
	v5 =	vmax.f32 v9, v5;
	v4 =	vadd.f32 $-9.999999970e-07, v4;
	[tilespmem:s19+$0x460] =	vst v0;
	v0 =	vld [tilespmem:s26+$0x50]  }
0xfb: {  	v7 =	vmax.f32 v11, v7;
	v51 =	vadd.f32 $-9.999999970e-07, v24;
	v52 =	vadd.f32 $9.999999970e-07, v25;
	v53 =	vld [tilespmem:s9+$0x70]  }
0xfc: {  	v8 =	vmax.f32 v8, v10;
	v2 =	vsub.f32 v7, v2;
	v4 =	vmax.f32 v6, v4;
	v54 =	vld [tilespmem:s10+$0x70]  }
0xfd: {  	v58 =	vld [tilespmem:s26+$0x60];
	v55 =	vadd.f32 $9.999999970e-07, v48;
	v56 =	vadd.f32 $-9.999999970e-07, v26;
	v9 =	vmax.f32 v52, v51  }
0xfe: {  	v1 =	vsub.f32 v8, v1;
	v2 =	vmax.f32 v21, v2;
	v9 =	vsub.f32 v9, v49;
	v57 =	vld [tilespmem:s26+$0x10010]  }
0xff: {  	v17 =	vld [tilespmem:s19+$0x10470];
	v3 =	vsub.f32 v4, v3;
	v13 =	vadd.f32 $9.999999970e-07, v50;
	v10 =	vmax.f32 v55, v56  }
0x100: {  	v59 =	vld [tilespmem:s26+$0x10];
	v10 =	vsub.f32 v10, v23;
	[tilespmem:s26+$0x70] =	vst v2;
	v2 =	vadd.f32 $-9.999999970e-07, v27;
	v0 =	vmax.f32 v0, v9  }
0x101: {  	v61 =	vld [tilespmem:s19+$0x470];
	v1 =	vmax.f32 v47, v1;
	[tilespmem:s26+$0x50] =	vst v0;
	v0 =	vadd.f32 $9.999999970e-07, v53;
	v7 =	vadd.f32 $-9.999999970e-07, v54  }
0x102: {  	v5 =	vsub.f32 v5, v12;
	v62 =	vmax.f32 v22, v10;
	[tilespmem:s26+$0x30] =	vst v1;
	v2 =	vmax.f32 v13, v2  }
0x103: {  	v3 =	vmax.f32 v58, v3;
	v60 =	vld [tilespmem:s26+$0x10040];
	[tilespmem:s26+$0x20] =	vst v62;
	v1 =	vsub.f32 v2, v57;
	v0 =	vmax.f32 v0, v7  }
0x104: {  	[tilespmem:s26+$0x60] =	vst v3;
	v2 =	vmax.f32 v15, v5;
	v0 =	vsub.f32 v0, v17  }
0x105: {  	s2 =	sand.u32 $0xFFFFF800, s24;
	v4 =	vadd.f32 $-9.999999970e-07, v46;
	[tilespmem:s26+$0x0] =	vst v2;
	v2 =	vadd.f32 $9.999999970e-07, v19;
	v1 =	vmax.f32 v59, v1  }
0x106: {  	s8 =	sadd.s32 s2, s8;
	v5 =	vld [tilespmem:s26+$0x40];
	[tilespmem:s26+$0x10] =	vst v1;
	v0 =	vmax.f32 v61, v0  }
0x107: {  	s2 =	sor.u32 $0x1400, s8;
	v1 =	vmax.f32 v2, v4;
	[tilespmem:s19+$0x470] =	vst v0  }
0x108: {  	s8 =	sor.u32 $0x3400, s8;
	v0 =	vsub.f32 v1, v60;
	v1 =	vld [tilespmem:s2+$0x0]  }
0x109: {  	v2 =	vld [tilespmem:s8+$0x0];
	_ =	sdelay $0x1  }
0x10a: {  	v0 =	vmax.f32 v5, v0  }
0x10b: {  	[tilespmem:s26+$0x40] =	vst v0;
	v0 =	vld [tilespmem:s26+$0x10400];
	_ =	sdelay $0x1  }
0x10c: {  	v3 =	vld [tilespmem:s26+$0x400];
	v1 =	vadd.f32 $9.999999970e-07, v1;
	v2 =	vadd.f32 $-9.999999970e-07, v2;
	_ =	sdelay $0x1  }
0x10d: {  	v1 =	vmax.f32 v1, v2  }
0x10e: {  	v0 =	vsub.f32 v1, v0;
	_ =	sdelay $0x1  }
0x10f: {  	v0 =	vmax.f32 v3, v0  }
0x110: {  	[tilespmem:s26+$0x400] =	vst v0  }
0x111: {  	v0 =	vld [tilespmem:s2+$0x10]  }
0x112: {  	v1 =	vld [tilespmem:s8+$0x10];
	_ =	sdelay $0x2  }
0x113: {  	v2 =	vld [tilespmem:s26+$0x10410];
	_ =	sdelay $0x1  }
0x114: {  	v3 =	vld [tilespmem:s26+$0x410];
	v0 =	vadd.f32 $9.999999970e-07, v0;
	v1 =	vadd.f32 $-9.999999970e-07, v1;
	_ =	sdelay $0x1  }
0x115: {  	v0 =	vmax.f32 v0, v1  }
0x116: {  	v0 =	vsub.f32 v0, v2;
	_ =	sdelay $0x1  }
0x117: {  	v0 =	vmax.f32 v3, v0  }
0x118: {  	[tilespmem:s26+$0x410] =	vst v0  }
0x119: {  	v0 =	vld [tilespmem:s2+$0x20]  }
0x11a: {  	v1 =	vld [tilespmem:s8+$0x20];
	_ =	sdelay $0x2  }
0x11b: {  	v2 =	vld [tilespmem:s26+$0x10420];
	_ =	sdelay $0x1  }
0x11c: {  	v3 =	vld [tilespmem:s26+$0x420];
	v0 =	vadd.f32 $9.999999970e-07, v0;
	v1 =	vadd.f32 $-9.999999970e-07, v1;
	_ =	sdelay $0x1  }
0x11d: {  	v0 =	vmax.f32 v0, v1  }
0x11e: {  	v0 =	vsub.f32 v0, v2;
	_ =	sdelay $0x1  }
0x11f: {  	v0 =	vmax.f32 v3, v0  }
0x120: {  	[tilespmem:s26+$0x420] =	vst v0  }
0x121: {  	v0 =	vld [tilespmem:s2+$0x30]  }
0x122: {  	v1 =	vld [tilespmem:s8+$0x30];
	_ =	sdelay $0x2  }
0x123: {  	v2 =	vld [tilespmem:s26+$0x10430];
	_ =	sdelay $0x1  }
0x124: {  	v3 =	vld [tilespmem:s26+$0x430];
	v0 =	vadd.f32 $9.999999970e-07, v0;
	v1 =	vadd.f32 $-9.999999970e-07, v1;
	_ =	sdelay $0x1  }
0x125: {  	v0 =	vmax.f32 v0, v1  }
0x126: {  	v0 =	vsub.f32 v0, v2;
	_ =	sdelay $0x1  }
0x127: {  	v0 =	vmax.f32 v3, v0  }
0x128: {  	[tilespmem:s26+$0x430] =	vst v0  }
0x129: {  	v0 =	vld [tilespmem:s2+$0x40]  }
0x12a: {  	v2 =	vld [tilespmem:s8+$0x40];
	_ =	sdelay $0x2  }
0x12b: {  	v1 =	vld [tilespmem:s26+$0x10440];
	_ =	sdelay $0x1  }
0x12c: {  	v3 =	vld [tilespmem:s26+$0x440];
	v0 =	vadd.f32 $9.999999970e-07, v0;
	v2 =	vadd.f32 $-9.999999970e-07, v2;
	_ =	sdelay $0x1  }
0x12d: {  	v0 =	vmax.f32 v0, v2  }
0x12e: {  	v0 =	vsub.f32 v0, v1;
	_ =	sdelay $0x1  }
0x12f: {  	v0 =	vmax.f32 v3, v0  }
0x130: {  	[tilespmem:s26+$0x440] =	vst v0  }
0x131: {  	v0 =	vld [tilespmem:s2+$0x50]  }
0x132: {  	v1 =	vld [tilespmem:s8+$0x50];
	_ =	sdelay $0x2  }
0x133: {  	v2 =	vld [tilespmem:s26+$0x10450];
	_ =	sdelay $0x1  }
0x134: {  	v3 =	vld [tilespmem:s26+$0x450];
	v0 =	vadd.f32 $9.999999970e-07, v0;
	v1 =	vadd.f32 $-9.999999970e-07, v1;
	_ =	sdelay $0x1  }
0x135: {  	v0 =	vmax.f32 v0, v1  }
0x136: {  	v0 =	vsub.f32 v0, v2;
	_ =	sdelay $0x1  }
0x137: {  	v0 =	vmax.f32 v3, v0  }
0x138: {  	[tilespmem:s26+$0x450] =	vst v0  }
0x139: {  	v0 =	vld [tilespmem:s2+$0x60]  }
0x13a: {  	v3 =	vld [tilespmem:s8+$0x60];
	_ =	sdelay $0x2  }
0x13b: {  	v2 =	vld [tilespmem:s26+$0x10460];
	_ =	sdelay $0x1  }
0x13c: {  	v4 =	vld [tilespmem:s26+$0x460];
	v0 =	vadd.f32 $9.999999970e-07, v0;
	v3 =	vadd.f32 $-9.999999970e-07, v3;
	_ =	sdelay $0x1  }
0x13d: {  	v0 =	vmax.f32 v0, v3  }
0x13e: {  	v0 =	vsub.f32 v0, v2;
	_ =	sdelay $0x1  }
0x13f: {  	v0 =	vmax.f32 v4, v0  }
0x140: {  	[tilespmem:s26+$0x460] =	vst v0  }
0x141: {  	v0 =	vld [tilespmem:s2+$0x70]  }
0x142: {  	v2 =	vld [tilespmem:s8+$0x70];
	_ =	sdelay $0x2  }
0x143: {  	v1 =	vld [tilespmem:s26+$0x10470];
	_ =	sdelay $0x1  }
0x144: {  	v3 =	vld [tilespmem:s26+$0x470];
	v0 =	vadd.f32 $9.999999970e-07, v0;
	v2 =	vadd.f32 $-9.999999970e-07, v2;
	_ =	sdelay $0x1  }
0x145: {  	v0 =	vmax.f32 v0, v2  }
0x146: {  	v0 =	vsub.f32 v0, v1;
	_ =	sdelay $0x1  }
0x147: {  	v0 =	vmax.f32 v3, v0  }
0x148: {  	s9 =	sadd.s32 s3, s14;
	[tilespmem:s26+$0x470] =	vst v0  }
0x149: {  	[hbm4b:s9+s5] =	stream.linear.scatter [tilespmem:s5], [sflag:$0x5], $0x1000, $0x38;
	[tilespmem:$0x14000] =	vst v63  }
0x14a: {  	_ =	swait.ge [sflag:s30], $0x4000  }
0x14b: {  	[sflag:s30] =	ssyncset.done $0x0  }
0x14c: {  	s10 =	sadd.s32 s14, s17;
	s2 =	simm.s32 @!p0 $0x8;
	[sflag:s30] =	ssyncadd.s32 $0xFFFFC000  }
0x14d: {  	[hbm4b:s10+s5] =	stream.linear.scatter [tilespmem:s31], [sflag:$0x6], $0x3000, $0x38;
	[tilespmem:$0x14000] =	vst v63  }
0x14e: {  	_ =	swait.ge @!p0 [sflag:s2], $0x3000  }
0x14f: {  	[sflag:s2] =	ssyncset.done @!p0 $0x0  }
0x150: {  	[sflag:s2] =	ssyncadd.s32 @!p0 $0xFFFFD000  }
0x151: {  	_ =	swait.ge @!p0 [sflag:s2], $0x1000  }
0x152: {  	s19 =	sor.u32 $0x3, s13;
	[sflag:s2] =	ssyncset.done @!p0 $0x0  }
0x153: {  	[sflag:s2] =	ssyncadd.s32 @!p0 $0xFFFFF000;
	s2 =	sshll.u32 @!p0 s19, $0xB  }
0x154: {  	s9 =	simm.s32 @!p0 $0x0;
	s10 =	simm.s32 @!p0 $0xC000;
	s8 =	sadd.s32 @!p0 s1, s2  }
0x155: {  	[tilespmem:s10], [sflag:$0x4] =	stream.linear.gather @!p0 [hbm4b:s8+s9], $0x4000, $0x38;
	[tilespmem:$0x14000] =	vst v63  }
0x156: {  	s2 =	sadd.s32 @!p0 s2, s7;
	s8 =	simm.s32 @!p0 $0x13000  }
0x157: {  	[tilespmem:s8], [sflag:$0x4] =	stream.linear.gather @!p0 [hbm4b:s2+s9], $0x1000, $0x38;
	[tilespmem:$0x14000] =	vst v63  }
0x158: {  	s8 =	simm.s32 $0x0;
	_ =	swait.ge [sflag:s30], $0x1000  }
0x159: {  	s11 =	sand.u32 $0x800, s8;
	s24 =	sand.u32 $0x380, s8;
	[sflag:s30] =	ssyncset.done $0x0  }
0x15a: {  	s2 =	sor.u32 s24, s11;
	[sflag:s30] =	ssyncadd.s32 $0xFFFFF000  }
0x15b: {  	v0 =	vld [tilespmem:s2+$0x7030]  }
0x15c: {  	v1 =	vld [tilespmem:s2+$0x7000]  }
0x15d: {  	v2 =	vld [tilespmem:s2+$0x11070]  }
0x15e: {  	v3 =	vld [tilespmem:s2+$0x4020]  }
0x15f: {  	v4 =	vld [tilespmem:s2+$0x4060]  }
0x160: {  	v5 =	vld [tilespmem:s2+$0x11020]  }
0x161: {  	v63 =	vld [tilespmem:s2+$0x11060]  }
0x162: {  	v28 =	vld [tilespmem:s2+$0x11030]  }
0x163: {  	v29 =	vld [tilespmem:s2+$0x5010]  }
0x164: {  	v30 =	vld [tilespmem:s2+$0x5050]  }
0x165: {  	v31 =	vld [tilespmem:s2+$0x5020]  }
0x166: {  	v32 =	vld [tilespmem:s2+$0x7050]  }
0x167: {  	v33 =	vld [tilespmem:s2+$0x7010]  }
0x168: {  	v34 =	vld [tilespmem:s2+$0x5030]  }
0x169: {  	v35 =	vld [tilespmem:s2+$0x5000]  }
0x16a: {  	v36 =	vld [tilespmem:s2+$0x7020]  }
0x16b: {  	v37 =	vld [tilespmem:s2+$0x11010]  }
0x16c: {  	v38 =	vld [tilespmem:s2+$0x11000]  }
0x16d: {  	v41 =	vld [tilespmem:s2+$0x7060]  }
0x16e: {  	v42 =	vld [tilespmem:s2+$0x5060]  }
0x16f: {  	v43 =	vld [tilespmem:s2+$0x5040];
	v8 =	vadd.f32 $9.999999970e-07, v29;
	v1 =	vadd.f32 $-9.999999970e-07, v1  }
0x170: {  	v44 =	vld [tilespmem:s2+$0x5070];
	v0 =	vadd.f32 $-9.999999970e-07, v0;
	v15 =	vadd.f32 $-9.999999970e-07, v36  }
0x171: {  	v39 =	vld [tilespmem:s2+$0x7070];
	v9 =	vadd.f32 $9.999999970e-07, v30;
	v14 =	vadd.f32 $9.999999970e-07, v35  }
0x172: {  	v40 =	vld [tilespmem:s2+$0x7040];
	v13 =	vadd.f32 $9.999999970e-07, v34;
	v12 =	vadd.f32 $-9.999999970e-07, v33  }
0x173: {  	v45 =	vld [tilespmem:s2+$0x4030];
	v11 =	vadd.f32 $-9.999999970e-07, v32;
	v10 =	vadd.f32 $9.999999970e-07, v31  }
0x174: {  	v46 =	vld [tilespmem:s2+$0x4000];
	v47 =	vadd.f32 $-9.999999970e-07, v41;
	v49 =	vadd.f32 $9.999999970e-07, v42  }
0x175: {  	v48 =	vld [tilespmem:s2+$0x11050];
	v52 =	vadd.f32 $9.999999970e-07, v43;
	v54 =	vadd.f32 $9.999999970e-07, v44;
	v0 =	vmax.f32 v13, v0  }
0x176: {  	v50 =	vld [tilespmem:s2+$0x11040];
	v18 =	vadd.f32 $-9.999999970e-07, v39;
	v51 =	vmax.f32 v10, v15;
	v0 =	vsub.f32 v0, v28  }
0x177: {  	v55 =	vld [tilespmem:s2+$0x4010];
	v58 =	vadd.f32 $-9.999999970e-07, v40;
	v1 =	vmax.f32 v14, v1;
	v5 =	vsub.f32 v51, v5  }
0x178: {  	v53 =	vld [tilespmem:s2+$0x4050];
	v13 =	vmax.f32 v49, v47;
	v1 =	vsub.f32 v1, v38;
	v0 =	vmax.f32 v45, v0  }
0x179: {  	v56 =	vld [tilespmem:s2+$0x4070];
	v8 =	vmax.f32 v8, v12;
	v6 =	vsub.f32 v13, v63;
	v3 =	vmax.f32 v3, v5;
	[tilespmem:s2+$0x4030] =	vst v0  }
0x17a: {  	v57 =	vld [tilespmem:s2+$0x4040];
	v59 =	vsub.f32 v8, v37;
	v0 =	vmax.f32 v46, v1;
	v1 =	vmax.f32 v9, v11;
	[tilespmem:s2+$0x4020] =	vst v3  }
0x17b: {  	[tilespmem:s2+$0x4000] =	vst v0;
	v0 =	vsub.f32 v1, v48;
	v1 =	vmax.f32 v4, v6;
	v4 =	vmax.f32 v54, v18  }
0x17c: {  	v3 =	vmax.f32 v55, v59;
	[tilespmem:s2+$0x4060] =	vst v1;
	v1 =	vmax.f32 v52, v58;
	v2 =	vsub.f32 v4, v2  }
0x17d: {  	[tilespmem:s2+$0x4010] =	vst v3;
	v0 =	vmax.f32 v53, v0;
	v1 =	vsub.f32 v1, v50  }
0x17e: {  	s26 =	sand.u32 $0xFFFFF800, s8;
	[tilespmem:s2+$0x4050] =	vst v0;
	v0 =	vmax.f32 v56, v2  }
0x17f: {  	s9 =	sadd.s32 $0x0, s26;
	v1 =	vmax.f32 v57, v1;
	[tilespmem:s2+$0x4070] =	vst v0  }
0x180: {  	s11 =	sor.u32 $0x5400, s9;
	[tilespmem:s2+$0x4040] =	vst v1  }
0x181: {  	s24 =	sor.u32 $0x7400, s9;
	v0 =	vld [tilespmem:s11+$0x0]  }
0x182: {  	v1 =	vld [tilespmem:s24+$0x0];
	_ =	sdelay $0x1  }
0x183: {  	s26 =	sor.u32 $0x1400, s9  }
0x184: {  	v3 =	vld [tilespmem:s26+$0x10000]  }
0x185: {  	s10 =	sor.u32 $0x4400, s9  }
0x186: {  	v4 =	vld [tilespmem:s10+$0x0];
	v0 =	vadd.f32 $9.999999970e-07, v0;
	v1 =	vadd.f32 $-9.999999970e-07, v1;
	_ =	sdelay $0x1  }
0x187: {  	v0 =	vmax.f32 v0, v1  }
0x188: {  	v3 =	vsub.f32 v0, v3;
	_ =	sdelay $0x1  }
0x189: {  	v3 =	vmax.f32 v4, v3  }
0x18a: {  	[tilespmem:s10+$0x0] =	vst v3  }
0x18b: {  	v3 =	vld [tilespmem:s11+$0x10]  }
0x18c: {  	v4 =	vld [tilespmem:s24+$0x10];
	_ =	sdelay $0x2  }
0x18d: {  	v63 =	vld [tilespmem:s26+$0x10010];
	_ =	sdelay $0x1  }
0x18e: {  	v5 =	vld [tilespmem:s10+$0x10];
	v3 =	vadd.f32 $9.999999970e-07, v3;
	v4 =	vadd.f32 $-9.999999970e-07, v4;
	_ =	sdelay $0x1  }
0x18f: {  	v3 =	vmax.f32 v3, v4  }
0x190: {  	v3 =	vsub.f32 v3, v63;
	_ =	sdelay $0x1  }
0x191: {  	v3 =	vmax.f32 v5, v3  }
0x192: {  	[tilespmem:s10+$0x10] =	vst v3  }
0x193: {  	v3 =	vld [tilespmem:s11+$0x20]  }
0x194: {  	v4 =	vld [tilespmem:s24+$0x20];
	_ =	sdelay $0x2  }
0x195: {  	v5 =	vld [tilespmem:s26+$0x10020];
	_ =	sdelay $0x1  }
0x196: {  	v60 =	vld [tilespmem:s10+$0x20];
	v3 =	vadd.f32 $9.999999970e-07, v3;
	v4 =	vadd.f32 $-9.999999970e-07, v4;
	_ =	sdelay $0x1  }
0x197: {  	v3 =	vmax.f32 v3, v4  }
0x198: {  	v3 =	vsub.f32 v3, v5;
	_ =	sdelay $0x1  }
0x199: {  	v3 =	vmax.f32 v60, v3  }
0x19a: {  	[tilespmem:s10+$0x20] =	vst v3  }
0x19b: {  	v3 =	vld [tilespmem:s11+$0x30]  }
0x19c: {  	v4 =	vld [tilespmem:s24+$0x30];
	_ =	sdelay $0x2  }
0x19d: {  	v5 =	vld [tilespmem:s26+$0x10030];
	_ =	sdelay $0x1  }
0x19e: {  	v61 =	vld [tilespmem:s10+$0x30];
	v3 =	vadd.f32 $9.999999970e-07, v3;
	v4 =	vadd.f32 $-9.999999970e-07, v4;
	_ =	sdelay $0x1  }
0x19f: {  	v3 =	vmax.f32 v3, v4  }
0x1a0: {  	v3 =	vsub.f32 v3, v5;
	_ =	sdelay $0x1  }
0x1a1: {  	v3 =	vmax.f32 v61, v3  }
0x1a2: {  	[tilespmem:s10+$0x30] =	vst v3  }
0x1a3: {  	v3 =	vld [tilespmem:s24+$0x40]  }
0x1a4: {  	v4 =	vld [tilespmem:s11+$0x40];
	_ =	sdelay $0x2  }
0x1a5: {  	v5 =	vld [tilespmem:s26+$0x10040];
	_ =	sdelay $0x1  }
0x1a6: {  	v62 =	vld [tilespmem:s10+$0x40];
	v3 =	vadd.f32 $-9.999999970e-07, v3;
	v4 =	vadd.f32 $9.999999970e-07, v4;
	_ =	sdelay $0x1  }
0x1a7: {  	v3 =	vmax.f32 v4, v3  }
0x1a8: {  	v2 =	vld [tilespmem:s10+$0x50];
	v3 =	vsub.f32 v3, v5  }
0x1a9: {  	v1 =	vld [tilespmem:s10+$0x60]  }
0x1aa: {  	s9 =	simm.s32 $0x100;
	v0 =	vld [tilespmem:s10+$0x70];
	v3 =	vmax.f32 v62, v3  }
.LBB2_5:
0x1ab: {  	p0 =	sne.s32 s9, $0xF00  }
0x1ac: {  	[tilespmem:s10+$0x40] =	vst v3;
	s8 =	sadd.s32 $0x80, s8;
	s2 =	smov.u32 s9;
	s9 =	sadd.s32 $0x100, s9  }
0x1ad: {  	v3 =	vld [tilespmem:s11+$0x50]  }
0x1ae: {  	v4 =	vld [tilespmem:s24+$0x50]  }
0x1af: {  	v5 =	vld [tilespmem:s26+$0x10050];
	_ =	sdelay $0x2  }
0x1b0: {  	v3 =	vadd.f32 $9.999999970e-07, v3  }
0x1b1: {  	v4 =	vadd.f32 $-9.999999970e-07, v4;
	_ =	sdelay $0x1  }
0x1b2: {  	v3 =	vmax.f32 v3, v4  }
0x1b3: {  	v3 =	vsub.f32 v3, v5;
	_ =	sdelay $0x1  }
0x1b4: {  	v2 =	vmax.f32 v2, v3  }
0x1b5: {  	[tilespmem:s10+$0x50] =	vst v2  }
0x1b6: {  	v2 =	vld [tilespmem:s11+$0x60]  }
0x1b7: {  	v3 =	vld [tilespmem:s24+$0x60]  }
0x1b8: {  	v4 =	vld [tilespmem:s26+$0x10060];
	_ =	sdelay $0x3  }
0x1b9: {  	v2 =	vadd.f32 $9.999999970e-07, v2;
	v3 =	vadd.f32 $-9.999999970e-07, v3;
	_ =	sdelay $0x1  }
0x1ba: {  	v2 =	vmax.f32 v2, v3  }
0x1bb: {  	v2 =	vsub.f32 v2, v4;
	_ =	sdelay $0x1  }
0x1bc: {  	v1 =	vmax.f32 v1, v2  }
0x1bd: {  	[tilespmem:s10+$0x60] =	vst v1  }
0x1be: {  	v1 =	vld [tilespmem:s11+$0x70]  }
0x1bf: {  	v2 =	vld [tilespmem:s24+$0x70]  }
0x1c0: {  	v3 =	vld [tilespmem:s26+$0x10070];
	_ =	sdelay $0x3  }
0x1c1: {  	v1 =	vadd.f32 $9.999999970e-07, v1;
	v2 =	vadd.f32 $-9.999999970e-07, v2;
	_ =	sdelay $0x1  }
0x1c2: {  	v1 =	vmax.f32 v1, v2  }
0x1c3: {  	v1 =	vsub.f32 v1, v3;
	_ =	sdelay $0x1  }
0x1c4: {  	v0 =	vmax.f32 v0, v1  }
0x1c5: {  	[tilespmem:s10+$0x70] =	vst v0  }
0x1c6: {  	s11 =	sand.u32 $0x380, s8;
	s10 =	sand.u32 $0x800, s2  }
0x1c7: {  	s10 =	sor.u32 s11, s10  }
0x1c8: {  	v0 =	vld [tilespmem:s10+$0x7030]  }
0x1c9: {  	v1 =	vld [tilespmem:s10+$0x7000]  }
0x1ca: {  	v2 =	vld [tilespmem:s10+$0x11070]  }
0x1cb: {  	v3 =	vld [tilespmem:s10+$0x4020]  }
0x1cc: {  	v4 =	vld [tilespmem:s10+$0x4060]  }
0x1cd: {  	v5 =	vld [tilespmem:s10+$0x11020]  }
0x1ce: {  	v6 =	vld [tilespmem:s10+$0x11060]  }
0x1cf: {  	v7 =	vld [tilespmem:s10+$0x11030]  }
0x1d0: {  	v8 =	vld [tilespmem:s10+$0x5010]  }
0x1d1: {  	v9 =	vld [tilespmem:s10+$0x5050]  }
0x1d2: {  	v10 =	vld [tilespmem:s10+$0x5020]  }
0x1d3: {  	v11 =	vld [tilespmem:s10+$0x7050]  }
0x1d4: {  	v12 =	vld [tilespmem:s10+$0x7010]  }
0x1d5: {  	v13 =	vld [tilespmem:s10+$0x5030]  }
0x1d6: {  	v14 =	vld [tilespmem:s10+$0x5000]  }
0x1d7: {  	v15 =	vld [tilespmem:s10+$0x7020]  }
0x1d8: {  	v16 =	vld [tilespmem:s10+$0x11010]  }
0x1d9: {  	v17 =	vld [tilespmem:s10+$0x11000]  }
0x1da: {  	v18 =	vld [tilespmem:s10+$0x7070]  }
0x1db: {  	v19 =	vld [tilespmem:s10+$0x7040]  }
0x1dc: {  	v20 =	vld [tilespmem:s10+$0x5060]  }
0x1dd: {  	v8 =	vadd.f32 $9.999999970e-07, v8;
	v21 =	vld [tilespmem:s10+$0x7060]  }
0x1de: {  	v0 =	vadd.f32 $-9.999999970e-07, v0;
	v1 =	vadd.f32 $-9.999999970e-07, v1;
	v22 =	vld [tilespmem:s10+$0x5040]  }
0x1df: {  	v9 =	vadd.f32 $9.999999970e-07, v9;
	v15 =	vadd.f32 $-9.999999970e-07, v15;
	v23 =	vld [tilespmem:s10+$0x5070]  }
0x1e0: {  	v13 =	vadd.f32 $9.999999970e-07, v13;
	v14 =	vadd.f32 $9.999999970e-07, v14;
	v24 =	vld [tilespmem:s10+$0x4030]  }
0x1e1: {  	v11 =	vadd.f32 $-9.999999970e-07, v11;
	v12 =	vadd.f32 $-9.999999970e-07, v12;
	v25 =	vld [tilespmem:s10+$0x11040]  }
0x1e2: {  	v10 =	vadd.f32 $9.999999970e-07, v10;
	v0 =	vmax.f32 v13, v0;
	v26 =	vld [tilespmem:s10+$0x4000];
	v13 =	vadd.f32 $-9.999999970e-07, v21  }
0x1e3: {  	v8 =	vmax.f32 v8, v12;
	v1 =	vmax.f32 v14, v1;
	v0 =	vsub.f32 v0, v7;
	v7 =	vld [tilespmem:s10+$0x4040]  }
0x1e4: {  	v1 =	vsub.f32 v1, v17;
	v10 =	vmax.f32 v10, v15;
	v14 =	vadd.f32 $9.999999970e-07, v20;
	v12 =	vld [tilespmem:s10+$0x11050]  }
0x1e5: {  	v15 =	vadd.f32 $9.999999970e-07, v22;
	v20 =	vadd.f32 $9.999999970e-07, v23;
	v0 =	vmax.f32 v24, v0;
	v17 =	vld [tilespmem:s10+$0x4050]  }
0x1e6: {  	v13 =	vmax.f32 v14, v13;
	v14 =	vadd.f32 $-9.999999970e-07, v18;
	v21 =	vld [tilespmem:s10+$0x4010];
	[tilespmem:s10+$0x4030] =	vst v0;
	v0 =	vadd.f32 $-9.999999970e-07, v19  }
0x1e7: {  	v9 =	vmax.f32 v9, v11;
	v6 =	vsub.f32 v13, v6;
	v1 =	vmax.f32 v26, v1;
	v11 =	vld [tilespmem:s10+$0x4070]  }
0x1e8: {  	[tilespmem:s10+$0x4000] =	vst v1;
	v1 =	vsub.f32 v10, v5;
	v0 =	vmax.f32 v15, v0;
	v5 =	vmax.f32 v20, v14  }
0x1e9: {  	v4 =	vmax.f32 v4, v6;
	v0 =	vsub.f32 v0, v25;
	v9 =	vsub.f32 v9, v12  }
0x1ea: {  	v6 =	vsub.f32 v8, v16;
	v2 =	vsub.f32 v5, v2;
	v1 =	vmax.f32 v3, v1;
	[tilespmem:s10+$0x4060] =	vst v4  }
0x1eb: {  	[tilespmem:s10+$0x4020] =	vst v1;
	v0 =	vmax.f32 v7, v0;
	v1 =	vmax.f32 v17, v9  }
0x1ec: {  	v3 =	vmax.f32 v21, v6;
	[tilespmem:s10+$0x4050] =	vst v1;
	v1 =	vmax.f32 v11, v2  }
0x1ed: {  	s2 =	sand.u32 $0xFFFFF800, s2;
	[tilespmem:s10+$0x4010] =	vst v3  }
0x1ee: {  	s2 =	sadd.s32 s2, s8;
	[tilespmem:s10+$0x4070] =	vst v1  }
0x1ef: {  	s11 =	sor.u32 $0x5400, s2;
	[tilespmem:s10+$0x4040] =	vst v0  }
0x1f0: {  	s24 =	sor.u32 $0x7400, s2;
	v0 =	vld [tilespmem:s11+$0x0]  }
0x1f1: {  	s26 =	sor.u32 $0x1400, s2;
	v1 =	vld [tilespmem:s24+$0x0]  }
0x1f2: {  	s10 =	sor.u32 $0x4400, s2;
	v3 =	vld [tilespmem:s26+$0x10000]  }
0x1f3: {  	v4 =	vld [tilespmem:s10+$0x0]  }
0x1f4: {  	v5 =	vld [tilespmem:s10+$0x10]  }
0x1f5: {  	v0 =	vadd.f32 $9.999999970e-07, v0;
	v6 =	vld [tilespmem:s10+$0x20]  }
0x1f6: {  	v1 =	vadd.f32 $-9.999999970e-07, v1;
	v7 =	vld [tilespmem:s10+$0x30]  }
0x1f7: {  	v8 =	vld [tilespmem:s10+$0x40]  }
0x1f8: {  	v0 =	vmax.f32 v0, v1;
	v2 =	vld [tilespmem:s10+$0x50]  }
0x1f9: {  	v3 =	vsub.f32 v0, v3;
	v1 =	vld [tilespmem:s10+$0x60]  }
0x1fa: {  	v0 =	vld [tilespmem:s10+$0x70]  }
0x1fb: {  	v3 =	vmax.f32 v4, v3  }
0x1fc: {  	[tilespmem:s10+$0x0] =	vst v3  }
0x1fd: {  	v3 =	vld [tilespmem:s11+$0x10]  }
0x1fe: {  	v4 =	vld [tilespmem:s26+$0x10010];
	_ =	sdelay $0x2  }
0x1ff: {  	v9 =	vld [tilespmem:s24+$0x10];
	_ =	sdelay $0x4  }
0x200: {  	v3 =	vadd.f32 $9.999999970e-07, v3;
	v9 =	vadd.f32 $-9.999999970e-07, v9;
	_ =	sdelay $0x1  }
0x201: {  	v3 =	vmax.f32 v3, v9  }
0x202: {  	v3 =	vsub.f32 v3, v4;
	_ =	sdelay $0x1  }
0x203: {  	v3 =	vmax.f32 v5, v3  }
0x204: {  	[tilespmem:s10+$0x10] =	vst v3  }
0x205: {  	v3 =	vld [tilespmem:s11+$0x20]  }
0x206: {  	v4 =	vld [tilespmem:s24+$0x20]  }
0x207: {  	v5 =	vld [tilespmem:s26+$0x10020];
	_ =	sdelay $0x2  }
0x208: {  	v3 =	vadd.f32 $9.999999970e-07, v3  }
0x209: {  	v4 =	vadd.f32 $-9.999999970e-07, v4;
	_ =	sdelay $0x1  }
0x20a: {  	v3 =	vmax.f32 v3, v4  }
0x20b: {  	v3 =	vsub.f32 v3, v5;
	_ =	sdelay $0x1  }
0x20c: {  	v3 =	vmax.f32 v6, v3  }
0x20d: {  	[tilespmem:s10+$0x20] =	vst v3  }
0x20e: {  	v3 =	vld [tilespmem:s11+$0x30]  }
0x20f: {  	v4 =	vld [tilespmem:s24+$0x30]  }
0x210: {  	v5 =	vld [tilespmem:s26+$0x10030];
	_ =	sdelay $0x2  }
0x211: {  	v3 =	vadd.f32 $9.999999970e-07, v3  }
0x212: {  	v4 =	vadd.f32 $-9.999999970e-07, v4;
	_ =	sdelay $0x1  }
0x213: {  	v3 =	vmax.f32 v3, v4  }
0x214: {  	v3 =	vsub.f32 v3, v5;
	_ =	sdelay $0x1  }
0x215: {  	v3 =	vmax.f32 v7, v3  }
0x216: {  	[tilespmem:s10+$0x30] =	vst v3  }
0x217: {  	v3 =	vld [tilespmem:s24+$0x40]  }
0x218: {  	v4 =	vld [tilespmem:s11+$0x40]  }
0x219: {  	v5 =	vld [tilespmem:s26+$0x10040];
	_ =	sdelay $0x2  }
0x21a: {  	v3 =	vadd.f32 $-9.999999970e-07, v3  }
0x21b: {  	v4 =	vadd.f32 $9.999999970e-07, v4  }
.Ltmp1:
0x21c: {  	(pc) =	sbr.rel @p0 .LBB2_5-.Ltmp1, $3  }
0x21d: {  	v3 =	vmax.f32 v4, v3  }
0x21e: {  	v3 =	vsub.f32 v3, v5;
	_ =	sdelay $0x1  }
0x21f: {  	v3 =	vmax.f32 v8, v3  }
0x220: {  	[tilespmem:s10+$0x40] =	vst v3  }
0x221: {  	v3 =	vld [tilespmem:s11+$0x50]  }
0x222: {  	v4 =	vld [tilespmem:s24+$0x50];
	_ =	sdelay $0x2  }
0x223: {  	v5 =	vld [tilespmem:s26+$0x10050];
	_ =	sdelay $0x1  }
0x224: {  	v3 =	vadd.f32 $9.999999970e-07, v3;
	v4 =	vadd.f32 $-9.999999970e-07, v4;
	_ =	sdelay $0x1  }
0x225: {  	v3 =	vmax.f32 v3, v4  }
0x226: {  	v3 =	vsub.f32 v3, v5;
	_ =	sdelay $0x1  }
0x227: {  	v2 =	vmax.f32 v2, v3  }
0x228: {  	[tilespmem:s10+$0x50] =	vst v2  }
0x229: {  	v2 =	vld [tilespmem:s11+$0x60]  }
0x22a: {  	v3 =	vld [tilespmem:s24+$0x60];
	_ =	sdelay $0x2  }
0x22b: {  	v4 =	vld [tilespmem:s26+$0x10060];
	_ =	sdelay $0x1  }
0x22c: {  	v2 =	vadd.f32 $9.999999970e-07, v2;
	v3 =	vadd.f32 $-9.999999970e-07, v3;
	_ =	sdelay $0x1  }
0x22d: {  	v2 =	vmax.f32 v2, v3  }
0x22e: {  	v2 =	vsub.f32 v2, v4;
	_ =	sdelay $0x1  }
0x22f: {  	v1 =	vmax.f32 v1, v2  }
0x230: {  	[tilespmem:s10+$0x60] =	vst v1  }
0x231: {  	v1 =	vld [tilespmem:s11+$0x70]  }
0x232: {  	v2 =	vld [tilespmem:s24+$0x70];
	_ =	sdelay $0x2  }
0x233: {  	v3 =	vld [tilespmem:s26+$0x10070];
	_ =	sdelay $0x1  }
0x234: {  	v1 =	vadd.f32 $9.999999970e-07, v1;
	v2 =	vadd.f32 $-9.999999970e-07, v2;
	_ =	sdelay $0x1  }
0x235: {  	v1 =	vmax.f32 v1, v2  }
0x236: {  	v1 =	vsub.f32 v1, v3;
	_ =	sdelay $0x1  }
0x237: {  	v0 =	vmax.f32 v0, v1  }
0x238: {  	s2 =	sadd.s32 s14, s18;
	[tilespmem:s10+$0x70] =	vst v0  }
0x239: {  	[hbm4b:s2+s5] =	stream.linear.scatter [tilespmem:s21], [sflag:$0x6], $0x1000, $0x38;
	[tilespmem:$0x14000] =	vst v63  }
0x23a: {  	_ =	swait.ge [sflag:s0], $0x4000  }
0x23b: {  	s15 =	sshll.u32 s15, $0xB;
	p0 =	seq.s32 s12, $0x7;
	[sflag:s0] =	ssyncset.done $0x0  }
0x23c: {  	s10 =	sadd.s32 s15, s16;
	s2 =	simm.s32 @!p0 $0x5;
	[sflag:s0] =	ssyncadd.s32 $0xFFFFC000  }
0x23d: {  	[hbm4b:s10+s5] =	stream.linear.scatter [tilespmem:s4], [sflag:$0x7], $0x3000, $0x38;
	[tilespmem:$0x14000] =	vst v63  }
0x23e: {  	_ =	swait.ge @!p0 [sflag:s2], $0x3000  }
0x23f: {  	[sflag:s2] =	ssyncset.done @!p0 $0x0  }
0x240: {  	s8 =	sshll.u32 @!p0 s13, $0xB;
	[sflag:s2] =	ssyncadd.s32 @!p0 $0xFFFFD000  }
0x241: {  	s8 =	sand.u32 @!p0 $0x1FFFF800, s8;
	_ =	swait.ge @!p0 [sflag:s2], $0x1000  }
0x242: {  	s9 =	simm.s32 @!p0 $0x0;
	s13 =	sadd.s32 @!p0 s1, s8;
	[sflag:s2] =	ssyncset.done @!p0 $0x0  }
0x243: {  	s14 =	sadd.s32 @!p0 s29, s8;
	[sflag:s2] =	ssyncadd.s32 @!p0 $0xFFFFF000;
	s2 =	sadd.s32 @!p0 $0x2000, s13  }
0x244: {  	[tilespmem:s9], [sflag:$0x1] =	stream.linear.gather @!p0 [hbm4b:s2+s9], $0x4000, $0x38;
	[tilespmem:$0x14000] =	vst v63  }
0x245: {  	s8 =	simm.s32 @!p0 $0x10000;
	s2 =	sadd.s32 @!p0 $0x2400, s14  }
0x246: {  	[tilespmem:s8], [sflag:$0x1] =	stream.linear.gather @!p0 [hbm4b:s2+s9], $0x1000, $0x38;
	[tilespmem:$0x14000] =	vst v63  }
0x247: {  	s8 =	simm.s32 $0x0;
	_ =	swait.ge [sflag:s0], $0x1000  }
0x248: {  	s11 =	sand.u32 $0x800, s8;
	s24 =	sand.u32 $0x380, s8;
	[sflag:s0] =	ssyncset.done $0x0  }
0x249: {  	s2 =	sor.u32 s24, s11;
	[sflag:s0] =	ssyncadd.s32 $0xFFFFF000  }
0x24a: {  	v0 =	vld [tilespmem:s2+$0xB030]  }
0x24b: {  	v1 =	vld [tilespmem:s2+$0xB000]  }
0x24c: {  	v2 =	vld [tilespmem:s2+$0x12070]  }
0x24d: {  	v3 =	vld [tilespmem:s2+$0x8020]  }
0x24e: {  	v4 =	vld [tilespmem:s2+$0x8060]  }
0x24f: {  	v5 =	vld [tilespmem:s2+$0x12020]  }
0x250: {  	v6 =	vld [tilespmem:s2+$0x12060]  }
0x251: {  	v7 =	vld [tilespmem:s2+$0x12030]  }
0x252: {  	v8 =	vld [tilespmem:s2+$0x9010]  }
0x253: {  	v9 =	vld [tilespmem:s2+$0x9050]  }
0x254: {  	v10 =	vld [tilespmem:s2+$0x9020]  }
0x255: {  	v11 =	vld [tilespmem:s2+$0xB050]  }
0x256: {  	v12 =	vld [tilespmem:s2+$0xB010]  }
0x257: {  	v13 =	vld [tilespmem:s2+$0x9030]  }
0x258: {  	v14 =	vld [tilespmem:s2+$0x9000]  }
0x259: {  	v15 =	vld [tilespmem:s2+$0xB020]  }
0x25a: {  	v16 =	vld [tilespmem:s2+$0x12010]  }
0x25b: {  	v17 =	vld [tilespmem:s2+$0x12000]  }
0x25c: {  	v20 =	vld [tilespmem:s2+$0xB060]  }
0x25d: {  	v21 =	vld [tilespmem:s2+$0x9060]  }
0x25e: {  	v22 =	vld [tilespmem:s2+$0x9040];
	v8 =	vadd.f32 $9.999999970e-07, v8;
	v1 =	vadd.f32 $-9.999999970e-07, v1  }
0x25f: {  	v23 =	vld [tilespmem:s2+$0x9070];
	v0 =	vadd.f32 $-9.999999970e-07, v0;
	v15 =	vadd.f32 $-9.999999970e-07, v15  }
0x260: {  	v18 =	vld [tilespmem:s2+$0xB070];
	v9 =	vadd.f32 $9.999999970e-07, v9;
	v14 =	vadd.f32 $9.999999970e-07, v14  }
0x261: {  	v19 =	vld [tilespmem:s2+$0xB040];
	v13 =	vadd.f32 $9.999999970e-07, v13;
	v12 =	vadd.f32 $-9.999999970e-07, v12  }
0x262: {  	v24 =	vld [tilespmem:s2+$0x8030];
	v11 =	vadd.f32 $-9.999999970e-07, v11;
	v10 =	vadd.f32 $9.999999970e-07, v10  }
0x263: {  	v25 =	vld [tilespmem:s2+$0x8000];
	v47 =	vadd.f32 $-9.999999970e-07, v20;
	v49 =	vadd.f32 $9.999999970e-07, v21  }
0x264: {  	v48 =	vld [tilespmem:s2+$0x12050];
	v52 =	vadd.f32 $9.999999970e-07, v22;
	v54 =	vadd.f32 $9.999999970e-07, v23;
	v0 =	vmax.f32 v13, v0  }
0x265: {  	v50 =	vld [tilespmem:s2+$0x12040];
	v18 =	vadd.f32 $-9.999999970e-07, v18;
	v51 =	vmax.f32 v10, v15;
	v0 =	vsub.f32 v0, v7  }
0x266: {  	v55 =	vld [tilespmem:s2+$0x8010];
	v58 =	vadd.f32 $-9.999999970e-07, v19;
	v1 =	vmax.f32 v14, v1;
	v5 =	vsub.f32 v51, v5  }
0x267: {  	v53 =	vld [tilespmem:s2+$0x8050];
	v13 =	vmax.f32 v49, v47;
	v1 =	vsub.f32 v1, v17;
	v0 =	vmax.f32 v24, v0  }
0x268: {  	v56 =	vld [tilespmem:s2+$0x8070];
	v8 =	vmax.f32 v8, v12;
	v6 =	vsub.f32 v13, v6;
	v3 =	vmax.f32 v3, v5;
	[tilespmem:s2+$0x8030] =	vst v0  }
0x269: {  	v57 =	vld [tilespmem:s2+$0x8040];
	v59 =	vsub.f32 v8, v16;
	v0 =	vmax.f32 v25, v1;
	v1 =	vmax.f32 v9, v11;
	[tilespmem:s2+$0x8020] =	vst v3  }
0x26a: {  	[tilespmem:s2+$0x8000] =	vst v0;
	v0 =	vsub.f32 v1, v48;
	v1 =	vmax.f32 v4, v6;
	v4 =	vmax.f32 v54, v18  }
0x26b: {  	v3 =	vmax.f32 v55, v59;
	[tilespmem:s2+$0x8060] =	vst v1;
	v1 =	vmax.f32 v52, v58;
	v2 =	vsub.f32 v4, v2  }
0x26c: {  	[tilespmem:s2+$0x8010] =	vst v3;
	v0 =	vmax.f32 v53, v0;
	v1 =	vsub.f32 v1, v50  }
0x26d: {  	s26 =	sand.u32 $0xFFFFF800, s8;
	[tilespmem:s2+$0x8050] =	vst v0;
	v0 =	vmax.f32 v56, v2  }
0x26e: {  	s9 =	sadd.s32 $0x0, s26;
	v1 =	vmax.f32 v57, v1;
	[tilespmem:s2+$0x8070] =	vst v0  }
0x26f: {  	s11 =	sor.u32 $0x9400, s9;
	[tilespmem:s2+$0x8040] =	vst v1  }
0x270: {  	s24 =	sor.u32 $0xB400, s9;
	v0 =	vld [tilespmem:s11+$0x0]  }
0x271: {  	v1 =	vld [tilespmem:s24+$0x0];
	_ =	sdelay $0x1  }
0x272: {  	s26 =	sor.u32 $0x2400, s9  }
0x273: {  	v3 =	vld [tilespmem:s26+$0x10000]  }
0x274: {  	s10 =	sor.u32 $0x8400, s9  }
0x275: {  	v4 =	vld [tilespmem:s10+$0x0];
	v0 =	vadd.f32 $9.999999970e-07, v0;
	v1 =	vadd.f32 $-9.999999970e-07, v1;
	_ =	sdelay $0x1  }
0x276: {  	v0 =	vmax.f32 v0, v1  }
0x277: {  	v3 =	vsub.f32 v0, v3;
	_ =	sdelay $0x1  }
0x278: {  	v3 =	vmax.f32 v4, v3  }
0x279: {  	[tilespmem:s10+$0x0] =	vst v3  }
0x27a: {  	v3 =	vld [tilespmem:s11+$0x10]  }
0x27b: {  	v4 =	vld [tilespmem:s24+$0x10];
	_ =	sdelay $0x2  }
0x27c: {  	v63 =	vld [tilespmem:s26+$0x10010];
	_ =	sdelay $0x1  }
0x27d: {  	v5 =	vld [tilespmem:s10+$0x10];
	v3 =	vadd.f32 $9.999999970e-07, v3;
	v4 =	vadd.f32 $-9.999999970e-07, v4;
	_ =	sdelay $0x1  }
0x27e: {  	v3 =	vmax.f32 v3, v4  }
0x27f: {  	v3 =	vsub.f32 v3, v63;
	_ =	sdelay $0x1  }
0x280: {  	v3 =	vmax.f32 v5, v3  }
0x281: {  	[tilespmem:s10+$0x10] =	vst v3  }
0x282: {  	v3 =	vld [tilespmem:s11+$0x20]  }
0x283: {  	v4 =	vld [tilespmem:s24+$0x20];
	_ =	sdelay $0x2  }
0x284: {  	v5 =	vld [tilespmem:s26+$0x10020];
	_ =	sdelay $0x1  }
0x285: {  	v60 =	vld [tilespmem:s10+$0x20];
	v3 =	vadd.f32 $9.999999970e-07, v3;
	v4 =	vadd.f32 $-9.999999970e-07, v4;
	_ =	sdelay $0x1  }
0x286: {  	v3 =	vmax.f32 v3, v4  }
0x287: {  	v3 =	vsub.f32 v3, v5;
	_ =	sdelay $0x1  }
0x288: {  	v3 =	vmax.f32 v60, v3  }
0x289: {  	[tilespmem:s10+$0x20] =	vst v3  }
0x28a: {  	v3 =	vld [tilespmem:s11+$0x30]  }
0x28b: {  	v4 =	vld [tilespmem:s24+$0x30];
	_ =	sdelay $0x2  }
0x28c: {  	v5 =	vld [tilespmem:s26+$0x10030];
	_ =	sdelay $0x1  }
0x28d: {  	v61 =	vld [tilespmem:s10+$0x30];
	v3 =	vadd.f32 $9.999999970e-07, v3;
	v4 =	vadd.f32 $-9.999999970e-07, v4;
	_ =	sdelay $0x1  }
0x28e: {  	v3 =	vmax.f32 v3, v4  }
0x28f: {  	v3 =	vsub.f32 v3, v5;
	_ =	sdelay $0x1  }
0x290: {  	v3 =	vmax.f32 v61, v3  }
0x291: {  	[tilespmem:s10+$0x30] =	vst v3  }
0x292: {  	v3 =	vld [tilespmem:s24+$0x40]  }
0x293: {  	v4 =	vld [tilespmem:s11+$0x40];
	_ =	sdelay $0x2  }
0x294: {  	v5 =	vld [tilespmem:s26+$0x10040];
	_ =	sdelay $0x1  }
0x295: {  	v62 =	vld [tilespmem:s10+$0x40];
	v3 =	vadd.f32 $-9.999999970e-07, v3;
	v4 =	vadd.f32 $9.999999970e-07, v4;
	_ =	sdelay $0x1  }
0x296: {  	v3 =	vmax.f32 v4, v3  }
0x297: {  	v2 =	vld [tilespmem:s10+$0x50];
	v3 =	vsub.f32 v3, v5  }
0x298: {  	v1 =	vld [tilespmem:s10+$0x60]  }
0x299: {  	s9 =	simm.s32 $0x100;
	v0 =	vld [tilespmem:s10+$0x70];
	v3 =	vmax.f32 v62, v3  }
.LBB2_7:
0x29a: {  	p1 =	sne.s32 s9, $0xF00  }
0x29b: {  	[tilespmem:s10+$0x40] =	vst v3;
	s8 =	sadd.s32 $0x80, s8;
	s2 =	smov.u32 s9;
	s9 =	sadd.s32 $0x100, s9  }
0x29c: {  	v3 =	vld [tilespmem:s11+$0x50]  }
0x29d: {  	v4 =	vld [tilespmem:s24+$0x50]  }
0x29e: {  	v5 =	vld [tilespmem:s26+$0x10050];
	_ =	sdelay $0x2  }
0x29f: {  	v3 =	vadd.f32 $9.999999970e-07, v3  }
0x2a0: {  	v4 =	vadd.f32 $-9.999999970e-07, v4;
	_ =	sdelay $0x1  }
0x2a1: {  	v3 =	vmax.f32 v3, v4  }
0x2a2: {  	v3 =	vsub.f32 v3, v5;
	_ =	sdelay $0x1  }
0x2a3: {  	v2 =	vmax.f32 v2, v3  }
0x2a4: {  	[tilespmem:s10+$0x50] =	vst v2  }
0x2a5: {  	v2 =	vld [tilespmem:s11+$0x60]  }
0x2a6: {  	v3 =	vld [tilespmem:s24+$0x60]  }
0x2a7: {  	v4 =	vld [tilespmem:s26+$0x10060];
	_ =	sdelay $0x3  }
0x2a8: {  	v2 =	vadd.f32 $9.999999970e-07, v2;
	v3 =	vadd.f32 $-9.999999970e-07, v3;
	_ =	sdelay $0x1  }
0x2a9: {  	v2 =	vmax.f32 v2, v3  }
0x2aa: {  	v2 =	vsub.f32 v2, v4;
	_ =	sdelay $0x1  }
0x2ab: {  	v1 =	vmax.f32 v1, v2  }
0x2ac: {  	[tilespmem:s10+$0x60] =	vst v1  }
0x2ad: {  	v1 =	vld [tilespmem:s11+$0x70]  }
0x2ae: {  	v2 =	vld [tilespmem:s24+$0x70]  }
0x2af: {  	v3 =	vld [tilespmem:s26+$0x10070];
	_ =	sdelay $0x3  }
0x2b0: {  	v1 =	vadd.f32 $9.999999970e-07, v1;
	v2 =	vadd.f32 $-9.999999970e-07, v2;
	_ =	sdelay $0x1  }
0x2b1: {  	v1 =	vmax.f32 v1, v2  }
0x2b2: {  	v1 =	vsub.f32 v1, v3;
	_ =	sdelay $0x1  }
0x2b3: {  	v0 =	vmax.f32 v0, v1  }
0x2b4: {  	[tilespmem:s10+$0x70] =	vst v0  }
0x2b5: {  	s11 =	sand.u32 $0x380, s8;
	s10 =	sand.u32 $0x800, s2  }
0x2b6: {  	s10 =	sor.u32 s11, s10  }
0x2b7: {  	v0 =	vld [tilespmem:s10+$0xB030]  }
0x2b8: {  	v1 =	vld [tilespmem:s10+$0xB000]  }
0x2b9: {  	v2 =	vld [tilespmem:s10+$0x12070]  }
0x2ba: {  	v3 =	vld [tilespmem:s10+$0x8020]  }
0x2bb: {  	v4 =	vld [tilespmem:s10+$0x8060]  }
0x2bc: {  	v5 =	vld [tilespmem:s10+$0x12020]  }
0x2bd: {  	v6 =	vld [tilespmem:s10+$0x12060]  }
0x2be: {  	v7 =	vld [tilespmem:s10+$0x12030]  }
0x2bf: {  	v8 =	vld [tilespmem:s10+$0x9010]  }
0x2c0: {  	v9 =	vld [tilespmem:s10+$0x9050]  }
0x2c1: {  	v10 =	vld [tilespmem:s10+$0x9020]  }
0x2c2: {  	v11 =	vld [tilespmem:s10+$0xB050]  }
0x2c3: {  	v12 =	vld [tilespmem:s10+$0xB010]  }
0x2c4: {  	v13 =	vld [tilespmem:s10+$0x9030]  }
0x2c5: {  	v14 =	vld [tilespmem:s10+$0x9000]  }
0x2c6: {  	v15 =	vld [tilespmem:s10+$0xB020]  }
0x2c7: {  	v16 =	vld [tilespmem:s10+$0x12010]  }
0x2c8: {  	v17 =	vld [tilespmem:s10+$0x12000]  }
0x2c9: {  	v18 =	vld [tilespmem:s10+$0xB070]  }
0x2ca: {  	v19 =	vld [tilespmem:s10+$0xB040]  }
0x2cb: {  	v20 =	vld [tilespmem:s10+$0x9060]  }
0x2cc: {  	v8 =	vadd.f32 $9.999999970e-07, v8;
	v21 =	vld [tilespmem:s10+$0xB060]  }
0x2cd: {  	v0 =	vadd.f32 $-9.999999970e-07, v0;
	v1 =	vadd.f32 $-9.999999970e-07, v1;
	v22 =	vld [tilespmem:s10+$0x9040]  }
0x2ce: {  	v9 =	vadd.f32 $9.999999970e-07, v9;
	v15 =	vadd.f32 $-9.999999970e-07, v15;
	v23 =	vld [tilespmem:s10+$0x9070]  }
0x2cf: {  	v13 =	vadd.f32 $9.999999970e-07, v13;
	v14 =	vadd.f32 $9.999999970e-07, v14;
	v24 =	vld [tilespmem:s10+$0x8030]  }
0x2d0: {  	v11 =	vadd.f32 $-9.999999970e-07, v11;
	v12 =	vadd.f32 $-9.999999970e-07, v12;
	v25 =	vld [tilespmem:s10+$0x12040]  }
0x2d1: {  	v10 =	vadd.f32 $9.999999970e-07, v10;
	v0 =	vmax.f32 v13, v0;
	v26 =	vld [tilespmem:s10+$0x8000];
	v13 =	vadd.f32 $-9.999999970e-07, v21  }
0x2d2: {  	v8 =	vmax.f32 v8, v12;
	v1 =	vmax.f32 v14, v1;
	v0 =	vsub.f32 v0, v7;
	v7 =	vld [tilespmem:s10+$0x8040]  }
0x2d3: {  	v1 =	vsub.f32 v1, v17;
	v10 =	vmax.f32 v10, v15;
	v14 =	vadd.f32 $9.999999970e-07, v20;
	v12 =	vld [tilespmem:s10+$0x12050]  }
0x2d4: {  	v15 =	vadd.f32 $9.999999970e-07, v22;
	v20 =	vadd.f32 $9.999999970e-07, v23;
	v0 =	vmax.f32 v24, v0;
	v17 =	vld [tilespmem:s10+$0x8050]  }
0x2d5: {  	v13 =	vmax.f32 v14, v13;
	v14 =	vadd.f32 $-9.999999970e-07, v18;
	v21 =	vld [tilespmem:s10+$0x8010];
	[tilespmem:s10+$0x8030] =	vst v0;
	v0 =	vadd.f32 $-9.999999970e-07, v19  }
0x2d6: {  	v9 =	vmax.f32 v9, v11;
	v6 =	vsub.f32 v13, v6;
	v1 =	vmax.f32 v26, v1;
	v11 =	vld [tilespmem:s10+$0x8070]  }
0x2d7: {  	[tilespmem:s10+$0x8000] =	vst v1;
	v1 =	vsub.f32 v10, v5;
	v0 =	vmax.f32 v15, v0;
	v5 =	vmax.f32 v20, v14  }
0x2d8: {  	v4 =	vmax.f32 v4, v6;
	v0 =	vsub.f32 v0, v25;
	v9 =	vsub.f32 v9, v12  }
0x2d9: {  	v6 =	vsub.f32 v8, v16;
	v2 =	vsub.f32 v5, v2;
	v1 =	vmax.f32 v3, v1;
	[tilespmem:s10+$0x8060] =	vst v4  }
0x2da: {  	[tilespmem:s10+$0x8020] =	vst v1;
	v0 =	vmax.f32 v7, v0;
	v1 =	vmax.f32 v17, v9  }
0x2db: {  	v3 =	vmax.f32 v21, v6;
	[tilespmem:s10+$0x8050] =	vst v1;
	v1 =	vmax.f32 v11, v2  }
0x2dc: {  	s2 =	sand.u32 $0xFFFFF800, s2;
	[tilespmem:s10+$0x8010] =	vst v3  }
0x2dd: {  	s2 =	sadd.s32 s2, s8;
	[tilespmem:s10+$0x8070] =	vst v1  }
0x2de: {  	s11 =	sor.u32 $0x9400, s2;
	[tilespmem:s10+$0x8040] =	vst v0  }
0x2df: {  	s24 =	sor.u32 $0xB400, s2;
	v0 =	vld [tilespmem:s11+$0x0]  }
0x2e0: {  	s26 =	sor.u32 $0x2400, s2;
	v1 =	vld [tilespmem:s24+$0x0]  }
0x2e1: {  	s10 =	sor.u32 $0x8400, s2;
	v3 =	vld [tilespmem:s26+$0x10000]  }
0x2e2: {  	v4 =	vld [tilespmem:s10+$0x0]  }
0x2e3: {  	v5 =	vld [tilespmem:s10+$0x10]  }
0x2e4: {  	v0 =	vadd.f32 $9.999999970e-07, v0;
	v6 =	vld [tilespmem:s10+$0x20]  }
0x2e5: {  	v1 =	vadd.f32 $-9.999999970e-07, v1;
	v7 =	vld [tilespmem:s10+$0x30]  }
0x2e6: {  	v8 =	vld [tilespmem:s10+$0x40]  }
0x2e7: {  	v0 =	vmax.f32 v0, v1;
	v2 =	vld [tilespmem:s10+$0x50]  }
0x2e8: {  	v3 =	vsub.f32 v0, v3;
	v1 =	vld [tilespmem:s10+$0x60]  }
0x2e9: {  	v0 =	vld [tilespmem:s10+$0x70]  }
0x2ea: {  	v3 =	vmax.f32 v4, v3  }
0x2eb: {  	[tilespmem:s10+$0x0] =	vst v3  }
0x2ec: {  	v3 =	vld [tilespmem:s11+$0x10]  }
0x2ed: {  	v4 =	vld [tilespmem:s26+$0x10010];
	_ =	sdelay $0x2  }
0x2ee: {  	v9 =	vld [tilespmem:s24+$0x10];
	_ =	sdelay $0x4  }
0x2ef: {  	v3 =	vadd.f32 $9.999999970e-07, v3;
	v9 =	vadd.f32 $-9.999999970e-07, v9;
	_ =	sdelay $0x1  }
0x2f0: {  	v3 =	vmax.f32 v3, v9  }
0x2f1: {  	v3 =	vsub.f32 v3, v4;
	_ =	sdelay $0x1  }
0x2f2: {  	v3 =	vmax.f32 v5, v3  }
0x2f3: {  	[tilespmem:s10+$0x10] =	vst v3  }
0x2f4: {  	v3 =	vld [tilespmem:s11+$0x20]  }
0x2f5: {  	v4 =	vld [tilespmem:s24+$0x20]  }
0x2f6: {  	v5 =	vld [tilespmem:s26+$0x10020];
	_ =	sdelay $0x2  }
0x2f7: {  	v3 =	vadd.f32 $9.999999970e-07, v3  }
0x2f8: {  	v4 =	vadd.f32 $-9.999999970e-07, v4;
	_ =	sdelay $0x1  }
0x2f9: {  	v3 =	vmax.f32 v3, v4  }
0x2fa: {  	v3 =	vsub.f32 v3, v5;
	_ =	sdelay $0x1  }
0x2fb: {  	v3 =	vmax.f32 v6, v3  }
0x2fc: {  	[tilespmem:s10+$0x20] =	vst v3  }
0x2fd: {  	v3 =	vld [tilespmem:s11+$0x30]  }
0x2fe: {  	v4 =	vld [tilespmem:s24+$0x30]  }
0x2ff: {  	v5 =	vld [tilespmem:s26+$0x10030];
	_ =	sdelay $0x2  }
0x300: {  	v3 =	vadd.f32 $9.999999970e-07, v3  }
0x301: {  	v4 =	vadd.f32 $-9.999999970e-07, v4;
	_ =	sdelay $0x1  }
0x302: {  	v3 =	vmax.f32 v3, v4  }
0x303: {  	v3 =	vsub.f32 v3, v5;
	_ =	sdelay $0x1  }
0x304: {  	v3 =	vmax.f32 v7, v3  }
0x305: {  	[tilespmem:s10+$0x30] =	vst v3  }
0x306: {  	v3 =	vld [tilespmem:s24+$0x40]  }
0x307: {  	v4 =	vld [tilespmem:s11+$0x40]  }
0x308: {  	v5 =	vld [tilespmem:s26+$0x10040];
	_ =	sdelay $0x2  }
0x309: {  	v3 =	vadd.f32 $-9.999999970e-07, v3  }
0x30a: {  	v4 =	vadd.f32 $9.999999970e-07, v4  }
.Ltmp2:
0x30b: {  	(pc) =	sbr.rel @p1 .LBB2_7-.Ltmp2, $3  }
0x30c: {  	v3 =	vmax.f32 v4, v3  }
0x30d: {  	v3 =	vsub.f32 v3, v5;
	_ =	sdelay $0x1  }
0x30e: {  	v3 =	vmax.f32 v8, v3  }
0x30f: {  	[tilespmem:s10+$0x40] =	vst v3  }
0x310: {  	v3 =	vld [tilespmem:s11+$0x50]  }
0x311: {  	v4 =	vld [tilespmem:s24+$0x50];
	_ =	sdelay $0x2  }
0x312: {  	v5 =	vld [tilespmem:s26+$0x10050];
	_ =	sdelay $0x1  }
0x313: {  	v3 =	vadd.f32 $9.999999970e-07, v3;
	v4 =	vadd.f32 $-9.999999970e-07, v4;
	_ =	sdelay $0x1  }
0x314: {  	v3 =	vmax.f32 v3, v4  }
0x315: {  	v3 =	vsub.f32 v3, v5;
	_ =	sdelay $0x1  }
0x316: {  	v2 =	vmax.f32 v2, v3  }
0x317: {  	[tilespmem:s10+$0x50] =	vst v2  }
0x318: {  	v2 =	vld [tilespmem:s11+$0x60]  }
0x319: {  	v3 =	vld [tilespmem:s24+$0x60];
	_ =	sdelay $0x2  }
0x31a: {  	v4 =	vld [tilespmem:s26+$0x10060];
	_ =	sdelay $0x1  }
0x31b: {  	v2 =	vadd.f32 $9.999999970e-07, v2;
	v3 =	vadd.f32 $-9.999999970e-07, v3;
	_ =	sdelay $0x1  }
0x31c: {  	v2 =	vmax.f32 v2, v3  }
0x31d: {  	v2 =	vsub.f32 v2, v4;
	_ =	sdelay $0x1  }
0x31e: {  	v1 =	vmax.f32 v1, v2  }
0x31f: {  	[tilespmem:s10+$0x60] =	vst v1  }
0x320: {  	v1 =	vld [tilespmem:s11+$0x70]  }
0x321: {  	v2 =	vld [tilespmem:s24+$0x70];
	_ =	sdelay $0x2  }
0x322: {  	v3 =	vld [tilespmem:s26+$0x10070];
	_ =	sdelay $0x1  }
0x323: {  	v1 =	vadd.f32 $9.999999970e-07, v1;
	v2 =	vadd.f32 $-9.999999970e-07, v2;
	_ =	sdelay $0x1  }
0x324: {  	v1 =	vmax.f32 v1, v2  }
0x325: {  	v1 =	vsub.f32 v1, v3;
	_ =	sdelay $0x1  }
0x326: {  	v0 =	vmax.f32 v0, v1  }
0x327: {  	s2 =	sadd.s32 s3, s15;
	[tilespmem:s10+$0x70] =	vst v0  }
0x328: {  	[hbm4b:s2+s5] =	stream.linear.scatter [tilespmem:s23], [sflag:$0x7], $0x1000, $0x38;
	[tilespmem:$0x14000] =	vst v63  }
0x329: {  	_ =	swait.ge [sflag:s20], $0x4000  }
0x32a: {  	s15 =	sshll.u32 s19, $0xB;
	[sflag:s20] =	ssyncset.done $0x0  }
0x32b: {  	s11 =	sadd.s32 s15, s16;
	s2 =	simm.s32 @!p0 $0x6;
	[sflag:s20] =	ssyncadd.s32 $0xFFFFC000  }
0x32c: {  	[hbm4b:s11+s5] =	stream.linear.scatter [tilespmem:s22], [sflag:$0x8], $0x3000, $0x38;
	[tilespmem:$0x14000] =	vst v63  }
0x32d: {  	_ =	swait.ge @!p0 [sflag:s2], $0x3000  }
0x32e: {  	[sflag:s2] =	ssyncset.done @!p0 $0x0  }
0x32f: {  	[sflag:s2] =	ssyncadd.s32 @!p0 $0xFFFFD000  }
0x330: {  	_ =	swait.ge @!p0 [sflag:s2], $0x1000  }
0x331: {  	s8 =	simm.s32 @!p0 $0x0;
	[sflag:s2] =	ssyncset.done @!p0 $0x0  }
0x332: {  	s9 =	simm.s32 @!p0 $0x4000;
	[sflag:s2] =	ssyncadd.s32 @!p0 $0xFFFFF000;
	s2 =	sadd.s32 @!p0 $0x2800, s13  }
0x333: {  	[tilespmem:s9], [sflag:$0x2] =	stream.linear.gather @!p0 [hbm4b:s2+s8], $0x4000, $0x38;
	[tilespmem:$0x14000] =	vst v63  }
0x334: {  	s2 =	sadd.s32 @!p0 $0x2C00, s14;
	s9 =	simm.s32 @!p0 $0x11000  }
0x335: {  	[tilespmem:s9], [sflag:$0x2] =	stream.linear.gather @!p0 [hbm4b:s2+s8], $0x1000, $0x38;
	[tilespmem:$0x14000] =	vst v63  }
0x336: {  	s8 =	simm.s32 $0x0;
	_ =	swait.ge [sflag:s20], $0x1000  }
0x337: {  	s19 =	sand.u32 $0x800, s8;
	s24 =	sand.u32 $0x380, s8;
	[sflag:s20] =	ssyncset.done $0x0  }
0x338: {  	s2 =	sor.u32 s24, s19;
	[sflag:s20] =	ssyncadd.s32 $0xFFFFF000  }
0x339: {  	v0 =	vld [tilespmem:s2+$0xF030]  }
0x33a: {  	v1 =	vld [tilespmem:s2+$0xF000]  }
0x33b: {  	v2 =	vld [tilespmem:s2+$0x13070]  }
0x33c: {  	v3 =	vld [tilespmem:s2+$0xC020]  }
0x33d: {  	v4 =	vld [tilespmem:s2+$0xC060]  }
0x33e: {  	v5 =	vld [tilespmem:s2+$0x13020]  }
0x33f: {  	v6 =	vld [tilespmem:s2+$0x13060]  }
0x340: {  	v7 =	vld [tilespmem:s2+$0x13030]  }
0x341: {  	v8 =	vld [tilespmem:s2+$0xD010]  }
0x342: {  	v9 =	vld [tilespmem:s2+$0xD050]  }
0x343: {  	v10 =	vld [tilespmem:s2+$0xD020]  }
0x344: {  	v11 =	vld [tilespmem:s2+$0xF050]  }
0x345: {  	v12 =	vld [tilespmem:s2+$0xF010]  }
0x346: {  	v13 =	vld [tilespmem:s2+$0xD030]  }
0x347: {  	v14 =	vld [tilespmem:s2+$0xD000]  }
0x348: {  	v15 =	vld [tilespmem:s2+$0xF020]  }
0x349: {  	v16 =	vld [tilespmem:s2+$0x13010]  }
0x34a: {  	v17 =	vld [tilespmem:s2+$0x13000]  }
0x34b: {  	v20 =	vld [tilespmem:s2+$0xF060]  }
0x34c: {  	v21 =	vld [tilespmem:s2+$0xD060]  }
0x34d: {  	v22 =	vld [tilespmem:s2+$0xD040];
	v8 =	vadd.f32 $9.999999970e-07, v8;
	v1 =	vadd.f32 $-9.999999970e-07, v1  }
0x34e: {  	v23 =	vld [tilespmem:s2+$0xD070];
	v0 =	vadd.f32 $-9.999999970e-07, v0;
	v15 =	vadd.f32 $-9.999999970e-07, v15  }
0x34f: {  	v18 =	vld [tilespmem:s2+$0xF070];
	v9 =	vadd.f32 $9.999999970e-07, v9;
	v14 =	vadd.f32 $9.999999970e-07, v14  }
0x350: {  	v19 =	vld [tilespmem:s2+$0xF040];
	v13 =	vadd.f32 $9.999999970e-07, v13;
	v12 =	vadd.f32 $-9.999999970e-07, v12  }
0x351: {  	v24 =	vld [tilespmem:s2+$0xC030];
	v11 =	vadd.f32 $-9.999999970e-07, v11;
	v10 =	vadd.f32 $9.999999970e-07, v10  }
0x352: {  	v25 =	vld [tilespmem:s2+$0xC000];
	v47 =	vadd.f32 $-9.999999970e-07, v20;
	v49 =	vadd.f32 $9.999999970e-07, v21  }
0x353: {  	v48 =	vld [tilespmem:s2+$0x13050];
	v52 =	vadd.f32 $9.999999970e-07, v22;
	v54 =	vadd.f32 $9.999999970e-07, v23;
	v0 =	vmax.f32 v13, v0  }
0x354: {  	v50 =	vld [tilespmem:s2+$0x13040];
	v18 =	vadd.f32 $-9.999999970e-07, v18;
	v51 =	vmax.f32 v10, v15;
	v0 =	vsub.f32 v0, v7  }
0x355: {  	v55 =	vld [tilespmem:s2+$0xC010];
	v58 =	vadd.f32 $-9.999999970e-07, v19;
	v1 =	vmax.f32 v14, v1;
	v5 =	vsub.f32 v51, v5  }
0x356: {  	v53 =	vld [tilespmem:s2+$0xC050];
	v13 =	vmax.f32 v49, v47;
	v1 =	vsub.f32 v1, v17;
	v0 =	vmax.f32 v24, v0  }
0x357: {  	v56 =	vld [tilespmem:s2+$0xC070];
	v8 =	vmax.f32 v8, v12;
	v6 =	vsub.f32 v13, v6;
	v3 =	vmax.f32 v3, v5;
	[tilespmem:s2+$0xC030] =	vst v0  }
0x358: {  	v57 =	vld [tilespmem:s2+$0xC040];
	v59 =	vsub.f32 v8, v16;
	v0 =	vmax.f32 v25, v1;
	v1 =	vmax.f32 v9, v11;
	[tilespmem:s2+$0xC020] =	vst v3  }
0x359: {  	[tilespmem:s2+$0xC000] =	vst v0;
	v0 =	vsub.f32 v1, v48;
	v1 =	vmax.f32 v4, v6;
	v4 =	vmax.f32 v54, v18  }
0x35a: {  	v3 =	vmax.f32 v55, v59;
	[tilespmem:s2+$0xC060] =	vst v1;
	v1 =	vmax.f32 v52, v58;
	v2 =	vsub.f32 v4, v2  }
0x35b: {  	[tilespmem:s2+$0xC010] =	vst v3;
	v0 =	vmax.f32 v53, v0;
	v1 =	vsub.f32 v1, v50  }
0x35c: {  	s26 =	sand.u32 $0xFFFFF800, s8;
	[tilespmem:s2+$0xC050] =	vst v0;
	v0 =	vmax.f32 v56, v2  }
0x35d: {  	s9 =	sadd.s32 $0x0, s26;
	v1 =	vmax.f32 v57, v1;
	[tilespmem:s2+$0xC070] =	vst v0  }
0x35e: {  	s11 =	sor.u32 $0xD400, s9;
	[tilespmem:s2+$0xC040] =	vst v1  }
0x35f: {  	s13 =	sor.u32 $0xF400, s9;
	v0 =	vld [tilespmem:s11+$0x0]  }
0x360: {  	v1 =	vld [tilespmem:s13+$0x0];
	_ =	sdelay $0x1  }
0x361: {  	s14 =	sor.u32 $0x3400, s9  }
0x362: {  	v3 =	vld [tilespmem:s14+$0x10000]  }
0x363: {  	s10 =	sor.u32 $0xC400, s9  }
0x364: {  	v4 =	vld [tilespmem:s10+$0x0];
	v0 =	vadd.f32 $9.999999970e-07, v0;
	v1 =	vadd.f32 $-9.999999970e-07, v1;
	_ =	sdelay $0x1  }
0x365: {  	v0 =	vmax.f32 v0, v1  }
0x366: {  	v3 =	vsub.f32 v0, v3;
	_ =	sdelay $0x1  }
0x367: {  	v3 =	vmax.f32 v4, v3  }
0x368: {  	[tilespmem:s10+$0x0] =	vst v3  }
0x369: {  	v3 =	vld [tilespmem:s11+$0x10]  }
0x36a: {  	v4 =	vld [tilespmem:s13+$0x10];
	_ =	sdelay $0x2  }
0x36b: {  	v63 =	vld [tilespmem:s14+$0x10010];
	_ =	sdelay $0x1  }
0x36c: {  	v5 =	vld [tilespmem:s10+$0x10];
	v3 =	vadd.f32 $9.999999970e-07, v3;
	v4 =	vadd.f32 $-9.999999970e-07, v4;
	_ =	sdelay $0x1  }
0x36d: {  	v3 =	vmax.f32 v3, v4  }
0x36e: {  	v3 =	vsub.f32 v3, v63;
	_ =	sdelay $0x1  }
0x36f: {  	v3 =	vmax.f32 v5, v3  }
0x370: {  	[tilespmem:s10+$0x10] =	vst v3  }
0x371: {  	v3 =	vld [tilespmem:s11+$0x20]  }
0x372: {  	v4 =	vld [tilespmem:s13+$0x20];
	_ =	sdelay $0x2  }
0x373: {  	v5 =	vld [tilespmem:s14+$0x10020];
	_ =	sdelay $0x1  }
0x374: {  	v60 =	vld [tilespmem:s10+$0x20];
	v3 =	vadd.f32 $9.999999970e-07, v3;
	v4 =	vadd.f32 $-9.999999970e-07, v4;
	_ =	sdelay $0x1  }
0x375: {  	v3 =	vmax.f32 v3, v4  }
0x376: {  	v3 =	vsub.f32 v3, v5;
	_ =	sdelay $0x1  }
0x377: {  	v3 =	vmax.f32 v60, v3  }
0x378: {  	[tilespmem:s10+$0x20] =	vst v3  }
0x379: {  	v3 =	vld [tilespmem:s11+$0x30]  }
0x37a: {  	v4 =	vld [tilespmem:s13+$0x30];
	_ =	sdelay $0x2  }
0x37b: {  	v5 =	vld [tilespmem:s14+$0x10030];
	_ =	sdelay $0x1  }
0x37c: {  	v61 =	vld [tilespmem:s10+$0x30];
	v3 =	vadd.f32 $9.999999970e-07, v3;
	v4 =	vadd.f32 $-9.999999970e-07, v4;
	_ =	sdelay $0x1  }
0x37d: {  	v3 =	vmax.f32 v3, v4  }
0x37e: {  	v3 =	vsub.f32 v3, v5;
	_ =	sdelay $0x1  }
0x37f: {  	v3 =	vmax.f32 v61, v3  }
0x380: {  	[tilespmem:s10+$0x30] =	vst v3  }
0x381: {  	v3 =	vld [tilespmem:s13+$0x40]  }
0x382: {  	v4 =	vld [tilespmem:s11+$0x40];
	_ =	sdelay $0x2  }
0x383: {  	v5 =	vld [tilespmem:s14+$0x10040];
	_ =	sdelay $0x1  }
0x384: {  	v62 =	vld [tilespmem:s10+$0x40];
	v3 =	vadd.f32 $-9.999999970e-07, v3;
	v4 =	vadd.f32 $9.999999970e-07, v4;
	_ =	sdelay $0x1  }
0x385: {  	v3 =	vmax.f32 v4, v3  }
0x386: {  	v2 =	vld [tilespmem:s10+$0x50];
	v3 =	vsub.f32 v3, v5  }
0x387: {  	v1 =	vld [tilespmem:s10+$0x60]  }
0x388: {  	s9 =	simm.s32 $0x100;
	v0 =	vld [tilespmem:s10+$0x70];
	v3 =	vmax.f32 v62, v3  }
.LBB2_9:
0x389: {  	p0 =	sne.s32 s9, $0xF00  }
0x38a: {  	[tilespmem:s10+$0x40] =	vst v3;
	s8 =	sadd.s32 $0x80, s8;
	s2 =	smov.u32 s9;
	s9 =	sadd.s32 $0x100, s9  }
0x38b: {  	v3 =	vld [tilespmem:s11+$0x50]  }
0x38c: {  	v4 =	vld [tilespmem:s13+$0x50]  }
0x38d: {  	v5 =	vld [tilespmem:s14+$0x10050];
	_ =	sdelay $0x2  }
0x38e: {  	v3 =	vadd.f32 $9.999999970e-07, v3  }
0x38f: {  	v4 =	vadd.f32 $-9.999999970e-07, v4;
	_ =	sdelay $0x1  }
0x390: {  	v3 =	vmax.f32 v3, v4  }
0x391: {  	v3 =	vsub.f32 v3, v5;
	_ =	sdelay $0x1  }
0x392: {  	v2 =	vmax.f32 v2, v3  }
0x393: {  	[tilespmem:s10+$0x50] =	vst v2  }
0x394: {  	v2 =	vld [tilespmem:s11+$0x60]  }
0x395: {  	v3 =	vld [tilespmem:s13+$0x60]  }
0x396: {  	v4 =	vld [tilespmem:s14+$0x10060];
	_ =	sdelay $0x3  }
0x397: {  	v2 =	vadd.f32 $9.999999970e-07, v2;
	v3 =	vadd.f32 $-9.999999970e-07, v3;
	_ =	sdelay $0x1  }
0x398: {  	v2 =	vmax.f32 v2, v3  }
0x399: {  	v2 =	vsub.f32 v2, v4;
	_ =	sdelay $0x1  }
0x39a: {  	v1 =	vmax.f32 v1, v2  }
0x39b: {  	[tilespmem:s10+$0x60] =	vst v1  }
0x39c: {  	v1 =	vld [tilespmem:s11+$0x70]  }
0x39d: {  	v2 =	vld [tilespmem:s13+$0x70]  }
0x39e: {  	v3 =	vld [tilespmem:s14+$0x10070];
	_ =	sdelay $0x3  }
0x39f: {  	v1 =	vadd.f32 $9.999999970e-07, v1;
	v2 =	vadd.f32 $-9.999999970e-07, v2;
	_ =	sdelay $0x1  }
0x3a0: {  	v1 =	vmax.f32 v1, v2  }
0x3a1: {  	v1 =	vsub.f32 v1, v3;
	_ =	sdelay $0x1  }
0x3a2: {  	v0 =	vmax.f32 v0, v1  }
0x3a3: {  	[tilespmem:s10+$0x70] =	vst v0  }
0x3a4: {  	s11 =	sand.u32 $0x380, s8;
	s10 =	sand.u32 $0x800, s2  }
0x3a5: {  	s10 =	sor.u32 s11, s10  }
0x3a6: {  	v0 =	vld [tilespmem:s10+$0xF030]  }
0x3a7: {  	v1 =	vld [tilespmem:s10+$0xF000]  }
0x3a8: {  	v2 =	vld [tilespmem:s10+$0x13070]  }
0x3a9: {  	v3 =	vld [tilespmem:s10+$0xC020]  }
0x3aa: {  	v4 =	vld [tilespmem:s10+$0xC060]  }
0x3ab: {  	v5 =	vld [tilespmem:s10+$0x13020]  }
0x3ac: {  	v6 =	vld [tilespmem:s10+$0x13060]  }
0x3ad: {  	v7 =	vld [tilespmem:s10+$0x13030]  }
0x3ae: {  	v8 =	vld [tilespmem:s10+$0xD010]  }
0x3af: {  	v9 =	vld [tilespmem:s10+$0xD050]  }
0x3b0: {  	v10 =	vld [tilespmem:s10+$0xD020]  }
0x3b1: {  	v11 =	vld [tilespmem:s10+$0xF050]  }
0x3b2: {  	v12 =	vld [tilespmem:s10+$0xF010]  }
0x3b3: {  	v13 =	vld [tilespmem:s10+$0xD030]  }
0x3b4: {  	v14 =	vld [tilespmem:s10+$0xD000]  }
0x3b5: {  	v15 =	vld [tilespmem:s10+$0xF020]  }
0x3b6: {  	v16 =	vld [tilespmem:s10+$0x13010]  }
0x3b7: {  	v17 =	vld [tilespmem:s10+$0x13000]  }
0x3b8: {  	v18 =	vld [tilespmem:s10+$0xF070]  }
0x3b9: {  	v19 =	vld [tilespmem:s10+$0xF040]  }
0x3ba: {  	v20 =	vld [tilespmem:s10+$0xD060]  }
0x3bb: {  	v8 =	vadd.f32 $9.999999970e-07, v8;
	v21 =	vld [tilespmem:s10+$0xF060]  }
0x3bc: {  	v0 =	vadd.f32 $-9.999999970e-07, v0;
	v1 =	vadd.f32 $-9.999999970e-07, v1;
	v22 =	vld [tilespmem:s10+$0xD040]  }
0x3bd: {  	v9 =	vadd.f32 $9.999999970e-07, v9;
	v15 =	vadd.f32 $-9.999999970e-07, v15;
	v23 =	vld [tilespmem:s10+$0xD070]  }
0x3be: {  	v13 =	vadd.f32 $9.999999970e-07, v13;
	v14 =	vadd.f32 $9.999999970e-07, v14;
	v24 =	vld [tilespmem:s10+$0xC030]  }
0x3bf: {  	v11 =	vadd.f32 $-9.999999970e-07, v11;
	v12 =	vadd.f32 $-9.999999970e-07, v12;
	v25 =	vld [tilespmem:s10+$0x13040]  }
0x3c0: {  	v10 =	vadd.f32 $9.999999970e-07, v10;
	v0 =	vmax.f32 v13, v0;
	v26 =	vld [tilespmem:s10+$0xC000];
	v13 =	vadd.f32 $-9.999999970e-07, v21  }
0x3c1: {  	v8 =	vmax.f32 v8, v12;
	v1 =	vmax.f32 v14, v1;
	v0 =	vsub.f32 v0, v7;
	v7 =	vld [tilespmem:s10+$0xC040]  }
0x3c2: {  	v1 =	vsub.f32 v1, v17;
	v10 =	vmax.f32 v10, v15;
	v14 =	vadd.f32 $9.999999970e-07, v20;
	v12 =	vld [tilespmem:s10+$0x13050]  }
0x3c3: {  	v15 =	vadd.f32 $9.999999970e-07, v22;
	v20 =	vadd.f32 $9.999999970e-07, v23;
	v0 =	vmax.f32 v24, v0;
	v17 =	vld [tilespmem:s10+$0xC050]  }
0x3c4: {  	v13 =	vmax.f32 v14, v13;
	v14 =	vadd.f32 $-9.999999970e-07, v18;
	v21 =	vld [tilespmem:s10+$0xC010];
	[tilespmem:s10+$0xC030] =	vst v0;
	v0 =	vadd.f32 $-9.999999970e-07, v19  }
0x3c5: {  	v9 =	vmax.f32 v9, v11;
	v6 =	vsub.f32 v13, v6;
	v1 =	vmax.f32 v26, v1;
	v11 =	vld [tilespmem:s10+$0xC070]  }
0x3c6: {  	[tilespmem:s10+$0xC000] =	vst v1;
	v1 =	vsub.f32 v10, v5;
	v0 =	vmax.f32 v15, v0;
	v5 =	vmax.f32 v20, v14  }
0x3c7: {  	v4 =	vmax.f32 v4, v6;
	v0 =	vsub.f32 v0, v25;
	v9 =	vsub.f32 v9, v12  }
0x3c8: {  	v6 =	vsub.f32 v8, v16;
	v2 =	vsub.f32 v5, v2;
	v1 =	vmax.f32 v3, v1;
	[tilespmem:s10+$0xC060] =	vst v4  }
0x3c9: {  	[tilespmem:s10+$0xC020] =	vst v1;
	v0 =	vmax.f32 v7, v0;
	v1 =	vmax.f32 v17, v9  }
0x3ca: {  	v3 =	vmax.f32 v21, v6;
	[tilespmem:s10+$0xC050] =	vst v1;
	v1 =	vmax.f32 v11, v2  }
0x3cb: {  	s2 =	sand.u32 $0xFFFFF800, s2;
	[tilespmem:s10+$0xC010] =	vst v3  }
0x3cc: {  	s2 =	sadd.s32 s2, s8;
	[tilespmem:s10+$0xC070] =	vst v1  }
0x3cd: {  	s11 =	sor.u32 $0xD400, s2;
	[tilespmem:s10+$0xC040] =	vst v0  }
0x3ce: {  	s13 =	sor.u32 $0xF400, s2;
	v0 =	vld [tilespmem:s11+$0x0]  }
0x3cf: {  	s14 =	sor.u32 $0x3400, s2;
	v1 =	vld [tilespmem:s13+$0x0]  }
0x3d0: {  	s10 =	sor.u32 $0xC400, s2;
	v3 =	vld [tilespmem:s14+$0x10000]  }
0x3d1: {  	v4 =	vld [tilespmem:s10+$0x0]  }
0x3d2: {  	v5 =	vld [tilespmem:s10+$0x10]  }
0x3d3: {  	v0 =	vadd.f32 $9.999999970e-07, v0;
	v6 =	vld [tilespmem:s10+$0x20]  }
0x3d4: {  	v1 =	vadd.f32 $-9.999999970e-07, v1;
	v7 =	vld [tilespmem:s10+$0x30]  }
0x3d5: {  	v8 =	vld [tilespmem:s10+$0x40]  }
0x3d6: {  	v0 =	vmax.f32 v0, v1;
	v2 =	vld [tilespmem:s10+$0x50]  }
0x3d7: {  	v3 =	vsub.f32 v0, v3;
	v1 =	vld [tilespmem:s10+$0x60]  }
0x3d8: {  	v0 =	vld [tilespmem:s10+$0x70]  }
0x3d9: {  	v3 =	vmax.f32 v4, v3  }
0x3da: {  	[tilespmem:s10+$0x0] =	vst v3  }
0x3db: {  	v3 =	vld [tilespmem:s11+$0x10]  }
0x3dc: {  	v4 =	vld [tilespmem:s14+$0x10010];
	_ =	sdelay $0x2  }
0x3dd: {  	v9 =	vld [tilespmem:s13+$0x10];
	_ =	sdelay $0x4  }
0x3de: {  	v3 =	vadd.f32 $9.999999970e-07, v3;
	v9 =	vadd.f32 $-9.999999970e-07, v9;
	_ =	sdelay $0x1  }
0x3df: {  	v3 =	vmax.f32 v3, v9  }
0x3e0: {  	v3 =	vsub.f32 v3, v4;
	_ =	sdelay $0x1  }
0x3e1: {  	v3 =	vmax.f32 v5, v3  }
0x3e2: {  	[tilespmem:s10+$0x10] =	vst v3  }
0x3e3: {  	v3 =	vld [tilespmem:s11+$0x20]  }
0x3e4: {  	v4 =	vld [tilespmem:s13+$0x20]  }
0x3e5: {  	v5 =	vld [tilespmem:s14+$0x10020];
	_ =	sdelay $0x2  }
0x3e6: {  	v3 =	vadd.f32 $9.999999970e-07, v3  }
0x3e7: {  	v4 =	vadd.f32 $-9.999999970e-07, v4;
	_ =	sdelay $0x1  }
0x3e8: {  	v3 =	vmax.f32 v3, v4  }
0x3e9: {  	v3 =	vsub.f32 v3, v5;
	_ =	sdelay $0x1  }
0x3ea: {  	v3 =	vmax.f32 v6, v3  }
0x3eb: {  	[tilespmem:s10+$0x20] =	vst v3  }
0x3ec: {  	v3 =	vld [tilespmem:s11+$0x30]  }
0x3ed: {  	v4 =	vld [tilespmem:s13+$0x30]  }
0x3ee: {  	v5 =	vld [tilespmem:s14+$0x10030];
	_ =	sdelay $0x2  }
0x3ef: {  	v3 =	vadd.f32 $9.999999970e-07, v3  }
0x3f0: {  	v4 =	vadd.f32 $-9.999999970e-07, v4;
	_ =	sdelay $0x1  }
0x3f1: {  	v3 =	vmax.f32 v3, v4  }
0x3f2: {  	v3 =	vsub.f32 v3, v5;
	_ =	sdelay $0x1  }
0x3f3: {  	v3 =	vmax.f32 v7, v3  }
0x3f4: {  	[tilespmem:s10+$0x30] =	vst v3  }
0x3f5: {  	v3 =	vld [tilespmem:s13+$0x40]  }
0x3f6: {  	v4 =	vld [tilespmem:s11+$0x40]  }
0x3f7: {  	v5 =	vld [tilespmem:s14+$0x10040];
	_ =	sdelay $0x2  }
0x3f8: {  	v3 =	vadd.f32 $-9.999999970e-07, v3  }
0x3f9: {  	v4 =	vadd.f32 $9.999999970e-07, v4  }
.Ltmp3:
0x3fa: {  	(pc) =	sbr.rel @p0 .LBB2_9-.Ltmp3, $3  }
0x3fb: {  	v3 =	vmax.f32 v4, v3  }
0x3fc: {  	v3 =	vsub.f32 v3, v5;
	_ =	sdelay $0x1  }
0x3fd: {  	v3 =	vmax.f32 v8, v3  }
0x3fe: {  	[tilespmem:s10+$0x40] =	vst v3  }
0x3ff: {  	v3 =	vld [tilespmem:s11+$0x50]  }
0x400: {  	v4 =	vld [tilespmem:s13+$0x50];
	_ =	sdelay $0x2  }
0x401: {  	v5 =	vld [tilespmem:s14+$0x10050];
	_ =	sdelay $0x1  }
0x402: {  	v3 =	vadd.f32 $9.999999970e-07, v3;
	v4 =	vadd.f32 $-9.999999970e-07, v4;
	_ =	sdelay $0x1  }
0x403: {  	v3 =	vmax.f32 v3, v4  }
0x404: {  	v3 =	vsub.f32 v3, v5;
	_ =	sdelay $0x1  }
0x405: {  	v2 =	vmax.f32 v2, v3  }
0x406: {  	[tilespmem:s10+$0x50] =	vst v2  }
0x407: {  	v2 =	vld [tilespmem:s11+$0x60]  }
0x408: {  	v60 =	vld [tilespmem:s13+$0x60];
	_ =	sdelay $0x2  }
0x409: {  	v61 =	vld [tilespmem:s14+$0x10060];
	_ =	sdelay $0x1  }
0x40a: {  	v2 =	vadd.f32 $9.999999970e-07, v2;
	v3 =	vadd.f32 $-9.999999970e-07, v60;
	_ =	sdelay $0x1  }
0x40b: {  	v2 =	vmax.f32 v2, v3  }
0x40c: {  	v2 =	vsub.f32 v2, v61;
	_ =	sdelay $0x1  }
0x40d: {  	v1 =	vmax.f32 v1, v2  }
0x40e: {  	[tilespmem:s10+$0x60] =	vst v1  }
0x40f: {  	v1 =	vld [tilespmem:s11+$0x70]  }
0x410: {  	v62 =	vld [tilespmem:s13+$0x70];
	_ =	sdelay $0x2  }
0x411: {  	v63 =	vld [tilespmem:s14+$0x10070];
	_ =	sdelay $0x1  }
0x412: {  	v1 =	vadd.f32 $9.999999970e-07, v1;
	v2 =	vadd.f32 $-9.999999970e-07, v62  }
0x413: {  	s12 =	sadd.s32 $0x1, s12  }
0x414: {  	p0 =	sne.s32 s12, $0x8;
	v1 =	vmax.f32 v1, v2  }
.Ltmp4:
0x415: {  	v1 =	vsub.f32 v1, v63;
	(pc) =	sbr.rel @p0 .LBB2_2-.Ltmp4, $4  }
0x416: {  	_ = 	snop  }
0x417: {  	v0 =	vmax.f32 v0, v1  }
0x418: {  	s2 =	sadd.s32 s3, s15;
	[tilespmem:s10+$0x70] =	vst v0  }
0x419: {  	[hbm4b:s2+s5] =	stream.linear.scatter [tilespmem:s25], [sflag:$0x8], $0x1000, $0x38;
	[tilespmem:$0x14000] =	vst v63  }
0x41a: {  	s2 =	simm.s32 $0x5  }
0x41b: {  	_ =	swait.ge [sflag:s2], $0x3000  }
0x41c: {  	[sflag:s2] =	ssyncset.done $0x0  }
0x41d: {  	[sflag:s2] =	ssyncadd.s32 $0xFFFFD000  }
0x41e: {  	_ =	swait.ge [sflag:s2], $0x1000  }
0x41f: {  	[sflag:s2] =	ssyncset.done $0x0  }
0x420: {  	s19 =	simm.s32 $0x6;
	[sflag:s2] =	ssyncadd.s32 $0xFFFFF000  }
0x421: {  	_ =	swait.ge [sflag:s19], $0x3000  }
0x422: {  	[sflag:s19] =	ssyncset.done $0x0  }
0x423: {  	[sflag:s19] =	ssyncadd.s32 $0xFFFFD000  }
0x424: {  	_ =	swait.ge [sflag:s19], $0x1000  }
0x425: {  	[sflag:s19] =	ssyncset.done $0x0  }
0x426: {  	s24 =	simm.s32 $0x7;
	[sflag:s19] =	ssyncadd.s32 $0xFFFFF000  }
0x427: {  	_ =	swait.ge [sflag:s24], $0x3000  }
0x428: {  	[sflag:s24] =	ssyncset.done $0x0  }
0x429: {  	[sflag:s24] =	ssyncadd.s32 $0xFFFFD000  }
0x42a: {  	_ =	swait.ge [sflag:s24], $0x1000  }
0x42b: {  	[sflag:s24] =	ssyncset.done $0x0  }
0x42c: {  	s8 =	simm.s32 $0x8;
	[sflag:s24] =	ssyncadd.s32 $0xFFFFF000  }
0x42d: {  	_ =	swait.ge [sflag:s8], $0x3000  }
0x42e: {  	[sflag:s8] =	ssyncset.done $0x0  }
0x42f: {  	[sflag:s8] =	ssyncadd.s32 $0xFFFFD000  }
0x430: {  	_ =	swait.ge [sflag:s8], $0x1000  }
0x431: {  	s9 =	rddreg [dreg:$0xd]  }
0x432: {  	s26 =	rddreg [dreg:$0xc];
	s9 =	sadd.s32 $0x1, s9  }
0x433: {  	p0 =	sne.s32 s9, s26  }
.Ltmp5:
0x434: {  	_ = 	snop;
	(pc) =	sbr.rel @p0 .LBB2_1-.Ltmp5, $3  }
0x435: {  	_ =	sdelay $0x1  }
0x436: {  	[sflag:s8] =	ssyncset.done $0x0  }
0x437: {  	[sflag:s8] =	ssyncadd.s32 $0xFFFFF000  }
0x438: {  	_ =	sfence.sel $0x180000  }
0x439: {  	[bflag:$0x0] =	sbarrier.arrive $0xFFFF  }
0x43a: {  	_ =	strace $0x90000047  }
0x43b: {  	s0 =	stileid.u32;
	[bflag:$0x2] =	sbarrier.arrive $0xFFFF  }
0x43c: {  	p0 =	sne.s32 s0, $0x0;
	s0 =	rddreg [dreg:$0x3]  }
0x43d: {  	s0 =	sadd.s32 @!p0 $0x100000, s0  }
0x43e: {  	[sflag:s0] =	ssyncadd.tile.s32 @!p0 $0x1;
	_ =	shalt  }
.Lfunc_end2:
_tile_overlayer_lowered:
.L_overlay_start_2:
0x43f: {  	(tag) =	ssettag $0x2  }
0x440: {  	s0 =	rddreg [dreg:$0x0];
	s2 =	stileid.u32  }
0x441: {  	s1 =	rddreg [dreg:$0x1];
	p0 =	sne.s32 s2, $0x0  }
0x442: {  	s3 =	rddreg [dreg:$0x2];
	[bflag:$0x3] =	sbarrier.arrive $0xFFFF;
	s2 =	simm.s32 @!p0 $0x1C09  }
0x443: {  	[timem:s3], [sflag:s2] =	dma.local @!p0 [hbm:s0], s1  }
0x444: {  	s0 =	simm.s32 @!p0 $0x9  }
0x445: {  	_ =	swait.ge @!p0 [sflag:s0], s1  }
0x446: {  	s1 =	ssub.s32 @!p0 $0x0, s1;
	[sflag:s0] =	ssyncset.done @!p0 $0x0  }
0x447: {  	[sflag:s0] =	ssyncadd.s32 @!p0 s1  }
0x448: {  	[bflag:$0x3] =	sbarrier.arrive $0xFFFF  }
0x449: {  	_ =	shalt  }

</sc_bundles>
